<compile_context>
chip_gen: v7x
topology: tpu7x:2x2x1
jax: 0.10.2.dev20260603
libtpu: 0.0.44.dev20260713+nightly
codegen_flags: <defaults>
</compile_context>

<pallas_src>
import jax
import jax.numpy as jnp
from jax import lax
from jax._src import config as _jax_config
from jax.experimental import pallas as pl
from jax.experimental.pallas import tpu as pltpu
from jax.experimental.pallas import tpu_sc as plsc

NC = 2
NS = 16
NW = NC * NS
L = 16
CH = 48
NB = 3


def _zq_body(x_ref, w_ref, wt_ref, z_ref, q_ref):
    z = lax.dot_general(
        x_ref[...], w_ref[...], (((1,), (1,)), ((), ())),
        preferred_element_type=jnp.float32)
    z_ref[...] = z
    q_ref[...] = lax.dot_general(
        z, wt_ref[...], (((1,), (0,)), ((), ())),
        preferred_element_type=jnp.float32)


def _zq_call(x, W_fc, wt2, bn):
    n, d = x.shape
    return pl.pallas_call(
        _zq_body,
        grid=(n // bn,),
        in_specs=[
            pl.BlockSpec((bn, d), lambda i: (i, 0)),
            pl.BlockSpec((d, d), lambda i: (0, 0)),
            pl.BlockSpec((d, 1), lambda i: (0, 0)),
        ],
        out_specs=[
            pl.BlockSpec((bn, d), lambda i: (i, 0)),
            pl.BlockSpec((bn, 1), lambda i: (i, 0)),
        ],
        out_shape=[
            jax.ShapeDtypeStruct((n, d), jnp.float32),
            jax.ShapeDtypeStruct((n, 1), jnp.float32),
        ],
    )(x, W_fc, wt2)


def _combine_body(z_ref, num_ref, den_ref, o_ref):
    den = jnp.sum(den_ref[...], axis=1)
    num = num_ref[0] + num_ref[1]
    dcol = den[:, None]
    h = jnp.where(dcol > 0.0, num / jnp.where(dcol > 0.0, dcol, 1.0), 0.0)
    o_ref[...] = z_ref[...] + h


def _combine_call(z, num, den, bn):
    n, d = z.shape
    return pl.pallas_call(
        _combine_body,
        grid=(n // bn,),
        in_specs=[
            pl.BlockSpec((bn, d), lambda i: (i, 0)),
            pl.BlockSpec((NC, bn, d), lambda i: (0, i, 0)),
            pl.BlockSpec((bn, NW), lambda i: (i, 0)),
        ],
        out_specs=pl.BlockSpec((bn, d), lambda i: (i, 0)),
        out_shape=jax.ShapeDtypeStruct((n, d), jnp.float32),
    )(z, num, den)


def _make_sc_kernel(n, d, e, nch0, nch1):
    rows_per_tile = (-(-n // NS) + 7) // 8 * 8
    np_ = NS * rows_per_tile
    nfull = rows_per_tile // CH
    rem = rows_per_tile - nfull * CH
    mesh = plsc.VectorSubcoreMesh(
        core_axis_name="c", subcore_axis_name="s",
        num_cores=NC, num_subcores=NS)

    def body(t_hbm, q_hbm, edges_hbm, z_hbm,
             num_hbm, den_hbm,
             t_v, q_v, eidx_v, w_v, dsts_v, rows_v, den_v, num_s,
             sem_e0, sem_e1, sem_e2, sem_g0, sem_g1, sem_g2,
             sem_s0, sem_s1, sem_s2):
        c = lax.axis_index("c")
        s = lax.axis_index("s")
        wid = c * NS + s
        sem_e = (sem_e0, sem_e1, sem_e2)
        sem_g = (sem_g0, sem_g1, sem_g2)
        sem_s = (sem_s0, sem_s1, sem_s2)

        pltpu.sync_copy(t_hbm, t_v)
        pltpu.sync_copy(q_hbm, q_v)

        @pl.loop(0, n, step=L)
        def _(i):
            den_v[0, pl.ds(i, L)] = jnp.zeros((L,), jnp.float32)

        @pl.loop(0, CH)
        def _(r):
            for cc in range(d // L):
                rows_v[0, r, pl.ds(cc * L, L)] = jnp.zeros((L,), jnp.float32)

        base = s * rows_per_tile
        for k in range(nfull):
            pltpu.sync_copy(rows_v.at[0], num_s.at[pl.ds(base + k * CH, CH)])
        if rem:
            pltpu.sync_copy(rows_v.at[0, pl.ds(0, rem)],
                            num_s.at[pl.ds(base + nfull * CH, rem)])
        plsc.subcore_barrier()

        ep = NS * (nch0 + nch1) * CH

        def load_edges(slot, start):
            pltpu.async_copy(edges_hbm.at[pl.ds(start, CH)],
                             eidx_v.at[slot, 0], sem_e[slot])
            pltpu.async_copy(edges_hbm.at[pl.ds(ep + start, CH)],
                             eidx_v.at[slot, 1], sem_e[slot])

        def wait_edges(slot, start):
            pltpu.make_async_copy(edges_hbm.at[pl.ds(start, CH)],
                                  eidx_v.at[slot, 0], sem_e[slot]).wait()
            pltpu.make_async_copy(edges_hbm.at[pl.ds(ep + start, CH)],
                                  eidx_v.at[slot, 1], sem_e[slot]).wait()

        def run_pipeline(nch, ebase):
            for b in range(NB):
                load_edges(b, ebase + b * CH)
            wait_edges(0, ebase)
            pltpu.async_copy(z_hbm.at[eidx_v.at[0, 0]], rows_v.at[0], sem_g[0])

            @pl.loop(0, nch // NB)
            def _(jj):
                _chunk_block(jj, nch, ebase)

        def _chunk_block(jj, nch, ebase):
            for b in range(NB):
                j = jj * NB + b
                b1 = (b + 1) % NB
                b2 = (b + 2) % NB

                pltpu.make_async_copy(
                    z_hbm.at[eidx_v.at[b, 0]], rows_v.at[b], sem_g[b]).wait()

                @pl.when(j + 1 < nch)
                def _():
                    @pl.when(j >= 2)
                    def _():
                        pltpu.make_async_copy(
                            rows_v.at[b1], num_s.at[dsts_v.at[b1]],
                            sem_s[b1]).wait()
                    wait_edges(b1, ebase + (j + 1) * CH)
                    pltpu.async_copy(
                        z_hbm.at[eidx_v.at[b1, 0]], rows_v.at[b1], sem_g[b1])

                for cc in range(CH // L):
                    sl = pl.ds(cc * L, L)
                    sv = eidx_v[b, 0, sl]
                    dv = eidx_v[b, 1, sl]
                    qs = plsc.load_gather(q_v, [sv])
                    ts = plsc.load_gather(t_v, [sv])
                    td = plsc.load_gather(t_v, [dv])
                    u = jnp.exp(qs * (-jnp.abs(ts - td)) / 500.0)
                    w = jnp.exp(u)
                    gidx = ebase + j * CH + cc * L + lax.iota(jnp.int32, L)
                    w = jnp.where(gidx < e, w, 0.0)
                    w_v[sl] = w
                    dsts_v[b, sl] = dv
                    plsc.addupdate_scatter(
                        den_v, [jnp.zeros((L,), jnp.int32), dv], w)

                @pl.loop(0, CH, unroll=2)
                def _(r):
                    wsp = plsc.load_gather(w_v, [jnp.full((L,), r, jnp.int32)])
                    for cc in range(d // L):
                        sl = pl.ds(cc * L, L)
                        rows_v[b, r, sl] = rows_v[b, r, sl] * wsp

                pltpu.async_copy(rows_v.at[b], num_s.at[dsts_v.at[b]],
                                 sem_s[b], add=True)

                @pl.when((j >= 1) & (j + 2 < nch))
                def _():
                    load_edges(b2, ebase + (j + 2) * CH)

        e0w = nch0 * CH
        e1w = nch1 * CH

        @pl.when(c == 0)
        def _():
            run_pipeline(nch0, s * e0w)

        @pl.when(c == 1)
        def _():
            run_pipeline(nch1, NS * e0w + s * e1w)

        for b in range(NB):
            pltpu.make_async_copy(
                rows_v.at[b], num_s.at[dsts_v.at[b]], sem_s[b]).wait()

        plsc.subcore_barrier()

        pltpu.sync_copy(den_v, den_hbm.at[wid])
        for k in range(nfull):
            pltpu.sync_copy(num_s.at[pl.ds(base + k * CH, CH)],
                            num_hbm.at[c, pl.ds(base + k * CH, CH)])
        if rem:
            pltpu.sync_copy(num_s.at[pl.ds(base + nfull * CH, rem)],
                            num_hbm.at[c, pl.ds(base + nfull * CH, rem)])

    return pl.kernel(
        body,
        out_type=(
            jax.ShapeDtypeStruct((NC, np_, d), jnp.float32),
            jax.ShapeDtypeStruct((NW, 1, n), jnp.float32),
        ),
        mesh=mesh,
        compiler_params=pltpu.CompilerParams(needs_layout_passes=False),
        scratch_types=[
            pltpu.VMEM((n,), jnp.float32),
            pltpu.VMEM((n,), jnp.float32),
            pltpu.VMEM((NB, 2, CH), jnp.int32),
            pltpu.VMEM((CH,), jnp.float32),
            pltpu.VMEM((NB, CH), jnp.int32),
            pltpu.VMEM((NB, CH, d), jnp.float32),
            pltpu.VMEM((1, n), jnp.float32),
            pltpu.VMEM_SHARED((np_, d), jnp.float32),
        ] + [pltpu.SemaphoreType.DMA] * (3 * NB),
    )


def kernel(x, t, W_fc, w_t, edge_index):
    with _jax_config.enable_x64(False):
        n, d = x.shape
        e = edge_index.shape[1]

        f0 = 0.478
        nch0 = max(NB, int(round(e * f0 / (NS * CH * NB))) * NB)
        rem_e = max(NS * CH * NB, e - NS * nch0 * CH)
        nch1 = -(-rem_e // (NS * CH))
        nch1 = -(-nch1 // NB) * NB
        ep = NS * (nch0 + nch1) * CH
        edges = jnp.pad(edge_index.astype(jnp.int32),
                        ((0, 0), (0, ep - e))).reshape(2 * ep)

        bn = 2000 if n % 2000 == 0 else n
        z, q2 = _zq_call(x, W_fc, w_t.reshape(d, 1), bn)
        q = q2.reshape(n)

        num, den = _make_sc_kernel(n, d, e, nch0, nch1)(t, q, edges, z)
        return _combine_call(z, num[:, :n, :], den.reshape(NW, n).T, bn)

# --- scband reference (transcript-rebuilt; emitter-appended) ---
"""Pipeline reference for scband-tem-agg-layer-8366596292955 (READ-ONLY COPY).

The authoritative reference and input builder live on the scoring server;
editing this copy changes nothing except your own understanding.
"""

import jax, jax.numpy as jnp
import numpy as np

jax.config.update("jax_enable_x64", True)

N = 10000
E = 320000
IN_DIM = 128
OUT_DIM = 128


def setup_inputs(seed: int = 0) -> dict:
    key = jax.random.key(seed)
    k1, k2, k3, k4, k5 = jax.random.split(key, 5)
    x = jax.random.normal(k1, (N, IN_DIM), dtype=jnp.float32)
    t = jax.random.uniform(k2, (N,), dtype=jnp.float32) * 100.0
    edge_index = jax.random.randint(k3, (2, E), 0, N, dtype=jnp.int64)
    # fc: xavier_normal with gain=calculate_gain('relu')=sqrt(2)
    gain = float(np.sqrt(2.0))
    std = gain * float(np.sqrt(2.0 / (IN_DIM + OUT_DIM)))
    W_fc = jax.random.normal(k4, (OUT_DIM, IN_DIM), dtype=jnp.float32) * std
    # temporal_fc: default nn.Linear uniform init
    bound = 1.0 / float(np.sqrt(OUT_DIM))
    w_t = jax.random.uniform(k5, (OUT_DIM,), dtype=jnp.float32, minval=-bound, maxval=bound)
    return {"x": x, "t": t, "W_fc": W_fc, "w_t": w_t, "edge_index": edge_index}


def reference(x, t, W_fc, w_t, edge_index):
    # z = self.fc(h)
    z = x @ W_fc.T
    src = edge_index[0]
    dst = edge_index[1]
    # edge_attention: deltas = t_src - t_dst, detached in original (numpy round-trip)
    deltas = t[src] - t[dst]
    e = jax.lax.stop_gradient(-jnp.abs(deltas))  # [E]
    # message: z_src per edge (gather)
    z_src = z[src]  # [E, OUT_DIM]
    # reduce: alpha = softmax(exp(temporal_fc(z) * e / 500)) over each dst's mailbox
    s = z_src @ w_t  # [E]
    u = jnp.exp(s * e / 500.0)  # [E]
    # numerically-stable segment softmax over dst (matches F.softmax semantics)
    m = jax.ops.segment_max(u, dst, num_segments=N)
    ue = jnp.exp(u - m[dst])
    denom = jax.ops.segment_sum(ue, dst, num_segments=N)
    alpha = ue / denom[dst]  # [E]
    # h = sum(alpha * z_src) per dst node (scatter-add)
    h = jax.ops.segment_sum(alpha[:, None] * z_src, dst, num_segments=N)
    # use_residual=True; full-graph block so z_dst == z
    return z + h

if __name__ == "__main__":
    import jax
    _d = setup_inputs()
    print(jax.jit(kernel)(*tuple(_d.values())))

</pallas_src>

<mosaic_0001>
#map = affine_map<(d0, d1) -> (0)>
#map1 = affine_map<(d0, d1) -> (0, 0)>
#map2 = affine_map<(d0, d1) -> (0, 0, 0)>
module attributes {stable_mosaic.version = 14 : i64} {
  func.func @body(%arg0: i32, %arg1: i32, %arg2: memref<10000xf32, #tpu.memory_space<hbm>>, %arg3: memref<10000xf32, #tpu.memory_space<hbm>>, %arg4: memref<640512xi32, #tpu.memory_space<hbm>>, %arg5: memref<10000x128xf32, #tpu.memory_space<hbm>>, %arg6: memref<2x10112x128xf32, #tpu.memory_space<hbm>>, %arg7: memref<32x1x10000xf32, #tpu.memory_space<hbm>>, %arg8: memref<10000xf32, #tpu.memory_space<vmem>>, %arg9: memref<10000xf32, #tpu.memory_space<vmem>>, %arg10: memref<3x2x48xi32, #tpu.memory_space<vmem>>, %arg11: memref<48xf32, #tpu.memory_space<vmem>>, %arg12: memref<3x48xi32, #tpu.memory_space<vmem>>, %arg13: memref<3x48x128xf32, #tpu.memory_space<vmem>>, %arg14: memref<1x10000xf32, #tpu.memory_space<vmem>>, %arg15: memref<10112x128xf32, #tpu.memory_space<vmem_shared>>, %arg16: memref<!tpu.dma_semaphore, #tpu.memory_space<semaphore_mem>>, %arg17: memref<!tpu.dma_semaphore, #tpu.memory_space<semaphore_mem>>, %arg18: memref<!tpu.dma_semaphore, #tpu.memory_space<semaphore_mem>>, %arg19: memref<!tpu.dma_semaphore, #tpu.memory_space<semaphore_mem>>, %arg20: memref<!tpu.dma_semaphore, #tpu.memory_space<semaphore_mem>>, %arg21: memref<!tpu.dma_semaphore, #tpu.memory_space<semaphore_mem>>, %arg22: memref<!tpu.dma_semaphore, #tpu.memory_space<semaphore_mem>>, %arg23: memref<!tpu.dma_semaphore, #tpu.memory_space<semaphore_mem>>, %arg24: memref<!tpu.dma_semaphore, #tpu.memory_space<semaphore_mem>>) attributes {dimension_semantics = [#tpu.dimension_semantics<core_parallel>, #tpu.dimension_semantics<subcore_parallel>], iteration_bounds = array<i64: 2, 16>, scalar_prefetch = 0 : i64, scratch_operands = 17 : i64, tpu.core_type = #tpu.core_type<sc_vector_subcore>, window_params = [{transform_indices = #map}, {transform_indices = #map}, {transform_indices = #map}, {transform_indices = #map1}, {transform_indices = #map2}, {transform_indices = #map2}]} {
    %mul3A = arith.constant 16 : i32
    %mul3A_0 = arith.muli %arg0, %mul3A : i32
    %add3A = arith.addi %mul3A_0, %arg1 : i32
    "tpu.region"() ({
      %run_scoped3A_152 = tpu.sem_alloc : memref<!tpu.dma_semaphore, #tpu.memory_space<semaphore_mem>>
      tpu.enqueue_dma source(%arg2 : memref<10000xf32, #tpu.memory_space<hbm>>) target(%arg8 : memref<10000xf32, #tpu.memory_space<vmem>>) target_semaphore(%run_scoped3A_152 : memref<!tpu.dma_semaphore, #tpu.memory_space<semaphore_mem>>)
      tpu.wait_dma2 semaphore(%run_scoped3A_152 : memref<!tpu.dma_semaphore, #tpu.memory_space<semaphore_mem>>) src(%arg2 : memref<10000xf32, #tpu.memory_space<hbm>>) dst(%arg8 : memref<10000xf32, #tpu.memory_space<vmem>>)
      tpu.yield
    }) : () -> ()
    "tpu.region"() ({
      %run_scoped3A_152 = tpu.sem_alloc : memref<!tpu.dma_semaphore, #tpu.memory_space<semaphore_mem>>
      tpu.enqueue_dma source(%arg3 : memref<10000xf32, #tpu.memory_space<hbm>>) target(%arg9 : memref<10000xf32, #tpu.memory_space<vmem>>) target_semaphore(%run_scoped3A_152 : memref<!tpu.dma_semaphore, #tpu.memory_space<semaphore_mem>>)
      tpu.wait_dma2 semaphore(%run_scoped3A_152 : memref<!tpu.dma_semaphore, #tpu.memory_space<semaphore_mem>>) src(%arg3 : memref<10000xf32, #tpu.memory_space<hbm>>) dst(%arg9 : memref<10000xf32, #tpu.memory_space<vmem>>)
      tpu.yield
    }) : () -> ()
    %scan3A = arith.constant 0 : i32
    %scan3A_1 = arith.constant 625 : i32
    %scan3A_2 = arith.addi %scan3A, %scan3A_1 : i32
    %scan3A_3 = arith.constant 1 : i32
    scf.for %scan3A_152 = %scan3A to %scan3A_2 step %scan3A_3  : i32 {
      %mul3A_153 = arith.constant 16 : i32
      %mul3A_154 = arith.muli %scan3A_152, %mul3A_153 : i32
      %add3A_155 = arith.constant 0 : i32
      %add3A_156 = arith.addi %add3A_155, %mul3A_154 : i32
      %broadcast_in_dim3A = arith.constant 0.000000e+00 : f32
      %broadcast_in_dim3A_157 = vector.broadcast %broadcast_in_dim3A : f32 to vector<16xf32>
      %swap3A = arith.constant 0 : i32
      %swap3A_158 = arith.index_cast %swap3A : i32 to index
      %swap3A_159 = arith.index_cast %add3A_156 : i32 to index
      %swap3A_160 = tpu.vector_load %arg14[%swap3A_158, %swap3A_159] {strides = array<i32>} : memref<1x10000xf32, #tpu.memory_space<vmem>>, vector<16xf32>,
      tpu.vector_store %arg14[%swap3A_158, %swap3A_159], %broadcast_in_dim3A_157 {strides = array<i32>} : memref<1x10000xf32, #tpu.memory_space<vmem>>, vector<16xf32>,
    }
    %scan3A_4 = arith.constant 625 : i32
    %scan3A_5 = arith.constant 0 : i32
    %scan3A_6 = arith.constant 48 : i32
    %scan3A_7 = arith.addi %scan3A_5, %scan3A_6 : i32
    %scan3A_8 = arith.constant 1 : i32
    scf.for %scan3A_152 = %scan3A_5 to %scan3A_7 step %scan3A_8  : i32 {
      %mul3A_153 = arith.constant 1 : i32
      %mul3A_154 = arith.muli %scan3A_152, %mul3A_153 : i32
      %add3A_155 = arith.constant 0 : i32
      %add3A_156 = arith.addi %add3A_155, %mul3A_154 : i32
      %broadcast_in_dim3A = arith.constant 0.000000e+00 : f32
      %broadcast_in_dim3A_157 = vector.broadcast %broadcast_in_dim3A : f32 to vector<16xf32>
      %swap3A = arith.constant 0 : i32
      %swap3A_158 = arith.index_cast %swap3A : i32 to index
      %swap3A_159 = arith.index_cast %add3A_156 : i32 to index
      %swap3A_160 = arith.constant 0 : index
      %swap3A_161 = tpu.vector_load %arg13[%swap3A_158, %swap3A_159, %swap3A_160] {strides = array<i32>} : memref<3x48x128xf32, #tpu.memory_space<vmem>>, vector<16xf32>,
      tpu.vector_store %arg13[%swap3A_158, %swap3A_159, %swap3A_160], %broadcast_in_dim3A_157 {strides = array<i32>} : memref<3x48x128xf32, #tpu.memory_space<vmem>>, vector<16xf32>,
      %broadcast_in_dim3A_162 = arith.constant 0.000000e+00 : f32
      %broadcast_in_dim3A_163 = vector.broadcast %broadcast_in_dim3A_162 : f32 to vector<16xf32>
      %swap3A_164 = arith.constant 0 : i32
      %swap3A_165 = arith.index_cast %swap3A_164 : i32 to index
      %swap3A_166 = arith.index_cast %add3A_156 : i32 to index
      %swap3A_167 = arith.constant 16 : index
      %swap3A_168 = tpu.vector_load %arg13[%swap3A_165, %swap3A_166, %swap3A_167] {strides = array<i32>} : memref<3x48x128xf32, #tpu.memory_space<vmem>>, vector<16xf32>,
      tpu.vector_store %arg13[%swap3A_165, %swap3A_166, %swap3A_167], %broadcast_in_dim3A_163 {strides = array<i32>} : memref<3x48x128xf32, #tpu.memory_space<vmem>>, vector<16xf32>,
      %broadcast_in_dim3A_169 = arith.constant 0.000000e+00 : f32
      %broadcast_in_dim3A_170 = vector.broadcast %broadcast_in_dim3A_169 : f32 to vector<16xf32>
      %swap3A_171 = arith.constant 0 : i32
      %swap3A_172 = arith.index_cast %swap3A_171 : i32 to index
      %swap3A_173 = arith.index_cast %add3A_156 : i32 to index
      %swap3A_174 = arith.constant 32 : index
      %swap3A_175 = tpu.vector_load %arg13[%swap3A_172, %swap3A_173, %swap3A_174] {strides = array<i32>} : memref<3x48x128xf32, #tpu.memory_space<vmem>>, vector<16xf32>,
      tpu.vector_store %arg13[%swap3A_172, %swap3A_173, %swap3A_174], %broadcast_in_dim3A_170 {strides = array<i32>} : memref<3x48x128xf32, #tpu.memory_space<vmem>>, vector<16xf32>,
      %broadcast_in_dim3A_176 = arith.constant 0.000000e+00 : f32
      %broadcast_in_dim3A_177 = vector.broadcast %broadcast_in_dim3A_176 : f32 to vector<16xf32>
      %swap3A_178 = arith.constant 0 : i32
      %swap3A_179 = arith.index_cast %swap3A_178 : i32 to index
      %swap3A_180 = arith.index_cast %add3A_156 : i32 to index
      %swap3A_181 = arith.constant 48 : index
      %swap3A_182 = tpu.vector_load %arg13[%swap3A_179, %swap3A_180, %swap3A_181] {strides = array<i32>} : memref<3x48x128xf32, #tpu.memory_space<vmem>>, vector<16xf32>,
      tpu.vector_store %arg13[%swap3A_179, %swap3A_180, %swap3A_181], %broadcast_in_dim3A_177 {strides = array<i32>} : memref<3x48x128xf32, #tpu.memory_space<vmem>>, vector<16xf32>,
      %broadcast_in_dim3A_183 = arith.constant 0.000000e+00 : f32
      %broadcast_in_dim3A_184 = vector.broadcast %broadcast_in_dim3A_183 : f32 to vector<16xf32>
      %swap3A_185 = arith.constant 0 : i32
      %swap3A_186 = arith.index_cast %swap3A_185 : i32 to index
      %swap3A_187 = arith.index_cast %add3A_156 : i32 to index
      %swap3A_188 = arith.constant 64 : index
      %swap3A_189 = tpu.vector_load %arg13[%swap3A_186, %swap3A_187, %swap3A_188] {strides = array<i32>} : memref<3x48x128xf32, #tpu.memory_space<vmem>>, vector<16xf32>,
      tpu.vector_store %arg13[%swap3A_186, %swap3A_187, %swap3A_188], %broadcast_in_dim3A_184 {strides = array<i32>} : memref<3x48x128xf32, #tpu.memory_space<vmem>>, vector<16xf32>,
      %broadcast_in_dim3A_190 = arith.constant 0.000000e+00 : f32
      %broadcast_in_dim3A_191 = vector.broadcast %broadcast_in_dim3A_190 : f32 to vector<16xf32>
      %swap3A_192 = arith.constant 0 : i32
      %swap3A_193 = arith.index_cast %swap3A_192 : i32 to index
      %swap3A_194 = arith.index_cast %add3A_156 : i32 to index
      %swap3A_195 = arith.constant 80 : index
      %swap3A_196 = tpu.vector_load %arg13[%swap3A_193, %swap3A_194, %swap3A_195] {strides = array<i32>} : memref<3x48x128xf32, #tpu.memory_space<vmem>>, vector<16xf32>,
      tpu.vector_store %arg13[%swap3A_193, %swap3A_194, %swap3A_195], %broadcast_in_dim3A_191 {strides = array<i32>} : memref<3x48x128xf32, #tpu.memory_space<vmem>>, vector<16xf32>,
      %broadcast_in_dim3A_197 = arith.constant 0.000000e+00 : f32
      %broadcast_in_dim3A_198 = vector.broadcast %broadcast_in_dim3A_197 : f32 to vector<16xf32>
      %swap3A_199 = arith.constant 0 : i32
      %swap3A_200 = arith.index_cast %swap3A_199 : i32 to index
      %swap3A_201 = arith.index_cast %add3A_156 : i32 to index
      %swap3A_202 = arith.constant 96 : index
      %swap3A_203 = tpu.vector_load %arg13[%swap3A_200, %swap3A_201, %swap3A_202] {strides = array<i32>} : memref<3x48x128xf32, #tpu.memory_space<vmem>>, vector<16xf32>,
      tpu.vector_store %arg13[%swap3A_200, %swap3A_201, %swap3A_202], %broadcast_in_dim3A_198 {strides = array<i32>} : memref<3x48x128xf32, #tpu.memory_space<vmem>>, vector<16xf32>,
      %broadcast_in_dim3A_204 = arith.constant 0.000000e+00 : f32
      %broadcast_in_dim3A_205 = vector.broadcast %broadcast_in_dim3A_204 : f32 to vector<16xf32>
      %swap3A_206 = arith.constant 0 : i32
      %swap3A_207 = arith.index_cast %swap3A_206 : i32 to index
      %swap3A_208 = arith.index_cast %add3A_156 : i32 to index
      %swap3A_209 = arith.constant 112 : index
      %swap3A_210 = tpu.vector_load %arg13[%swap3A_207, %swap3A_208, %swap3A_209] {strides = array<i32>} : memref<3x48x128xf32, #tpu.memory_space<vmem>>, vector<16xf32>,
      tpu.vector_store %arg13[%swap3A_207, %swap3A_208, %swap3A_209], %broadcast_in_dim3A_205 {strides = array<i32>} : memref<3x48x128xf32, #tpu.memory_space<vmem>>, vector<16xf32>,
    }
    %scan3A_9 = arith.constant 48 : i32
    %mul3A_10 = arith.constant 632 : i32
    %mul3A_11 = arith.muli %arg1, %mul3A_10 : i32
    %add3A_12 = arith.constant 0 : i32
    %add3A_13 = arith.addi %mul3A_11, %add3A_12 : i32
    %run_scoped3A = arith.constant 0 : i32
    "tpu.region"() ({
      %run_scoped3A_152 = tpu.sem_alloc : memref<!tpu.dma_semaphore, #tpu.memory_space<semaphore_mem>>
      %dma_start3A = arith.constant 0 : i32
      %dma_start3A_153 = arith.constant 0 : i32
      %dma_start3A_154 = tpu.memref_slice %arg13[%run_scoped3A, %dma_start3A, %dma_start3A_153] : memref<3x48x128xf32, #tpu.memory_space<vmem>> -> memref<1x48x128xf32, #tpu.memory_space<vmem>>
      %dma_start3A_155 = tpu.memref_squeeze %dma_start3A_154 : memref<1x48x128xf32, #tpu.memory_space<vmem>> -> memref<48x128xf32, #tpu.memory_space<vmem>>
      %dma_start3A_156 = arith.constant 0 : i32
      %dma_start3A_157 = tpu.memref_slice %arg15[%add3A_13, %dma_start3A_156] : memref<10112x128xf32, #tpu.memory_space<vmem_shared>> -> memref<48x128xf32, #tpu.memory_space<vmem_shared>>
      %dma_start3A_158 = arith.constant 0 : i32
      %dma_start3A_159 = tpu.memref_slice %arg15[%add3A_13, %dma_start3A_158] : memref<10112x128xf32, #tpu.memory_space<vmem_shared>> -> memref<48x128xf32, #tpu.memory_space<vmem_shared>>
      %dma_start3A_160 = arith.constant 0 : i32
      %dma_start3A_161 = arith.constant 0 : i32
      %dma_start3A_162 = tpu.memref_slice %arg13[%run_scoped3A, %dma_start3A_160, %dma_start3A_161] : memref<3x48x128xf32, #tpu.memory_space<vmem>> -> memref<1x48x128xf32, #tpu.memory_space<vmem>>
      %dma_start3A_163 = tpu.memref_squeeze %dma_start3A_162 : memref<1x48x128xf32, #tpu.memory_space<vmem>> -> memref<48x128xf32, #tpu.memory_space<vmem>>
      tpu.enqueue_dma source(%dma_start3A_163 : memref<48x128xf32, #tpu.memory_space<vmem>>) target(%dma_start3A_159 : memref<48x128xf32, #tpu.memory_space<vmem_shared>>) target_semaphore(%run_scoped3A_152 : memref<!tpu.dma_semaphore, #tpu.memory_space<semaphore_mem>>)
      %dma_wait3A_164 = arith.constant 0 : i32
      %dma_wait3A_165 = arith.constant 0 : i32
      %dma_wait3A_166 = tpu.memref_slice %arg13[%run_scoped3A, %dma_wait3A_164, %dma_wait3A_165] : memref<3x48x128xf32, #tpu.memory_space<vmem>> -> memref<1x48x128xf32, #tpu.memory_space<vmem>>
      %dma_wait3A_167 = tpu.memref_squeeze %dma_wait3A_166 : memref<1x48x128xf32, #tpu.memory_space<vmem>> -> memref<48x128xf32, #tpu.memory_space<vmem>>
      %dma_wait3A_168 = arith.constant 0 : i32
      %dma_wait3A_169 = tpu.memref_slice %arg15[%add3A_13, %dma_wait3A_168] : memref<10112x128xf32, #tpu.memory_space<vmem_shared>> -> memref<48x128xf32, #tpu.memory_space<vmem_shared>>
      %dma_wait3A_170 = arith.constant 0 : i32
      %dma_wait3A_171 = tpu.memref_slice %arg15[%add3A_13, %dma_wait3A_170] : memref<10112x128xf32, #tpu.memory_space<vmem_shared>> -> memref<48x128xf32, #tpu.memory_space<vmem_shared>>
      %dma_wait3A_172 = arith.constant 0 : i32
      %dma_wait3A_173 = arith.constant 0 : i32
      %dma_wait3A_174 = tpu.memref_slice %arg13[%run_scoped3A, %dma_wait3A_172, %dma_wait3A_173] : memref<3x48x128xf32, #tpu.memory_space<vmem>> -> memref<1x48x128xf32, #tpu.memory_space<vmem>>
      %dma_wait3A_175 = tpu.memref_squeeze %dma_wait3A_174 : memref<1x48x128xf32, #tpu.memory_space<vmem>> -> memref<48x128xf32, #tpu.memory_space<vmem>>
      tpu.wait_dma2 semaphore(%run_scoped3A_152 : memref<!tpu.dma_semaphore, #tpu.memory_space<semaphore_mem>>) src(%dma_wait3A_175 : memref<48x128xf32, #tpu.memory_space<vmem>>) dst(%dma_wait3A_171 : memref<48x128xf32, #tpu.memory_space<vmem_shared>>)
      tpu.yield
    }) : () -> ()
    %add3A_14 = arith.constant 48 : i32
    %add3A_15 = arith.addi %mul3A_11, %add3A_14 : i32
    %run_scoped3A_16 = arith.constant 0 : i32
    "tpu.region"() ({
      %run_scoped3A_152 = tpu.sem_alloc : memref<!tpu.dma_semaphore, #tpu.memory_space<semaphore_mem>>
      %dma_start3A = arith.constant 0 : i32
      %dma_start3A_153 = arith.constant 0 : i32
      %dma_start3A_154 = tpu.memref_slice %arg13[%run_scoped3A_16, %dma_start3A, %dma_start3A_153] : memref<3x48x128xf32, #tpu.memory_space<vmem>> -> memref<1x48x128xf32, #tpu.memory_space<vmem>>
      %dma_start3A_155 = tpu.memref_squeeze %dma_start3A_154 : memref<1x48x128xf32, #tpu.memory_space<vmem>> -> memref<48x128xf32, #tpu.memory_space<vmem>>
      %dma_start3A_156 = arith.constant 0 : i32
      %dma_start3A_157 = tpu.memref_slice %arg15[%add3A_15, %dma_start3A_156] : memref<10112x128xf32, #tpu.memory_space<vmem_shared>> -> memref<48x128xf32, #tpu.memory_space<vmem_shared>>
      %dma_start3A_158 = arith.constant 0 : i32
      %dma_start3A_159 = tpu.memref_slice %arg15[%add3A_15, %dma_start3A_158] : memref<10112x128xf32, #tpu.memory_space<vmem_shared>> -> memref<48x128xf32, #tpu.memory_space<vmem_shared>>
      %dma_start3A_160 = arith.constant 0 : i32
      %dma_start3A_161 = arith.constant 0 : i32
      %dma_start3A_162 = tpu.memref_slice %arg13[%run_scoped3A_16, %dma_start3A_160, %dma_start3A_161] : memref<3x48x128xf32, #tpu.memory_space<vmem>> -> memref<1x48x128xf32, #tpu.memory_space<vmem>>
      %dma_start3A_163 = tpu.memref_squeeze %dma_start3A_162 : memref<1x48x128xf32, #tpu.memory_space<vmem>> -> memref<48x128xf32, #tpu.memory_space<vmem>>
      tpu.enqueue_dma source(%dma_start3A_163 : memref<48x128xf32, #tpu.memory_space<vmem>>) target(%dma_start3A_159 : memref<48x128xf32, #tpu.memory_space<vmem_shared>>) target_semaphore(%run_scoped3A_152 : memref<!tpu.dma_semaphore, #tpu.memory_space<semaphore_mem>>)
      %dma_wait3A_164 = arith.constant 0 : i32
      %dma_wait3A_165 = arith.constant 0 : i32
      %dma_wait3A_166 = tpu.memref_slice %arg13[%run_scoped3A_16, %dma_wait3A_164, %dma_wait3A_165] : memref<3x48x128xf32, #tpu.memory_space<vmem>> -> memref<1x48x128xf32, #tpu.memory_space<vmem>>
      %dma_wait3A_167 = tpu.memref_squeeze %dma_wait3A_166 : memref<1x48x128xf32, #tpu.memory_space<vmem>> -> memref<48x128xf32, #tpu.memory_space<vmem>>
      %dma_wait3A_168 = arith.constant 0 : i32
      %dma_wait3A_169 = tpu.memref_slice %arg15[%add3A_15, %dma_wait3A_168] : memref<10112x128xf32, #tpu.memory_space<vmem_shared>> -> memref<48x128xf32, #tpu.memory_space<vmem_shared>>
      %dma_wait3A_170 = arith.constant 0 : i32
      %dma_wait3A_171 = tpu.memref_slice %arg15[%add3A_15, %dma_wait3A_170] : memref<10112x128xf32, #tpu.memory_space<vmem_shared>> -> memref<48x128xf32, #tpu.memory_space<vmem_shared>>
      %dma_wait3A_172 = arith.constant 0 : i32
      %dma_wait3A_173 = arith.constant 0 : i32
      %dma_wait3A_174 = tpu.memref_slice %arg13[%run_scoped3A_16, %dma_wait3A_172, %dma_wait3A_173] : memref<3x48x128xf32, #tpu.memory_space<vmem>> -> memref<1x48x128xf32, #tpu.memory_space<vmem>>
      %dma_wait3A_175 = tpu.memref_squeeze %dma_wait3A_174 : memref<1x48x128xf32, #tpu.memory_space<vmem>> -> memref<48x128xf32, #tpu.memory_space<vmem>>
      tpu.wait_dma2 semaphore(%run_scoped3A_152 : memref<!tpu.dma_semaphore, #tpu.memory_space<semaphore_mem>>) src(%dma_wait3A_175 : memref<48x128xf32, #tpu.memory_space<vmem>>) dst(%dma_wait3A_171 : memref<48x128xf32, #tpu.memory_space<vmem_shared>>)
      tpu.yield
    }) : () -> ()
    %add3A_17 = arith.constant 96 : i32
    %add3A_18 = arith.addi %mul3A_11, %add3A_17 : i32
    %run_scoped3A_19 = arith.constant 0 : i32
    "tpu.region"() ({
      %run_scoped3A_152 = tpu.sem_alloc : memref<!tpu.dma_semaphore, #tpu.memory_space<semaphore_mem>>
      %dma_start3A = arith.constant 0 : i32
      %dma_start3A_153 = arith.constant 0 : i32
      %dma_start3A_154 = tpu.memref_slice %arg13[%run_scoped3A_19, %dma_start3A, %dma_start3A_153] : memref<3x48x128xf32, #tpu.memory_space<vmem>> -> memref<1x48x128xf32, #tpu.memory_space<vmem>>
      %dma_start3A_155 = tpu.memref_squeeze %dma_start3A_154 : memref<1x48x128xf32, #tpu.memory_space<vmem>> -> memref<48x128xf32, #tpu.memory_space<vmem>>
      %dma_start3A_156 = arith.constant 0 : i32
      %dma_start3A_157 = tpu.memref_slice %arg15[%add3A_18, %dma_start3A_156] : memref<10112x128xf32, #tpu.memory_space<vmem_shared>> -> memref<48x128xf32, #tpu.memory_space<vmem_shared>>
      %dma_start3A_158 = arith.constant 0 : i32
      %dma_start3A_159 = tpu.memref_slice %arg15[%add3A_18, %dma_start3A_158] : memref<10112x128xf32, #tpu.memory_space<vmem_shared>> -> memref<48x128xf32, #tpu.memory_space<vmem_shared>>
      %dma_start3A_160 = arith.constant 0 : i32
      %dma_start3A_161 = arith.constant 0 : i32
      %dma_start3A_162 = tpu.memref_slice %arg13[%run_scoped3A_19, %dma_start3A_160, %dma_start3A_161] : memref<3x48x128xf32, #tpu.memory_space<vmem>> -> memref<1x48x128xf32, #tpu.memory_space<vmem>>
      %dma_start3A_163 = tpu.memref_squeeze %dma_start3A_162 : memref<1x48x128xf32, #tpu.memory_space<vmem>> -> memref<48x128xf32, #tpu.memory_space<vmem>>
      tpu.enqueue_dma source(%dma_start3A_163 : memref<48x128xf32, #tpu.memory_space<vmem>>) target(%dma_start3A_159 : memref<48x128xf32, #tpu.memory_space<vmem_shared>>) target_semaphore(%run_scoped3A_152 : memref<!tpu.dma_semaphore, #tpu.memory_space<semaphore_mem>>)
      %dma_wait3A_164 = arith.constant 0 : i32
      %dma_wait3A_165 = arith.constant 0 : i32
      %dma_wait3A_166 = tpu.memref_slice %arg13[%run_scoped3A_19, %dma_wait3A_164, %dma_wait3A_165] : memref<3x48x128xf32, #tpu.memory_space<vmem>> -> memref<1x48x128xf32, #tpu.memory_space<vmem>>
      %dma_wait3A_167 = tpu.memref_squeeze %dma_wait3A_166 : memref<1x48x128xf32, #tpu.memory_space<vmem>> -> memref<48x128xf32, #tpu.memory_space<vmem>>
      %dma_wait3A_168 = arith.constant 0 : i32
      %dma_wait3A_169 = tpu.memref_slice %arg15[%add3A_18, %dma_wait3A_168] : memref<10112x128xf32, #tpu.memory_space<vmem_shared>> -> memref<48x128xf32, #tpu.memory_space<vmem_shared>>
      %dma_wait3A_170 = arith.constant 0 : i32
      %dma_wait3A_171 = tpu.memref_slice %arg15[%add3A_18, %dma_wait3A_170] : memref<10112x128xf32, #tpu.memory_space<vmem_shared>> -> memref<48x128xf32, #tpu.memory_space<vmem_shared>>
      %dma_wait3A_172 = arith.constant 0 : i32
      %dma_wait3A_173 = arith.constant 0 : i32
      %dma_wait3A_174 = tpu.memref_slice %arg13[%run_scoped3A_19, %dma_wait3A_172, %dma_wait3A_173] : memref<3x48x128xf32, #tpu.memory_space<vmem>> -> memref<1x48x128xf32, #tpu.memory_space<vmem>>
      %dma_wait3A_175 = tpu.memref_squeeze %dma_wait3A_174 : memref<1x48x128xf32, #tpu.memory_space<vmem>> -> memref<48x128xf32, #tpu.memory_space<vmem>>
      tpu.wait_dma2 semaphore(%run_scoped3A_152 : memref<!tpu.dma_semaphore, #tpu.memory_space<semaphore_mem>>) src(%dma_wait3A_175 : memref<48x128xf32, #tpu.memory_space<vmem>>) dst(%dma_wait3A_171 : memref<48x128xf32, #tpu.memory_space<vmem_shared>>)
      tpu.yield
    }) : () -> ()
    %add3A_20 = arith.constant 144 : i32
    %add3A_21 = arith.addi %mul3A_11, %add3A_20 : i32
    %run_scoped3A_22 = arith.constant 0 : i32
    "tpu.region"() ({
      %run_scoped3A_152 = tpu.sem_alloc : memref<!tpu.dma_semaphore, #tpu.memory_space<semaphore_mem>>
      %dma_start3A = arith.constant 0 : i32
      %dma_start3A_153 = arith.constant 0 : i32
      %dma_start3A_154 = tpu.memref_slice %arg13[%run_scoped3A_22, %dma_start3A, %dma_start3A_153] : memref<3x48x128xf32, #tpu.memory_space<vmem>> -> memref<1x48x128xf32, #tpu.memory_space<vmem>>
      %dma_start3A_155 = tpu.memref_squeeze %dma_start3A_154 : memref<1x48x128xf32, #tpu.memory_space<vmem>> -> memref<48x128xf32, #tpu.memory_space<vmem>>
      %dma_start3A_156 = arith.constant 0 : i32
      %dma_start3A_157 = tpu.memref_slice %arg15[%add3A_21, %dma_start3A_156] : memref<10112x128xf32, #tpu.memory_space<vmem_shared>> -> memref<48x128xf32, #tpu.memory_space<vmem_shared>>
      %dma_start3A_158 = arith.constant 0 : i32
      %dma_start3A_159 = tpu.memref_slice %arg15[%add3A_21, %dma_start3A_158] : memref<10112x128xf32, #tpu.memory_space<vmem_shared>> -> memref<48x128xf32, #tpu.memory_space<vmem_shared>>
      %dma_start3A_160 = arith.constant 0 : i32
      %dma_start3A_161 = arith.constant 0 : i32
      %dma_start3A_162 = tpu.memref_slice %arg13[%run_scoped3A_22, %dma_start3A_160, %dma_start3A_161] : memref<3x48x128xf32, #tpu.memory_space<vmem>> -> memref<1x48x128xf32, #tpu.memory_space<vmem>>
      %dma_start3A_163 = tpu.memref_squeeze %dma_start3A_162 : memref<1x48x128xf32, #tpu.memory_space<vmem>> -> memref<48x128xf32, #tpu.memory_space<vmem>>
      tpu.enqueue_dma source(%dma_start3A_163 : memref<48x128xf32, #tpu.memory_space<vmem>>) target(%dma_start3A_159 : memref<48x128xf32, #tpu.memory_space<vmem_shared>>) target_semaphore(%run_scoped3A_152 : memref<!tpu.dma_semaphore, #tpu.memory_space<semaphore_mem>>)
      %dma_wait3A_164 = arith.constant 0 : i32
      %dma_wait3A_165 = arith.constant 0 : i32
      %dma_wait3A_166 = tpu.memref_slice %arg13[%run_scoped3A_22, %dma_wait3A_164, %dma_wait3A_165] : memref<3x48x128xf32, #tpu.memory_space<vmem>> -> memref<1x48x128xf32, #tpu.memory_space<vmem>>
      %dma_wait3A_167 = tpu.memref_squeeze %dma_wait3A_166 : memref<1x48x128xf32, #tpu.memory_space<vmem>> -> memref<48x128xf32, #tpu.memory_space<vmem>>
      %dma_wait3A_168 = arith.constant 0 : i32
      %dma_wait3A_169 = tpu.memref_slice %arg15[%add3A_21, %dma_wait3A_168] : memref<10112x128xf32, #tpu.memory_space<vmem_shared>> -> memref<48x128xf32, #tpu.memory_space<vmem_shared>>
      %dma_wait3A_170 = arith.constant 0 : i32
      %dma_wait3A_171 = tpu.memref_slice %arg15[%add3A_21, %dma_wait3A_170] : memref<10112x128xf32, #tpu.memory_space<vmem_shared>> -> memref<48x128xf32, #tpu.memory_space<vmem_shared>>
      %dma_wait3A_172 = arith.constant 0 : i32
      %dma_wait3A_173 = arith.constant 0 : i32
      %dma_wait3A_174 = tpu.memref_slice %arg13[%run_scoped3A_22, %dma_wait3A_172, %dma_wait3A_173] : memref<3x48x128xf32, #tpu.memory_space<vmem>> -> memref<1x48x128xf32, #tpu.memory_space<vmem>>
      %dma_wait3A_175 = tpu.memref_squeeze %dma_wait3A_174 : memref<1x48x128xf32, #tpu.memory_space<vmem>> -> memref<48x128xf32, #tpu.memory_space<vmem>>
      tpu.wait_dma2 semaphore(%run_scoped3A_152 : memref<!tpu.dma_semaphore, #tpu.memory_space<semaphore_mem>>) src(%dma_wait3A_175 : memref<48x128xf32, #tpu.memory_space<vmem>>) dst(%dma_wait3A_171 : memref<48x128xf32, #tpu.memory_space<vmem_shared>>)
      tpu.yield
    }) : () -> ()
    %add3A_23 = arith.constant 192 : i32
    %add3A_24 = arith.addi %mul3A_11, %add3A_23 : i32
    %run_scoped3A_25 = arith.constant 0 : i32
    "tpu.region"() ({
      %run_scoped3A_152 = tpu.sem_alloc : memref<!tpu.dma_semaphore, #tpu.memory_space<semaphore_mem>>
      %dma_start3A = arith.constant 0 : i32
      %dma_start3A_153 = arith.constant 0 : i32
      %dma_start3A_154 = tpu.memref_slice %arg13[%run_scoped3A_25, %dma_start3A, %dma_start3A_153] : memref<3x48x128xf32, #tpu.memory_space<vmem>> -> memref<1x48x128xf32, #tpu.memory_space<vmem>>
      %dma_start3A_155 = tpu.memref_squeeze %dma_start3A_154 : memref<1x48x128xf32, #tpu.memory_space<vmem>> -> memref<48x128xf32, #tpu.memory_space<vmem>>
      %dma_start3A_156 = arith.constant 0 : i32
      %dma_start3A_157 = tpu.memref_slice %arg15[%add3A_24, %dma_start3A_156] : memref<10112x128xf32, #tpu.memory_space<vmem_shared>> -> memref<48x128xf32, #tpu.memory_space<vmem_shared>>
      %dma_start3A_158 = arith.constant 0 : i32
      %dma_start3A_159 = tpu.memref_slice %arg15[%add3A_24, %dma_start3A_158] : memref<10112x128xf32, #tpu.memory_space<vmem_shared>> -> memref<48x128xf32, #tpu.memory_space<vmem_shared>>
      %dma_start3A_160 = arith.constant 0 : i32
      %dma_start3A_161 = arith.constant 0 : i32
      %dma_start3A_162 = tpu.memref_slice %arg13[%run_scoped3A_25, %dma_start3A_160, %dma_start3A_161] : memref<3x48x128xf32, #tpu.memory_space<vmem>> -> memref<1x48x128xf32, #tpu.memory_space<vmem>>
      %dma_start3A_163 = tpu.memref_squeeze %dma_start3A_162 : memref<1x48x128xf32, #tpu.memory_space<vmem>> -> memref<48x128xf32, #tpu.memory_space<vmem>>
      tpu.enqueue_dma source(%dma_start3A_163 : memref<48x128xf32, #tpu.memory_space<vmem>>) target(%dma_start3A_159 : memref<48x128xf32, #tpu.memory_space<vmem_shared>>) target_semaphore(%run_scoped3A_152 : memref<!tpu.dma_semaphore, #tpu.memory_space<semaphore_mem>>)
      %dma_wait3A_164 = arith.constant 0 : i32
      %dma_wait3A_165 = arith.constant 0 : i32
      %dma_wait3A_166 = tpu.memref_slice %arg13[%run_scoped3A_25, %dma_wait3A_164, %dma_wait3A_165] : memref<3x48x128xf32, #tpu.memory_space<vmem>> -> memref<1x48x128xf32, #tpu.memory_space<vmem>>
      %dma_wait3A_167 = tpu.memref_squeeze %dma_wait3A_166 : memref<1x48x128xf32, #tpu.memory_space<vmem>> -> memref<48x128xf32, #tpu.memory_space<vmem>>
      %dma_wait3A_168 = arith.constant 0 : i32
      %dma_wait3A_169 = tpu.memref_slice %arg15[%add3A_24, %dma_wait3A_168] : memref<10112x128xf32, #tpu.memory_space<vmem_shared>> -> memref<48x128xf32, #tpu.memory_space<vmem_shared>>
      %dma_wait3A_170 = arith.constant 0 : i32
      %dma_wait3A_171 = tpu.memref_slice %arg15[%add3A_24, %dma_wait3A_170] : memref<10112x128xf32, #tpu.memory_space<vmem_shared>> -> memref<48x128xf32, #tpu.memory_space<vmem_shared>>
      %dma_wait3A_172 = arith.constant 0 : i32
      %dma_wait3A_173 = arith.constant 0 : i32
      %dma_wait3A_174 = tpu.memref_slice %arg13[%run_scoped3A_25, %dma_wait3A_172, %dma_wait3A_173] : memref<3x48x128xf32, #tpu.memory_space<vmem>> -> memref<1x48x128xf32, #tpu.memory_space<vmem>>
      %dma_wait3A_175 = tpu.memref_squeeze %dma_wait3A_174 : memref<1x48x128xf32, #tpu.memory_space<vmem>> -> memref<48x128xf32, #tpu.memory_space<vmem>>
      tpu.wait_dma2 semaphore(%run_scoped3A_152 : memref<!tpu.dma_semaphore, #tpu.memory_space<semaphore_mem>>) src(%dma_wait3A_175 : memref<48x128xf32, #tpu.memory_space<vmem>>) dst(%dma_wait3A_171 : memref<48x128xf32, #tpu.memory_space<vmem_shared>>)
      tpu.yield
    }) : () -> ()
    %add3A_26 = arith.constant 240 : i32
    %add3A_27 = arith.addi %mul3A_11, %add3A_26 : i32
    %run_scoped3A_28 = arith.constant 0 : i32
    "tpu.region"() ({
      %run_scoped3A_152 = tpu.sem_alloc : memref<!tpu.dma_semaphore, #tpu.memory_space<semaphore_mem>>
      %dma_start3A = arith.constant 0 : i32
      %dma_start3A_153 = arith.constant 0 : i32
      %dma_start3A_154 = tpu.memref_slice %arg13[%run_scoped3A_28, %dma_start3A, %dma_start3A_153] : memref<3x48x128xf32, #tpu.memory_space<vmem>> -> memref<1x48x128xf32, #tpu.memory_space<vmem>>
      %dma_start3A_155 = tpu.memref_squeeze %dma_start3A_154 : memref<1x48x128xf32, #tpu.memory_space<vmem>> -> memref<48x128xf32, #tpu.memory_space<vmem>>
      %dma_start3A_156 = arith.constant 0 : i32
      %dma_start3A_157 = tpu.memref_slice %arg15[%add3A_27, %dma_start3A_156] : memref<10112x128xf32, #tpu.memory_space<vmem_shared>> -> memref<48x128xf32, #tpu.memory_space<vmem_shared>>
      %dma_start3A_158 = arith.constant 0 : i32
      %dma_start3A_159 = tpu.memref_slice %arg15[%add3A_27, %dma_start3A_158] : memref<10112x128xf32, #tpu.memory_space<vmem_shared>> -> memref<48x128xf32, #tpu.memory_space<vmem_shared>>
      %dma_start3A_160 = arith.constant 0 : i32
      %dma_start3A_161 = arith.constant 0 : i32
      %dma_start3A_162 = tpu.memref_slice %arg13[%run_scoped3A_28, %dma_start3A_160, %dma_start3A_161] : memref<3x48x128xf32, #tpu.memory_space<vmem>> -> memref<1x48x128xf32, #tpu.memory_space<vmem>>
      %dma_start3A_163 = tpu.memref_squeeze %dma_start3A_162 : memref<1x48x128xf32, #tpu.memory_space<vmem>> -> memref<48x128xf32, #tpu.memory_space<vmem>>
      tpu.enqueue_dma source(%dma_start3A_163 : memref<48x128xf32, #tpu.memory_space<vmem>>) target(%dma_start3A_159 : memref<48x128xf32, #tpu.memory_space<vmem_shared>>) target_semaphore(%run_scoped3A_152 : memref<!tpu.dma_semaphore, #tpu.memory_space<semaphore_mem>>)
      %dma_wait3A_164 = arith.constant 0 : i32
      %dma_wait3A_165 = arith.constant 0 : i32
      %dma_wait3A_166 = tpu.memref_slice %arg13[%run_scoped3A_28, %dma_wait3A_164, %dma_wait3A_165] : memref<3x48x128xf32, #tpu.memory_space<vmem>> -> memref<1x48x128xf32, #tpu.memory_space<vmem>>
      %dma_wait3A_167 = tpu.memref_squeeze %dma_wait3A_166 : memref<1x48x128xf32, #tpu.memory_space<vmem>> -> memref<48x128xf32, #tpu.memory_space<vmem>>
      %dma_wait3A_168 = arith.constant 0 : i32
      %dma_wait3A_169 = tpu.memref_slice %arg15[%add3A_27, %dma_wait3A_168] : memref<10112x128xf32, #tpu.memory_space<vmem_shared>> -> memref<48x128xf32, #tpu.memory_space<vmem_shared>>
      %dma_wait3A_170 = arith.constant 0 : i32
      %dma_wait3A_171 = tpu.memref_slice %arg15[%add3A_27, %dma_wait3A_170] : memref<10112x128xf32, #tpu.memory_space<vmem_shared>> -> memref<48x128xf32, #tpu.memory_space<vmem_shared>>
      %dma_wait3A_172 = arith.constant 0 : i32
      %dma_wait3A_173 = arith.constant 0 : i32
      %dma_wait3A_174 = tpu.memref_slice %arg13[%run_scoped3A_28, %dma_wait3A_172, %dma_wait3A_173] : memref<3x48x128xf32, #tpu.memory_space<vmem>> -> memref<1x48x128xf32, #tpu.memory_space<vmem>>
      %dma_wait3A_175 = tpu.memref_squeeze %dma_wait3A_174 : memref<1x48x128xf32, #tpu.memory_space<vmem>> -> memref<48x128xf32, #tpu.memory_space<vmem>>
      tpu.wait_dma2 semaphore(%run_scoped3A_152 : memref<!tpu.dma_semaphore, #tpu.memory_space<semaphore_mem>>) src(%dma_wait3A_175 : memref<48x128xf32, #tpu.memory_space<vmem>>) dst(%dma_wait3A_171 : memref<48x128xf32, #tpu.memory_space<vmem_shared>>)
      tpu.yield
    }) : () -> ()
    %add3A_29 = arith.constant 288 : i32
    %add3A_30 = arith.addi %mul3A_11, %add3A_29 : i32
    %run_scoped3A_31 = arith.constant 0 : i32
    "tpu.region"() ({
      %run_scoped3A_152 = tpu.sem_alloc : memref<!tpu.dma_semaphore, #tpu.memory_space<semaphore_mem>>
      %dma_start3A = arith.constant 0 : i32
      %dma_start3A_153 = arith.constant 0 : i32
      %dma_start3A_154 = tpu.memref_slice %arg13[%run_scoped3A_31, %dma_start3A, %dma_start3A_153] : memref<3x48x128xf32, #tpu.memory_space<vmem>> -> memref<1x48x128xf32, #tpu.memory_space<vmem>>
      %dma_start3A_155 = tpu.memref_squeeze %dma_start3A_154 : memref<1x48x128xf32, #tpu.memory_space<vmem>> -> memref<48x128xf32, #tpu.memory_space<vmem>>
      %dma_start3A_156 = arith.constant 0 : i32
      %dma_start3A_157 = tpu.memref_slice %arg15[%add3A_30, %dma_start3A_156] : memref<10112x128xf32, #tpu.memory_space<vmem_shared>> -> memref<48x128xf32, #tpu.memory_space<vmem_shared>>
      %dma_start3A_158 = arith.constant 0 : i32
      %dma_start3A_159 = tpu.memref_slice %arg15[%add3A_30, %dma_start3A_158] : memref<10112x128xf32, #tpu.memory_space<vmem_shared>> -> memref<48x128xf32, #tpu.memory_space<vmem_shared>>
      %dma_start3A_160 = arith.constant 0 : i32
      %dma_start3A_161 = arith.constant 0 : i32
      %dma_start3A_162 = tpu.memref_slice %arg13[%run_scoped3A_31, %dma_start3A_160, %dma_start3A_161] : memref<3x48x128xf32, #tpu.memory_space<vmem>> -> memref<1x48x128xf32, #tpu.memory_space<vmem>>
      %dma_start3A_163 = tpu.memref_squeeze %dma_start3A_162 : memref<1x48x128xf32, #tpu.memory_space<vmem>> -> memref<48x128xf32, #tpu.memory_space<vmem>>
      tpu.enqueue_dma source(%dma_start3A_163 : memref<48x128xf32, #tpu.memory_space<vmem>>) target(%dma_start3A_159 : memref<48x128xf32, #tpu.memory_space<vmem_shared>>) target_semaphore(%run_scoped3A_152 : memref<!tpu.dma_semaphore, #tpu.memory_space<semaphore_mem>>)
      %dma_wait3A_164 = arith.constant 0 : i32
      %dma_wait3A_165 = arith.constant 0 : i32
      %dma_wait3A_166 = tpu.memref_slice %arg13[%run_scoped3A_31, %dma_wait3A_164, %dma_wait3A_165] : memref<3x48x128xf32, #tpu.memory_space<vmem>> -> memref<1x48x128xf32, #tpu.memory_space<vmem>>
      %dma_wait3A_167 = tpu.memref_squeeze %dma_wait3A_166 : memref<1x48x128xf32, #tpu.memory_space<vmem>> -> memref<48x128xf32, #tpu.memory_space<vmem>>
      %dma_wait3A_168 = arith.constant 0 : i32
      %dma_wait3A_169 = tpu.memref_slice %arg15[%add3A_30, %dma_wait3A_168] : memref<10112x128xf32, #tpu.memory_space<vmem_shared>> -> memref<48x128xf32, #tpu.memory_space<vmem_shared>>
      %dma_wait3A_170 = arith.constant 0 : i32
      %dma_wait3A_171 = tpu.memref_slice %arg15[%add3A_30, %dma_wait3A_170] : memref<10112x128xf32, #tpu.memory_space<vmem_shared>> -> memref<48x128xf32, #tpu.memory_space<vmem_shared>>
      %dma_wait3A_172 = arith.constant 0 : i32
      %dma_wait3A_173 = arith.constant 0 : i32
      %dma_wait3A_174 = tpu.memref_slice %arg13[%run_scoped3A_31, %dma_wait3A_172, %dma_wait3A_173] : memref<3x48x128xf32, #tpu.memory_space<vmem>> -> memref<1x48x128xf32, #tpu.memory_space<vmem>>
      %dma_wait3A_175 = tpu.memref_squeeze %dma_wait3A_174 : memref<1x48x128xf32, #tpu.memory_space<vmem>> -> memref<48x128xf32, #tpu.memory_space<vmem>>
      tpu.wait_dma2 semaphore(%run_scoped3A_152 : memref<!tpu.dma_semaphore, #tpu.memory_space<semaphore_mem>>) src(%dma_wait3A_175 : memref<48x128xf32, #tpu.memory_space<vmem>>) dst(%dma_wait3A_171 : memref<48x128xf32, #tpu.memory_space<vmem_shared>>)
      tpu.yield
    }) : () -> ()
    %add3A_32 = arith.constant 336 : i32
    %add3A_33 = arith.addi %mul3A_11, %add3A_32 : i32
    %run_scoped3A_34 = arith.constant 0 : i32
    "tpu.region"() ({
      %run_scoped3A_152 = tpu.sem_alloc : memref<!tpu.dma_semaphore, #tpu.memory_space<semaphore_mem>>
      %dma_start3A = arith.constant 0 : i32
      %dma_start3A_153 = arith.constant 0 : i32
      %dma_start3A_154 = tpu.memref_slice %arg13[%run_scoped3A_34, %dma_start3A, %dma_start3A_153] : memref<3x48x128xf32, #tpu.memory_space<vmem>> -> memref<1x48x128xf32, #tpu.memory_space<vmem>>
      %dma_start3A_155 = tpu.memref_squeeze %dma_start3A_154 : memref<1x48x128xf32, #tpu.memory_space<vmem>> -> memref<48x128xf32, #tpu.memory_space<vmem>>
      %dma_start3A_156 = arith.constant 0 : i32
      %dma_start3A_157 = tpu.memref_slice %arg15[%add3A_33, %dma_start3A_156] : memref<10112x128xf32, #tpu.memory_space<vmem_shared>> -> memref<48x128xf32, #tpu.memory_space<vmem_shared>>
      %dma_start3A_158 = arith.constant 0 : i32
      %dma_start3A_159 = tpu.memref_slice %arg15[%add3A_33, %dma_start3A_158] : memref<10112x128xf32, #tpu.memory_space<vmem_shared>> -> memref<48x128xf32, #tpu.memory_space<vmem_shared>>
      %dma_start3A_160 = arith.constant 0 : i32
      %dma_start3A_161 = arith.constant 0 : i32
      %dma_start3A_162 = tpu.memref_slice %arg13[%run_scoped3A_34, %dma_start3A_160, %dma_start3A_161] : memref<3x48x128xf32, #tpu.memory_space<vmem>> -> memref<1x48x128xf32, #tpu.memory_space<vmem>>
      %dma_start3A_163 = tpu.memref_squeeze %dma_start3A_162 : memref<1x48x128xf32, #tpu.memory_space<vmem>> -> memref<48x128xf32, #tpu.memory_space<vmem>>
      tpu.enqueue_dma source(%dma_start3A_163 : memref<48x128xf32, #tpu.memory_space<vmem>>) target(%dma_start3A_159 : memref<48x128xf32, #tpu.memory_space<vmem_shared>>) target_semaphore(%run_scoped3A_152 : memref<!tpu.dma_semaphore, #tpu.memory_space<semaphore_mem>>)
      %dma_wait3A_164 = arith.constant 0 : i32
      %dma_wait3A_165 = arith.constant 0 : i32
      %dma_wait3A_166 = tpu.memref_slice %arg13[%run_scoped3A_34, %dma_wait3A_164, %dma_wait3A_165] : memref<3x48x128xf32, #tpu.memory_space<vmem>> -> memref<1x48x128xf32, #tpu.memory_space<vmem>>
      %dma_wait3A_167 = tpu.memref_squeeze %dma_wait3A_166 : memref<1x48x128xf32, #tpu.memory_space<vmem>> -> memref<48x128xf32, #tpu.memory_space<vmem>>
      %dma_wait3A_168 = arith.constant 0 : i32
      %dma_wait3A_169 = tpu.memref_slice %arg15[%add3A_33, %dma_wait3A_168] : memref<10112x128xf32, #tpu.memory_space<vmem_shared>> -> memref<48x128xf32, #tpu.memory_space<vmem_shared>>
      %dma_wait3A_170 = arith.constant 0 : i32
      %dma_wait3A_171 = tpu.memref_slice %arg15[%add3A_33, %dma_wait3A_170] : memref<10112x128xf32, #tpu.memory_space<vmem_shared>> -> memref<48x128xf32, #tpu.memory_space<vmem_shared>>
      %dma_wait3A_172 = arith.constant 0 : i32
      %dma_wait3A_173 = arith.constant 0 : i32
      %dma_wait3A_174 = tpu.memref_slice %arg13[%run_scoped3A_34, %dma_wait3A_172, %dma_wait3A_173] : memref<3x48x128xf32, #tpu.memory_space<vmem>> -> memref<1x48x128xf32, #tpu.memory_space<vmem>>
      %dma_wait3A_175 = tpu.memref_squeeze %dma_wait3A_174 : memref<1x48x128xf32, #tpu.memory_space<vmem>> -> memref<48x128xf32, #tpu.memory_space<vmem>>
      tpu.wait_dma2 semaphore(%run_scoped3A_152 : memref<!tpu.dma_semaphore, #tpu.memory_space<semaphore_mem>>) src(%dma_wait3A_175 : memref<48x128xf32, #tpu.memory_space<vmem>>) dst(%dma_wait3A_171 : memref<48x128xf32, #tpu.memory_space<vmem_shared>>)
      tpu.yield
    }) : () -> ()
    %add3A_35 = arith.constant 384 : i32
    %add3A_36 = arith.addi %mul3A_11, %add3A_35 : i32
    %run_scoped3A_37 = arith.constant 0 : i32
    "tpu.region"() ({
      %run_scoped3A_152 = tpu.sem_alloc : memref<!tpu.dma_semaphore, #tpu.memory_space<semaphore_mem>>
      %dma_start3A = arith.constant 0 : i32
      %dma_start3A_153 = arith.constant 0 : i32
      %dma_start3A_154 = tpu.memref_slice %arg13[%run_scoped3A_37, %dma_start3A, %dma_start3A_153] : memref<3x48x128xf32, #tpu.memory_space<vmem>> -> memref<1x48x128xf32, #tpu.memory_space<vmem>>
      %dma_start3A_155 = tpu.memref_squeeze %dma_start3A_154 : memref<1x48x128xf32, #tpu.memory_space<vmem>> -> memref<48x128xf32, #tpu.memory_space<vmem>>
      %dma_start3A_156 = arith.constant 0 : i32
      %dma_start3A_157 = tpu.memref_slice %arg15[%add3A_36, %dma_start3A_156] : memref<10112x128xf32, #tpu.memory_space<vmem_shared>> -> memref<48x128xf32, #tpu.memory_space<vmem_shared>>
      %dma_start3A_158 = arith.constant 0 : i32
      %dma_start3A_159 = tpu.memref_slice %arg15[%add3A_36, %dma_start3A_158] : memref<10112x128xf32, #tpu.memory_space<vmem_shared>> -> memref<48x128xf32, #tpu.memory_space<vmem_shared>>
      %dma_start3A_160 = arith.constant 0 : i32
      %dma_start3A_161 = arith.constant 0 : i32
      %dma_start3A_162 = tpu.memref_slice %arg13[%run_scoped3A_37, %dma_start3A_160, %dma_start3A_161] : memref<3x48x128xf32, #tpu.memory_space<vmem>> -> memref<1x48x128xf32, #tpu.memory_space<vmem>>
      %dma_start3A_163 = tpu.memref_squeeze %dma_start3A_162 : memref<1x48x128xf32, #tpu.memory_space<vmem>> -> memref<48x128xf32, #tpu.memory_space<vmem>>
      tpu.enqueue_dma source(%dma_start3A_163 : memref<48x128xf32, #tpu.memory_space<vmem>>) target(%dma_start3A_159 : memref<48x128xf32, #tpu.memory_space<vmem_shared>>) target_semaphore(%run_scoped3A_152 : memref<!tpu.dma_semaphore, #tpu.memory_space<semaphore_mem>>)
      %dma_wait3A_164 = arith.constant 0 : i32
      %dma_wait3A_165 = arith.constant 0 : i32
      %dma_wait3A_166 = tpu.memref_slice %arg13[%run_scoped3A_37, %dma_wait3A_164, %dma_wait3A_165] : memref<3x48x128xf32, #tpu.memory_space<vmem>> -> memref<1x48x128xf32, #tpu.memory_space<vmem>>
      %dma_wait3A_167 = tpu.memref_squeeze %dma_wait3A_166 : memref<1x48x128xf32, #tpu.memory_space<vmem>> -> memref<48x128xf32, #tpu.memory_space<vmem>>
      %dma_wait3A_168 = arith.constant 0 : i32
      %dma_wait3A_169 = tpu.memref_slice %arg15[%add3A_36, %dma_wait3A_168] : memref<10112x128xf32, #tpu.memory_space<vmem_shared>> -> memref<48x128xf32, #tpu.memory_space<vmem_shared>>
      %dma_wait3A_170 = arith.constant 0 : i32
      %dma_wait3A_171 = tpu.memref_slice %arg15[%add3A_36, %dma_wait3A_170] : memref<10112x128xf32, #tpu.memory_space<vmem_shared>> -> memref<48x128xf32, #tpu.memory_space<vmem_shared>>
      %dma_wait3A_172 = arith.constant 0 : i32
      %dma_wait3A_173 = arith.constant 0 : i32
      %dma_wait3A_174 = tpu.memref_slice %arg13[%run_scoped3A_37, %dma_wait3A_172, %dma_wait3A_173] : memref<3x48x128xf32, #tpu.memory_space<vmem>> -> memref<1x48x128xf32, #tpu.memory_space<vmem>>
      %dma_wait3A_175 = tpu.memref_squeeze %dma_wait3A_174 : memref<1x48x128xf32, #tpu.memory_space<vmem>> -> memref<48x128xf32, #tpu.memory_space<vmem>>
      tpu.wait_dma2 semaphore(%run_scoped3A_152 : memref<!tpu.dma_semaphore, #tpu.memory_space<semaphore_mem>>) src(%dma_wait3A_175 : memref<48x128xf32, #tpu.memory_space<vmem>>) dst(%dma_wait3A_171 : memref<48x128xf32, #tpu.memory_space<vmem_shared>>)
      tpu.yield
    }) : () -> ()
    %add3A_38 = arith.constant 432 : i32
    %add3A_39 = arith.addi %mul3A_11, %add3A_38 : i32
    %run_scoped3A_40 = arith.constant 0 : i32
    "tpu.region"() ({
      %run_scoped3A_152 = tpu.sem_alloc : memref<!tpu.dma_semaphore, #tpu.memory_space<semaphore_mem>>
      %dma_start3A = arith.constant 0 : i32
      %dma_start3A_153 = arith.constant 0 : i32
      %dma_start3A_154 = tpu.memref_slice %arg13[%run_scoped3A_40, %dma_start3A, %dma_start3A_153] : memref<3x48x128xf32, #tpu.memory_space<vmem>> -> memref<1x48x128xf32, #tpu.memory_space<vmem>>
      %dma_start3A_155 = tpu.memref_squeeze %dma_start3A_154 : memref<1x48x128xf32, #tpu.memory_space<vmem>> -> memref<48x128xf32, #tpu.memory_space<vmem>>
      %dma_start3A_156 = arith.constant 0 : i32
      %dma_start3A_157 = tpu.memref_slice %arg15[%add3A_39, %dma_start3A_156] : memref<10112x128xf32, #tpu.memory_space<vmem_shared>> -> memref<48x128xf32, #tpu.memory_space<vmem_shared>>
      %dma_start3A_158 = arith.constant 0 : i32
      %dma_start3A_159 = tpu.memref_slice %arg15[%add3A_39, %dma_start3A_158] : memref<10112x128xf32, #tpu.memory_space<vmem_shared>> -> memref<48x128xf32, #tpu.memory_space<vmem_shared>>
      %dma_start3A_160 = arith.constant 0 : i32
      %dma_start3A_161 = arith.constant 0 : i32
      %dma_start3A_162 = tpu.memref_slice %arg13[%run_scoped3A_40, %dma_start3A_160, %dma_start3A_161] : memref<3x48x128xf32, #tpu.memory_space<vmem>> -> memref<1x48x128xf32, #tpu.memory_space<vmem>>
      %dma_start3A_163 = tpu.memref_squeeze %dma_start3A_162 : memref<1x48x128xf32, #tpu.memory_space<vmem>> -> memref<48x128xf32, #tpu.memory_space<vmem>>
      tpu.enqueue_dma source(%dma_start3A_163 : memref<48x128xf32, #tpu.memory_space<vmem>>) target(%dma_start3A_159 : memref<48x128xf32, #tpu.memory_space<vmem_shared>>) target_semaphore(%run_scoped3A_152 : memref<!tpu.dma_semaphore, #tpu.memory_space<semaphore_mem>>)
      %dma_wait3A_164 = arith.constant 0 : i32
      %dma_wait3A_165 = arith.constant 0 : i32
      %dma_wait3A_166 = tpu.memref_slice %arg13[%run_scoped3A_40, %dma_wait3A_164, %dma_wait3A_165] : memref<3x48x128xf32, #tpu.memory_space<vmem>> -> memref<1x48x128xf32, #tpu.memory_space<vmem>>
      %dma_wait3A_167 = tpu.memref_squeeze %dma_wait3A_166 : memref<1x48x128xf32, #tpu.memory_space<vmem>> -> memref<48x128xf32, #tpu.memory_space<vmem>>
      %dma_wait3A_168 = arith.constant 0 : i32
      %dma_wait3A_169 = tpu.memref_slice %arg15[%add3A_39, %dma_wait3A_168] : memref<10112x128xf32, #tpu.memory_space<vmem_shared>> -> memref<48x128xf32, #tpu.memory_space<vmem_shared>>
      %dma_wait3A_170 = arith.constant 0 : i32
      %dma_wait3A_171 = tpu.memref_slice %arg15[%add3A_39, %dma_wait3A_170] : memref<10112x128xf32, #tpu.memory_space<vmem_shared>> -> memref<48x128xf32, #tpu.memory_space<vmem_shared>>
      %dma_wait3A_172 = arith.constant 0 : i32
      %dma_wait3A_173 = arith.constant 0 : i32
      %dma_wait3A_174 = tpu.memref_slice %arg13[%run_scoped3A_40, %dma_wait3A_172, %dma_wait3A_173] : memref<3x48x128xf32, #tpu.memory_space<vmem>> -> memref<1x48x128xf32, #tpu.memory_space<vmem>>
      %dma_wait3A_175 = tpu.memref_squeeze %dma_wait3A_174 : memref<1x48x128xf32, #tpu.memory_space<vmem>> -> memref<48x128xf32, #tpu.memory_space<vmem>>
      tpu.wait_dma2 semaphore(%run_scoped3A_152 : memref<!tpu.dma_semaphore, #tpu.memory_space<semaphore_mem>>) src(%dma_wait3A_175 : memref<48x128xf32, #tpu.memory_space<vmem>>) dst(%dma_wait3A_171 : memref<48x128xf32, #tpu.memory_space<vmem_shared>>)
      tpu.yield
    }) : () -> ()
    %add3A_41 = arith.constant 480 : i32
    %add3A_42 = arith.addi %mul3A_11, %add3A_41 : i32
    %run_scoped3A_43 = arith.constant 0 : i32
    "tpu.region"() ({
      %run_scoped3A_152 = tpu.sem_alloc : memref<!tpu.dma_semaphore, #tpu.memory_space<semaphore_mem>>
      %dma_start3A = arith.constant 0 : i32
      %dma_start3A_153 = arith.constant 0 : i32
      %dma_start3A_154 = tpu.memref_slice %arg13[%run_scoped3A_43, %dma_start3A, %dma_start3A_153] : memref<3x48x128xf32, #tpu.memory_space<vmem>> -> memref<1x48x128xf32, #tpu.memory_space<vmem>>
      %dma_start3A_155 = tpu.memref_squeeze %dma_start3A_154 : memref<1x48x128xf32, #tpu.memory_space<vmem>> -> memref<48x128xf32, #tpu.memory_space<vmem>>
      %dma_start3A_156 = arith.constant 0 : i32
      %dma_start3A_157 = tpu.memref_slice %arg15[%add3A_42, %dma_start3A_156] : memref<10112x128xf32, #tpu.memory_space<vmem_shared>> -> memref<48x128xf32, #tpu.memory_space<vmem_shared>>
      %dma_start3A_158 = arith.constant 0 : i32
      %dma_start3A_159 = tpu.memref_slice %arg15[%add3A_42, %dma_start3A_158] : memref<10112x128xf32, #tpu.memory_space<vmem_shared>> -> memref<48x128xf32, #tpu.memory_space<vmem_shared>>
      %dma_start3A_160 = arith.constant 0 : i32
      %dma_start3A_161 = arith.constant 0 : i32
      %dma_start3A_162 = tpu.memref_slice %arg13[%run_scoped3A_43, %dma_start3A_160, %dma_start3A_161] : memref<3x48x128xf32, #tpu.memory_space<vmem>> -> memref<1x48x128xf32, #tpu.memory_space<vmem>>
      %dma_start3A_163 = tpu.memref_squeeze %dma_start3A_162 : memref<1x48x128xf32, #tpu.memory_space<vmem>> -> memref<48x128xf32, #tpu.memory_space<vmem>>
      tpu.enqueue_dma source(%dma_start3A_163 : memref<48x128xf32, #tpu.memory_space<vmem>>) target(%dma_start3A_159 : memref<48x128xf32, #tpu.memory_space<vmem_shared>>) target_semaphore(%run_scoped3A_152 : memref<!tpu.dma_semaphore, #tpu.memory_space<semaphore_mem>>)
      %dma_wait3A_164 = arith.constant 0 : i32
      %dma_wait3A_165 = arith.constant 0 : i32
      %dma_wait3A_166 = tpu.memref_slice %arg13[%run_scoped3A_43, %dma_wait3A_164, %dma_wait3A_165] : memref<3x48x128xf32, #tpu.memory_space<vmem>> -> memref<1x48x128xf32, #tpu.memory_space<vmem>>
      %dma_wait3A_167 = tpu.memref_squeeze %dma_wait3A_166 : memref<1x48x128xf32, #tpu.memory_space<vmem>> -> memref<48x128xf32, #tpu.memory_space<vmem>>
      %dma_wait3A_168 = arith.constant 0 : i32
      %dma_wait3A_169 = tpu.memref_slice %arg15[%add3A_42, %dma_wait3A_168] : memref<10112x128xf32, #tpu.memory_space<vmem_shared>> -> memref<48x128xf32, #tpu.memory_space<vmem_shared>>
      %dma_wait3A_170 = arith.constant 0 : i32
      %dma_wait3A_171 = tpu.memref_slice %arg15[%add3A_42, %dma_wait3A_170] : memref<10112x128xf32, #tpu.memory_space<vmem_shared>> -> memref<48x128xf32, #tpu.memory_space<vmem_shared>>
      %dma_wait3A_172 = arith.constant 0 : i32
      %dma_wait3A_173 = arith.constant 0 : i32
      %dma_wait3A_174 = tpu.memref_slice %arg13[%run_scoped3A_43, %dma_wait3A_172, %dma_wait3A_173] : memref<3x48x128xf32, #tpu.memory_space<vmem>> -> memref<1x48x128xf32, #tpu.memory_space<vmem>>
      %dma_wait3A_175 = tpu.memref_squeeze %dma_wait3A_174 : memref<1x48x128xf32, #tpu.memory_space<vmem>> -> memref<48x128xf32, #tpu.memory_space<vmem>>
      tpu.wait_dma2 semaphore(%run_scoped3A_152 : memref<!tpu.dma_semaphore, #tpu.memory_space<semaphore_mem>>) src(%dma_wait3A_175 : memref<48x128xf32, #tpu.memory_space<vmem>>) dst(%dma_wait3A_171 : memref<48x128xf32, #tpu.memory_space<vmem_shared>>)
      tpu.yield
    }) : () -> ()
    %add3A_44 = arith.constant 528 : i32
    %add3A_45 = arith.addi %mul3A_11, %add3A_44 : i32
    %run_scoped3A_46 = arith.constant 0 : i32
    "tpu.region"() ({
      %run_scoped3A_152 = tpu.sem_alloc : memref<!tpu.dma_semaphore, #tpu.memory_space<semaphore_mem>>
      %dma_start3A = arith.constant 0 : i32
      %dma_start3A_153 = arith.constant 0 : i32
      %dma_start3A_154 = tpu.memref_slice %arg13[%run_scoped3A_46, %dma_start3A, %dma_start3A_153] : memref<3x48x128xf32, #tpu.memory_space<vmem>> -> memref<1x48x128xf32, #tpu.memory_space<vmem>>
      %dma_start3A_155 = tpu.memref_squeeze %dma_start3A_154 : memref<1x48x128xf32, #tpu.memory_space<vmem>> -> memref<48x128xf32, #tpu.memory_space<vmem>>
      %dma_start3A_156 = arith.constant 0 : i32
      %dma_start3A_157 = tpu.memref_slice %arg15[%add3A_45, %dma_start3A_156] : memref<10112x128xf32, #tpu.memory_space<vmem_shared>> -> memref<48x128xf32, #tpu.memory_space<vmem_shared>>
      %dma_start3A_158 = arith.constant 0 : i32
      %dma_start3A_159 = tpu.memref_slice %arg15[%add3A_45, %dma_start3A_158] : memref<10112x128xf32, #tpu.memory_space<vmem_shared>> -> memref<48x128xf32, #tpu.memory_space<vmem_shared>>
      %dma_start3A_160 = arith.constant 0 : i32
      %dma_start3A_161 = arith.constant 0 : i32
      %dma_start3A_162 = tpu.memref_slice %arg13[%run_scoped3A_46, %dma_start3A_160, %dma_start3A_161] : memref<3x48x128xf32, #tpu.memory_space<vmem>> -> memref<1x48x128xf32, #tpu.memory_space<vmem>>
      %dma_start3A_163 = tpu.memref_squeeze %dma_start3A_162 : memref<1x48x128xf32, #tpu.memory_space<vmem>> -> memref<48x128xf32, #tpu.memory_space<vmem>>
      tpu.enqueue_dma source(%dma_start3A_163 : memref<48x128xf32, #tpu.memory_space<vmem>>) target(%dma_start3A_159 : memref<48x128xf32, #tpu.memory_space<vmem_shared>>) target_semaphore(%run_scoped3A_152 : memref<!tpu.dma_semaphore, #tpu.memory_space<semaphore_mem>>)
      %dma_wait3A_164 = arith.constant 0 : i32
      %dma_wait3A_165 = arith.constant 0 : i32
      %dma_wait3A_166 = tpu.memref_slice %arg13[%run_scoped3A_46, %dma_wait3A_164, %dma_wait3A_165] : memref<3x48x128xf32, #tpu.memory_space<vmem>> -> memref<1x48x128xf32, #tpu.memory_space<vmem>>
      %dma_wait3A_167 = tpu.memref_squeeze %dma_wait3A_166 : memref<1x48x128xf32, #tpu.memory_space<vmem>> -> memref<48x128xf32, #tpu.memory_space<vmem>>
      %dma_wait3A_168 = arith.constant 0 : i32
      %dma_wait3A_169 = tpu.memref_slice %arg15[%add3A_45, %dma_wait3A_168] : memref<10112x128xf32, #tpu.memory_space<vmem_shared>> -> memref<48x128xf32, #tpu.memory_space<vmem_shared>>
      %dma_wait3A_170 = arith.constant 0 : i32
      %dma_wait3A_171 = tpu.memref_slice %arg15[%add3A_45, %dma_wait3A_170] : memref<10112x128xf32, #tpu.memory_space<vmem_shared>> -> memref<48x128xf32, #tpu.memory_space<vmem_shared>>
      %dma_wait3A_172 = arith.constant 0 : i32
      %dma_wait3A_173 = arith.constant 0 : i32
      %dma_wait3A_174 = tpu.memref_slice %arg13[%run_scoped3A_46, %dma_wait3A_172, %dma_wait3A_173] : memref<3x48x128xf32, #tpu.memory_space<vmem>> -> memref<1x48x128xf32, #tpu.memory_space<vmem>>
      %dma_wait3A_175 = tpu.memref_squeeze %dma_wait3A_174 : memref<1x48x128xf32, #tpu.memory_space<vmem>> -> memref<48x128xf32, #tpu.memory_space<vmem>>
      tpu.wait_dma2 semaphore(%run_scoped3A_152 : memref<!tpu.dma_semaphore, #tpu.memory_space<semaphore_mem>>) src(%dma_wait3A_175 : memref<48x128xf32, #tpu.memory_space<vmem>>) dst(%dma_wait3A_171 : memref<48x128xf32, #tpu.memory_space<vmem_shared>>)
      tpu.yield
    }) : () -> ()
    %add3A_47 = arith.constant 576 : i32
    %add3A_48 = arith.addi %mul3A_11, %add3A_47 : i32
    %run_scoped3A_49 = arith.constant 0 : i32
    "tpu.region"() ({
      %run_scoped3A_152 = tpu.sem_alloc : memref<!tpu.dma_semaphore, #tpu.memory_space<semaphore_mem>>
      %dma_start3A = arith.constant 0 : i32
      %dma_start3A_153 = arith.constant 0 : i32
      %dma_start3A_154 = tpu.memref_slice %arg13[%run_scoped3A_49, %dma_start3A, %dma_start3A_153] : memref<3x48x128xf32, #tpu.memory_space<vmem>> -> memref<1x48x128xf32, #tpu.memory_space<vmem>>
      %dma_start3A_155 = tpu.memref_squeeze %dma_start3A_154 : memref<1x48x128xf32, #tpu.memory_space<vmem>> -> memref<48x128xf32, #tpu.memory_space<vmem>>
      %dma_start3A_156 = arith.constant 0 : i32
      %dma_start3A_157 = tpu.memref_slice %arg15[%add3A_48, %dma_start3A_156] : memref<10112x128xf32, #tpu.memory_space<vmem_shared>> -> memref<48x128xf32, #tpu.memory_space<vmem_shared>>
      %dma_start3A_158 = arith.constant 0 : i32
      %dma_start3A_159 = tpu.memref_slice %arg15[%add3A_48, %dma_start3A_158] : memref<10112x128xf32, #tpu.memory_space<vmem_shared>> -> memref<48x128xf32, #tpu.memory_space<vmem_shared>>
      %dma_start3A_160 = arith.constant 0 : i32
      %dma_start3A_161 = arith.constant 0 : i32
      %dma_start3A_162 = tpu.memref_slice %arg13[%run_scoped3A_49, %dma_start3A_160, %dma_start3A_161] : memref<3x48x128xf32, #tpu.memory_space<vmem>> -> memref<1x48x128xf32, #tpu.memory_space<vmem>>
      %dma_start3A_163 = tpu.memref_squeeze %dma_start3A_162 : memref<1x48x128xf32, #tpu.memory_space<vmem>> -> memref<48x128xf32, #tpu.memory_space<vmem>>
      tpu.enqueue_dma source(%dma_start3A_163 : memref<48x128xf32, #tpu.memory_space<vmem>>) target(%dma_start3A_159 : memref<48x128xf32, #tpu.memory_space<vmem_shared>>) target_semaphore(%run_scoped3A_152 : memref<!tpu.dma_semaphore, #tpu.memory_space<semaphore_mem>>)
      %dma_wait3A_164 = arith.constant 0 : i32
      %dma_wait3A_165 = arith.constant 0 : i32
      %dma_wait3A_166 = tpu.memref_slice %arg13[%run_scoped3A_49, %dma_wait3A_164, %dma_wait3A_165] : memref<3x48x128xf32, #tpu.memory_space<vmem>> -> memref<1x48x128xf32, #tpu.memory_space<vmem>>
      %dma_wait3A_167 = tpu.memref_squeeze %dma_wait3A_166 : memref<1x48x128xf32, #tpu.memory_space<vmem>> -> memref<48x128xf32, #tpu.memory_space<vmem>>
      %dma_wait3A_168 = arith.constant 0 : i32
      %dma_wait3A_169 = tpu.memref_slice %arg15[%add3A_48, %dma_wait3A_168] : memref<10112x128xf32, #tpu.memory_space<vmem_shared>> -> memref<48x128xf32, #tpu.memory_space<vmem_shared>>
      %dma_wait3A_170 = arith.constant 0 : i32
      %dma_wait3A_171 = tpu.memref_slice %arg15[%add3A_48, %dma_wait3A_170] : memref<10112x128xf32, #tpu.memory_space<vmem_shared>> -> memref<48x128xf32, #tpu.memory_space<vmem_shared>>
      %dma_wait3A_172 = arith.constant 0 : i32
      %dma_wait3A_173 = arith.constant 0 : i32
      %dma_wait3A_174 = tpu.memref_slice %arg13[%run_scoped3A_49, %dma_wait3A_172, %dma_wait3A_173] : memref<3x48x128xf32, #tpu.memory_space<vmem>> -> memref<1x48x128xf32, #tpu.memory_space<vmem>>
      %dma_wait3A_175 = tpu.memref_squeeze %dma_wait3A_174 : memref<1x48x128xf32, #tpu.memory_space<vmem>> -> memref<48x128xf32, #tpu.memory_space<vmem>>
      tpu.wait_dma2 semaphore(%run_scoped3A_152 : memref<!tpu.dma_semaphore, #tpu.memory_space<semaphore_mem>>) src(%dma_wait3A_175 : memref<48x128xf32, #tpu.memory_space<vmem>>) dst(%dma_wait3A_171 : memref<48x128xf32, #tpu.memory_space<vmem_shared>>)
      tpu.yield
    }) : () -> ()
    %add3A_50 = arith.constant 624 : i32
    %add3A_51 = arith.addi %mul3A_11, %add3A_50 : i32
    %run_scoped3A_52 = arith.constant 0 : i32
    "tpu.region"() ({
      %run_scoped3A_152 = tpu.sem_alloc : memref<!tpu.dma_semaphore, #tpu.memory_space<semaphore_mem>>
      %dma_start3A = arith.constant 0 : i32
      %dma_start3A_153 = arith.constant 0 : i32
      %dma_start3A_154 = tpu.memref_slice %arg13[%run_scoped3A_52, %dma_start3A, %dma_start3A_153] : memref<3x48x128xf32, #tpu.memory_space<vmem>> -> memref<1x8x128xf32, #tpu.memory_space<vmem>>
      %dma_start3A_155 = tpu.memref_squeeze %dma_start3A_154 : memref<1x8x128xf32, #tpu.memory_space<vmem>> -> memref<8x128xf32, #tpu.memory_space<vmem>>
      %dma_start3A_156 = arith.constant 0 : i32
      %dma_start3A_157 = tpu.memref_slice %arg15[%add3A_51, %dma_start3A_156] : memref<10112x128xf32, #tpu.memory_space<vmem_shared>> -> memref<8x128xf32, #tpu.memory_space<vmem_shared>>
      %dma_start3A_158 = arith.constant 0 : i32
      %dma_start3A_159 = tpu.memref_slice %arg15[%add3A_51, %dma_start3A_158] : memref<10112x128xf32, #tpu.memory_space<vmem_shared>> -> memref<8x128xf32, #tpu.memory_space<vmem_shared>>
      %dma_start3A_160 = arith.constant 0 : i32
      %dma_start3A_161 = arith.constant 0 : i32
      %dma_start3A_162 = tpu.memref_slice %arg13[%run_scoped3A_52, %dma_start3A_160, %dma_start3A_161] : memref<3x48x128xf32, #tpu.memory_space<vmem>> -> memref<1x8x128xf32, #tpu.memory_space<vmem>>
      %dma_start3A_163 = tpu.memref_squeeze %dma_start3A_162 : memref<1x8x128xf32, #tpu.memory_space<vmem>> -> memref<8x128xf32, #tpu.memory_space<vmem>>
      tpu.enqueue_dma source(%dma_start3A_163 : memref<8x128xf32, #tpu.memory_space<vmem>>) target(%dma_start3A_159 : memref<8x128xf32, #tpu.memory_space<vmem_shared>>) target_semaphore(%run_scoped3A_152 : memref<!tpu.dma_semaphore, #tpu.memory_space<semaphore_mem>>)
      %dma_wait3A_164 = arith.constant 0 : i32
      %dma_wait3A_165 = arith.constant 0 : i32
      %dma_wait3A_166 = tpu.memref_slice %arg13[%run_scoped3A_52, %dma_wait3A_164, %dma_wait3A_165] : memref<3x48x128xf32, #tpu.memory_space<vmem>> -> memref<1x8x128xf32, #tpu.memory_space<vmem>>
      %dma_wait3A_167 = tpu.memref_squeeze %dma_wait3A_166 : memref<1x8x128xf32, #tpu.memory_space<vmem>> -> memref<8x128xf32, #tpu.memory_space<vmem>>
      %dma_wait3A_168 = arith.constant 0 : i32
      %dma_wait3A_169 = tpu.memref_slice %arg15[%add3A_51, %dma_wait3A_168] : memref<10112x128xf32, #tpu.memory_space<vmem_shared>> -> memref<8x128xf32, #tpu.memory_space<vmem_shared>>
      %dma_wait3A_170 = arith.constant 0 : i32
      %dma_wait3A_171 = tpu.memref_slice %arg15[%add3A_51, %dma_wait3A_170] : memref<10112x128xf32, #tpu.memory_space<vmem_shared>> -> memref<8x128xf32, #tpu.memory_space<vmem_shared>>
      %dma_wait3A_172 = arith.constant 0 : i32
      %dma_wait3A_173 = arith.constant 0 : i32
      %dma_wait3A_174 = tpu.memref_slice %arg13[%run_scoped3A_52, %dma_wait3A_172, %dma_wait3A_173] : memref<3x48x128xf32, #tpu.memory_space<vmem>> -> memref<1x8x128xf32, #tpu.memory_space<vmem>>
      %dma_wait3A_175 = tpu.memref_squeeze %dma_wait3A_174 : memref<1x8x128xf32, #tpu.memory_space<vmem>> -> memref<8x128xf32, #tpu.memory_space<vmem>>
      tpu.wait_dma2 semaphore(%run_scoped3A_152 : memref<!tpu.dma_semaphore, #tpu.memory_space<semaphore_mem>>) src(%dma_wait3A_175 : memref<8x128xf32, #tpu.memory_space<vmem>>) dst(%dma_wait3A_171 : memref<8x128xf32, #tpu.memory_space<vmem_shared>>)
      tpu.yield
    }) : () -> ()
    %barrier3A = arith.constant 0 : index
    tpu.barrier barrier_id(%barrier3A)
    %eq3A = arith.constant 0 : i32
    %eq3A_53 = arith.cmpi eq, %arg0, %eq3A : i32
    %convert_element_type3A = arith.extui %eq3A_53 : i1 to i32
    %cond3A = arith.constant 0 : i32
    %cond3A_54 = arith.cmpi ne, %convert_element_type3A, %cond3A : i32
    scf.if %cond3A_54 {
      %mul3A_152 = arith.constant 9504 : i32
      %mul3A_153 = arith.muli %arg1, %mul3A_152 : i32
      %add3A_154 = arith.constant 0 : i32
      %add3A_155 = arith.addi %mul3A_153, %add3A_154 : i32
      %dma_start3A = arith.constant 0 : i32
      %dma_start3A_156 = arith.constant 0 : i32
      %dma_start3A_157 = arith.constant 0 : i32
      %dma_start3A_158 = tpu.memref_slice %arg10[%dma_start3A, %dma_start3A_156, %dma_start3A_157] : memref<3x2x48xi32, #tpu.memory_space<vmem>> -> memref<1x1x48xi32, #tpu.memory_space<vmem>>
      %dma_start3A_159 = tpu.memref_squeeze %dma_start3A_158 : memref<1x1x48xi32, #tpu.memory_space<vmem>> -> memref<48xi32, #tpu.memory_space<vmem>>
      %dma_start3A_160 = tpu.memref_slice %arg4[%add3A_155] : memref<640512xi32, #tpu.memory_space<hbm>> -> memref<48xi32, #tpu.memory_space<hbm>>
      %dma_start3A_161 = arith.constant 0 : i32
      %dma_start3A_162 = tpu.memref_slice %arg10[%dma_start3A, %dma_start3A_156, %dma_start3A_161] : memref<3x2x48xi32, #tpu.memory_space<vmem>> -> memref<1x1x48xi32, #tpu.memory_space<vmem>>
      %dma_start3A_163 = tpu.memref_squeeze %dma_start3A_162 : memref<1x1x48xi32, #tpu.memory_space<vmem>> -> memref<48xi32, #tpu.memory_space<vmem>>
      %dma_start3A_164 = tpu.memref_slice %arg4[%add3A_155] : memref<640512xi32, #tpu.memory_space<hbm>> -> memref<48xi32, #tpu.memory_space<hbm>>
      tpu.enqueue_dma source(%dma_start3A_164 : memref<48xi32, #tpu.memory_space<hbm>>) target(%dma_start3A_163 : memref<48xi32, #tpu.memory_space<vmem>>) target_semaphore(%arg16 : memref<!tpu.dma_semaphore, #tpu.memory_space<semaphore_mem>>)
      %add3A_165 = arith.constant 320256 : i32
      %add3A_166 = arith.addi %add3A_165, %add3A_155 : i32
      %dma_start3A_167 = arith.constant 0 : i32
      %dma_start3A_168 = arith.constant 1 : i32
      %dma_start3A_169 = arith.constant 0 : i32
      %dma_start3A_170 = tpu.memref_slice %arg10[%dma_start3A_167, %dma_start3A_168, %dma_start3A_169] : memref<3x2x48xi32, #tpu.memory_space<vmem>> -> memref<1x1x48xi32, #tpu.memory_space<vmem>>
      %dma_start3A_171 = tpu.memref_squeeze %dma_start3A_170 : memref<1x1x48xi32, #tpu.memory_space<vmem>> -> memref<48xi32, #tpu.memory_space<vmem>>
      %dma_start3A_172 = tpu.memref_slice %arg4[%add3A_166] : memref<640512xi32, #tpu.memory_space<hbm>> -> memref<48xi32, #tpu.memory_space<hbm>>
      %dma_start3A_173 = arith.constant 0 : i32
      %dma_start3A_174 = tpu.memref_slice %arg10[%dma_start3A_167, %dma_start3A_168, %dma_start3A_173] : memref<3x2x48xi32, #tpu.memory_space<vmem>> -> memref<1x1x48xi32, #tpu.memory_space<vmem>>
      %dma_start3A_175 = tpu.memref_squeeze %dma_start3A_174 : memref<1x1x48xi32, #tpu.memory_space<vmem>> -> memref<48xi32, #tpu.memory_space<vmem>>
      %dma_start3A_176 = tpu.memref_slice %arg4[%add3A_166] : memref<640512xi32, #tpu.memory_space<hbm>> -> memref<48xi32, #tpu.memory_space<hbm>>
      tpu.enqueue_dma source(%dma_start3A_176 : memref<48xi32, #tpu.memory_space<hbm>>) target(%dma_start3A_175 : memref<48xi32, #tpu.memory_space<vmem>>) target_semaphore(%arg16 : memref<!tpu.dma_semaphore, #tpu.memory_space<semaphore_mem>>)
      %add3A_177 = arith.constant 48 : i32
      %add3A_178 = arith.addi %mul3A_153, %add3A_177 : i32
      %dma_start3A_179 = arith.constant 1 : i32
      %dma_start3A_180 = arith.constant 0 : i32
      %dma_start3A_181 = arith.constant 0 : i32
      %dma_start3A_182 = tpu.memref_slice %arg10[%dma_start3A_179, %dma_start3A_180, %dma_start3A_181] : memref<3x2x48xi32, #tpu.memory_space<vmem>> -> memref<1x1x48xi32, #tpu.memory_space<vmem>>
      %dma_start3A_183 = tpu.memref_squeeze %dma_start3A_182 : memref<1x1x48xi32, #tpu.memory_space<vmem>> -> memref<48xi32, #tpu.memory_space<vmem>>
      %dma_start3A_184 = tpu.memref_slice %arg4[%add3A_178] : memref<640512xi32, #tpu.memory_space<hbm>> -> memref<48xi32, #tpu.memory_space<hbm>>
      %dma_start3A_185 = arith.constant 0 : i32
      %dma_start3A_186 = tpu.memref_slice %arg10[%dma_start3A_179, %dma_start3A_180, %dma_start3A_185] : memref<3x2x48xi32, #tpu.memory_space<vmem>> -> memref<1x1x48xi32, #tpu.memory_space<vmem>>
      %dma_start3A_187 = tpu.memref_squeeze %dma_start3A_186 : memref<1x1x48xi32, #tpu.memory_space<vmem>> -> memref<48xi32, #tpu.memory_space<vmem>>
      %dma_start3A_188 = tpu.memref_slice %arg4[%add3A_178] : memref<640512xi32, #tpu.memory_space<hbm>> -> memref<48xi32, #tpu.memory_space<hbm>>
      tpu.enqueue_dma source(%dma_start3A_188 : memref<48xi32, #tpu.memory_space<hbm>>) target(%dma_start3A_187 : memref<48xi32, #tpu.memory_space<vmem>>) target_semaphore(%arg17 : memref<!tpu.dma_semaphore, #tpu.memory_space<semaphore_mem>>)
      %add3A_189 = arith.constant 320256 : i32
      %add3A_190 = arith.addi %add3A_189, %add3A_178 : i32
      %dma_start3A_191 = arith.constant 1 : i32
      %dma_start3A_192 = arith.constant 1 : i32
      %dma_start3A_193 = arith.constant 0 : i32
      %dma_start3A_194 = tpu.memref_slice %arg10[%dma_start3A_191, %dma_start3A_192, %dma_start3A_193] : memref<3x2x48xi32, #tpu.memory_space<vmem>> -> memref<1x1x48xi32, #tpu.memory_space<vmem>>
      %dma_start3A_195 = tpu.memref_squeeze %dma_start3A_194 : memref<1x1x48xi32, #tpu.memory_space<vmem>> -> memref<48xi32, #tpu.memory_space<vmem>>
      %dma_start3A_196 = tpu.memref_slice %arg4[%add3A_190] : memref<640512xi32, #tpu.memory_space<hbm>> -> memref<48xi32, #tpu.memory_space<hbm>>
      %dma_start3A_197 = arith.constant 0 : i32
      %dma_start3A_198 = tpu.memref_slice %arg10[%dma_start3A_191, %dma_start3A_192, %dma_start3A_197] : memref<3x2x48xi32, #tpu.memory_space<vmem>> -> memref<1x1x48xi32, #tpu.memory_space<vmem>>
      %dma_start3A_199 = tpu.memref_squeeze %dma_start3A_198 : memref<1x1x48xi32, #tpu.memory_space<vmem>> -> memref<48xi32, #tpu.memory_space<vmem>>
      %dma_start3A_200 = tpu.memref_slice %arg4[%add3A_190] : memref<640512xi32, #tpu.memory_space<hbm>> -> memref<48xi32, #tpu.memory_space<hbm>>
      tpu.enqueue_dma source(%dma_start3A_200 : memref<48xi32, #tpu.memory_space<hbm>>) target(%dma_start3A_199 : memref<48xi32, #tpu.memory_space<vmem>>) target_semaphore(%arg17 : memref<!tpu.dma_semaphore, #tpu.memory_space<semaphore_mem>>)
      %add3A_201 = arith.constant 96 : i32
      %add3A_202 = arith.addi %mul3A_153, %add3A_201 : i32
      %dma_start3A_203 = arith.constant 2 : i32
      %dma_start3A_204 = arith.constant 0 : i32
      %dma_start3A_205 = arith.constant 0 : i32
      %dma_start3A_206 = tpu.memref_slice %arg10[%dma_start3A_203, %dma_start3A_204, %dma_start3A_205] : memref<3x2x48xi32, #tpu.memory_space<vmem>> -> memref<1x1x48xi32, #tpu.memory_space<vmem>>
      %dma_start3A_207 = tpu.memref_squeeze %dma_start3A_206 : memref<1x1x48xi32, #tpu.memory_space<vmem>> -> memref<48xi32, #tpu.memory_space<vmem>>
      %dma_start3A_208 = tpu.memref_slice %arg4[%add3A_202] : memref<640512xi32, #tpu.memory_space<hbm>> -> memref<48xi32, #tpu.memory_space<hbm>>
      %dma_start3A_209 = arith.constant 0 : i32
      %dma_start3A_210 = tpu.memref_slice %arg10[%dma_start3A_203, %dma_start3A_204, %dma_start3A_209] : memref<3x2x48xi32, #tpu.memory_space<vmem>> -> memref<1x1x48xi32, #tpu.memory_space<vmem>>
      %dma_start3A_211 = tpu.memref_squeeze %dma_start3A_210 : memref<1x1x48xi32, #tpu.memory_space<vmem>> -> memref<48xi32, #tpu.memory_space<vmem>>
      %dma_start3A_212 = tpu.memref_slice %arg4[%add3A_202] : memref<640512xi32, #tpu.memory_space<hbm>> -> memref<48xi32, #tpu.memory_space<hbm>>
      tpu.enqueue_dma source(%dma_start3A_212 : memref<48xi32, #tpu.memory_space<hbm>>) target(%dma_start3A_211 : memref<48xi32, #tpu.memory_space<vmem>>) target_semaphore(%arg18 : memref<!tpu.dma_semaphore, #tpu.memory_space<semaphore_mem>>)
      %add3A_213 = arith.constant 320256 : i32
      %add3A_214 = arith.addi %add3A_213, %add3A_202 : i32
      %dma_start3A_215 = arith.constant 2 : i32
      %dma_start3A_216 = arith.constant 1 : i32
      %dma_start3A_217 = arith.constant 0 : i32
      %dma_start3A_218 = tpu.memref_slice %arg10[%dma_start3A_215, %dma_start3A_216, %dma_start3A_217] : memref<3x2x48xi32, #tpu.memory_space<vmem>> -> memref<1x1x48xi32, #tpu.memory_space<vmem>>
      %dma_start3A_219 = tpu.memref_squeeze %dma_start3A_218 : memref<1x1x48xi32, #tpu.memory_space<vmem>> -> memref<48xi32, #tpu.memory_space<vmem>>
      %dma_start3A_220 = tpu.memref_slice %arg4[%add3A_214] : memref<640512xi32, #tpu.memory_space<hbm>> -> memref<48xi32, #tpu.memory_space<hbm>>
      %dma_start3A_221 = arith.constant 0 : i32
      %dma_start3A_222 = tpu.memref_slice %arg10[%dma_start3A_215, %dma_start3A_216, %dma_start3A_221] : memref<3x2x48xi32, #tpu.memory_space<vmem>> -> memref<1x1x48xi32, #tpu.memory_space<vmem>>
      %dma_start3A_223 = tpu.memref_squeeze %dma_start3A_222 : memref<1x1x48xi32, #tpu.memory_space<vmem>> -> memref<48xi32, #tpu.memory_space<vmem>>
      %dma_start3A_224 = tpu.memref_slice %arg4[%add3A_214] : memref<640512xi32, #tpu.memory_space<hbm>> -> memref<48xi32, #tpu.memory_space<hbm>>
      tpu.enqueue_dma source(%dma_start3A_224 : memref<48xi32, #tpu.memory_space<hbm>>) target(%dma_start3A_223 : memref<48xi32, #tpu.memory_space<vmem>>) target_semaphore(%arg18 : memref<!tpu.dma_semaphore, #tpu.memory_space<semaphore_mem>>)
      %dma_wait3A_225 = arith.constant 0 : i32
      %dma_wait3A_226 = arith.constant 0 : i32
      %dma_wait3A_227 = arith.constant 0 : i32
      %dma_wait3A_228 = tpu.memref_slice %arg10[%dma_wait3A_225, %dma_wait3A_226, %dma_wait3A_227] : memref<3x2x48xi32, #tpu.memory_space<vmem>> -> memref<1x1x48xi32, #tpu.memory_space<vmem>>
      %dma_wait3A_229 = tpu.memref_squeeze %dma_wait3A_228 : memref<1x1x48xi32, #tpu.memory_space<vmem>> -> memref<48xi32, #tpu.memory_space<vmem>>
      %dma_wait3A_230 = tpu.memref_slice %arg4[%mul3A_153] : memref<640512xi32, #tpu.memory_space<hbm>> -> memref<48xi32, #tpu.memory_space<hbm>>
      %dma_wait3A_231 = arith.constant 0 : i32
      %dma_wait3A_232 = tpu.memref_slice %arg10[%dma_wait3A_225, %dma_wait3A_226, %dma_wait3A_231] : memref<3x2x48xi32, #tpu.memory_space<vmem>> -> memref<1x1x48xi32, #tpu.memory_space<vmem>>
      %dma_wait3A_233 = tpu.memref_squeeze %dma_wait3A_232 : memref<1x1x48xi32, #tpu.memory_space<vmem>> -> memref<48xi32, #tpu.memory_space<vmem>>
      %dma_wait3A_234 = tpu.memref_slice %arg4[%mul3A_153] : memref<640512xi32, #tpu.memory_space<hbm>> -> memref<48xi32, #tpu.memory_space<hbm>>
      tpu.wait_dma2 semaphore(%arg16 : memref<!tpu.dma_semaphore, #tpu.memory_space<semaphore_mem>>) src(%dma_wait3A_234 : memref<48xi32, #tpu.memory_space<hbm>>) dst(%dma_wait3A_233 : memref<48xi32, #tpu.memory_space<vmem>>)
      %add3A_235 = arith.constant 320256 : i32
      %add3A_236 = arith.addi %add3A_235, %mul3A_153 : i32
      %dma_wait3A_237 = arith.constant 0 : i32
      %dma_wait3A_238 = arith.constant 1 : i32
      %dma_wait3A_239 = arith.constant 0 : i32
      %dma_wait3A_240 = tpu.memref_slice %arg10[%dma_wait3A_237, %dma_wait3A_238, %dma_wait3A_239] : memref<3x2x48xi32, #tpu.memory_space<vmem>> -> memref<1x1x48xi32, #tpu.memory_space<vmem>>
      %dma_wait3A_241 = tpu.memref_squeeze %dma_wait3A_240 : memref<1x1x48xi32, #tpu.memory_space<vmem>> -> memref<48xi32, #tpu.memory_space<vmem>>
      %dma_wait3A_242 = tpu.memref_slice %arg4[%add3A_236] : memref<640512xi32, #tpu.memory_space<hbm>> -> memref<48xi32, #tpu.memory_space<hbm>>
      %dma_wait3A_243 = arith.constant 0 : i32
      %dma_wait3A_244 = tpu.memref_slice %arg10[%dma_wait3A_237, %dma_wait3A_238, %dma_wait3A_243] : memref<3x2x48xi32, #tpu.memory_space<vmem>> -> memref<1x1x48xi32, #tpu.memory_space<vmem>>
      %dma_wait3A_245 = tpu.memref_squeeze %dma_wait3A_244 : memref<1x1x48xi32, #tpu.memory_space<vmem>> -> memref<48xi32, #tpu.memory_space<vmem>>
      %dma_wait3A_246 = tpu.memref_slice %arg4[%add3A_236] : memref<640512xi32, #tpu.memory_space<hbm>> -> memref<48xi32, #tpu.memory_space<hbm>>
      tpu.wait_dma2 semaphore(%arg16 : memref<!tpu.dma_semaphore, #tpu.memory_space<semaphore_mem>>) src(%dma_wait3A_246 : memref<48xi32, #tpu.memory_space<hbm>>) dst(%dma_wait3A_245 : memref<48xi32, #tpu.memory_space<vmem>>)
      %dma_start3A_247 = arith.constant 0 : i32
      %dma_start3A_248 = arith.constant 0 : i32
      %dma_start3A_249 = arith.constant 0 : i32
      %dma_start3A_250 = arith.constant 0 : i32
      %dma_start3A_251 = arith.constant 0 : i32
      %dma_start3A_252 = tpu.memref_slice %arg13[%dma_start3A_249, %dma_start3A_250, %dma_start3A_251] : memref<3x48x128xf32, #tpu.memory_space<vmem>> -> memref<1x48x128xf32, #tpu.memory_space<vmem>>
      %dma_start3A_253 = tpu.memref_squeeze %dma_start3A_252 : memref<1x48x128xf32, #tpu.memory_space<vmem>> -> memref<48x128xf32, #tpu.memory_space<vmem>>
      %dma_start3A_254 = arith.constant 0 : i32
      %dma_start3A_255 = tpu.memref_slice %arg10[%dma_start3A_247, %dma_start3A_248, %dma_start3A_254] : memref<3x2x48xi32, #tpu.memory_space<vmem>> -> memref<1x1x48xi32, #tpu.memory_space<vmem>>
      %dma_start3A_256 = tpu.memref_squeeze %dma_start3A_255 : memref<1x1x48xi32, #tpu.memory_space<vmem>> -> memref<48xi32, #tpu.memory_space<vmem>>
      %dma_start3A_257 = arith.constant 0 : i32
      %dma_start3A_258 = arith.constant 0 : i32
      %dma_start3A_259 = tpu.memref_slice %arg5[%dma_start3A_257, %dma_start3A_258] : memref<10000x128xf32, #tpu.memory_space<hbm>> -> memref<10000x128xf32, #tpu.memory_space<hbm>>
      tpu.enqueue_indirect_dma source(%dma_start3A_259 : memref<10000x128xf32, #tpu.memory_space<hbm>>) target(%dma_start3A_253 : memref<48x128xf32, #tpu.memory_space<vmem>>) offsets(%dma_start3A_256 : memref<48xi32, #tpu.memory_space<vmem>>) semaphore(%arg19 : memref<!tpu.dma_semaphore, #tpu.memory_space<semaphore_mem>>)
      %scan3A_260 = arith.constant 0 : i32
      %scan3A_261 = arith.constant 66 : i32
      %scan3A_262 = arith.addi %scan3A_260, %scan3A_261 : i32
      %scan3A_263 = arith.constant 1 : i32
      scf.for %scan3A_265 = %scan3A_260 to %scan3A_262 step %scan3A_263  : i32 {
        %mul3A_266 = arith.constant 1 : i32
        %mul3A_267 = arith.muli %scan3A_265, %mul3A_266 : i32
        %add3A_268 = arith.constant 0 : i32
        %add3A_269 = arith.addi %add3A_268, %mul3A_267 : i32
        %mul3A_270 = arith.constant 3 : i32
        %mul3A_271 = arith.muli %add3A_269, %mul3A_270 : i32
        %add3A_272 = arith.constant 0 : i32
        %add3A_273 = arith.addi %mul3A_271, %add3A_272 : i32
        %dma_wait3A_274 = arith.constant 0 : i32
        %dma_wait3A_275 = arith.constant 0 : i32
        %dma_wait3A_276 = arith.constant 0 : i32
        %dma_wait3A_277 = arith.constant 0 : i32
        %dma_wait3A_278 = arith.constant 0 : i32
        %dma_wait3A_279 = tpu.memref_slice %arg13[%dma_wait3A_276, %dma_wait3A_277, %dma_wait3A_278] : memref<3x48x128xf32, #tpu.memory_space<vmem>> -> memref<1x48x128xf32, #tpu.memory_space<vmem>>
        %dma_wait3A_280 = tpu.memref_squeeze %dma_wait3A_279 : memref<1x48x128xf32, #tpu.memory_space<vmem>> -> memref<48x128xf32, #tpu.memory_space<vmem>>
        %dma_wait3A_281 = arith.constant 0 : i32
        %dma_wait3A_282 = tpu.memref_slice %arg10[%dma_wait3A_274, %dma_wait3A_275, %dma_wait3A_281] : memref<3x2x48xi32, #tpu.memory_space<vmem>> -> memref<1x1x48xi32, #tpu.memory_space<vmem>>
        %dma_wait3A_283 = tpu.memref_squeeze %dma_wait3A_282 : memref<1x1x48xi32, #tpu.memory_space<vmem>> -> memref<48xi32, #tpu.memory_space<vmem>>
        %dma_wait3A_284 = arith.constant 0 : i32
        %dma_wait3A_285 = arith.constant 0 : i32
        %dma_wait3A_286 = tpu.memref_slice %arg5[%dma_wait3A_284, %dma_wait3A_285] : memref<10000x128xf32, #tpu.memory_space<hbm>> -> memref<10000x128xf32, #tpu.memory_space<hbm>>
        tpu.wait_indirect_dma semaphore(%arg19 : memref<!tpu.dma_semaphore, #tpu.memory_space<semaphore_mem>>) src(%dma_wait3A_286 : memref<10000x128xf32, #tpu.memory_space<hbm>>) dst(%dma_wait3A_280 : memref<48x128xf32, #tpu.memory_space<vmem>>)
        %add3A_287 = arith.constant 1 : i32
        %add3A_288 = arith.addi %add3A_273, %add3A_287 : i32
        %lt3A = arith.constant 198 : i32
        %lt3A_289 = arith.cmpi slt, %add3A_288, %lt3A : i32
        %convert_element_type3A_290 = arith.extui %lt3A_289 : i1 to i32
        %cond3A_291 = arith.constant 0 : i32
        %cond3A_292 = arith.cmpi ne, %convert_element_type3A_290, %cond3A_291 : i32
        scf.if %cond3A_292 {
          %ge3A_840 = arith.constant 2 : i32
          %ge3A_841 = arith.cmpi sge, %add3A_273, %ge3A_840 : i32
          %convert_element_type3A_842 = arith.extui %ge3A_841 : i1 to i32
          %cond3A_843 = arith.constant 0 : i32
          %cond3A_844 = arith.cmpi ne, %convert_element_type3A_842, %cond3A_843 : i32
          scf.if %cond3A_844 {
            %dma_wait3A_885 = arith.constant 1 : i32
            %dma_wait3A_886 = arith.constant 1 : i32
            %dma_wait3A_887 = arith.constant 0 : i32
            %dma_wait3A_888 = arith.constant 0 : i32
            %dma_wait3A_889 = tpu.memref_slice %arg13[%dma_wait3A_885, %dma_wait3A_887, %dma_wait3A_888] : memref<3x48x128xf32, #tpu.memory_space<vmem>> -> memref<1x48x128xf32, #tpu.memory_space<vmem>>
            %dma_wait3A_890 = tpu.memref_squeeze %dma_wait3A_889 : memref<1x48x128xf32, #tpu.memory_space<vmem>> -> memref<48x128xf32, #tpu.memory_space<vmem>>
            %dma_wait3A_891 = arith.constant 0 : i32
            %dma_wait3A_892 = tpu.memref_slice %arg12[%dma_wait3A_886, %dma_wait3A_891] : memref<3x48xi32, #tpu.memory_space<vmem>> -> memref<1x48xi32, #tpu.memory_space<vmem>>
            %dma_wait3A_893 = tpu.memref_squeeze %dma_wait3A_892 : memref<1x48xi32, #tpu.memory_space<vmem>> -> memref<48xi32, #tpu.memory_space<vmem>>
            %dma_wait3A_894 = arith.constant 0 : i32
            %dma_wait3A_895 = arith.constant 0 : i32
            %dma_wait3A_896 = tpu.memref_slice %arg15[%dma_wait3A_894, %dma_wait3A_895] : memref<10112x128xf32, #tpu.memory_space<vmem_shared>> -> memref<10112x128xf32, #tpu.memory_space<vmem_shared>>
            tpu.wait_indirect_dma semaphore(%arg23 : memref<!tpu.dma_semaphore, #tpu.memory_space<semaphore_mem>>) src(%dma_wait3A_890 : memref<48x128xf32, #tpu.memory_space<vmem>>) dst(%dma_wait3A_896 : memref<10112x128xf32, #tpu.memory_space<vmem_shared>>)
          } else {
          }
          %add3A_845 = arith.constant 1 : i32
          %add3A_846 = arith.addi %add3A_273, %add3A_845 : i32
          %mul3A_847 = arith.constant 48 : i32
          %mul3A_848 = arith.muli %add3A_846, %mul3A_847 : i32
          %add3A_849 = arith.addi %mul3A_153, %mul3A_848 : i32
          %dma_wait3A_850 = arith.constant 1 : i32
          %dma_wait3A_851 = arith.constant 0 : i32
          %dma_wait3A_852 = arith.constant 0 : i32
          %dma_wait3A_853 = tpu.memref_slice %arg10[%dma_wait3A_850, %dma_wait3A_851, %dma_wait3A_852] : memref<3x2x48xi32, #tpu.memory_space<vmem>> -> memref<1x1x48xi32, #tpu.memory_space<vmem>>
          %dma_wait3A_854 = tpu.memref_squeeze %dma_wait3A_853 : memref<1x1x48xi32, #tpu.memory_space<vmem>> -> memref<48xi32, #tpu.memory_space<vmem>>
          %dma_wait3A_855 = tpu.memref_slice %arg4[%add3A_849] : memref<640512xi32, #tpu.memory_space<hbm>> -> memref<48xi32, #tpu.memory_space<hbm>>
          %dma_wait3A_856 = arith.constant 0 : i32
          %dma_wait3A_857 = tpu.memref_slice %arg10[%dma_wait3A_850, %dma_wait3A_851, %dma_wait3A_856] : memref<3x2x48xi32, #tpu.memory_space<vmem>> -> memref<1x1x48xi32, #tpu.memory_space<vmem>>
          %dma_wait3A_858 = tpu.memref_squeeze %dma_wait3A_857 : memref<1x1x48xi32, #tpu.memory_space<vmem>> -> memref<48xi32, #tpu.memory_space<vmem>>
          %dma_wait3A_859 = tpu.memref_slice %arg4[%add3A_849] : memref<640512xi32, #tpu.memory_space<hbm>> -> memref<48xi32, #tpu.memory_space<hbm>>
          tpu.wait_dma2 semaphore(%arg17 : memref<!tpu.dma_semaphore, #tpu.memory_space<semaphore_mem>>) src(%dma_wait3A_859 : memref<48xi32, #tpu.memory_space<hbm>>) dst(%dma_wait3A_858 : memref<48xi32, #tpu.memory_space<vmem>>)
          %add3A_860 = arith.constant 320256 : i32
          %add3A_861 = arith.addi %add3A_860, %add3A_849 : i32
          %dma_wait3A_862 = arith.constant 1 : i32
          %dma_wait3A_863 = arith.constant 1 : i32
          %dma_wait3A_864 = arith.constant 0 : i32
          %dma_wait3A_865 = tpu.memref_slice %arg10[%dma_wait3A_862, %dma_wait3A_863, %dma_wait3A_864] : memref<3x2x48xi32, #tpu.memory_space<vmem>> -> memref<1x1x48xi32, #tpu.memory_space<vmem>>
          %dma_wait3A_866 = tpu.memref_squeeze %dma_wait3A_865 : memref<1x1x48xi32, #tpu.memory_space<vmem>> -> memref<48xi32, #tpu.memory_space<vmem>>
          %dma_wait3A_867 = tpu.memref_slice %arg4[%add3A_861] : memref<640512xi32, #tpu.memory_space<hbm>> -> memref<48xi32, #tpu.memory_space<hbm>>
          %dma_wait3A_868 = arith.constant 0 : i32
          %dma_wait3A_869 = tpu.memref_slice %arg10[%dma_wait3A_862, %dma_wait3A_863, %dma_wait3A_868] : memref<3x2x48xi32, #tpu.memory_space<vmem>> -> memref<1x1x48xi32, #tpu.memory_space<vmem>>
          %dma_wait3A_870 = tpu.memref_squeeze %dma_wait3A_869 : memref<1x1x48xi32, #tpu.memory_space<vmem>> -> memref<48xi32, #tpu.memory_space<vmem>>
          %dma_wait3A_871 = tpu.memref_slice %arg4[%add3A_861] : memref<640512xi32, #tpu.memory_space<hbm>> -> memref<48xi32, #tpu.memory_space<hbm>>
          tpu.wait_dma2 semaphore(%arg17 : memref<!tpu.dma_semaphore, #tpu.memory_space<semaphore_mem>>) src(%dma_wait3A_871 : memref<48xi32, #tpu.memory_space<hbm>>) dst(%dma_wait3A_870 : memref<48xi32, #tpu.memory_space<vmem>>)
          %dma_start3A_872 = arith.constant 1 : i32
          %dma_start3A_873 = arith.constant 0 : i32
          %dma_start3A_874 = arith.constant 1 : i32
          %dma_start3A_875 = arith.constant 0 : i32
          %dma_start3A_876 = arith.constant 0 : i32
          %dma_start3A_877 = tpu.memref_slice %arg13[%dma_start3A_874, %dma_start3A_875, %dma_start3A_876] : memref<3x48x128xf32, #tpu.memory_space<vmem>> -> memref<1x48x128xf32, #tpu.memory_space<vmem>>
          %dma_start3A_878 = tpu.memref_squeeze %dma_start3A_877 : memref<1x48x128xf32, #tpu.memory_space<vmem>> -> memref<48x128xf32, #tpu.memory_space<vmem>>
          %dma_start3A_879 = arith.constant 0 : i32
          %dma_start3A_880 = tpu.memref_slice %arg10[%dma_start3A_872, %dma_start3A_873, %dma_start3A_879] : memref<3x2x48xi32, #tpu.memory_space<vmem>> -> memref<1x1x48xi32, #tpu.memory_space<vmem>>
          %dma_start3A_881 = tpu.memref_squeeze %dma_start3A_880 : memref<1x1x48xi32, #tpu.memory_space<vmem>> -> memref<48xi32, #tpu.memory_space<vmem>>
          %dma_start3A_882 = arith.constant 0 : i32
          %dma_start3A_883 = arith.constant 0 : i32
          %dma_start3A_884 = tpu.memref_slice %arg5[%dma_start3A_882, %dma_start3A_883] : memref<10000x128xf32, #tpu.memory_space<hbm>> -> memref<10000x128xf32, #tpu.memory_space<hbm>>
          tpu.enqueue_indirect_dma source(%dma_start3A_884 : memref<10000x128xf32, #tpu.memory_space<hbm>>) target(%dma_start3A_878 : memref<48x128xf32, #tpu.memory_space<vmem>>) offsets(%dma_start3A_881 : memref<48xi32, #tpu.memory_space<vmem>>) semaphore(%arg20 : memref<!tpu.dma_semaphore, #tpu.memory_space<semaphore_mem>>)
        } else {
        }
        %get3A = arith.constant 0 : i32
        %get3A_293 = arith.constant 0 : i32
        %get3A_294 = arith.index_cast %get3A : i32 to index
        %get3A_295 = arith.index_cast %get3A_293 : i32 to index
        %get3A_296 = arith.constant 0 : index
        %get3A_297 = tpu.vector_load %arg10[%get3A_294, %get3A_295, %get3A_296] {strides = array<i32>} : memref<3x2x48xi32, #tpu.memory_space<vmem>>, vector<16xi32>,
        %get3A_298 = arith.constant 0 : i32
        %get3A_299 = arith.constant 1 : i32
        %get3A_300 = arith.index_cast %get3A_298 : i32 to index
        %get3A_301 = arith.index_cast %get3A_299 : i32 to index
        %get3A_302 = arith.constant 0 : index
        %get3A_303 = tpu.vector_load %arg10[%get3A_300, %get3A_301, %get3A_302] {strides = array<i32>} : memref<3x2x48xi32, #tpu.memory_space<vmem>>, vector<16xi32>,
        %gather3A = tpu.vector_load_idx %arg9[%get3A_297] : memref<10000xf32, #tpu.memory_space<vmem>>[vector<16xi32>], vector<16xf32>,
        %gather3A_304 = tpu.vector_load_idx %arg8[%get3A_297] : memref<10000xf32, #tpu.memory_space<vmem>>[vector<16xi32>], vector<16xf32>,
        %gather3A_305 = tpu.vector_load_idx %arg8[%get3A_303] : memref<10000xf32, #tpu.memory_space<vmem>>[vector<16xi32>], vector<16xf32>,
        %sub3A = arith.subf %gather3A_304, %gather3A_305 : vector<16xf32>
        %abs3A = math.absf %sub3A : vector<16xf32>
        %neg3A = arith.constant 0.000000e+00 : f32
        %neg3A_306 = vector.broadcast %neg3A : f32 to vector<16xf32>
        %neg3A_307 = arith.subf %neg3A_306, %abs3A : vector<16xf32>
        %mul3A_308 = arith.mulf %gather3A, %neg3A_307 : vector<16xf32>
        %div3A = arith.constant 5.000000e+02 : f32
        %div3A_309 = vector.broadcast %div3A : f32 to vector<16xf32>
        %div3A_310 = arith.divf %mul3A_308, %div3A_309 : vector<16xf32>
        %exp3A = math.exp %div3A_310 : vector<16xf32>
        %exp3A_311 = math.exp %exp3A : vector<16xf32>
        %mul3A_312 = arith.constant 48 : i32
        %mul3A_313 = arith.muli %add3A_273, %mul3A_312 : i32
        %add3A_314 = arith.addi %mul3A_153, %mul3A_313 : i32
        %add3A_315 = arith.constant 0 : i32
        %add3A_316 = arith.addi %add3A_314, %add3A_315 : i32
        %iota3A = tpu.iota {dimensions = array<i32: 0>} : vector<16xi32>
        %add3A_317 = vector.broadcast %add3A_316 : i32 to vector<16xi32>
        %add3A_318 = arith.addi %add3A_317, %iota3A : vector<16xi32>
        %lt3A_319 = arith.constant 320000 : i32
        %lt3A_320 = vector.broadcast %lt3A_319 : i32 to vector<16xi32>
        %lt3A_321 = arith.cmpi slt, %add3A_318, %lt3A_320 : vector<16xi32>
        %jit3A = arith.constant 0.000000e+00 : f32
        %broadcast_in_dim3A = vector.broadcast %jit3A : f32 to vector<16xf32>
        %select_n3A = arith.select %lt3A_321, %exp3A_311, %broadcast_in_dim3A : vector<16xi1>, vector<16xf32>
        %swap3A = arith.constant 0 : index
        %swap3A_322 = tpu.vector_load %arg11[%swap3A] {strides = array<i32>} : memref<48xf32, #tpu.memory_space<vmem>>, vector<16xf32>,
        tpu.vector_store %arg11[%swap3A], %select_n3A {strides = array<i32>} : memref<48xf32, #tpu.memory_space<vmem>>, vector<16xf32>,
        %swap3A_323 = arith.constant 0 : i32
        %swap3A_324 = arith.index_cast %swap3A_323 : i32 to index
        %swap3A_325 = arith.constant 0 : index
        %swap3A_326 = tpu.vector_load %arg12[%swap3A_324, %swap3A_325] {strides = array<i32>} : memref<3x48xi32, #tpu.memory_space<vmem>>, vector<16xi32>,
        tpu.vector_store %arg12[%swap3A_324, %swap3A_325], %get3A_303 {strides = array<i32>} : memref<3x48xi32, #tpu.memory_space<vmem>>, vector<16xi32>,
        %broadcast_in_dim3A_327 = arith.constant 0 : i32
        %broadcast_in_dim3A_328 = vector.broadcast %broadcast_in_dim3A_327 : i32 to vector<16xi32>
        tpu.vector_store_idx %arg14[%broadcast_in_dim3A_328, %get3A_303], %select_n3A {add = true} : memref<1x10000xf32, #tpu.memory_space<vmem>>[vector<16xi32>, vector<16xi32>], vector<16xf32>,
        %get3A_329 = arith.constant 0 : i32
        %get3A_330 = arith.constant 0 : i32
        %get3A_331 = arith.index_cast %get3A_329 : i32 to index
        %get3A_332 = arith.index_cast %get3A_330 : i32 to index
        %get3A_333 = arith.constant 16 : index
        %get3A_334 = tpu.vector_load %arg10[%get3A_331, %get3A_332, %get3A_333] {strides = array<i32>} : memref<3x2x48xi32, #tpu.memory_space<vmem>>, vector<16xi32>,
        %get3A_335 = arith.constant 0 : i32
        %get3A_336 = arith.constant 1 : i32
        %get3A_337 = arith.index_cast %get3A_335 : i32 to index
        %get3A_338 = arith.index_cast %get3A_336 : i32 to index
        %get3A_339 = arith.constant 16 : index
        %get3A_340 = tpu.vector_load %arg10[%get3A_337, %get3A_338, %get3A_339] {strides = array<i32>} : memref<3x2x48xi32, #tpu.memory_space<vmem>>, vector<16xi32>,
        %gather3A_341 = tpu.vector_load_idx %arg9[%get3A_334] : memref<10000xf32, #tpu.memory_space<vmem>>[vector<16xi32>], vector<16xf32>,
        %gather3A_342 = tpu.vector_load_idx %arg8[%get3A_334] : memref<10000xf32, #tpu.memory_space<vmem>>[vector<16xi32>], vector<16xf32>,
        %gather3A_343 = tpu.vector_load_idx %arg8[%get3A_340] : memref<10000xf32, #tpu.memory_space<vmem>>[vector<16xi32>], vector<16xf32>,
        %sub3A_344 = arith.subf %gather3A_342, %gather3A_343 : vector<16xf32>
        %abs3A_345 = math.absf %sub3A_344 : vector<16xf32>
        %neg3A_346 = arith.constant 0.000000e+00 : f32
        %neg3A_347 = vector.broadcast %neg3A_346 : f32 to vector<16xf32>
        %neg3A_348 = arith.subf %neg3A_347, %abs3A_345 : vector<16xf32>
        %mul3A_349 = arith.mulf %gather3A_341, %neg3A_348 : vector<16xf32>
        %div3A_350 = arith.constant 5.000000e+02 : f32
        %div3A_351 = vector.broadcast %div3A_350 : f32 to vector<16xf32>
        %div3A_352 = arith.divf %mul3A_349, %div3A_351 : vector<16xf32>
        %exp3A_353 = math.exp %div3A_352 : vector<16xf32>
        %exp3A_354 = math.exp %exp3A_353 : vector<16xf32>
        %mul3A_355 = arith.constant 48 : i32
        %mul3A_356 = arith.muli %add3A_273, %mul3A_355 : i32
        %add3A_357 = arith.addi %mul3A_153, %mul3A_356 : i32
        %add3A_358 = arith.constant 16 : i32
        %add3A_359 = arith.addi %add3A_357, %add3A_358 : i32
        %iota3A_360 = tpu.iota {dimensions = array<i32: 0>} : vector<16xi32>
        %add3A_361 = vector.broadcast %add3A_359 : i32 to vector<16xi32>
        %add3A_362 = arith.addi %add3A_361, %iota3A_360 : vector<16xi32>
        %lt3A_363 = arith.constant 320000 : i32
        %lt3A_364 = vector.broadcast %lt3A_363 : i32 to vector<16xi32>
        %lt3A_365 = arith.cmpi slt, %add3A_362, %lt3A_364 : vector<16xi32>
        %jit3A_366 = arith.constant 0.000000e+00 : f32
        %broadcast_in_dim3A_367 = vector.broadcast %jit3A_366 : f32 to vector<16xf32>
        %select_n3A_368 = arith.select %lt3A_365, %exp3A_354, %broadcast_in_dim3A_367 : vector<16xi1>, vector<16xf32>
        %swap3A_369 = arith.constant 16 : index
        %swap3A_370 = tpu.vector_load %arg11[%swap3A_369] {strides = array<i32>} : memref<48xf32, #tpu.memory_space<vmem>>, vector<16xf32>,
        tpu.vector_store %arg11[%swap3A_369], %select_n3A_368 {strides = array<i32>} : memref<48xf32, #tpu.memory_space<vmem>>, vector<16xf32>,
        %swap3A_371 = arith.constant 0 : i32
        %swap3A_372 = arith.index_cast %swap3A_371 : i32 to index
        %swap3A_373 = arith.constant 16 : index
        %swap3A_374 = tpu.vector_load %arg12[%swap3A_372, %swap3A_373] {strides = array<i32>} : memref<3x48xi32, #tpu.memory_space<vmem>>, vector<16xi32>,
        tpu.vector_store %arg12[%swap3A_372, %swap3A_373], %get3A_340 {strides = array<i32>} : memref<3x48xi32, #tpu.memory_space<vmem>>, vector<16xi32>,
        %broadcast_in_dim3A_375 = arith.constant 0 : i32
        %broadcast_in_dim3A_376 = vector.broadcast %broadcast_in_dim3A_375 : i32 to vector<16xi32>
        tpu.vector_store_idx %arg14[%broadcast_in_dim3A_376, %get3A_340], %select_n3A_368 {add = true} : memref<1x10000xf32, #tpu.memory_space<vmem>>[vector<16xi32>, vector<16xi32>], vector<16xf32>,
        %get3A_377 = arith.constant 0 : i32
        %get3A_378 = arith.constant 0 : i32
        %get3A_379 = arith.index_cast %get3A_377 : i32 to index
        %get3A_380 = arith.index_cast %get3A_378 : i32 to index
        %get3A_381 = arith.constant 32 : index
        %get3A_382 = tpu.vector_load %arg10[%get3A_379, %get3A_380, %get3A_381] {strides = array<i32>} : memref<3x2x48xi32, #tpu.memory_space<vmem>>, vector<16xi32>,
        %get3A_383 = arith.constant 0 : i32
        %get3A_384 = arith.constant 1 : i32
        %get3A_385 = arith.index_cast %get3A_383 : i32 to index
        %get3A_386 = arith.index_cast %get3A_384 : i32 to index
        %get3A_387 = arith.constant 32 : index
        %get3A_388 = tpu.vector_load %arg10[%get3A_385, %get3A_386, %get3A_387] {strides = array<i32>} : memref<3x2x48xi32, #tpu.memory_space<vmem>>, vector<16xi32>,
        %gather3A_389 = tpu.vector_load_idx %arg9[%get3A_382] : memref<10000xf32, #tpu.memory_space<vmem>>[vector<16xi32>], vector<16xf32>,
        %gather3A_390 = tpu.vector_load_idx %arg8[%get3A_382] : memref<10000xf32, #tpu.memory_space<vmem>>[vector<16xi32>], vector<16xf32>,
        %gather3A_391 = tpu.vector_load_idx %arg8[%get3A_388] : memref<10000xf32, #tpu.memory_space<vmem>>[vector<16xi32>], vector<16xf32>,
        %sub3A_392 = arith.subf %gather3A_390, %gather3A_391 : vector<16xf32>
        %abs3A_393 = math.absf %sub3A_392 : vector<16xf32>
        %neg3A_394 = arith.constant 0.000000e+00 : f32
        %neg3A_395 = vector.broadcast %neg3A_394 : f32 to vector<16xf32>
        %neg3A_396 = arith.subf %neg3A_395, %abs3A_393 : vector<16xf32>
        %mul3A_397 = arith.mulf %gather3A_389, %neg3A_396 : vector<16xf32>
        %div3A_398 = arith.constant 5.000000e+02 : f32
        %div3A_399 = vector.broadcast %div3A_398 : f32 to vector<16xf32>
        %div3A_400 = arith.divf %mul3A_397, %div3A_399 : vector<16xf32>
        %exp3A_401 = math.exp %div3A_400 : vector<16xf32>
        %exp3A_402 = math.exp %exp3A_401 : vector<16xf32>
        %mul3A_403 = arith.constant 48 : i32
        %mul3A_404 = arith.muli %add3A_273, %mul3A_403 : i32
        %add3A_405 = arith.addi %mul3A_153, %mul3A_404 : i32
        %add3A_406 = arith.constant 32 : i32
        %add3A_407 = arith.addi %add3A_405, %add3A_406 : i32
        %iota3A_408 = tpu.iota {dimensions = array<i32: 0>} : vector<16xi32>
        %add3A_409 = vector.broadcast %add3A_407 : i32 to vector<16xi32>
        %add3A_410 = arith.addi %add3A_409, %iota3A_408 : vector<16xi32>
        %lt3A_411 = arith.constant 320000 : i32
        %lt3A_412 = vector.broadcast %lt3A_411 : i32 to vector<16xi32>
        %lt3A_413 = arith.cmpi slt, %add3A_410, %lt3A_412 : vector<16xi32>
        %jit3A_414 = arith.constant 0.000000e+00 : f32
        %broadcast_in_dim3A_415 = vector.broadcast %jit3A_414 : f32 to vector<16xf32>
        %select_n3A_416 = arith.select %lt3A_413, %exp3A_402, %broadcast_in_dim3A_415 : vector<16xi1>, vector<16xf32>
        %swap3A_417 = arith.constant 32 : index
        %swap3A_418 = tpu.vector_load %arg11[%swap3A_417] {strides = array<i32>} : memref<48xf32, #tpu.memory_space<vmem>>, vector<16xf32>,
        tpu.vector_store %arg11[%swap3A_417], %select_n3A_416 {strides = array<i32>} : memref<48xf32, #tpu.memory_space<vmem>>, vector<16xf32>,
        %swap3A_419 = arith.constant 0 : i32
        %swap3A_420 = arith.index_cast %swap3A_419 : i32 to index
        %swap3A_421 = arith.constant 32 : index
        %swap3A_422 = tpu.vector_load %arg12[%swap3A_420, %swap3A_421] {strides = array<i32>} : memref<3x48xi32, #tpu.memory_space<vmem>>, vector<16xi32>,
        tpu.vector_store %arg12[%swap3A_420, %swap3A_421], %get3A_388 {strides = array<i32>} : memref<3x48xi32, #tpu.memory_space<vmem>>, vector<16xi32>,
        %broadcast_in_dim3A_423 = arith.constant 0 : i32
        %broadcast_in_dim3A_424 = vector.broadcast %broadcast_in_dim3A_423 : i32 to vector<16xi32>
        tpu.vector_store_idx %arg14[%broadcast_in_dim3A_424, %get3A_388], %select_n3A_416 {add = true} : memref<1x10000xf32, #tpu.memory_space<vmem>>[vector<16xi32>, vector<16xi32>], vector<16xf32>,
        %scan3A_425 = arith.constant 0 : i32
        %scan3A_426 = arith.constant 48 : i32
        %scan3A_427 = arith.addi %scan3A_425, %scan3A_426 : i32
        %scan3A_428 = arith.constant 2 : i32
        scf.for %scan3A_840 = %scan3A_425 to %scan3A_427 step %scan3A_428  : i32 {
          %mul3A_841 = arith.constant 1 : i32
          %mul3A_842 = arith.muli %scan3A_840, %mul3A_841 : i32
          %add3A_843 = arith.constant 0 : i32
          %add3A_844 = arith.addi %add3A_843, %mul3A_842 : i32
          %broadcast_in_dim3A_845 = vector.broadcast %add3A_844 : i32 to vector<16xi32>
          %gather3A_846 = tpu.vector_load_idx %arg11[%broadcast_in_dim3A_845] : memref<48xf32, #tpu.memory_space<vmem>>[vector<16xi32>], vector<16xf32>,
          %get3A_847 = arith.constant 0 : i32
          %get3A_848 = arith.index_cast %get3A_847 : i32 to index
          %get3A_849 = arith.index_cast %add3A_844 : i32 to index
          %get3A_850 = arith.constant 0 : index
          %get3A_851 = tpu.vector_load %arg13[%get3A_848, %get3A_849, %get3A_850] {strides = array<i32>} : memref<3x48x128xf32, #tpu.memory_space<vmem>>, vector<16xf32>,
          %mul3A_852 = arith.mulf %get3A_851, %gather3A_846 : vector<16xf32>
          %swap3A_853 = arith.constant 0 : i32
          %swap3A_854 = arith.index_cast %swap3A_853 : i32 to index
          %swap3A_855 = arith.index_cast %add3A_844 : i32 to index
          %swap3A_856 = arith.constant 0 : index
          %swap3A_857 = tpu.vector_load %arg13[%swap3A_854, %swap3A_855, %swap3A_856] {strides = array<i32>} : memref<3x48x128xf32, #tpu.memory_space<vmem>>, vector<16xf32>,
          tpu.vector_store %arg13[%swap3A_854, %swap3A_855, %swap3A_856], %mul3A_852 {strides = array<i32>} : memref<3x48x128xf32, #tpu.memory_space<vmem>>, vector<16xf32>,
          %get3A_858 = arith.constant 0 : i32
          %get3A_859 = arith.index_cast %get3A_858 : i32 to index
          %get3A_860 = arith.index_cast %add3A_844 : i32 to index
          %get3A_861 = arith.constant 16 : index
          %get3A_862 = tpu.vector_load %arg13[%get3A_859, %get3A_860, %get3A_861] {strides = array<i32>} : memref<3x48x128xf32, #tpu.memory_space<vmem>>, vector<16xf32>,
          %mul3A_863 = arith.mulf %get3A_862, %gather3A_846 : vector<16xf32>
          %swap3A_864 = arith.constant 0 : i32
          %swap3A_865 = arith.index_cast %swap3A_864 : i32 to index
          %swap3A_866 = arith.index_cast %add3A_844 : i32 to index
          %swap3A_867 = arith.constant 16 : index
          %swap3A_868 = tpu.vector_load %arg13[%swap3A_865, %swap3A_866, %swap3A_867] {strides = array<i32>} : memref<3x48x128xf32, #tpu.memory_space<vmem>>, vector<16xf32>,
          tpu.vector_store %arg13[%swap3A_865, %swap3A_866, %swap3A_867], %mul3A_863 {strides = array<i32>} : memref<3x48x128xf32, #tpu.memory_space<vmem>>, vector<16xf32>,
          %get3A_869 = arith.constant 0 : i32
          %get3A_870 = arith.index_cast %get3A_869 : i32 to index
          %get3A_871 = arith.index_cast %add3A_844 : i32 to index
          %get3A_872 = arith.constant 32 : index
          %get3A_873 = tpu.vector_load %arg13[%get3A_870, %get3A_871, %get3A_872] {strides = array<i32>} : memref<3x48x128xf32, #tpu.memory_space<vmem>>, vector<16xf32>,
          %mul3A_874 = arith.mulf %get3A_873, %gather3A_846 : vector<16xf32>
          %swap3A_875 = arith.constant 0 : i32
          %swap3A_876 = arith.index_cast %swap3A_875 : i32 to index
          %swap3A_877 = arith.index_cast %add3A_844 : i32 to index
          %swap3A_878 = arith.constant 32 : index
          %swap3A_879 = tpu.vector_load %arg13[%swap3A_876, %swap3A_877, %swap3A_878] {strides = array<i32>} : memref<3x48x128xf32, #tpu.memory_space<vmem>>, vector<16xf32>,
          tpu.vector_store %arg13[%swap3A_876, %swap3A_877, %swap3A_878], %mul3A_874 {strides = array<i32>} : memref<3x48x128xf32, #tpu.memory_space<vmem>>, vector<16xf32>,
          %get3A_880 = arith.constant 0 : i32
          %get3A_881 = arith.index_cast %get3A_880 : i32 to index
          %get3A_882 = arith.index_cast %add3A_844 : i32 to index
          %get3A_883 = arith.constant 48 : index
          %get3A_884 = tpu.vector_load %arg13[%get3A_881, %get3A_882, %get3A_883] {strides = array<i32>} : memref<3x48x128xf32, #tpu.memory_space<vmem>>, vector<16xf32>,
          %mul3A_885 = arith.mulf %get3A_884, %gather3A_846 : vector<16xf32>
          %swap3A_886 = arith.constant 0 : i32
          %swap3A_887 = arith.index_cast %swap3A_886 : i32 to index
          %swap3A_888 = arith.index_cast %add3A_844 : i32 to index
          %swap3A_889 = arith.constant 48 : index
          %swap3A_890 = tpu.vector_load %arg13[%swap3A_887, %swap3A_888, %swap3A_889] {strides = array<i32>} : memref<3x48x128xf32, #tpu.memory_space<vmem>>, vector<16xf32>,
          tpu.vector_store %arg13[%swap3A_887, %swap3A_888, %swap3A_889], %mul3A_885 {strides = array<i32>} : memref<3x48x128xf32, #tpu.memory_space<vmem>>, vector<16xf32>,
          %get3A_891 = arith.constant 0 : i32
          %get3A_892 = arith.index_cast %get3A_891 : i32 to index
          %get3A_893 = arith.index_cast %add3A_844 : i32 to index
          %get3A_894 = arith.constant 64 : index
          %get3A_895 = tpu.vector_load %arg13[%get3A_892, %get3A_893, %get3A_894] {strides = array<i32>} : memref<3x48x128xf32, #tpu.memory_space<vmem>>, vector<16xf32>,
          %mul3A_896 = arith.mulf %get3A_895, %gather3A_846 : vector<16xf32>
          %swap3A_897 = arith.constant 0 : i32
          %swap3A_898 = arith.index_cast %swap3A_897 : i32 to index
          %swap3A_899 = arith.index_cast %add3A_844 : i32 to index
          %swap3A_900 = arith.constant 64 : index
          %swap3A_901 = tpu.vector_load %arg13[%swap3A_898, %swap3A_899, %swap3A_900] {strides = array<i32>} : memref<3x48x128xf32, #tpu.memory_space<vmem>>, vector<16xf32>,
          tpu.vector_store %arg13[%swap3A_898, %swap3A_899, %swap3A_900], %mul3A_896 {strides = array<i32>} : memref<3x48x128xf32, #tpu.memory_space<vmem>>, vector<16xf32>,
          %get3A_902 = arith.constant 0 : i32
          %get3A_903 = arith.index_cast %get3A_902 : i32 to index
          %get3A_904 = arith.index_cast %add3A_844 : i32 to index
          %get3A_905 = arith.constant 80 : index
          %get3A_906 = tpu.vector_load %arg13[%get3A_903, %get3A_904, %get3A_905] {strides = array<i32>} : memref<3x48x128xf32, #tpu.memory_space<vmem>>, vector<16xf32>,
          %mul3A_907 = arith.mulf %get3A_906, %gather3A_846 : vector<16xf32>
          %swap3A_908 = arith.constant 0 : i32
          %swap3A_909 = arith.index_cast %swap3A_908 : i32 to index
          %swap3A_910 = arith.index_cast %add3A_844 : i32 to index
          %swap3A_911 = arith.constant 80 : index
          %swap3A_912 = tpu.vector_load %arg13[%swap3A_909, %swap3A_910, %swap3A_911] {strides = array<i32>} : memref<3x48x128xf32, #tpu.memory_space<vmem>>, vector<16xf32>,
          tpu.vector_store %arg13[%swap3A_909, %swap3A_910, %swap3A_911], %mul3A_907 {strides = array<i32>} : memref<3x48x128xf32, #tpu.memory_space<vmem>>, vector<16xf32>,
          %get3A_913 = arith.constant 0 : i32
          %get3A_914 = arith.index_cast %get3A_913 : i32 to index
          %get3A_915 = arith.index_cast %add3A_844 : i32 to index
          %get3A_916 = arith.constant 96 : index
          %get3A_917 = tpu.vector_load %arg13[%get3A_914, %get3A_915, %get3A_916] {strides = array<i32>} : memref<3x48x128xf32, #tpu.memory_space<vmem>>, vector<16xf32>,
          %mul3A_918 = arith.mulf %get3A_917, %gather3A_846 : vector<16xf32>
          %swap3A_919 = arith.constant 0 : i32
          %swap3A_920 = arith.index_cast %swap3A_919 : i32 to index
          %swap3A_921 = arith.index_cast %add3A_844 : i32 to index
          %swap3A_922 = arith.constant 96 : index
          %swap3A_923 = tpu.vector_load %arg13[%swap3A_920, %swap3A_921, %swap3A_922] {strides = array<i32>} : memref<3x48x128xf32, #tpu.memory_space<vmem>>, vector<16xf32>,
          tpu.vector_store %arg13[%swap3A_920, %swap3A_921, %swap3A_922], %mul3A_918 {strides = array<i32>} : memref<3x48x128xf32, #tpu.memory_space<vmem>>, vector<16xf32>,
          %get3A_924 = arith.constant 0 : i32
          %get3A_925 = arith.index_cast %get3A_924 : i32 to index
          %get3A_926 = arith.index_cast %add3A_844 : i32 to index
          %get3A_927 = arith.constant 112 : index
          %get3A_928 = tpu.vector_load %arg13[%get3A_925, %get3A_926, %get3A_927] {strides = array<i32>} : memref<3x48x128xf32, #tpu.memory_space<vmem>>, vector<16xf32>,
          %mul3A_929 = arith.mulf %get3A_928, %gather3A_846 : vector<16xf32>
          %swap3A_930 = arith.constant 0 : i32
          %swap3A_931 = arith.index_cast %swap3A_930 : i32 to index
          %swap3A_932 = arith.index_cast %add3A_844 : i32 to index
          %swap3A_933 = arith.constant 112 : index
          %swap3A_934 = tpu.vector_load %arg13[%swap3A_931, %swap3A_932, %swap3A_933] {strides = array<i32>} : memref<3x48x128xf32, #tpu.memory_space<vmem>>, vector<16xf32>,
          tpu.vector_store %arg13[%swap3A_931, %swap3A_932, %swap3A_933], %mul3A_929 {strides = array<i32>} : memref<3x48x128xf32, #tpu.memory_space<vmem>>, vector<16xf32>,
          %scan3A_935 = arith.constant 1 : i32
          %scan3A_936 = arith.addi %scan3A_840, %scan3A_935 : i32
          %mul3A_937 = arith.constant 1 : i32
          %mul3A_938 = arith.muli %scan3A_936, %mul3A_937 : i32
          %add3A_939 = arith.constant 0 : i32
          %add3A_940 = arith.addi %add3A_939, %mul3A_938 : i32
          %broadcast_in_dim3A_941 = vector.broadcast %add3A_940 : i32 to vector<16xi32>
          %gather3A_942 = tpu.vector_load_idx %arg11[%broadcast_in_dim3A_941] : memref<48xf32, #tpu.memory_space<vmem>>[vector<16xi32>], vector<16xf32>,
          %get3A_943 = arith.constant 0 : i32
          %get3A_944 = arith.index_cast %get3A_943 : i32 to index
          %get3A_945 = arith.index_cast %add3A_940 : i32 to index
          %get3A_946 = arith.constant 0 : index
          %get3A_947 = tpu.vector_load %arg13[%get3A_944, %get3A_945, %get3A_946] {strides = array<i32>} : memref<3x48x128xf32, #tpu.memory_space<vmem>>, vector<16xf32>,
          %mul3A_948 = arith.mulf %get3A_947, %gather3A_942 : vector<16xf32>
          %swap3A_949 = arith.constant 0 : i32
          %swap3A_950 = arith.index_cast %swap3A_949 : i32 to index
          %swap3A_951 = arith.index_cast %add3A_940 : i32 to index
          %swap3A_952 = arith.constant 0 : index
          %swap3A_953 = tpu.vector_load %arg13[%swap3A_950, %swap3A_951, %swap3A_952] {strides = array<i32>} : memref<3x48x128xf32, #tpu.memory_space<vmem>>, vector<16xf32>,
          tpu.vector_store %arg13[%swap3A_950, %swap3A_951, %swap3A_952], %mul3A_948 {strides = array<i32>} : memref<3x48x128xf32, #tpu.memory_space<vmem>>, vector<16xf32>,
          %get3A_954 = arith.constant 0 : i32
          %get3A_955 = arith.index_cast %get3A_954 : i32 to index
          %get3A_956 = arith.index_cast %add3A_940 : i32 to index
          %get3A_957 = arith.constant 16 : index
          %get3A_958 = tpu.vector_load %arg13[%get3A_955, %get3A_956, %get3A_957] {strides = array<i32>} : memref<3x48x128xf32, #tpu.memory_space<vmem>>, vector<16xf32>,
          %mul3A_959 = arith.mulf %get3A_958, %gather3A_942 : vector<16xf32>
          %swap3A_960 = arith.constant 0 : i32
          %swap3A_961 = arith.index_cast %swap3A_960 : i32 to index
          %swap3A_962 = arith.index_cast %add3A_940 : i32 to index
          %swap3A_963 = arith.constant 16 : index
          %swap3A_964 = tpu.vector_load %arg13[%swap3A_961, %swap3A_962, %swap3A_963] {strides = array<i32>} : memref<3x48x128xf32, #tpu.memory_space<vmem>>, vector<16xf32>,
          tpu.vector_store %arg13[%swap3A_961, %swap3A_962, %swap3A_963], %mul3A_959 {strides = array<i32>} : memref<3x48x128xf32, #tpu.memory_space<vmem>>, vector<16xf32>,
          %get3A_965 = arith.constant 0 : i32
          %get3A_966 = arith.index_cast %get3A_965 : i32 to index
          %get3A_967 = arith.index_cast %add3A_940 : i32 to index
          %get3A_968 = arith.constant 32 : index
          %get3A_969 = tpu.vector_load %arg13[%get3A_966, %get3A_967, %get3A_968] {strides = array<i32>} : memref<3x48x128xf32, #tpu.memory_space<vmem>>, vector<16xf32>,
          %mul3A_970 = arith.mulf %get3A_969, %gather3A_942 : vector<16xf32>
          %swap3A_971 = arith.constant 0 : i32
          %swap3A_972 = arith.index_cast %swap3A_971 : i32 to index
          %swap3A_973 = arith.index_cast %add3A_940 : i32 to index
          %swap3A_974 = arith.constant 32 : index
          %swap3A_975 = tpu.vector_load %arg13[%swap3A_972, %swap3A_973, %swap3A_974] {strides = array<i32>} : memref<3x48x128xf32, #tpu.memory_space<vmem>>, vector<16xf32>,
          tpu.vector_store %arg13[%swap3A_972, %swap3A_973, %swap3A_974], %mul3A_970 {strides = array<i32>} : memref<3x48x128xf32, #tpu.memory_space<vmem>>, vector<16xf32>,
          %get3A_976 = arith.constant 0 : i32
          %get3A_977 = arith.index_cast %get3A_976 : i32 to index
          %get3A_978 = arith.index_cast %add3A_940 : i32 to index
          %get3A_979 = arith.constant 48 : index
          %get3A_980 = tpu.vector_load %arg13[%get3A_977, %get3A_978, %get3A_979] {strides = array<i32>} : memref<3x48x128xf32, #tpu.memory_space<vmem>>, vector<16xf32>,
          %mul3A_981 = arith.mulf %get3A_980, %gather3A_942 : vector<16xf32>
          %swap3A_982 = arith.constant 0 : i32
          %swap3A_983 = arith.index_cast %swap3A_982 : i32 to index
          %swap3A_984 = arith.index_cast %add3A_940 : i32 to index
          %swap3A_985 = arith.constant 48 : index
          %swap3A_986 = tpu.vector_load %arg13[%swap3A_983, %swap3A_984, %swap3A_985] {strides = array<i32>} : memref<3x48x128xf32, #tpu.memory_space<vmem>>, vector<16xf32>,
          tpu.vector_store %arg13[%swap3A_983, %swap3A_984, %swap3A_985], %mul3A_981 {strides = array<i32>} : memref<3x48x128xf32, #tpu.memory_space<vmem>>, vector<16xf32>,
          %get3A_987 = arith.constant 0 : i32
          %get3A_988 = arith.index_cast %get3A_987 : i32 to index
          %get3A_989 = arith.index_cast %add3A_940 : i32 to index
          %get3A_990 = arith.constant 64 : index
          %get3A_991 = tpu.vector_load %arg13[%get3A_988, %get3A_989, %get3A_990] {strides = array<i32>} : memref<3x48x128xf32, #tpu.memory_space<vmem>>, vector<16xf32>,
          %mul3A_992 = arith.mulf %get3A_991, %gather3A_942 : vector<16xf32>
          %swap3A_993 = arith.constant 0 : i32
          %swap3A_994 = arith.index_cast %swap3A_993 : i32 to index
          %swap3A_995 = arith.index_cast %add3A_940 : i32 to index
          %swap3A_996 = arith.constant 64 : index
          %swap3A_997 = tpu.vector_load %arg13[%swap3A_994, %swap3A_995, %swap3A_996] {strides = array<i32>} : memref<3x48x128xf32, #tpu.memory_space<vmem>>, vector<16xf32>,
          tpu.vector_store %arg13[%swap3A_994, %swap3A_995, %swap3A_996], %mul3A_992 {strides = array<i32>} : memref<3x48x128xf32, #tpu.memory_space<vmem>>, vector<16xf32>,
          %get3A_998 = arith.constant 0 : i32
          %get3A_999 = arith.index_cast %get3A_998 : i32 to index
          %get3A_1000 = arith.index_cast %add3A_940 : i32 to index
          %get3A_1001 = arith.constant 80 : index
          %get3A_1002 = tpu.vector_load %arg13[%get3A_999, %get3A_1000, %get3A_1001] {strides = array<i32>} : memref<3x48x128xf32, #tpu.memory_space<vmem>>, vector<16xf32>,
          %mul3A_1003 = arith.mulf %get3A_1002, %gather3A_942 : vector<16xf32>
          %swap3A_1004 = arith.constant 0 : i32
          %swap3A_1005 = arith.index_cast %swap3A_1004 : i32 to index
          %swap3A_1006 = arith.index_cast %add3A_940 : i32 to index
          %swap3A_1007 = arith.constant 80 : index
          %swap3A_1008 = tpu.vector_load %arg13[%swap3A_1005, %swap3A_1006, %swap3A_1007] {strides = array<i32>} : memref<3x48x128xf32, #tpu.memory_space<vmem>>, vector<16xf32>,
          tpu.vector_store %arg13[%swap3A_1005, %swap3A_1006, %swap3A_1007], %mul3A_1003 {strides = array<i32>} : memref<3x48x128xf32, #tpu.memory_space<vmem>>, vector<16xf32>,
          %get3A_1009 = arith.constant 0 : i32
          %get3A_1010 = arith.index_cast %get3A_1009 : i32 to index
          %get3A_1011 = arith.index_cast %add3A_940 : i32 to index
          %get3A_1012 = arith.constant 96 : index
          %get3A_1013 = tpu.vector_load %arg13[%get3A_1010, %get3A_1011, %get3A_1012] {strides = array<i32>} : memref<3x48x128xf32, #tpu.memory_space<vmem>>, vector<16xf32>,
          %mul3A_1014 = arith.mulf %get3A_1013, %gather3A_942 : vector<16xf32>
          %swap3A_1015 = arith.constant 0 : i32
          %swap3A_1016 = arith.index_cast %swap3A_1015 : i32 to index
          %swap3A_1017 = arith.index_cast %add3A_940 : i32 to index
          %swap3A_1018 = arith.constant 96 : index
          %swap3A_1019 = tpu.vector_load %arg13[%swap3A_1016, %swap3A_1017, %swap3A_1018] {strides = array<i32>} : memref<3x48x128xf32, #tpu.memory_space<vmem>>, vector<16xf32>,
          tpu.vector_store %arg13[%swap3A_1016, %swap3A_1017, %swap3A_1018], %mul3A_1014 {strides = array<i32>} : memref<3x48x128xf32, #tpu.memory_space<vmem>>, vector<16xf32>,
          %get3A_1020 = arith.constant 0 : i32
          %get3A_1021 = arith.index_cast %get3A_1020 : i32 to index
          %get3A_1022 = arith.index_cast %add3A_940 : i32 to index
          %get3A_1023 = arith.constant 112 : index
          %get3A_1024 = tpu.vector_load %arg13[%get3A_1021, %get3A_1022, %get3A_1023] {strides = array<i32>} : memref<3x48x128xf32, #tpu.memory_space<vmem>>, vector<16xf32>,
          %mul3A_1025 = arith.mulf %get3A_1024, %gather3A_942 : vector<16xf32>
          %swap3A_1026 = arith.constant 0 : i32
          %swap3A_1027 = arith.index_cast %swap3A_1026 : i32 to index
          %swap3A_1028 = arith.index_cast %add3A_940 : i32 to index
          %swap3A_1029 = arith.constant 112 : index
          %swap3A_1030 = tpu.vector_load %arg13[%swap3A_1027, %swap3A_1028, %swap3A_1029] {strides = array<i32>} : memref<3x48x128xf32, #tpu.memory_space<vmem>>, vector<16xf32>,
          tpu.vector_store %arg13[%swap3A_1027, %swap3A_1028, %swap3A_1029], %mul3A_1025 {strides = array<i32>} : memref<3x48x128xf32, #tpu.memory_space<vmem>>, vector<16xf32>,
        }
        %scan3A_429 = arith.constant 48 : i32
        %dma_start3A_430 = arith.constant 0 : i32
        %dma_start3A_431 = arith.constant 0 : i32
        %dma_start3A_432 = arith.constant 0 : i32
        %dma_start3A_433 = arith.constant 0 : i32
        %dma_start3A_434 = tpu.memref_slice %arg13[%dma_start3A_430, %dma_start3A_432, %dma_start3A_433] : memref<3x48x128xf32, #tpu.memory_space<vmem>> -> memref<1x48x128xf32, #tpu.memory_space<vmem>>
        %dma_start3A_435 = tpu.memref_squeeze %dma_start3A_434 : memref<1x48x128xf32, #tpu.memory_space<vmem>> -> memref<48x128xf32, #tpu.memory_space<vmem>>
        %dma_start3A_436 = arith.constant 0 : i32
        %dma_start3A_437 = tpu.memref_slice %arg12[%dma_start3A_431, %dma_start3A_436] : memref<3x48xi32, #tpu.memory_space<vmem>> -> memref<1x48xi32, #tpu.memory_space<vmem>>
        %dma_start3A_438 = tpu.memref_squeeze %dma_start3A_437 : memref<1x48xi32, #tpu.memory_space<vmem>> -> memref<48xi32, #tpu.memory_space<vmem>>
        %dma_start3A_439 = arith.constant 0 : i32
        %dma_start3A_440 = arith.constant 0 : i32
        %dma_start3A_441 = tpu.memref_slice %arg15[%dma_start3A_439, %dma_start3A_440] : memref<10112x128xf32, #tpu.memory_space<vmem_shared>> -> memref<10112x128xf32, #tpu.memory_space<vmem_shared>>
        tpu.enqueue_indirect_dma source(%dma_start3A_435 : memref<48x128xf32, #tpu.memory_space<vmem>>) target(%dma_start3A_441 : memref<10112x128xf32, #tpu.memory_space<vmem_shared>>) offsets(%dma_start3A_438 : memref<48xi32, #tpu.memory_space<vmem>>) semaphore(%arg22 : memref<!tpu.dma_semaphore, #tpu.memory_space<semaphore_mem>>) {add = true}
        %ge3A = arith.constant 1 : i32
        %ge3A_442 = arith.cmpi sge, %add3A_273, %ge3A : i32
        %add3A_443 = arith.constant 2 : i32
        %add3A_444 = arith.addi %add3A_273, %add3A_443 : i32
        %lt3A_445 = arith.constant 198 : i32
        %lt3A_446 = arith.cmpi slt, %add3A_444, %lt3A_445 : i32
        %and3A = arith.andi %ge3A_442, %lt3A_446 : i1
        %convert_element_type3A_447 = arith.extui %and3A : i1 to i32
        %cond3A_448 = arith.constant 0 : i32
        %cond3A_449 = arith.cmpi ne, %convert_element_type3A_447, %cond3A_448 : i32
        scf.if %cond3A_449 {
          %add3A_840 = arith.constant 2 : i32
          %add3A_841 = arith.addi %add3A_273, %add3A_840 : i32
          %mul3A_842 = arith.constant 48 : i32
          %mul3A_843 = arith.muli %add3A_841, %mul3A_842 : i32
          %add3A_844 = arith.addi %mul3A_153, %mul3A_843 : i32
          %dma_start3A_845 = arith.constant 2 : i32
          %dma_start3A_846 = arith.constant 0 : i32
          %dma_start3A_847 = arith.constant 0 : i32
          %dma_start3A_848 = tpu.memref_slice %arg10[%dma_start3A_845, %dma_start3A_846, %dma_start3A_847] : memref<3x2x48xi32, #tpu.memory_space<vmem>> -> memref<1x1x48xi32, #tpu.memory_space<vmem>>
          %dma_start3A_849 = tpu.memref_squeeze %dma_start3A_848 : memref<1x1x48xi32, #tpu.memory_space<vmem>> -> memref<48xi32, #tpu.memory_space<vmem>>
          %dma_start3A_850 = tpu.memref_slice %arg4[%add3A_844] : memref<640512xi32, #tpu.memory_space<hbm>> -> memref<48xi32, #tpu.memory_space<hbm>>
          %dma_start3A_851 = arith.constant 0 : i32
          %dma_start3A_852 = tpu.memref_slice %arg10[%dma_start3A_845, %dma_start3A_846, %dma_start3A_851] : memref<3x2x48xi32, #tpu.memory_space<vmem>> -> memref<1x1x48xi32, #tpu.memory_space<vmem>>
          %dma_start3A_853 = tpu.memref_squeeze %dma_start3A_852 : memref<1x1x48xi32, #tpu.memory_space<vmem>> -> memref<48xi32, #tpu.memory_space<vmem>>
          %dma_start3A_854 = tpu.memref_slice %arg4[%add3A_844] : memref<640512xi32, #tpu.memory_space<hbm>> -> memref<48xi32, #tpu.memory_space<hbm>>
          tpu.enqueue_dma source(%dma_start3A_854 : memref<48xi32, #tpu.memory_space<hbm>>) target(%dma_start3A_853 : memref<48xi32, #tpu.memory_space<vmem>>) target_semaphore(%arg18 : memref<!tpu.dma_semaphore, #tpu.memory_space<semaphore_mem>>)
          %add3A_855 = arith.constant 320256 : i32
          %add3A_856 = arith.addi %add3A_855, %add3A_844 : i32
          %dma_start3A_857 = arith.constant 2 : i32
          %dma_start3A_858 = arith.constant 1 : i32
          %dma_start3A_859 = arith.constant 0 : i32
          %dma_start3A_860 = tpu.memref_slice %arg10[%dma_start3A_857, %dma_start3A_858, %dma_start3A_859] : memref<3x2x48xi32, #tpu.memory_space<vmem>> -> memref<1x1x48xi32, #tpu.memory_space<vmem>>
          %dma_start3A_861 = tpu.memref_squeeze %dma_start3A_860 : memref<1x1x48xi32, #tpu.memory_space<vmem>> -> memref<48xi32, #tpu.memory_space<vmem>>
          %dma_start3A_862 = tpu.memref_slice %arg4[%add3A_856] : memref<640512xi32, #tpu.memory_space<hbm>> -> memref<48xi32, #tpu.memory_space<hbm>>
          %dma_start3A_863 = arith.constant 0 : i32
          %dma_start3A_864 = tpu.memref_slice %arg10[%dma_start3A_857, %dma_start3A_858, %dma_start3A_863] : memref<3x2x48xi32, #tpu.memory_space<vmem>> -> memref<1x1x48xi32, #tpu.memory_space<vmem>>
          %dma_start3A_865 = tpu.memref_squeeze %dma_start3A_864 : memref<1x1x48xi32, #tpu.memory_space<vmem>> -> memref<48xi32, #tpu.memory_space<vmem>>
          %dma_start3A_866 = tpu.memref_slice %arg4[%add3A_856] : memref<640512xi32, #tpu.memory_space<hbm>> -> memref<48xi32, #tpu.memory_space<hbm>>
          tpu.enqueue_dma source(%dma_start3A_866 : memref<48xi32, #tpu.memory_space<hbm>>) target(%dma_start3A_865 : memref<48xi32, #tpu.memory_space<vmem>>) target_semaphore(%arg18 : memref<!tpu.dma_semaphore, #tpu.memory_space<semaphore_mem>>)
        } else {
        }
        %mul3A_450 = arith.constant 3 : i32
        %mul3A_451 = arith.muli %add3A_269, %mul3A_450 : i32
        %add3A_452 = arith.constant 1 : i32
        %add3A_453 = arith.addi %mul3A_451, %add3A_452 : i32
        %dma_wait3A_454 = arith.constant 1 : i32
        %dma_wait3A_455 = arith.constant 0 : i32
        %dma_wait3A_456 = arith.constant 1 : i32
        %dma_wait3A_457 = arith.constant 0 : i32
        %dma_wait3A_458 = arith.constant 0 : i32
        %dma_wait3A_459 = tpu.memref_slice %arg13[%dma_wait3A_456, %dma_wait3A_457, %dma_wait3A_458] : memref<3x48x128xf32, #tpu.memory_space<vmem>> -> memref<1x48x128xf32, #tpu.memory_space<vmem>>
        %dma_wait3A_460 = tpu.memref_squeeze %dma_wait3A_459 : memref<1x48x128xf32, #tpu.memory_space<vmem>> -> memref<48x128xf32, #tpu.memory_space<vmem>>
        %dma_wait3A_461 = arith.constant 0 : i32
        %dma_wait3A_462 = tpu.memref_slice %arg10[%dma_wait3A_454, %dma_wait3A_455, %dma_wait3A_461] : memref<3x2x48xi32, #tpu.memory_space<vmem>> -> memref<1x1x48xi32, #tpu.memory_space<vmem>>
        %dma_wait3A_463 = tpu.memref_squeeze %dma_wait3A_462 : memref<1x1x48xi32, #tpu.memory_space<vmem>> -> memref<48xi32, #tpu.memory_space<vmem>>
        %dma_wait3A_464 = arith.constant 0 : i32
        %dma_wait3A_465 = arith.constant 0 : i32
        %dma_wait3A_466 = tpu.memref_slice %arg5[%dma_wait3A_464, %dma_wait3A_465] : memref<10000x128xf32, #tpu.memory_space<hbm>> -> memref<10000x128xf32, #tpu.memory_space<hbm>>
        tpu.wait_indirect_dma semaphore(%arg20 : memref<!tpu.dma_semaphore, #tpu.memory_space<semaphore_mem>>) src(%dma_wait3A_466 : memref<10000x128xf32, #tpu.memory_space<hbm>>) dst(%dma_wait3A_460 : memref<48x128xf32, #tpu.memory_space<vmem>>)
        %add3A_467 = arith.constant 1 : i32
        %add3A_468 = arith.addi %add3A_453, %add3A_467 : i32
        %lt3A_469 = arith.constant 198 : i32
        %lt3A_470 = arith.cmpi slt, %add3A_468, %lt3A_469 : i32
        %convert_element_type3A_471 = arith.extui %lt3A_470 : i1 to i32
        %cond3A_472 = arith.constant 0 : i32
        %cond3A_473 = arith.cmpi ne, %convert_element_type3A_471, %cond3A_472 : i32
        scf.if %cond3A_473 {
          %ge3A_840 = arith.constant 2 : i32
          %ge3A_841 = arith.cmpi sge, %add3A_453, %ge3A_840 : i32
          %convert_element_type3A_842 = arith.extui %ge3A_841 : i1 to i32
          %cond3A_843 = arith.constant 0 : i32
          %cond3A_844 = arith.cmpi ne, %convert_element_type3A_842, %cond3A_843 : i32
          scf.if %cond3A_844 {
            %dma_wait3A_885 = arith.constant 2 : i32
            %dma_wait3A_886 = arith.constant 2 : i32
            %dma_wait3A_887 = arith.constant 0 : i32
            %dma_wait3A_888 = arith.constant 0 : i32
            %dma_wait3A_889 = tpu.memref_slice %arg13[%dma_wait3A_885, %dma_wait3A_887, %dma_wait3A_888] : memref<3x48x128xf32, #tpu.memory_space<vmem>> -> memref<1x48x128xf32, #tpu.memory_space<vmem>>
            %dma_wait3A_890 = tpu.memref_squeeze %dma_wait3A_889 : memref<1x48x128xf32, #tpu.memory_space<vmem>> -> memref<48x128xf32, #tpu.memory_space<vmem>>
            %dma_wait3A_891 = arith.constant 0 : i32
            %dma_wait3A_892 = tpu.memref_slice %arg12[%dma_wait3A_886, %dma_wait3A_891] : memref<3x48xi32, #tpu.memory_space<vmem>> -> memref<1x48xi32, #tpu.memory_space<vmem>>
            %dma_wait3A_893 = tpu.memref_squeeze %dma_wait3A_892 : memref<1x48xi32, #tpu.memory_space<vmem>> -> memref<48xi32, #tpu.memory_space<vmem>>
            %dma_wait3A_894 = arith.constant 0 : i32
            %dma_wait3A_895 = arith.constant 0 : i32
            %dma_wait3A_896 = tpu.memref_slice %arg15[%dma_wait3A_894, %dma_wait3A_895] : memref<10112x128xf32, #tpu.memory_space<vmem_shared>> -> memref<10112x128xf32, #tpu.memory_space<vmem_shared>>
            tpu.wait_indirect_dma semaphore(%arg24 : memref<!tpu.dma_semaphore, #tpu.memory_space<semaphore_mem>>) src(%dma_wait3A_890 : memref<48x128xf32, #tpu.memory_space<vmem>>) dst(%dma_wait3A_896 : memref<10112x128xf32, #tpu.memory_space<vmem_shared>>)
          } else {
          }
          %add3A_845 = arith.constant 1 : i32
          %add3A_846 = arith.addi %add3A_453, %add3A_845 : i32
          %mul3A_847 = arith.constant 48 : i32
          %mul3A_848 = arith.muli %add3A_846, %mul3A_847 : i32
          %add3A_849 = arith.addi %mul3A_153, %mul3A_848 : i32
          %dma_wait3A_850 = arith.constant 2 : i32
          %dma_wait3A_851 = arith.constant 0 : i32
          %dma_wait3A_852 = arith.constant 0 : i32
          %dma_wait3A_853 = tpu.memref_slice %arg10[%dma_wait3A_850, %dma_wait3A_851, %dma_wait3A_852] : memref<3x2x48xi32, #tpu.memory_space<vmem>> -> memref<1x1x48xi32, #tpu.memory_space<vmem>>
          %dma_wait3A_854 = tpu.memref_squeeze %dma_wait3A_853 : memref<1x1x48xi32, #tpu.memory_space<vmem>> -> memref<48xi32, #tpu.memory_space<vmem>>
          %dma_wait3A_855 = tpu.memref_slice %arg4[%add3A_849] : memref<640512xi32, #tpu.memory_space<hbm>> -> memref<48xi32, #tpu.memory_space<hbm>>
          %dma_wait3A_856 = arith.constant 0 : i32
          %dma_wait3A_857 = tpu.memref_slice %arg10[%dma_wait3A_850, %dma_wait3A_851, %dma_wait3A_856] : memref<3x2x48xi32, #tpu.memory_space<vmem>> -> memref<1x1x48xi32, #tpu.memory_space<vmem>>
          %dma_wait3A_858 = tpu.memref_squeeze %dma_wait3A_857 : memref<1x1x48xi32, #tpu.memory_space<vmem>> -> memref<48xi32, #tpu.memory_space<vmem>>
          %dma_wait3A_859 = tpu.memref_slice %arg4[%add3A_849] : memref<640512xi32, #tpu.memory_space<hbm>> -> memref<48xi32, #tpu.memory_space<hbm>>
          tpu.wait_dma2 semaphore(%arg18 : memref<!tpu.dma_semaphore, #tpu.memory_space<semaphore_mem>>) src(%dma_wait3A_859 : memref<48xi32, #tpu.memory_space<hbm>>) dst(%dma_wait3A_858 : memref<48xi32, #tpu.memory_space<vmem>>)
          %add3A_860 = arith.constant 320256 : i32
          %add3A_861 = arith.addi %add3A_860, %add3A_849 : i32
          %dma_wait3A_862 = arith.constant 2 : i32
          %dma_wait3A_863 = arith.constant 1 : i32
          %dma_wait3A_864 = arith.constant 0 : i32
          %dma_wait3A_865 = tpu.memref_slice %arg10[%dma_wait3A_862, %dma_wait3A_863, %dma_wait3A_864] : memref<3x2x48xi32, #tpu.memory_space<vmem>> -> memref<1x1x48xi32, #tpu.memory_space<vmem>>
          %dma_wait3A_866 = tpu.memref_squeeze %dma_wait3A_865 : memref<1x1x48xi32, #tpu.memory_space<vmem>> -> memref<48xi32, #tpu.memory_space<vmem>>
          %dma_wait3A_867 = tpu.memref_slice %arg4[%add3A_861] : memref<640512xi32, #tpu.memory_space<hbm>> -> memref<48xi32, #tpu.memory_space<hbm>>
          %dma_wait3A_868 = arith.constant 0 : i32
          %dma_wait3A_869 = tpu.memref_slice %arg10[%dma_wait3A_862, %dma_wait3A_863, %dma_wait3A_868] : memref<3x2x48xi32, #tpu.memory_space<vmem>> -> memref<1x1x48xi32, #tpu.memory_space<vmem>>
          %dma_wait3A_870 = tpu.memref_squeeze %dma_wait3A_869 : memref<1x1x48xi32, #tpu.memory_space<vmem>> -> memref<48xi32, #tpu.memory_space<vmem>>
          %dma_wait3A_871 = tpu.memref_slice %arg4[%add3A_861] : memref<640512xi32, #tpu.memory_space<hbm>> -> memref<48xi32, #tpu.memory_space<hbm>>
          tpu.wait_dma2 semaphore(%arg18 : memref<!tpu.dma_semaphore, #tpu.memory_space<semaphore_mem>>) src(%dma_wait3A_871 : memref<48xi32, #tpu.memory_space<hbm>>) dst(%dma_wait3A_870 : memref<48xi32, #tpu.memory_space<vmem>>)
          %dma_start3A_872 = arith.constant 2 : i32
          %dma_start3A_873 = arith.constant 0 : i32
          %dma_start3A_874 = arith.constant 2 : i32
          %dma_start3A_875 = arith.constant 0 : i32
          %dma_start3A_876 = arith.constant 0 : i32
          %dma_start3A_877 = tpu.memref_slice %arg13[%dma_start3A_874, %dma_start3A_875, %dma_start3A_876] : memref<3x48x128xf32, #tpu.memory_space<vmem>> -> memref<1x48x128xf32, #tpu.memory_space<vmem>>
          %dma_start3A_878 = tpu.memref_squeeze %dma_start3A_877 : memref<1x48x128xf32, #tpu.memory_space<vmem>> -> memref<48x128xf32, #tpu.memory_space<vmem>>
          %dma_start3A_879 = arith.constant 0 : i32
          %dma_start3A_880 = tpu.memref_slice %arg10[%dma_start3A_872, %dma_start3A_873, %dma_start3A_879] : memref<3x2x48xi32, #tpu.memory_space<vmem>> -> memref<1x1x48xi32, #tpu.memory_space<vmem>>
          %dma_start3A_881 = tpu.memref_squeeze %dma_start3A_880 : memref<1x1x48xi32, #tpu.memory_space<vmem>> -> memref<48xi32, #tpu.memory_space<vmem>>
          %dma_start3A_882 = arith.constant 0 : i32
          %dma_start3A_883 = arith.constant 0 : i32
          %dma_start3A_884 = tpu.memref_slice %arg5[%dma_start3A_882, %dma_start3A_883] : memref<10000x128xf32, #tpu.memory_space<hbm>> -> memref<10000x128xf32, #tpu.memory_space<hbm>>
          tpu.enqueue_indirect_dma source(%dma_start3A_884 : memref<10000x128xf32, #tpu.memory_space<hbm>>) target(%dma_start3A_878 : memref<48x128xf32, #tpu.memory_space<vmem>>) offsets(%dma_start3A_881 : memref<48xi32, #tpu.memory_space<vmem>>) semaphore(%arg21 : memref<!tpu.dma_semaphore, #tpu.memory_space<semaphore_mem>>)
        } else {
        }
        %get3A_474 = arith.constant 1 : i32
        %get3A_475 = arith.constant 0 : i32
        %get3A_476 = arith.index_cast %get3A_474 : i32 to index
        %get3A_477 = arith.index_cast %get3A_475 : i32 to index
        %get3A_478 = arith.constant 0 : index
        %get3A_479 = tpu.vector_load %arg10[%get3A_476, %get3A_477, %get3A_478] {strides = array<i32>} : memref<3x2x48xi32, #tpu.memory_space<vmem>>, vector<16xi32>,
        %get3A_480 = arith.constant 1 : i32
        %get3A_481 = arith.constant 1 : i32
        %get3A_482 = arith.index_cast %get3A_480 : i32 to index
        %get3A_483 = arith.index_cast %get3A_481 : i32 to index
        %get3A_484 = arith.constant 0 : index
        %get3A_485 = tpu.vector_load %arg10[%get3A_482, %get3A_483, %get3A_484] {strides = array<i32>} : memref<3x2x48xi32, #tpu.memory_space<vmem>>, vector<16xi32>,
        %gather3A_486 = tpu.vector_load_idx %arg9[%get3A_479] : memref<10000xf32, #tpu.memory_space<vmem>>[vector<16xi32>], vector<16xf32>,
        %gather3A_487 = tpu.vector_load_idx %arg8[%get3A_479] : memref<10000xf32, #tpu.memory_space<vmem>>[vector<16xi32>], vector<16xf32>,
        %gather3A_488 = tpu.vector_load_idx %arg8[%get3A_485] : memref<10000xf32, #tpu.memory_space<vmem>>[vector<16xi32>], vector<16xf32>,
        %sub3A_489 = arith.subf %gather3A_487, %gather3A_488 : vector<16xf32>
        %abs3A_490 = math.absf %sub3A_489 : vector<16xf32>
        %neg3A_491 = arith.constant 0.000000e+00 : f32
        %neg3A_492 = vector.broadcast %neg3A_491 : f32 to vector<16xf32>
        %neg3A_493 = arith.subf %neg3A_492, %abs3A_490 : vector<16xf32>
        %mul3A_494 = arith.mulf %gather3A_486, %neg3A_493 : vector<16xf32>
        %div3A_495 = arith.constant 5.000000e+02 : f32
        %div3A_496 = vector.broadcast %div3A_495 : f32 to vector<16xf32>
        %div3A_497 = arith.divf %mul3A_494, %div3A_496 : vector<16xf32>
        %exp3A_498 = math.exp %div3A_497 : vector<16xf32>
        %exp3A_499 = math.exp %exp3A_498 : vector<16xf32>
        %mul3A_500 = arith.constant 48 : i32
        %mul3A_501 = arith.muli %add3A_453, %mul3A_500 : i32
        %add3A_502 = arith.addi %mul3A_153, %mul3A_501 : i32
        %add3A_503 = arith.constant 0 : i32
        %add3A_504 = arith.addi %add3A_502, %add3A_503 : i32
        %iota3A_505 = tpu.iota {dimensions = array<i32: 0>} : vector<16xi32>
        %add3A_506 = vector.broadcast %add3A_504 : i32 to vector<16xi32>
        %add3A_507 = arith.addi %add3A_506, %iota3A_505 : vector<16xi32>
        %lt3A_508 = arith.constant 320000 : i32
        %lt3A_509 = vector.broadcast %lt3A_508 : i32 to vector<16xi32>
        %lt3A_510 = arith.cmpi slt, %add3A_507, %lt3A_509 : vector<16xi32>
        %jit3A_511 = arith.constant 0.000000e+00 : f32
        %broadcast_in_dim3A_512 = vector.broadcast %jit3A_511 : f32 to vector<16xf32>
        %select_n3A_513 = arith.select %lt3A_510, %exp3A_499, %broadcast_in_dim3A_512 : vector<16xi1>, vector<16xf32>
        %swap3A_514 = arith.constant 0 : index
        %swap3A_515 = tpu.vector_load %arg11[%swap3A_514] {strides = array<i32>} : memref<48xf32, #tpu.memory_space<vmem>>, vector<16xf32>,
        tpu.vector_store %arg11[%swap3A_514], %select_n3A_513 {strides = array<i32>} : memref<48xf32, #tpu.memory_space<vmem>>, vector<16xf32>,
        %swap3A_516 = arith.constant 1 : i32
        %swap3A_517 = arith.index_cast %swap3A_516 : i32 to index
        %swap3A_518 = arith.constant 0 : index
        %swap3A_519 = tpu.vector_load %arg12[%swap3A_517, %swap3A_518] {strides = array<i32>} : memref<3x48xi32, #tpu.memory_space<vmem>>, vector<16xi32>,
        tpu.vector_store %arg12[%swap3A_517, %swap3A_518], %get3A_485 {strides = array<i32>} : memref<3x48xi32, #tpu.memory_space<vmem>>, vector<16xi32>,
        %broadcast_in_dim3A_520 = arith.constant 0 : i32
        %broadcast_in_dim3A_521 = vector.broadcast %broadcast_in_dim3A_520 : i32 to vector<16xi32>
        tpu.vector_store_idx %arg14[%broadcast_in_dim3A_521, %get3A_485], %select_n3A_513 {add = true} : memref<1x10000xf32, #tpu.memory_space<vmem>>[vector<16xi32>, vector<16xi32>], vector<16xf32>,
        %get3A_522 = arith.constant 1 : i32
        %get3A_523 = arith.constant 0 : i32
        %get3A_524 = arith.index_cast %get3A_522 : i32 to index
        %get3A_525 = arith.index_cast %get3A_523 : i32 to index
        %get3A_526 = arith.constant 16 : index
        %get3A_527 = tpu.vector_load %arg10[%get3A_524, %get3A_525, %get3A_526] {strides = array<i32>} : memref<3x2x48xi32, #tpu.memory_space<vmem>>, vector<16xi32>,
        %get3A_528 = arith.constant 1 : i32
        %get3A_529 = arith.constant 1 : i32
        %get3A_530 = arith.index_cast %get3A_528 : i32 to index
        %get3A_531 = arith.index_cast %get3A_529 : i32 to index
        %get3A_532 = arith.constant 16 : index
        %get3A_533 = tpu.vector_load %arg10[%get3A_530, %get3A_531, %get3A_532] {strides = array<i32>} : memref<3x2x48xi32, #tpu.memory_space<vmem>>, vector<16xi32>,
        %gather3A_534 = tpu.vector_load_idx %arg9[%get3A_527] : memref<10000xf32, #tpu.memory_space<vmem>>[vector<16xi32>], vector<16xf32>,
        %gather3A_535 = tpu.vector_load_idx %arg8[%get3A_527] : memref<10000xf32, #tpu.memory_space<vmem>>[vector<16xi32>], vector<16xf32>,
        %gather3A_536 = tpu.vector_load_idx %arg8[%get3A_533] : memref<10000xf32, #tpu.memory_space<vmem>>[vector<16xi32>], vector<16xf32>,
        %sub3A_537 = arith.subf %gather3A_535, %gather3A_536 : vector<16xf32>
        %abs3A_538 = math.absf %sub3A_537 : vector<16xf32>
        %neg3A_539 = arith.constant 0.000000e+00 : f32
        %neg3A_540 = vector.broadcast %neg3A_539 : f32 to vector<16xf32>
        %neg3A_541 = arith.subf %neg3A_540, %abs3A_538 : vector<16xf32>
        %mul3A_542 = arith.mulf %gather3A_534, %neg3A_541 : vector<16xf32>
        %div3A_543 = arith.constant 5.000000e+02 : f32
        %div3A_544 = vector.broadcast %div3A_543 : f32 to vector<16xf32>
        %div3A_545 = arith.divf %mul3A_542, %div3A_544 : vector<16xf32>
        %exp3A_546 = math.exp %div3A_545 : vector<16xf32>
        %exp3A_547 = math.exp %exp3A_546 : vector<16xf32>
        %mul3A_548 = arith.constant 48 : i32
        %mul3A_549 = arith.muli %add3A_453, %mul3A_548 : i32
        %add3A_550 = arith.addi %mul3A_153, %mul3A_549 : i32
        %add3A_551 = arith.constant 16 : i32
        %add3A_552 = arith.addi %add3A_550, %add3A_551 : i32
        %iota3A_553 = tpu.iota {dimensions = array<i32: 0>} : vector<16xi32>
        %add3A_554 = vector.broadcast %add3A_552 : i32 to vector<16xi32>
        %add3A_555 = arith.addi %add3A_554, %iota3A_553 : vector<16xi32>
        %lt3A_556 = arith.constant 320000 : i32
        %lt3A_557 = vector.broadcast %lt3A_556 : i32 to vector<16xi32>
        %lt3A_558 = arith.cmpi slt, %add3A_555, %lt3A_557 : vector<16xi32>
        %jit3A_559 = arith.constant 0.000000e+00 : f32
        %broadcast_in_dim3A_560 = vector.broadcast %jit3A_559 : f32 to vector<16xf32>
        %select_n3A_561 = arith.select %lt3A_558, %exp3A_547, %broadcast_in_dim3A_560 : vector<16xi1>, vector<16xf32>
        %swap3A_562 = arith.constant 16 : index
        %swap3A_563 = tpu.vector_load %arg11[%swap3A_562] {strides = array<i32>} : memref<48xf32, #tpu.memory_space<vmem>>, vector<16xf32>,
        tpu.vector_store %arg11[%swap3A_562], %select_n3A_561 {strides = array<i32>} : memref<48xf32, #tpu.memory_space<vmem>>, vector<16xf32>,
        %swap3A_564 = arith.constant 1 : i32
        %swap3A_565 = arith.index_cast %swap3A_564 : i32 to index
        %swap3A_566 = arith.constant 16 : index
        %swap3A_567 = tpu.vector_load %arg12[%swap3A_565, %swap3A_566] {strides = array<i32>} : memref<3x48xi32, #tpu.memory_space<vmem>>, vector<16xi32>,
        tpu.vector_store %arg12[%swap3A_565, %swap3A_566], %get3A_533 {strides = array<i32>} : memref<3x48xi32, #tpu.memory_space<vmem>>, vector<16xi32>,
        %broadcast_in_dim3A_568 = arith.constant 0 : i32
        %broadcast_in_dim3A_569 = vector.broadcast %broadcast_in_dim3A_568 : i32 to vector<16xi32>
        tpu.vector_store_idx %arg14[%broadcast_in_dim3A_569, %get3A_533], %select_n3A_561 {add = true} : memref<1x10000xf32, #tpu.memory_space<vmem>>[vector<16xi32>, vector<16xi32>], vector<16xf32>,
        %get3A_570 = arith.constant 1 : i32
        %get3A_571 = arith.constant 0 : i32
        %get3A_572 = arith.index_cast %get3A_570 : i32 to index
        %get3A_573 = arith.index_cast %get3A_571 : i32 to index
        %get3A_574 = arith.constant 32 : index
        %get3A_575 = tpu.vector_load %arg10[%get3A_572, %get3A_573, %get3A_574] {strides = array<i32>} : memref<3x2x48xi32, #tpu.memory_space<vmem>>, vector<16xi32>,
        %get3A_576 = arith.constant 1 : i32
        %get3A_577 = arith.constant 1 : i32
        %get3A_578 = arith.index_cast %get3A_576 : i32 to index
        %get3A_579 = arith.index_cast %get3A_577 : i32 to index
        %get3A_580 = arith.constant 32 : index
        %get3A_581 = tpu.vector_load %arg10[%get3A_578, %get3A_579, %get3A_580] {strides = array<i32>} : memref<3x2x48xi32, #tpu.memory_space<vmem>>, vector<16xi32>,
        %gather3A_582 = tpu.vector_load_idx %arg9[%get3A_575] : memref<10000xf32, #tpu.memory_space<vmem>>[vector<16xi32>], vector<16xf32>,
        %gather3A_583 = tpu.vector_load_idx %arg8[%get3A_575] : memref<10000xf32, #tpu.memory_space<vmem>>[vector<16xi32>], vector<16xf32>,
        %gather3A_584 = tpu.vector_load_idx %arg8[%get3A_581] : memref<10000xf32, #tpu.memory_space<vmem>>[vector<16xi32>], vector<16xf32>,
        %sub3A_585 = arith.subf %gather3A_583, %gather3A_584 : vector<16xf32>
        %abs3A_586 = math.absf %sub3A_585 : vector<16xf32>
        %neg3A_587 = arith.constant 0.000000e+00 : f32
        %neg3A_588 = vector.broadcast %neg3A_587 : f32 to vector<16xf32>
        %neg3A_589 = arith.subf %neg3A_588, %abs3A_586 : vector<16xf32>
        %mul3A_590 = arith.mulf %gather3A_582, %neg3A_589 : vector<16xf32>
        %div3A_591 = arith.constant 5.000000e+02 : f32
        %div3A_592 = vector.broadcast %div3A_591 : f32 to vector<16xf32>
        %div3A_593 = arith.divf %mul3A_590, %div3A_592 : vector<16xf32>
        %exp3A_594 = math.exp %div3A_593 : vector<16xf32>
        %exp3A_595 = math.exp %exp3A_594 : vector<16xf32>
        %mul3A_596 = arith.constant 48 : i32
        %mul3A_597 = arith.muli %add3A_453, %mul3A_596 : i32
        %add3A_598 = arith.addi %mul3A_153, %mul3A_597 : i32
        %add3A_599 = arith.constant 32 : i32
        %add3A_600 = arith.addi %add3A_598, %add3A_599 : i32
        %iota3A_601 = tpu.iota {dimensions = array<i32: 0>} : vector<16xi32>
        %add3A_602 = vector.broadcast %add3A_600 : i32 to vector<16xi32>
        %add3A_603 = arith.addi %add3A_602, %iota3A_601 : vector<16xi32>
        %lt3A_604 = arith.constant 320000 : i32
        %lt3A_605 = vector.broadcast %lt3A_604 : i32 to vector<16xi32>
        %lt3A_606 = arith.cmpi slt, %add3A_603, %lt3A_605 : vector<16xi32>
        %jit3A_607 = arith.constant 0.000000e+00 : f32
        %broadcast_in_dim3A_608 = vector.broadcast %jit3A_607 : f32 to vector<16xf32>
        %select_n3A_609 = arith.select %lt3A_606, %exp3A_595, %broadcast_in_dim3A_608 : vector<16xi1>, vector<16xf32>
        %swap3A_610 = arith.constant 32 : index
        %swap3A_611 = tpu.vector_load %arg11[%swap3A_610] {strides = array<i32>} : memref<48xf32, #tpu.memory_space<vmem>>, vector<16xf32>,
        tpu.vector_store %arg11[%swap3A_610], %select_n3A_609 {strides = array<i32>} : memref<48xf32, #tpu.memory_space<vmem>>, vector<16xf32>,
        %swap3A_612 = arith.constant 1 : i32
        %swap3A_613 = arith.index_cast %swap3A_612 : i32 to index
        %swap3A_614 = arith.constant 32 : index
        %swap3A_615 = tpu.vector_load %arg12[%swap3A_613, %swap3A_614] {strides = array<i32>} : memref<3x48xi32, #tpu.memory_space<vmem>>, vector<16xi32>,
        tpu.vector_store %arg12[%swap3A_613, %swap3A_614], %get3A_581 {strides = array<i32>} : memref<3x48xi32, #tpu.memory_space<vmem>>, vector<16xi32>,
        %broadcast_in_dim3A_616 = arith.constant 0 : i32
        %broadcast_in_dim3A_617 = vector.broadcast %broadcast_in_dim3A_616 : i32 to vector<16xi32>
        tpu.vector_store_idx %arg14[%broadcast_in_dim3A_617, %get3A_581], %select_n3A_609 {add = true} : memref<1x10000xf32, #tpu.memory_space<vmem>>[vector<16xi32>, vector<16xi32>], vector<16xf32>,
        %scan3A_618 = arith.constant 0 : i32
        %scan3A_619 = arith.constant 48 : i32
        %scan3A_620 = arith.addi %scan3A_618, %scan3A_619 : i32
        %scan3A_621 = arith.constant 2 : i32
        scf.for %scan3A_840 = %scan3A_618 to %scan3A_620 step %scan3A_621  : i32 {
          %mul3A_841 = arith.constant 1 : i32
          %mul3A_842 = arith.muli %scan3A_840, %mul3A_841 : i32
          %add3A_843 = arith.constant 0 : i32
          %add3A_844 = arith.addi %add3A_843, %mul3A_842 : i32
          %broadcast_in_dim3A_845 = vector.broadcast %add3A_844 : i32 to vector<16xi32>
          %gather3A_846 = tpu.vector_load_idx %arg11[%broadcast_in_dim3A_845] : memref<48xf32, #tpu.memory_space<vmem>>[vector<16xi32>], vector<16xf32>,
          %get3A_847 = arith.constant 1 : i32
          %get3A_848 = arith.index_cast %get3A_847 : i32 to index
          %get3A_849 = arith.index_cast %add3A_844 : i32 to index
          %get3A_850 = arith.constant 0 : index
          %get3A_851 = tpu.vector_load %arg13[%get3A_848, %get3A_849, %get3A_850] {strides = array<i32>} : memref<3x48x128xf32, #tpu.memory_space<vmem>>, vector<16xf32>,
          %mul3A_852 = arith.mulf %get3A_851, %gather3A_846 : vector<16xf32>
          %swap3A_853 = arith.constant 1 : i32
          %swap3A_854 = arith.index_cast %swap3A_853 : i32 to index
          %swap3A_855 = arith.index_cast %add3A_844 : i32 to index
          %swap3A_856 = arith.constant 0 : index
          %swap3A_857 = tpu.vector_load %arg13[%swap3A_854, %swap3A_855, %swap3A_856] {strides = array<i32>} : memref<3x48x128xf32, #tpu.memory_space<vmem>>, vector<16xf32>,
          tpu.vector_store %arg13[%swap3A_854, %swap3A_855, %swap3A_856], %mul3A_852 {strides = array<i32>} : memref<3x48x128xf32, #tpu.memory_space<vmem>>, vector<16xf32>,
          %get3A_858 = arith.constant 1 : i32
          %get3A_859 = arith.index_cast %get3A_858 : i32 to index
          %get3A_860 = arith.index_cast %add3A_844 : i32 to index
          %get3A_861 = arith.constant 16 : index
          %get3A_862 = tpu.vector_load %arg13[%get3A_859, %get3A_860, %get3A_861] {strides = array<i32>} : memref<3x48x128xf32, #tpu.memory_space<vmem>>, vector<16xf32>,
          %mul3A_863 = arith.mulf %get3A_862, %gather3A_846 : vector<16xf32>
          %swap3A_864 = arith.constant 1 : i32
          %swap3A_865 = arith.index_cast %swap3A_864 : i32 to index
          %swap3A_866 = arith.index_cast %add3A_844 : i32 to index
          %swap3A_867 = arith.constant 16 : index
          %swap3A_868 = tpu.vector_load %arg13[%swap3A_865, %swap3A_866, %swap3A_867] {strides = array<i32>} : memref<3x48x128xf32, #tpu.memory_space<vmem>>, vector<16xf32>,
          tpu.vector_store %arg13[%swap3A_865, %swap3A_866, %swap3A_867], %mul3A_863 {strides = array<i32>} : memref<3x48x128xf32, #tpu.memory_space<vmem>>, vector<16xf32>,
          %get3A_869 = arith.constant 1 : i32
          %get3A_870 = arith.index_cast %get3A_869 : i32 to index
          %get3A_871 = arith.index_cast %add3A_844 : i32 to index
          %get3A_872 = arith.constant 32 : index
          %get3A_873 = tpu.vector_load %arg13[%get3A_870, %get3A_871, %get3A_872] {strides = array<i32>} : memref<3x48x128xf32, #tpu.memory_space<vmem>>, vector<16xf32>,
          %mul3A_874 = arith.mulf %get3A_873, %gather3A_846 : vector<16xf32>
          %swap3A_875 = arith.constant 1 : i32
          %swap3A_876 = arith.index_cast %swap3A_875 : i32 to index
          %swap3A_877 = arith.index_cast %add3A_844 : i32 to index
          %swap3A_878 = arith.constant 32 : index
          %swap3A_879 = tpu.vector_load %arg13[%swap3A_876, %swap3A_877, %swap3A_878] {strides = array<i32>} : memref<3x48x128xf32, #tpu.memory_space<vmem>>, vector<16xf32>,
          tpu.vector_store %arg13[%swap3A_876, %swap3A_877, %swap3A_878], %mul3A_874 {strides = array<i32>} : memref<3x48x128xf32, #tpu.memory_space<vmem>>, vector<16xf32>,
          %get3A_880 = arith.constant 1 : i32
          %get3A_881 = arith.index_cast %get3A_880 : i32 to index
          %get3A_882 = arith.index_cast %add3A_844 : i32 to index
          %get3A_883 = arith.constant 48 : index
          %get3A_884 = tpu.vector_load %arg13[%get3A_881, %get3A_882, %get3A_883] {strides = array<i32>} : memref<3x48x128xf32, #tpu.memory_space<vmem>>, vector<16xf32>,
          %mul3A_885 = arith.mulf %get3A_884, %gather3A_846 : vector<16xf32>
          %swap3A_886 = arith.constant 1 : i32
          %swap3A_887 = arith.index_cast %swap3A_886 : i32 to index
          %swap3A_888 = arith.index_cast %add3A_844 : i32 to index
          %swap3A_889 = arith.constant 48 : index
          %swap3A_890 = tpu.vector_load %arg13[%swap3A_887, %swap3A_888, %swap3A_889] {strides = array<i32>} : memref<3x48x128xf32, #tpu.memory_space<vmem>>, vector<16xf32>,
          tpu.vector_store %arg13[%swap3A_887, %swap3A_888, %swap3A_889], %mul3A_885 {strides = array<i32>} : memref<3x48x128xf32, #tpu.memory_space<vmem>>, vector<16xf32>,
          %get3A_891 = arith.constant 1 : i32
          %get3A_892 = arith.index_cast %get3A_891 : i32 to index
          %get3A_893 = arith.index_cast %add3A_844 : i32 to index
          %get3A_894 = arith.constant 64 : index
          %get3A_895 = tpu.vector_load %arg13[%get3A_892, %get3A_893, %get3A_894] {strides = array<i32>} : memref<3x48x128xf32, #tpu.memory_space<vmem>>, vector<16xf32>,
          %mul3A_896 = arith.mulf %get3A_895, %gather3A_846 : vector<16xf32>
          %swap3A_897 = arith.constant 1 : i32
          %swap3A_898 = arith.index_cast %swap3A_897 : i32 to index
          %swap3A_899 = arith.index_cast %add3A_844 : i32 to index
          %swap3A_900 = arith.constant 64 : index
          %swap3A_901 = tpu.vector_load %arg13[%swap3A_898, %swap3A_899, %swap3A_900] {strides = array<i32>} : memref<3x48x128xf32, #tpu.memory_space<vmem>>, vector<16xf32>,
          tpu.vector_store %arg13[%swap3A_898, %swap3A_899, %swap3A_900], %mul3A_896 {strides = array<i32>} : memref<3x48x128xf32, #tpu.memory_space<vmem>>, vector<16xf32>,
          %get3A_902 = arith.constant 1 : i32
          %get3A_903 = arith.index_cast %get3A_902 : i32 to index
          %get3A_904 = arith.index_cast %add3A_844 : i32 to index
          %get3A_905 = arith.constant 80 : index
          %get3A_906 = tpu.vector_load %arg13[%get3A_903, %get3A_904, %get3A_905] {strides = array<i32>} : memref<3x48x128xf32, #tpu.memory_space<vmem>>, vector<16xf32>,
          %mul3A_907 = arith.mulf %get3A_906, %gather3A_846 : vector<16xf32>
          %swap3A_908 = arith.constant 1 : i32
          %swap3A_909 = arith.index_cast %swap3A_908 : i32 to index
          %swap3A_910 = arith.index_cast %add3A_844 : i32 to index
          %swap3A_911 = arith.constant 80 : index
          %swap3A_912 = tpu.vector_load %arg13[%swap3A_909, %swap3A_910, %swap3A_911] {strides = array<i32>} : memref<3x48x128xf32, #tpu.memory_space<vmem>>, vector<16xf32>,
          tpu.vector_store %arg13[%swap3A_909, %swap3A_910, %swap3A_911], %mul3A_907 {strides = array<i32>} : memref<3x48x128xf32, #tpu.memory_space<vmem>>, vector<16xf32>,
          %get3A_913 = arith.constant 1 : i32
          %get3A_914 = arith.index_cast %get3A_913 : i32 to index
          %get3A_915 = arith.index_cast %add3A_844 : i32 to index
          %get3A_916 = arith.constant 96 : index
          %get3A_917 = tpu.vector_load %arg13[%get3A_914, %get3A_915, %get3A_916] {strides = array<i32>} : memref<3x48x128xf32, #tpu.memory_space<vmem>>, vector<16xf32>,
          %mul3A_918 = arith.mulf %get3A_917, %gather3A_846 : vector<16xf32>
          %swap3A_919 = arith.constant 1 : i32
          %swap3A_920 = arith.index_cast %swap3A_919 : i32 to index
          %swap3A_921 = arith.index_cast %add3A_844 : i32 to index
          %swap3A_922 = arith.constant 96 : index
          %swap3A_923 = tpu.vector_load %arg13[%swap3A_920, %swap3A_921, %swap3A_922] {strides = array<i32>} : memref<3x48x128xf32, #tpu.memory_space<vmem>>, vector<16xf32>,
          tpu.vector_store %arg13[%swap3A_920, %swap3A_921, %swap3A_922], %mul3A_918 {strides = array<i32>} : memref<3x48x128xf32, #tpu.memory_space<vmem>>, vector<16xf32>,
          %get3A_924 = arith.constant 1 : i32
          %get3A_925 = arith.index_cast %get3A_924 : i32 to index
          %get3A_926 = arith.index_cast %add3A_844 : i32 to index
          %get3A_927 = arith.constant 112 : index
          %get3A_928 = tpu.vector_load %arg13[%get3A_925, %get3A_926, %get3A_927] {strides = array<i32>} : memref<3x48x128xf32, #tpu.memory_space<vmem>>, vector<16xf32>,
          %mul3A_929 = arith.mulf %get3A_928, %gather3A_846 : vector<16xf32>
          %swap3A_930 = arith.constant 1 : i32
          %swap3A_931 = arith.index_cast %swap3A_930 : i32 to index
          %swap3A_932 = arith.index_cast %add3A_844 : i32 to index
          %swap3A_933 = arith.constant 112 : index
          %swap3A_934 = tpu.vector_load %arg13[%swap3A_931, %swap3A_932, %swap3A_933] {strides = array<i32>} : memref<3x48x128xf32, #tpu.memory_space<vmem>>, vector<16xf32>,
          tpu.vector_store %arg13[%swap3A_931, %swap3A_932, %swap3A_933], %mul3A_929 {strides = array<i32>} : memref<3x48x128xf32, #tpu.memory_space<vmem>>, vector<16xf32>,
          %scan3A_935 = arith.constant 1 : i32
          %scan3A_936 = arith.addi %scan3A_840, %scan3A_935 : i32
          %mul3A_937 = arith.constant 1 : i32
          %mul3A_938 = arith.muli %scan3A_936, %mul3A_937 : i32
          %add3A_939 = arith.constant 0 : i32
          %add3A_940 = arith.addi %add3A_939, %mul3A_938 : i32
          %broadcast_in_dim3A_941 = vector.broadcast %add3A_940 : i32 to vector<16xi32>
          %gather3A_942 = tpu.vector_load_idx %arg11[%broadcast_in_dim3A_941] : memref<48xf32, #tpu.memory_space<vmem>>[vector<16xi32>], vector<16xf32>,
          %get3A_943 = arith.constant 1 : i32
          %get3A_944 = arith.index_cast %get3A_943 : i32 to index
          %get3A_945 = arith.index_cast %add3A_940 : i32 to index
          %get3A_946 = arith.constant 0 : index
          %get3A_947 = tpu.vector_load %arg13[%get3A_944, %get3A_945, %get3A_946] {strides = array<i32>} : memref<3x48x128xf32, #tpu.memory_space<vmem>>, vector<16xf32>,
          %mul3A_948 = arith.mulf %get3A_947, %gather3A_942 : vector<16xf32>
          %swap3A_949 = arith.constant 1 : i32
          %swap3A_950 = arith.index_cast %swap3A_949 : i32 to index
          %swap3A_951 = arith.index_cast %add3A_940 : i32 to index
          %swap3A_952 = arith.constant 0 : index
          %swap3A_953 = tpu.vector_load %arg13[%swap3A_950, %swap3A_951, %swap3A_952] {strides = array<i32>} : memref<3x48x128xf32, #tpu.memory_space<vmem>>, vector<16xf32>,
          tpu.vector_store %arg13[%swap3A_950, %swap3A_951, %swap3A_952], %mul3A_948 {strides = array<i32>} : memref<3x48x128xf32, #tpu.memory_space<vmem>>, vector<16xf32>,
          %get3A_954 = arith.constant 1 : i32
          %get3A_955 = arith.index_cast %get3A_954 : i32 to index
          %get3A_956 = arith.index_cast %add3A_940 : i32 to index
          %get3A_957 = arith.constant 16 : index
          %get3A_958 = tpu.vector_load %arg13[%get3A_955, %get3A_956, %get3A_957] {strides = array<i32>} : memref<3x48x128xf32, #tpu.memory_space<vmem>>, vector<16xf32>,
          %mul3A_959 = arith.mulf %get3A_958, %gather3A_942 : vector<16xf32>
          %swap3A_960 = arith.constant 1 : i32
          %swap3A_961 = arith.index_cast %swap3A_960 : i32 to index
          %swap3A_962 = arith.index_cast %add3A_940 : i32 to index
          %swap3A_963 = arith.constant 16 : index
          %swap3A_964 = tpu.vector_load %arg13[%swap3A_961, %swap3A_962, %swap3A_963] {strides = array<i32>} : memref<3x48x128xf32, #tpu.memory_space<vmem>>, vector<16xf32>,
          tpu.vector_store %arg13[%swap3A_961, %swap3A_962, %swap3A_963], %mul3A_959 {strides = array<i32>} : memref<3x48x128xf32, #tpu.memory_space<vmem>>, vector<16xf32>,
          %get3A_965 = arith.constant 1 : i32
          %get3A_966 = arith.index_cast %get3A_965 : i32 to index
          %get3A_967 = arith.index_cast %add3A_940 : i32 to index
          %get3A_968 = arith.constant 32 : index
          %get3A_969 = tpu.vector_load %arg13[%get3A_966, %get3A_967, %get3A_968] {strides = array<i32>} : memref<3x48x128xf32, #tpu.memory_space<vmem>>, vector<16xf32>,
          %mul3A_970 = arith.mulf %get3A_969, %gather3A_942 : vector<16xf32>
          %swap3A_971 = arith.constant 1 : i32
          %swap3A_972 = arith.index_cast %swap3A_971 : i32 to index
          %swap3A_973 = arith.index_cast %add3A_940 : i32 to index
          %swap3A_974 = arith.constant 32 : index
          %swap3A_975 = tpu.vector_load %arg13[%swap3A_972, %swap3A_973, %swap3A_974] {strides = array<i32>} : memref<3x48x128xf32, #tpu.memory_space<vmem>>, vector<16xf32>,
          tpu.vector_store %arg13[%swap3A_972, %swap3A_973, %swap3A_974], %mul3A_970 {strides = array<i32>} : memref<3x48x128xf32, #tpu.memory_space<vmem>>, vector<16xf32>,
          %get3A_976 = arith.constant 1 : i32
          %get3A_977 = arith.index_cast %get3A_976 : i32 to index
          %get3A_978 = arith.index_cast %add3A_940 : i32 to index
          %get3A_979 = arith.constant 48 : index
          %get3A_980 = tpu.vector_load %arg13[%get3A_977, %get3A_978, %get3A_979] {strides = array<i32>} : memref<3x48x128xf32, #tpu.memory_space<vmem>>, vector<16xf32>,
          %mul3A_981 = arith.mulf %get3A_980, %gather3A_942 : vector<16xf32>
          %swap3A_982 = arith.constant 1 : i32
          %swap3A_983 = arith.index_cast %swap3A_982 : i32 to index
          %swap3A_984 = arith.index_cast %add3A_940 : i32 to index
          %swap3A_985 = arith.constant 48 : index
          %swap3A_986 = tpu.vector_load %arg13[%swap3A_983, %swap3A_984, %swap3A_985] {strides = array<i32>} : memref<3x48x128xf32, #tpu.memory_space<vmem>>, vector<16xf32>,
          tpu.vector_store %arg13[%swap3A_983, %swap3A_984, %swap3A_985], %mul3A_981 {strides = array<i32>} : memref<3x48x128xf32, #tpu.memory_space<vmem>>, vector<16xf32>,
          %get3A_987 = arith.constant 1 : i32
          %get3A_988 = arith.index_cast %get3A_987 : i32 to index
          %get3A_989 = arith.index_cast %add3A_940 : i32 to index
          %get3A_990 = arith.constant 64 : index
          %get3A_991 = tpu.vector_load %arg13[%get3A_988, %get3A_989, %get3A_990] {strides = array<i32>} : memref<3x48x128xf32, #tpu.memory_space<vmem>>, vector<16xf32>,
          %mul3A_992 = arith.mulf %get3A_991, %gather3A_942 : vector<16xf32>
          %swap3A_993 = arith.constant 1 : i32
          %swap3A_994 = arith.index_cast %swap3A_993 : i32 to index
          %swap3A_995 = arith.index_cast %add3A_940 : i32 to index
          %swap3A_996 = arith.constant 64 : index
          %swap3A_997 = tpu.vector_load %arg13[%swap3A_994, %swap3A_995, %swap3A_996] {strides = array<i32>} : memref<3x48x128xf32, #tpu.memory_space<vmem>>, vector<16xf32>,
          tpu.vector_store %arg13[%swap3A_994, %swap3A_995, %swap3A_996], %mul3A_992 {strides = array<i32>} : memref<3x48x128xf32, #tpu.memory_space<vmem>>, vector<16xf32>,
          %get3A_998 = arith.constant 1 : i32
          %get3A_999 = arith.index_cast %get3A_998 : i32 to index
          %get3A_1000 = arith.index_cast %add3A_940 : i32 to index
          %get3A_1001 = arith.constant 80 : index
          %get3A_1002 = tpu.vector_load %arg13[%get3A_999, %get3A_1000, %get3A_1001] {strides = array<i32>} : memref<3x48x128xf32, #tpu.memory_space<vmem>>, vector<16xf32>,
          %mul3A_1003 = arith.mulf %get3A_1002, %gather3A_942 : vector<16xf32>
          %swap3A_1004 = arith.constant 1 : i32
          %swap3A_1005 = arith.index_cast %swap3A_1004 : i32 to index
          %swap3A_1006 = arith.index_cast %add3A_940 : i32 to index
          %swap3A_1007 = arith.constant 80 : index
          %swap3A_1008 = tpu.vector_load %arg13[%swap3A_1005, %swap3A_1006, %swap3A_1007] {strides = array<i32>} : memref<3x48x128xf32, #tpu.memory_space<vmem>>, vector<16xf32>,
          tpu.vector_store %arg13[%swap3A_1005, %swap3A_1006, %swap3A_1007], %mul3A_1003 {strides = array<i32>} : memref<3x48x128xf32, #tpu.memory_space<vmem>>, vector<16xf32>,
          %get3A_1009 = arith.constant 1 : i32
          %get3A_1010 = arith.index_cast %get3A_1009 : i32 to index
          %get3A_1011 = arith.index_cast %add3A_940 : i32 to index
          %get3A_1012 = arith.constant 96 : index
          %get3A_1013 = tpu.vector_load %arg13[%get3A_1010, %get3A_1011, %get3A_1012] {strides = array<i32>} : memref<3x48x128xf32, #tpu.memory_space<vmem>>, vector<16xf32>,
          %mul3A_1014 = arith.mulf %get3A_1013, %gather3A_942 : vector<16xf32>
          %swap3A_1015 = arith.constant 1 : i32
          %swap3A_1016 = arith.index_cast %swap3A_1015 : i32 to index
          %swap3A_1017 = arith.index_cast %add3A_940 : i32 to index
          %swap3A_1018 = arith.constant 96 : index
          %swap3A_1019 = tpu.vector_load %arg13[%swap3A_1016, %swap3A_1017, %swap3A_1018] {strides = array<i32>} : memref<3x48x128xf32, #tpu.memory_space<vmem>>, vector<16xf32>,
          tpu.vector_store %arg13[%swap3A_1016, %swap3A_1017, %swap3A_1018], %mul3A_1014 {strides = array<i32>} : memref<3x48x128xf32, #tpu.memory_space<vmem>>, vector<16xf32>,
          %get3A_1020 = arith.constant 1 : i32
          %get3A_1021 = arith.index_cast %get3A_1020 : i32 to index
          %get3A_1022 = arith.index_cast %add3A_940 : i32 to index
          %get3A_1023 = arith.constant 112 : index
          %get3A_1024 = tpu.vector_load %arg13[%get3A_1021, %get3A_1022, %get3A_1023] {strides = array<i32>} : memref<3x48x128xf32, #tpu.memory_space<vmem>>, vector<16xf32>,
          %mul3A_1025 = arith.mulf %get3A_1024, %gather3A_942 : vector<16xf32>
          %swap3A_1026 = arith.constant 1 : i32
          %swap3A_1027 = arith.index_cast %swap3A_1026 : i32 to index
          %swap3A_1028 = arith.index_cast %add3A_940 : i32 to index
          %swap3A_1029 = arith.constant 112 : index
          %swap3A_1030 = tpu.vector_load %arg13[%swap3A_1027, %swap3A_1028, %swap3A_1029] {strides = array<i32>} : memref<3x48x128xf32, #tpu.memory_space<vmem>>, vector<16xf32>,
          tpu.vector_store %arg13[%swap3A_1027, %swap3A_1028, %swap3A_1029], %mul3A_1025 {strides = array<i32>} : memref<3x48x128xf32, #tpu.memory_space<vmem>>, vector<16xf32>,
        }
        %scan3A_622 = arith.constant 48 : i32
        %dma_start3A_623 = arith.constant 1 : i32
        %dma_start3A_624 = arith.constant 1 : i32
        %dma_start3A_625 = arith.constant 0 : i32
        %dma_start3A_626 = arith.constant 0 : i32
        %dma_start3A_627 = tpu.memref_slice %arg13[%dma_start3A_623, %dma_start3A_625, %dma_start3A_626] : memref<3x48x128xf32, #tpu.memory_space<vmem>> -> memref<1x48x128xf32, #tpu.memory_space<vmem>>
        %dma_start3A_628 = tpu.memref_squeeze %dma_start3A_627 : memref<1x48x128xf32, #tpu.memory_space<vmem>> -> memref<48x128xf32, #tpu.memory_space<vmem>>
        %dma_start3A_629 = arith.constant 0 : i32
        %dma_start3A_630 = tpu.memref_slice %arg12[%dma_start3A_624, %dma_start3A_629] : memref<3x48xi32, #tpu.memory_space<vmem>> -> memref<1x48xi32, #tpu.memory_space<vmem>>
        %dma_start3A_631 = tpu.memref_squeeze %dma_start3A_630 : memref<1x48xi32, #tpu.memory_space<vmem>> -> memref<48xi32, #tpu.memory_space<vmem>>
        %dma_start3A_632 = arith.constant 0 : i32
        %dma_start3A_633 = arith.constant 0 : i32
        %dma_start3A_634 = tpu.memref_slice %arg15[%dma_start3A_632, %dma_start3A_633] : memref<10112x128xf32, #tpu.memory_space<vmem_shared>> -> memref<10112x128xf32, #tpu.memory_space<vmem_shared>>
        tpu.enqueue_indirect_dma source(%dma_start3A_628 : memref<48x128xf32, #tpu.memory_space<vmem>>) target(%dma_start3A_634 : memref<10112x128xf32, #tpu.memory_space<vmem_shared>>) offsets(%dma_start3A_631 : memref<48xi32, #tpu.memory_space<vmem>>) semaphore(%arg23 : memref<!tpu.dma_semaphore, #tpu.memory_space<semaphore_mem>>) {add = true}
        %ge3A_635 = arith.constant 1 : i32
        %ge3A_636 = arith.cmpi sge, %add3A_453, %ge3A_635 : i32
        %add3A_637 = arith.constant 2 : i32
        %add3A_638 = arith.addi %add3A_453, %add3A_637 : i32
        %lt3A_639 = arith.constant 198 : i32
        %lt3A_640 = arith.cmpi slt, %add3A_638, %lt3A_639 : i32
        %and3A_641 = arith.andi %ge3A_636, %lt3A_640 : i1
        %convert_element_type3A_642 = arith.extui %and3A_641 : i1 to i32
        %cond3A_643 = arith.constant 0 : i32
        %cond3A_644 = arith.cmpi ne, %convert_element_type3A_642, %cond3A_643 : i32
        scf.if %cond3A_644 {
          %add3A_840 = arith.constant 2 : i32
          %add3A_841 = arith.addi %add3A_453, %add3A_840 : i32
          %mul3A_842 = arith.constant 48 : i32
          %mul3A_843 = arith.muli %add3A_841, %mul3A_842 : i32
          %add3A_844 = arith.addi %mul3A_153, %mul3A_843 : i32
          %dma_start3A_845 = arith.constant 0 : i32
          %dma_start3A_846 = arith.constant 0 : i32
          %dma_start3A_847 = arith.constant 0 : i32
          %dma_start3A_848 = tpu.memref_slice %arg10[%dma_start3A_845, %dma_start3A_846, %dma_start3A_847] : memref<3x2x48xi32, #tpu.memory_space<vmem>> -> memref<1x1x48xi32, #tpu.memory_space<vmem>>
          %dma_start3A_849 = tpu.memref_squeeze %dma_start3A_848 : memref<1x1x48xi32, #tpu.memory_space<vmem>> -> memref<48xi32, #tpu.memory_space<vmem>>
          %dma_start3A_850 = tpu.memref_slice %arg4[%add3A_844] : memref<640512xi32, #tpu.memory_space<hbm>> -> memref<48xi32, #tpu.memory_space<hbm>>
          %dma_start3A_851 = arith.constant 0 : i32
          %dma_start3A_852 = tpu.memref_slice %arg10[%dma_start3A_845, %dma_start3A_846, %dma_start3A_851] : memref<3x2x48xi32, #tpu.memory_space<vmem>> -> memref<1x1x48xi32, #tpu.memory_space<vmem>>
          %dma_start3A_853 = tpu.memref_squeeze %dma_start3A_852 : memref<1x1x48xi32, #tpu.memory_space<vmem>> -> memref<48xi32, #tpu.memory_space<vmem>>
          %dma_start3A_854 = tpu.memref_slice %arg4[%add3A_844] : memref<640512xi32, #tpu.memory_space<hbm>> -> memref<48xi32, #tpu.memory_space<hbm>>
          tpu.enqueue_dma source(%dma_start3A_854 : memref<48xi32, #tpu.memory_space<hbm>>) target(%dma_start3A_853 : memref<48xi32, #tpu.memory_space<vmem>>) target_semaphore(%arg16 : memref<!tpu.dma_semaphore, #tpu.memory_space<semaphore_mem>>)
          %add3A_855 = arith.constant 320256 : i32
          %add3A_856 = arith.addi %add3A_855, %add3A_844 : i32
          %dma_start3A_857 = arith.constant 0 : i32
          %dma_start3A_858 = arith.constant 1 : i32
          %dma_start3A_859 = arith.constant 0 : i32
          %dma_start3A_860 = tpu.memref_slice %arg10[%dma_start3A_857, %dma_start3A_858, %dma_start3A_859] : memref<3x2x48xi32, #tpu.memory_space<vmem>> -> memref<1x1x48xi32, #tpu.memory_space<vmem>>
          %dma_start3A_861 = tpu.memref_squeeze %dma_start3A_860 : memref<1x1x48xi32, #tpu.memory_space<vmem>> -> memref<48xi32, #tpu.memory_space<vmem>>
          %dma_start3A_862 = tpu.memref_slice %arg4[%add3A_856] : memref<640512xi32, #tpu.memory_space<hbm>> -> memref<48xi32, #tpu.memory_space<hbm>>
          %dma_start3A_863 = arith.constant 0 : i32
          %dma_start3A_864 = tpu.memref_slice %arg10[%dma_start3A_857, %dma_start3A_858, %dma_start3A_863] : memref<3x2x48xi32, #tpu.memory_space<vmem>> -> memref<1x1x48xi32, #tpu.memory_space<vmem>>
          %dma_start3A_865 = tpu.memref_squeeze %dma_start3A_864 : memref<1x1x48xi32, #tpu.memory_space<vmem>> -> memref<48xi32, #tpu.memory_space<vmem>>
          %dma_start3A_866 = tpu.memref_slice %arg4[%add3A_856] : memref<640512xi32, #tpu.memory_space<hbm>> -> memref<48xi32, #tpu.memory_space<hbm>>
          tpu.enqueue_dma source(%dma_start3A_866 : memref<48xi32, #tpu.memory_space<hbm>>) target(%dma_start3A_865 : memref<48xi32, #tpu.memory_space<vmem>>) target_semaphore(%arg16 : memref<!tpu.dma_semaphore, #tpu.memory_space<semaphore_mem>>)
        } else {
        }
        %mul3A_645 = arith.constant 3 : i32
        %mul3A_646 = arith.muli %add3A_269, %mul3A_645 : i32
        %add3A_647 = arith.constant 2 : i32
        %add3A_648 = arith.addi %mul3A_646, %add3A_647 : i32
        %dma_wait3A_649 = arith.constant 2 : i32
        %dma_wait3A_650 = arith.constant 0 : i32
        %dma_wait3A_651 = arith.constant 2 : i32
        %dma_wait3A_652 = arith.constant 0 : i32
        %dma_wait3A_653 = arith.constant 0 : i32
        %dma_wait3A_654 = tpu.memref_slice %arg13[%dma_wait3A_651, %dma_wait3A_652, %dma_wait3A_653] : memref<3x48x128xf32, #tpu.memory_space<vmem>> -> memref<1x48x128xf32, #tpu.memory_space<vmem>>
        %dma_wait3A_655 = tpu.memref_squeeze %dma_wait3A_654 : memref<1x48x128xf32, #tpu.memory_space<vmem>> -> memref<48x128xf32, #tpu.memory_space<vmem>>
        %dma_wait3A_656 = arith.constant 0 : i32
        %dma_wait3A_657 = tpu.memref_slice %arg10[%dma_wait3A_649, %dma_wait3A_650, %dma_wait3A_656] : memref<3x2x48xi32, #tpu.memory_space<vmem>> -> memref<1x1x48xi32, #tpu.memory_space<vmem>>
        %dma_wait3A_658 = tpu.memref_squeeze %dma_wait3A_657 : memref<1x1x48xi32, #tpu.memory_space<vmem>> -> memref<48xi32, #tpu.memory_space<vmem>>
        %dma_wait3A_659 = arith.constant 0 : i32
        %dma_wait3A_660 = arith.constant 0 : i32
        %dma_wait3A_661 = tpu.memref_slice %arg5[%dma_wait3A_659, %dma_wait3A_660] : memref<10000x128xf32, #tpu.memory_space<hbm>> -> memref<10000x128xf32, #tpu.memory_space<hbm>>
        tpu.wait_indirect_dma semaphore(%arg21 : memref<!tpu.dma_semaphore, #tpu.memory_space<semaphore_mem>>) src(%dma_wait3A_661 : memref<10000x128xf32, #tpu.memory_space<hbm>>) dst(%dma_wait3A_655 : memref<48x128xf32, #tpu.memory_space<vmem>>)
        %add3A_662 = arith.constant 1 : i32
        %add3A_663 = arith.addi %add3A_648, %add3A_662 : i32
        %lt3A_664 = arith.constant 198 : i32
        %lt3A_665 = arith.cmpi slt, %add3A_663, %lt3A_664 : i32
        %convert_element_type3A_666 = arith.extui %lt3A_665 : i1 to i32
        %cond3A_667 = arith.constant 0 : i32
        %cond3A_668 = arith.cmpi ne, %convert_element_type3A_666, %cond3A_667 : i32
        scf.if %cond3A_668 {
          %ge3A_840 = arith.constant 2 : i32
          %ge3A_841 = arith.cmpi sge, %add3A_648, %ge3A_840 : i32
          %convert_element_type3A_842 = arith.extui %ge3A_841 : i1 to i32
          %cond3A_843 = arith.constant 0 : i32
          %cond3A_844 = arith.cmpi ne, %convert_element_type3A_842, %cond3A_843 : i32
          scf.if %cond3A_844 {
            %dma_wait3A_885 = arith.constant 0 : i32
            %dma_wait3A_886 = arith.constant 0 : i32
            %dma_wait3A_887 = arith.constant 0 : i32
            %dma_wait3A_888 = arith.constant 0 : i32
            %dma_wait3A_889 = tpu.memref_slice %arg13[%dma_wait3A_885, %dma_wait3A_887, %dma_wait3A_888] : memref<3x48x128xf32, #tpu.memory_space<vmem>> -> memref<1x48x128xf32, #tpu.memory_space<vmem>>
            %dma_wait3A_890 = tpu.memref_squeeze %dma_wait3A_889 : memref<1x48x128xf32, #tpu.memory_space<vmem>> -> memref<48x128xf32, #tpu.memory_space<vmem>>
            %dma_wait3A_891 = arith.constant 0 : i32
            %dma_wait3A_892 = tpu.memref_slice %arg12[%dma_wait3A_886, %dma_wait3A_891] : memref<3x48xi32, #tpu.memory_space<vmem>> -> memref<1x48xi32, #tpu.memory_space<vmem>>
            %dma_wait3A_893 = tpu.memref_squeeze %dma_wait3A_892 : memref<1x48xi32, #tpu.memory_space<vmem>> -> memref<48xi32, #tpu.memory_space<vmem>>
            %dma_wait3A_894 = arith.constant 0 : i32
            %dma_wait3A_895 = arith.constant 0 : i32
            %dma_wait3A_896 = tpu.memref_slice %arg15[%dma_wait3A_894, %dma_wait3A_895] : memref<10112x128xf32, #tpu.memory_space<vmem_shared>> -> memref<10112x128xf32, #tpu.memory_space<vmem_shared>>
            tpu.wait_indirect_dma semaphore(%arg22 : memref<!tpu.dma_semaphore, #tpu.memory_space<semaphore_mem>>) src(%dma_wait3A_890 : memref<48x128xf32, #tpu.memory_space<vmem>>) dst(%dma_wait3A_896 : memref<10112x128xf32, #tpu.memory_space<vmem_shared>>)
          } else {
          }
          %add3A_845 = arith.constant 1 : i32
          %add3A_846 = arith.addi %add3A_648, %add3A_845 : i32
          %mul3A_847 = arith.constant 48 : i32
          %mul3A_848 = arith.muli %add3A_846, %mul3A_847 : i32
          %add3A_849 = arith.addi %mul3A_153, %mul3A_848 : i32
          %dma_wait3A_850 = arith.constant 0 : i32
          %dma_wait3A_851 = arith.constant 0 : i32
          %dma_wait3A_852 = arith.constant 0 : i32
          %dma_wait3A_853 = tpu.memref_slice %arg10[%dma_wait3A_850, %dma_wait3A_851, %dma_wait3A_852] : memref<3x2x48xi32, #tpu.memory_space<vmem>> -> memref<1x1x48xi32, #tpu.memory_space<vmem>>
          %dma_wait3A_854 = tpu.memref_squeeze %dma_wait3A_853 : memref<1x1x48xi32, #tpu.memory_space<vmem>> -> memref<48xi32, #tpu.memory_space<vmem>>
          %dma_wait3A_855 = tpu.memref_slice %arg4[%add3A_849] : memref<640512xi32, #tpu.memory_space<hbm>> -> memref<48xi32, #tpu.memory_space<hbm>>
          %dma_wait3A_856 = arith.constant 0 : i32
          %dma_wait3A_857 = tpu.memref_slice %arg10[%dma_wait3A_850, %dma_wait3A_851, %dma_wait3A_856] : memref<3x2x48xi32, #tpu.memory_space<vmem>> -> memref<1x1x48xi32, #tpu.memory_space<vmem>>
          %dma_wait3A_858 = tpu.memref_squeeze %dma_wait3A_857 : memref<1x1x48xi32, #tpu.memory_space<vmem>> -> memref<48xi32, #tpu.memory_space<vmem>>
          %dma_wait3A_859 = tpu.memref_slice %arg4[%add3A_849] : memref<640512xi32, #tpu.memory_space<hbm>> -> memref<48xi32, #tpu.memory_space<hbm>>
          tpu.wait_dma2 semaphore(%arg16 : memref<!tpu.dma_semaphore, #tpu.memory_space<semaphore_mem>>) src(%dma_wait3A_859 : memref<48xi32, #tpu.memory_space<hbm>>) dst(%dma_wait3A_858 : memref<48xi32, #tpu.memory_space<vmem>>)
          %add3A_860 = arith.constant 320256 : i32
          %add3A_861 = arith.addi %add3A_860, %add3A_849 : i32
          %dma_wait3A_862 = arith.constant 0 : i32
          %dma_wait3A_863 = arith.constant 1 : i32
          %dma_wait3A_864 = arith.constant 0 : i32
          %dma_wait3A_865 = tpu.memref_slice %arg10[%dma_wait3A_862, %dma_wait3A_863, %dma_wait3A_864] : memref<3x2x48xi32, #tpu.memory_space<vmem>> -> memref<1x1x48xi32, #tpu.memory_space<vmem>>
          %dma_wait3A_866 = tpu.memref_squeeze %dma_wait3A_865 : memref<1x1x48xi32, #tpu.memory_space<vmem>> -> memref<48xi32, #tpu.memory_space<vmem>>
          %dma_wait3A_867 = tpu.memref_slice %arg4[%add3A_861] : memref<640512xi32, #tpu.memory_space<hbm>> -> memref<48xi32, #tpu.memory_space<hbm>>
          %dma_wait3A_868 = arith.constant 0 : i32
          %dma_wait3A_869 = tpu.memref_slice %arg10[%dma_wait3A_862, %dma_wait3A_863, %dma_wait3A_868] : memref<3x2x48xi32, #tpu.memory_space<vmem>> -> memref<1x1x48xi32, #tpu.memory_space<vmem>>
          %dma_wait3A_870 = tpu.memref_squeeze %dma_wait3A_869 : memref<1x1x48xi32, #tpu.memory_space<vmem>> -> memref<48xi32, #tpu.memory_space<vmem>>
          %dma_wait3A_871 = tpu.memref_slice %arg4[%add3A_861] : memref<640512xi32, #tpu.memory_space<hbm>> -> memref<48xi32, #tpu.memory_space<hbm>>
          tpu.wait_dma2 semaphore(%arg16 : memref<!tpu.dma_semaphore, #tpu.memory_space<semaphore_mem>>) src(%dma_wait3A_871 : memref<48xi32, #tpu.memory_space<hbm>>) dst(%dma_wait3A_870 : memref<48xi32, #tpu.memory_space<vmem>>)
          %dma_start3A_872 = arith.constant 0 : i32
          %dma_start3A_873 = arith.constant 0 : i32
          %dma_start3A_874 = arith.constant 0 : i32
          %dma_start3A_875 = arith.constant 0 : i32
          %dma_start3A_876 = arith.constant 0 : i32
          %dma_start3A_877 = tpu.memref_slice %arg13[%dma_start3A_874, %dma_start3A_875, %dma_start3A_876] : memref<3x48x128xf32, #tpu.memory_space<vmem>> -> memref<1x48x128xf32, #tpu.memory_space<vmem>>
          %dma_start3A_878 = tpu.memref_squeeze %dma_start3A_877 : memref<1x48x128xf32, #tpu.memory_space<vmem>> -> memref<48x128xf32, #tpu.memory_space<vmem>>
          %dma_start3A_879 = arith.constant 0 : i32
          %dma_start3A_880 = tpu.memref_slice %arg10[%dma_start3A_872, %dma_start3A_873, %dma_start3A_879] : memref<3x2x48xi32, #tpu.memory_space<vmem>> -> memref<1x1x48xi32, #tpu.memory_space<vmem>>
          %dma_start3A_881 = tpu.memref_squeeze %dma_start3A_880 : memref<1x1x48xi32, #tpu.memory_space<vmem>> -> memref<48xi32, #tpu.memory_space<vmem>>
          %dma_start3A_882 = arith.constant 0 : i32
          %dma_start3A_883 = arith.constant 0 : i32
          %dma_start3A_884 = tpu.memref_slice %arg5[%dma_start3A_882, %dma_start3A_883] : memref<10000x128xf32, #tpu.memory_space<hbm>> -> memref<10000x128xf32, #tpu.memory_space<hbm>>
          tpu.enqueue_indirect_dma source(%dma_start3A_884 : memref<10000x128xf32, #tpu.memory_space<hbm>>) target(%dma_start3A_878 : memref<48x128xf32, #tpu.memory_space<vmem>>) offsets(%dma_start3A_881 : memref<48xi32, #tpu.memory_space<vmem>>) semaphore(%arg19 : memref<!tpu.dma_semaphore, #tpu.memory_space<semaphore_mem>>)
        } else {
        }
        %get3A_669 = arith.constant 2 : i32
        %get3A_670 = arith.constant 0 : i32
        %get3A_671 = arith.index_cast %get3A_669 : i32 to index
        %get3A_672 = arith.index_cast %get3A_670 : i32 to index
        %get3A_673 = arith.constant 0 : index
        %get3A_674 = tpu.vector_load %arg10[%get3A_671, %get3A_672, %get3A_673] {strides = array<i32>} : memref<3x2x48xi32, #tpu.memory_space<vmem>>, vector<16xi32>,
        %get3A_675 = arith.constant 2 : i32
        %get3A_676 = arith.constant 1 : i32
        %get3A_677 = arith.index_cast %get3A_675 : i32 to index
        %get3A_678 = arith.index_cast %get3A_676 : i32 to index
        %get3A_679 = arith.constant 0 : index
        %get3A_680 = tpu.vector_load %arg10[%get3A_677, %get3A_678, %get3A_679] {strides = array<i32>} : memref<3x2x48xi32, #tpu.memory_space<vmem>>, vector<16xi32>,
        %gather3A_681 = tpu.vector_load_idx %arg9[%get3A_674] : memref<10000xf32, #tpu.memory_space<vmem>>[vector<16xi32>], vector<16xf32>,
        %gather3A_682 = tpu.vector_load_idx %arg8[%get3A_674] : memref<10000xf32, #tpu.memory_space<vmem>>[vector<16xi32>], vector<16xf32>,
        %gather3A_683 = tpu.vector_load_idx %arg8[%get3A_680] : memref<10000xf32, #tpu.memory_space<vmem>>[vector<16xi32>], vector<16xf32>,
        %sub3A_684 = arith.subf %gather3A_682, %gather3A_683 : vector<16xf32>
        %abs3A_685 = math.absf %sub3A_684 : vector<16xf32>
        %neg3A_686 = arith.constant 0.000000e+00 : f32
        %neg3A_687 = vector.broadcast %neg3A_686 : f32 to vector<16xf32>
        %neg3A_688 = arith.subf %neg3A_687, %abs3A_685 : vector<16xf32>
        %mul3A_689 = arith.mulf %gather3A_681, %neg3A_688 : vector<16xf32>
        %div3A_690 = arith.constant 5.000000e+02 : f32
        %div3A_691 = vector.broadcast %div3A_690 : f32 to vector<16xf32>
        %div3A_692 = arith.divf %mul3A_689, %div3A_691 : vector<16xf32>
        %exp3A_693 = math.exp %div3A_692 : vector<16xf32>
        %exp3A_694 = math.exp %exp3A_693 : vector<16xf32>
        %mul3A_695 = arith.constant 48 : i32
        %mul3A_696 = arith.muli %add3A_648, %mul3A_695 : i32
        %add3A_697 = arith.addi %mul3A_153, %mul3A_696 : i32
        %add3A_698 = arith.constant 0 : i32
        %add3A_699 = arith.addi %add3A_697, %add3A_698 : i32
        %iota3A_700 = tpu.iota {dimensions = array<i32: 0>} : vector<16xi32>
        %add3A_701 = vector.broadcast %add3A_699 : i32 to vector<16xi32>
        %add3A_702 = arith.addi %add3A_701, %iota3A_700 : vector<16xi32>
        %lt3A_703 = arith.constant 320000 : i32
        %lt3A_704 = vector.broadcast %lt3A_703 : i32 to vector<16xi32>
        %lt3A_705 = arith.cmpi slt, %add3A_702, %lt3A_704 : vector<16xi32>
        %jit3A_706 = arith.constant 0.000000e+00 : f32
        %broadcast_in_dim3A_707 = vector.broadcast %jit3A_706 : f32 to vector<16xf32>
        %select_n3A_708 = arith.select %lt3A_705, %exp3A_694, %broadcast_in_dim3A_707 : vector<16xi1>, vector<16xf32>
        %swap3A_709 = arith.constant 0 : index
        %swap3A_710 = tpu.vector_load %arg11[%swap3A_709] {strides = array<i32>} : memref<48xf32, #tpu.memory_space<vmem>>, vector<16xf32>,
        tpu.vector_store %arg11[%swap3A_709], %select_n3A_708 {strides = array<i32>} : memref<48xf32, #tpu.memory_space<vmem>>, vector<16xf32>,
        %swap3A_711 = arith.constant 2 : i32
        %swap3A_712 = arith.index_cast %swap3A_711 : i32 to index
        %swap3A_713 = arith.constant 0 : index
        %swap3A_714 = tpu.vector_load %arg12[%swap3A_712, %swap3A_713] {strides = array<i32>} : memref<3x48xi32, #tpu.memory_space<vmem>>, vector<16xi32>,
        tpu.vector_store %arg12[%swap3A_712, %swap3A_713], %get3A_680 {strides = array<i32>} : memref<3x48xi32, #tpu.memory_space<vmem>>, vector<16xi32>,
        %broadcast_in_dim3A_715 = arith.constant 0 : i32
        %broadcast_in_dim3A_716 = vector.broadcast %broadcast_in_dim3A_715 : i32 to vector<16xi32>
        tpu.vector_store_idx %arg14[%broadcast_in_dim3A_716, %get3A_680], %select_n3A_708 {add = true} : memref<1x10000xf32, #tpu.memory_space<vmem>>[vector<16xi32>, vector<16xi32>], vector<16xf32>,
        %get3A_717 = arith.constant 2 : i32
        %get3A_718 = arith.constant 0 : i32
        %get3A_719 = arith.index_cast %get3A_717 : i32 to index
        %get3A_720 = arith.index_cast %get3A_718 : i32 to index
        %get3A_721 = arith.constant 16 : index
        %get3A_722 = tpu.vector_load %arg10[%get3A_719, %get3A_720, %get3A_721] {strides = array<i32>} : memref<3x2x48xi32, #tpu.memory_space<vmem>>, vector<16xi32>,
        %get3A_723 = arith.constant 2 : i32
        %get3A_724 = arith.constant 1 : i32
        %get3A_725 = arith.index_cast %get3A_723 : i32 to index
        %get3A_726 = arith.index_cast %get3A_724 : i32 to index
        %get3A_727 = arith.constant 16 : index
        %get3A_728 = tpu.vector_load %arg10[%get3A_725, %get3A_726, %get3A_727] {strides = array<i32>} : memref<3x2x48xi32, #tpu.memory_space<vmem>>, vector<16xi32>,
        %gather3A_729 = tpu.vector_load_idx %arg9[%get3A_722] : memref<10000xf32, #tpu.memory_space<vmem>>[vector<16xi32>], vector<16xf32>,
        %gather3A_730 = tpu.vector_load_idx %arg8[%get3A_722] : memref<10000xf32, #tpu.memory_space<vmem>>[vector<16xi32>], vector<16xf32>,
        %gather3A_731 = tpu.vector_load_idx %arg8[%get3A_728] : memref<10000xf32, #tpu.memory_space<vmem>>[vector<16xi32>], vector<16xf32>,
        %sub3A_732 = arith.subf %gather3A_730, %gather3A_731 : vector<16xf32>
        %abs3A_733 = math.absf %sub3A_732 : vector<16xf32>
        %neg3A_734 = arith.constant 0.000000e+00 : f32
        %neg3A_735 = vector.broadcast %neg3A_734 : f32 to vector<16xf32>
        %neg3A_736 = arith.subf %neg3A_735, %abs3A_733 : vector<16xf32>
        %mul3A_737 = arith.mulf %gather3A_729, %neg3A_736 : vector<16xf32>
        %div3A_738 = arith.constant 5.000000e+02 : f32
        %div3A_739 = vector.broadcast %div3A_738 : f32 to vector<16xf32>
        %div3A_740 = arith.divf %mul3A_737, %div3A_739 : vector<16xf32>
        %exp3A_741 = math.exp %div3A_740 : vector<16xf32>
        %exp3A_742 = math.exp %exp3A_741 : vector<16xf32>
        %mul3A_743 = arith.constant 48 : i32
        %mul3A_744 = arith.muli %add3A_648, %mul3A_743 : i32
        %add3A_745 = arith.addi %mul3A_153, %mul3A_744 : i32
        %add3A_746 = arith.constant 16 : i32
        %add3A_747 = arith.addi %add3A_745, %add3A_746 : i32
        %iota3A_748 = tpu.iota {dimensions = array<i32: 0>} : vector<16xi32>
        %add3A_749 = vector.broadcast %add3A_747 : i32 to vector<16xi32>
        %add3A_750 = arith.addi %add3A_749, %iota3A_748 : vector<16xi32>
        %lt3A_751 = arith.constant 320000 : i32
        %lt3A_752 = vector.broadcast %lt3A_751 : i32 to vector<16xi32>
        %lt3A_753 = arith.cmpi slt, %add3A_750, %lt3A_752 : vector<16xi32>
        %jit3A_754 = arith.constant 0.000000e+00 : f32
        %broadcast_in_dim3A_755 = vector.broadcast %jit3A_754 : f32 to vector<16xf32>
        %select_n3A_756 = arith.select %lt3A_753, %exp3A_742, %broadcast_in_dim3A_755 : vector<16xi1>, vector<16xf32>
        %swap3A_757 = arith.constant 16 : index
        %swap3A_758 = tpu.vector_load %arg11[%swap3A_757] {strides = array<i32>} : memref<48xf32, #tpu.memory_space<vmem>>, vector<16xf32>,
        tpu.vector_store %arg11[%swap3A_757], %select_n3A_756 {strides = array<i32>} : memref<48xf32, #tpu.memory_space<vmem>>, vector<16xf32>,
        %swap3A_759 = arith.constant 2 : i32
        %swap3A_760 = arith.index_cast %swap3A_759 : i32 to index
        %swap3A_761 = arith.constant 16 : index
        %swap3A_762 = tpu.vector_load %arg12[%swap3A_760, %swap3A_761] {strides = array<i32>} : memref<3x48xi32, #tpu.memory_space<vmem>>, vector<16xi32>,
        tpu.vector_store %arg12[%swap3A_760, %swap3A_761], %get3A_728 {strides = array<i32>} : memref<3x48xi32, #tpu.memory_space<vmem>>, vector<16xi32>,
        %broadcast_in_dim3A_763 = arith.constant 0 : i32
        %broadcast_in_dim3A_764 = vector.broadcast %broadcast_in_dim3A_763 : i32 to vector<16xi32>
        tpu.vector_store_idx %arg14[%broadcast_in_dim3A_764, %get3A_728], %select_n3A_756 {add = true} : memref<1x10000xf32, #tpu.memory_space<vmem>>[vector<16xi32>, vector<16xi32>], vector<16xf32>,
        %get3A_765 = arith.constant 2 : i32
        %get3A_766 = arith.constant 0 : i32
        %get3A_767 = arith.index_cast %get3A_765 : i32 to index
        %get3A_768 = arith.index_cast %get3A_766 : i32 to index
        %get3A_769 = arith.constant 32 : index
        %get3A_770 = tpu.vector_load %arg10[%get3A_767, %get3A_768, %get3A_769] {strides = array<i32>} : memref<3x2x48xi32, #tpu.memory_space<vmem>>, vector<16xi32>,
        %get3A_771 = arith.constant 2 : i32
        %get3A_772 = arith.constant 1 : i32
        %get3A_773 = arith.index_cast %get3A_771 : i32 to index
        %get3A_774 = arith.index_cast %get3A_772 : i32 to index
        %get3A_775 = arith.constant 32 : index
        %get3A_776 = tpu.vector_load %arg10[%get3A_773, %get3A_774, %get3A_775] {strides = array<i32>} : memref<3x2x48xi32, #tpu.memory_space<vmem>>, vector<16xi32>,
        %gather3A_777 = tpu.vector_load_idx %arg9[%get3A_770] : memref<10000xf32, #tpu.memory_space<vmem>>[vector<16xi32>], vector<16xf32>,
        %gather3A_778 = tpu.vector_load_idx %arg8[%get3A_770] : memref<10000xf32, #tpu.memory_space<vmem>>[vector<16xi32>], vector<16xf32>,
        %gather3A_779 = tpu.vector_load_idx %arg8[%get3A_776] : memref<10000xf32, #tpu.memory_space<vmem>>[vector<16xi32>], vector<16xf32>,
        %sub3A_780 = arith.subf %gather3A_778, %gather3A_779 : vector<16xf32>
        %abs3A_781 = math.absf %sub3A_780 : vector<16xf32>
        %neg3A_782 = arith.constant 0.000000e+00 : f32
        %neg3A_783 = vector.broadcast %neg3A_782 : f32 to vector<16xf32>
        %neg3A_784 = arith.subf %neg3A_783, %abs3A_781 : vector<16xf32>
        %mul3A_785 = arith.mulf %gather3A_777, %neg3A_784 : vector<16xf32>
        %div3A_786 = arith.constant 5.000000e+02 : f32
        %div3A_787 = vector.broadcast %div3A_786 : f32 to vector<16xf32>
        %div3A_788 = arith.divf %mul3A_785, %div3A_787 : vector<16xf32>
        %exp3A_789 = math.exp %div3A_788 : vector<16xf32>
        %exp3A_790 = math.exp %exp3A_789 : vector<16xf32>
        %mul3A_791 = arith.constant 48 : i32
        %mul3A_792 = arith.muli %add3A_648, %mul3A_791 : i32
        %add3A_793 = arith.addi %mul3A_153, %mul3A_792 : i32
        %add3A_794 = arith.constant 32 : i32
        %add3A_795 = arith.addi %add3A_793, %add3A_794 : i32
        %iota3A_796 = tpu.iota {dimensions = array<i32: 0>} : vector<16xi32>
        %add3A_797 = vector.broadcast %add3A_795 : i32 to vector<16xi32>
        %add3A_798 = arith.addi %add3A_797, %iota3A_796 : vector<16xi32>
        %lt3A_799 = arith.constant 320000 : i32
        %lt3A_800 = vector.broadcast %lt3A_799 : i32 to vector<16xi32>
        %lt3A_801 = arith.cmpi slt, %add3A_798, %lt3A_800 : vector<16xi32>
        %jit3A_802 = arith.constant 0.000000e+00 : f32
        %broadcast_in_dim3A_803 = vector.broadcast %jit3A_802 : f32 to vector<16xf32>
        %select_n3A_804 = arith.select %lt3A_801, %exp3A_790, %broadcast_in_dim3A_803 : vector<16xi1>, vector<16xf32>
        %swap3A_805 = arith.constant 32 : index
        %swap3A_806 = tpu.vector_load %arg11[%swap3A_805] {strides = array<i32>} : memref<48xf32, #tpu.memory_space<vmem>>, vector<16xf32>,
        tpu.vector_store %arg11[%swap3A_805], %select_n3A_804 {strides = array<i32>} : memref<48xf32, #tpu.memory_space<vmem>>, vector<16xf32>,
        %swap3A_807 = arith.constant 2 : i32
        %swap3A_808 = arith.index_cast %swap3A_807 : i32 to index
        %swap3A_809 = arith.constant 32 : index
        %swap3A_810 = tpu.vector_load %arg12[%swap3A_808, %swap3A_809] {strides = array<i32>} : memref<3x48xi32, #tpu.memory_space<vmem>>, vector<16xi32>,
        tpu.vector_store %arg12[%swap3A_808, %swap3A_809], %get3A_776 {strides = array<i32>} : memref<3x48xi32, #tpu.memory_space<vmem>>, vector<16xi32>,
        %broadcast_in_dim3A_811 = arith.constant 0 : i32
        %broadcast_in_dim3A_812 = vector.broadcast %broadcast_in_dim3A_811 : i32 to vector<16xi32>
        tpu.vector_store_idx %arg14[%broadcast_in_dim3A_812, %get3A_776], %select_n3A_804 {add = true} : memref<1x10000xf32, #tpu.memory_space<vmem>>[vector<16xi32>, vector<16xi32>], vector<16xf32>,
        %scan3A_813 = arith.constant 0 : i32
        %scan3A_814 = arith.constant 48 : i32
        %scan3A_815 = arith.addi %scan3A_813, %scan3A_814 : i32
        %scan3A_816 = arith.constant 2 : i32
        scf.for %scan3A_840 = %scan3A_813 to %scan3A_815 step %scan3A_816  : i32 {
          %mul3A_841 = arith.constant 1 : i32
          %mul3A_842 = arith.muli %scan3A_840, %mul3A_841 : i32
          %add3A_843 = arith.constant 0 : i32
          %add3A_844 = arith.addi %add3A_843, %mul3A_842 : i32
          %broadcast_in_dim3A_845 = vector.broadcast %add3A_844 : i32 to vector<16xi32>
          %gather3A_846 = tpu.vector_load_idx %arg11[%broadcast_in_dim3A_845] : memref<48xf32, #tpu.memory_space<vmem>>[vector<16xi32>], vector<16xf32>,
          %get3A_847 = arith.constant 2 : i32
          %get3A_848 = arith.index_cast %get3A_847 : i32 to index
          %get3A_849 = arith.index_cast %add3A_844 : i32 to index
          %get3A_850 = arith.constant 0 : index
          %get3A_851 = tpu.vector_load %arg13[%get3A_848, %get3A_849, %get3A_850] {strides = array<i32>} : memref<3x48x128xf32, #tpu.memory_space<vmem>>, vector<16xf32>,
          %mul3A_852 = arith.mulf %get3A_851, %gather3A_846 : vector<16xf32>
          %swap3A_853 = arith.constant 2 : i32
          %swap3A_854 = arith.index_cast %swap3A_853 : i32 to index
          %swap3A_855 = arith.index_cast %add3A_844 : i32 to index
          %swap3A_856 = arith.constant 0 : index
          %swap3A_857 = tpu.vector_load %arg13[%swap3A_854, %swap3A_855, %swap3A_856] {strides = array<i32>} : memref<3x48x128xf32, #tpu.memory_space<vmem>>, vector<16xf32>,
          tpu.vector_store %arg13[%swap3A_854, %swap3A_855, %swap3A_856], %mul3A_852 {strides = array<i32>} : memref<3x48x128xf32, #tpu.memory_space<vmem>>, vector<16xf32>,
          %get3A_858 = arith.constant 2 : i32
          %get3A_859 = arith.index_cast %get3A_858 : i32 to index
          %get3A_860 = arith.index_cast %add3A_844 : i32 to index
          %get3A_861 = arith.constant 16 : index
          %get3A_862 = tpu.vector_load %arg13[%get3A_859, %get3A_860, %get3A_861] {strides = array<i32>} : memref<3x48x128xf32, #tpu.memory_space<vmem>>, vector<16xf32>,
          %mul3A_863 = arith.mulf %get3A_862, %gather3A_846 : vector<16xf32>
          %swap3A_864 = arith.constant 2 : i32
          %swap3A_865 = arith.index_cast %swap3A_864 : i32 to index
          %swap3A_866 = arith.index_cast %add3A_844 : i32 to index
          %swap3A_867 = arith.constant 16 : index
          %swap3A_868 = tpu.vector_load %arg13[%swap3A_865, %swap3A_866, %swap3A_867] {strides = array<i32>} : memref<3x48x128xf32, #tpu.memory_space<vmem>>, vector<16xf32>,
          tpu.vector_store %arg13[%swap3A_865, %swap3A_866, %swap3A_867], %mul3A_863 {strides = array<i32>} : memref<3x48x128xf32, #tpu.memory_space<vmem>>, vector<16xf32>,
          %get3A_869 = arith.constant 2 : i32
          %get3A_870 = arith.index_cast %get3A_869 : i32 to index
          %get3A_871 = arith.index_cast %add3A_844 : i32 to index
          %get3A_872 = arith.constant 32 : index
          %get3A_873 = tpu.vector_load %arg13[%get3A_870, %get3A_871, %get3A_872] {strides = array<i32>} : memref<3x48x128xf32, #tpu.memory_space<vmem>>, vector<16xf32>,
          %mul3A_874 = arith.mulf %get3A_873, %gather3A_846 : vector<16xf32>
          %swap3A_875 = arith.constant 2 : i32
          %swap3A_876 = arith.index_cast %swap3A_875 : i32 to index
          %swap3A_877 = arith.index_cast %add3A_844 : i32 to index
          %swap3A_878 = arith.constant 32 : index
          %swap3A_879 = tpu.vector_load %arg13[%swap3A_876, %swap3A_877, %swap3A_878] {strides = array<i32>} : memref<3x48x128xf32, #tpu.memory_space<vmem>>, vector<16xf32>,
          tpu.vector_store %arg13[%swap3A_876, %swap3A_877, %swap3A_878], %mul3A_874 {strides = array<i32>} : memref<3x48x128xf32, #tpu.memory_space<vmem>>, vector<16xf32>,
          %get3A_880 = arith.constant 2 : i32
          %get3A_881 = arith.index_cast %get3A_880 : i32 to index
          %get3A_882 = arith.index_cast %add3A_844 : i32 to index
          %get3A_883 = arith.constant 48 : index
          %get3A_884 = tpu.vector_load %arg13[%get3A_881, %get3A_882, %get3A_883] {strides = array<i32>} : memref<3x48x128xf32, #tpu.memory_space<vmem>>, vector<16xf32>,
          %mul3A_885 = arith.mulf %get3A_884, %gather3A_846 : vector<16xf32>
          %swap3A_886 = arith.constant 2 : i32
          %swap3A_887 = arith.index_cast %swap3A_886 : i32 to index
          %swap3A_888 = arith.index_cast %add3A_844 : i32 to index
          %swap3A_889 = arith.constant 48 : index
          %swap3A_890 = tpu.vector_load %arg13[%swap3A_887, %swap3A_888, %swap3A_889] {strides = array<i32>} : memref<3x48x128xf32, #tpu.memory_space<vmem>>, vector<16xf32>,
          tpu.vector_store %arg13[%swap3A_887, %swap3A_888, %swap3A_889], %mul3A_885 {strides = array<i32>} : memref<3x48x128xf32, #tpu.memory_space<vmem>>, vector<16xf32>,
          %get3A_891 = arith.constant 2 : i32
          %get3A_892 = arith.index_cast %get3A_891 : i32 to index
          %get3A_893 = arith.index_cast %add3A_844 : i32 to index
          %get3A_894 = arith.constant 64 : index
          %get3A_895 = tpu.vector_load %arg13[%get3A_892, %get3A_893, %get3A_894] {strides = array<i32>} : memref<3x48x128xf32, #tpu.memory_space<vmem>>, vector<16xf32>,
          %mul3A_896 = arith.mulf %get3A_895, %gather3A_846 : vector<16xf32>
          %swap3A_897 = arith.constant 2 : i32
          %swap3A_898 = arith.index_cast %swap3A_897 : i32 to index
          %swap3A_899 = arith.index_cast %add3A_844 : i32 to index
          %swap3A_900 = arith.constant 64 : index
          %swap3A_901 = tpu.vector_load %arg13[%swap3A_898, %swap3A_899, %swap3A_900] {strides = array<i32>} : memref<3x48x128xf32, #tpu.memory_space<vmem>>, vector<16xf32>,
          tpu.vector_store %arg13[%swap3A_898, %swap3A_899, %swap3A_900], %mul3A_896 {strides = array<i32>} : memref<3x48x128xf32, #tpu.memory_space<vmem>>, vector<16xf32>,
          %get3A_902 = arith.constant 2 : i32
          %get3A_903 = arith.index_cast %get3A_902 : i32 to index
          %get3A_904 = arith.index_cast %add3A_844 : i32 to index
          %get3A_905 = arith.constant 80 : index
          %get3A_906 = tpu.vector_load %arg13[%get3A_903, %get3A_904, %get3A_905] {strides = array<i32>} : memref<3x48x128xf32, #tpu.memory_space<vmem>>, vector<16xf32>,
          %mul3A_907 = arith.mulf %get3A_906, %gather3A_846 : vector<16xf32>
          %swap3A_908 = arith.constant 2 : i32
          %swap3A_909 = arith.index_cast %swap3A_908 : i32 to index
          %swap3A_910 = arith.index_cast %add3A_844 : i32 to index
          %swap3A_911 = arith.constant 80 : index
          %swap3A_912 = tpu.vector_load %arg13[%swap3A_909, %swap3A_910, %swap3A_911] {strides = array<i32>} : memref<3x48x128xf32, #tpu.memory_space<vmem>>, vector<16xf32>,
          tpu.vector_store %arg13[%swap3A_909, %swap3A_910, %swap3A_911], %mul3A_907 {strides = array<i32>} : memref<3x48x128xf32, #tpu.memory_space<vmem>>, vector<16xf32>,
          %get3A_913 = arith.constant 2 : i32
          %get3A_914 = arith.index_cast %get3A_913 : i32 to index
          %get3A_915 = arith.index_cast %add3A_844 : i32 to index
          %get3A_916 = arith.constant 96 : index
          %get3A_917 = tpu.vector_load %arg13[%get3A_914, %get3A_915, %get3A_916] {strides = array<i32>} : memref<3x48x128xf32, #tpu.memory_space<vmem>>, vector<16xf32>,
          %mul3A_918 = arith.mulf %get3A_917, %gather3A_846 : vector<16xf32>
          %swap3A_919 = arith.constant 2 : i32
          %swap3A_920 = arith.index_cast %swap3A_919 : i32 to index
          %swap3A_921 = arith.index_cast %add3A_844 : i32 to index
          %swap3A_922 = arith.constant 96 : index
          %swap3A_923 = tpu.vector_load %arg13[%swap3A_920, %swap3A_921, %swap3A_922] {strides = array<i32>} : memref<3x48x128xf32, #tpu.memory_space<vmem>>, vector<16xf32>,
          tpu.vector_store %arg13[%swap3A_920, %swap3A_921, %swap3A_922], %mul3A_918 {strides = array<i32>} : memref<3x48x128xf32, #tpu.memory_space<vmem>>, vector<16xf32>,
          %get3A_924 = arith.constant 2 : i32
          %get3A_925 = arith.index_cast %get3A_924 : i32 to index
          %get3A_926 = arith.index_cast %add3A_844 : i32 to index
          %get3A_927 = arith.constant 112 : index
          %get3A_928 = tpu.vector_load %arg13[%get3A_925, %get3A_926, %get3A_927] {strides = array<i32>} : memref<3x48x128xf32, #tpu.memory_space<vmem>>, vector<16xf32>,
          %mul3A_929 = arith.mulf %get3A_928, %gather3A_846 : vector<16xf32>
          %swap3A_930 = arith.constant 2 : i32
          %swap3A_931 = arith.index_cast %swap3A_930 : i32 to index
          %swap3A_932 = arith.index_cast %add3A_844 : i32 to index
          %swap3A_933 = arith.constant 112 : index
          %swap3A_934 = tpu.vector_load %arg13[%swap3A_931, %swap3A_932, %swap3A_933] {strides = array<i32>} : memref<3x48x128xf32, #tpu.memory_space<vmem>>, vector<16xf32>,
          tpu.vector_store %arg13[%swap3A_931, %swap3A_932, %swap3A_933], %mul3A_929 {strides = array<i32>} : memref<3x48x128xf32, #tpu.memory_space<vmem>>, vector<16xf32>,
          %scan3A_935 = arith.constant 1 : i32
          %scan3A_936 = arith.addi %scan3A_840, %scan3A_935 : i32
          %mul3A_937 = arith.constant 1 : i32
          %mul3A_938 = arith.muli %scan3A_936, %mul3A_937 : i32
          %add3A_939 = arith.constant 0 : i32
          %add3A_940 = arith.addi %add3A_939, %mul3A_938 : i32
          %broadcast_in_dim3A_941 = vector.broadcast %add3A_940 : i32 to vector<16xi32>
          %gather3A_942 = tpu.vector_load_idx %arg11[%broadcast_in_dim3A_941] : memref<48xf32, #tpu.memory_space<vmem>>[vector<16xi32>], vector<16xf32>,
          %get3A_943 = arith.constant 2 : i32
          %get3A_944 = arith.index_cast %get3A_943 : i32 to index
          %get3A_945 = arith.index_cast %add3A_940 : i32 to index
          %get3A_946 = arith.constant 0 : index
          %get3A_947 = tpu.vector_load %arg13[%get3A_944, %get3A_945, %get3A_946] {strides = array<i32>} : memref<3x48x128xf32, #tpu.memory_space<vmem>>, vector<16xf32>,
          %mul3A_948 = arith.mulf %get3A_947, %gather3A_942 : vector<16xf32>
          %swap3A_949 = arith.constant 2 : i32
          %swap3A_950 = arith.index_cast %swap3A_949 : i32 to index
          %swap3A_951 = arith.index_cast %add3A_940 : i32 to index
          %swap3A_952 = arith.constant 0 : index
          %swap3A_953 = tpu.vector_load %arg13[%swap3A_950, %swap3A_951, %swap3A_952] {strides = array<i32>} : memref<3x48x128xf32, #tpu.memory_space<vmem>>, vector<16xf32>,
          tpu.vector_store %arg13[%swap3A_950, %swap3A_951, %swap3A_952], %mul3A_948 {strides = array<i32>} : memref<3x48x128xf32, #tpu.memory_space<vmem>>, vector<16xf32>,
          %get3A_954 = arith.constant 2 : i32
          %get3A_955 = arith.index_cast %get3A_954 : i32 to index
          %get3A_956 = arith.index_cast %add3A_940 : i32 to index
          %get3A_957 = arith.constant 16 : index
          %get3A_958 = tpu.vector_load %arg13[%get3A_955, %get3A_956, %get3A_957] {strides = array<i32>} : memref<3x48x128xf32, #tpu.memory_space<vmem>>, vector<16xf32>,
          %mul3A_959 = arith.mulf %get3A_958, %gather3A_942 : vector<16xf32>
          %swap3A_960 = arith.constant 2 : i32
          %swap3A_961 = arith.index_cast %swap3A_960 : i32 to index
          %swap3A_962 = arith.index_cast %add3A_940 : i32 to index
          %swap3A_963 = arith.constant 16 : index
          %swap3A_964 = tpu.vector_load %arg13[%swap3A_961, %swap3A_962, %swap3A_963] {strides = array<i32>} : memref<3x48x128xf32, #tpu.memory_space<vmem>>, vector<16xf32>,
          tpu.vector_store %arg13[%swap3A_961, %swap3A_962, %swap3A_963], %mul3A_959 {strides = array<i32>} : memref<3x48x128xf32, #tpu.memory_space<vmem>>, vector<16xf32>,
          %get3A_965 = arith.constant 2 : i32
          %get3A_966 = arith.index_cast %get3A_965 : i32 to index
          %get3A_967 = arith.index_cast %add3A_940 : i32 to index
          %get3A_968 = arith.constant 32 : index
          %get3A_969 = tpu.vector_load %arg13[%get3A_966, %get3A_967, %get3A_968] {strides = array<i32>} : memref<3x48x128xf32, #tpu.memory_space<vmem>>, vector<16xf32>,
          %mul3A_970 = arith.mulf %get3A_969, %gather3A_942 : vector<16xf32>
          %swap3A_971 = arith.constant 2 : i32
          %swap3A_972 = arith.index_cast %swap3A_971 : i32 to index
          %swap3A_973 = arith.index_cast %add3A_940 : i32 to index
          %swap3A_974 = arith.constant 32 : index
          %swap3A_975 = tpu.vector_load %arg13[%swap3A_972, %swap3A_973, %swap3A_974] {strides = array<i32>} : memref<3x48x128xf32, #tpu.memory_space<vmem>>, vector<16xf32>,
          tpu.vector_store %arg13[%swap3A_972, %swap3A_973, %swap3A_974], %mul3A_970 {strides = array<i32>} : memref<3x48x128xf32, #tpu.memory_space<vmem>>, vector<16xf32>,
          %get3A_976 = arith.constant 2 : i32
          %get3A_977 = arith.index_cast %get3A_976 : i32 to index
          %get3A_978 = arith.index_cast %add3A_940 : i32 to index
          %get3A_979 = arith.constant 48 : index
          %get3A_980 = tpu.vector_load %arg13[%get3A_977, %get3A_978, %get3A_979] {strides = array<i32>} : memref<3x48x128xf32, #tpu.memory_space<vmem>>, vector<16xf32>,
          %mul3A_981 = arith.mulf %get3A_980, %gather3A_942 : vector<16xf32>
          %swap3A_982 = arith.constant 2 : i32
          %swap3A_983 = arith.index_cast %swap3A_982 : i32 to index
          %swap3A_984 = arith.index_cast %add3A_940 : i32 to index
          %swap3A_985 = arith.constant 48 : index
          %swap3A_986 = tpu.vector_load %arg13[%swap3A_983, %swap3A_984, %swap3A_985] {strides = array<i32>} : memref<3x48x128xf32, #tpu.memory_space<vmem>>, vector<16xf32>,
          tpu.vector_store %arg13[%swap3A_983, %swap3A_984, %swap3A_985], %mul3A_981 {strides = array<i32>} : memref<3x48x128xf32, #tpu.memory_space<vmem>>, vector<16xf32>,
          %get3A_987 = arith.constant 2 : i32
          %get3A_988 = arith.index_cast %get3A_987 : i32 to index
          %get3A_989 = arith.index_cast %add3A_940 : i32 to index
          %get3A_990 = arith.constant 64 : index
          %get3A_991 = tpu.vector_load %arg13[%get3A_988, %get3A_989, %get3A_990] {strides = array<i32>} : memref<3x48x128xf32, #tpu.memory_space<vmem>>, vector<16xf32>,
          %mul3A_992 = arith.mulf %get3A_991, %gather3A_942 : vector<16xf32>
          %swap3A_993 = arith.constant 2 : i32
          %swap3A_994 = arith.index_cast %swap3A_993 : i32 to index
          %swap3A_995 = arith.index_cast %add3A_940 : i32 to index
          %swap3A_996 = arith.constant 64 : index
          %swap3A_997 = tpu.vector_load %arg13[%swap3A_994, %swap3A_995, %swap3A_996] {strides = array<i32>} : memref<3x48x128xf32, #tpu.memory_space<vmem>>, vector<16xf32>,
          tpu.vector_store %arg13[%swap3A_994, %swap3A_995, %swap3A_996], %mul3A_992 {strides = array<i32>} : memref<3x48x128xf32, #tpu.memory_space<vmem>>, vector<16xf32>,
          %get3A_998 = arith.constant 2 : i32
          %get3A_999 = arith.index_cast %get3A_998 : i32 to index
          %get3A_1000 = arith.index_cast %add3A_940 : i32 to index
          %get3A_1001 = arith.constant 80 : index
          %get3A_1002 = tpu.vector_load %arg13[%get3A_999, %get3A_1000, %get3A_1001] {strides = array<i32>} : memref<3x48x128xf32, #tpu.memory_space<vmem>>, vector<16xf32>,
          %mul3A_1003 = arith.mulf %get3A_1002, %gather3A_942 : vector<16xf32>
          %swap3A_1004 = arith.constant 2 : i32
          %swap3A_1005 = arith.index_cast %swap3A_1004 : i32 to index
          %swap3A_1006 = arith.index_cast %add3A_940 : i32 to index
          %swap3A_1007 = arith.constant 80 : index
          %swap3A_1008 = tpu.vector_load %arg13[%swap3A_1005, %swap3A_1006, %swap3A_1007] {strides = array<i32>} : memref<3x48x128xf32, #tpu.memory_space<vmem>>, vector<16xf32>,
          tpu.vector_store %arg13[%swap3A_1005, %swap3A_1006, %swap3A_1007], %mul3A_1003 {strides = array<i32>} : memref<3x48x128xf32, #tpu.memory_space<vmem>>, vector<16xf32>,
          %get3A_1009 = arith.constant 2 : i32
          %get3A_1010 = arith.index_cast %get3A_1009 : i32 to index
          %get3A_1011 = arith.index_cast %add3A_940 : i32 to index
          %get3A_1012 = arith.constant 96 : index
          %get3A_1013 = tpu.vector_load %arg13[%get3A_1010, %get3A_1011, %get3A_1012] {strides = array<i32>} : memref<3x48x128xf32, #tpu.memory_space<vmem>>, vector<16xf32>,
          %mul3A_1014 = arith.mulf %get3A_1013, %gather3A_942 : vector<16xf32>
          %swap3A_1015 = arith.constant 2 : i32
          %swap3A_1016 = arith.index_cast %swap3A_1015 : i32 to index
          %swap3A_1017 = arith.index_cast %add3A_940 : i32 to index
          %swap3A_1018 = arith.constant 96 : index
          %swap3A_1019 = tpu.vector_load %arg13[%swap3A_1016, %swap3A_1017, %swap3A_1018] {strides = array<i32>} : memref<3x48x128xf32, #tpu.memory_space<vmem>>, vector<16xf32>,
          tpu.vector_store %arg13[%swap3A_1016, %swap3A_1017, %swap3A_1018], %mul3A_1014 {strides = array<i32>} : memref<3x48x128xf32, #tpu.memory_space<vmem>>, vector<16xf32>,
          %get3A_1020 = arith.constant 2 : i32
          %get3A_1021 = arith.index_cast %get3A_1020 : i32 to index
          %get3A_1022 = arith.index_cast %add3A_940 : i32 to index
          %get3A_1023 = arith.constant 112 : index
          %get3A_1024 = tpu.vector_load %arg13[%get3A_1021, %get3A_1022, %get3A_1023] {strides = array<i32>} : memref<3x48x128xf32, #tpu.memory_space<vmem>>, vector<16xf32>,
          %mul3A_1025 = arith.mulf %get3A_1024, %gather3A_942 : vector<16xf32>
          %swap3A_1026 = arith.constant 2 : i32
          %swap3A_1027 = arith.index_cast %swap3A_1026 : i32 to index
          %swap3A_1028 = arith.index_cast %add3A_940 : i32 to index
          %swap3A_1029 = arith.constant 112 : index
          %swap3A_1030 = tpu.vector_load %arg13[%swap3A_1027, %swap3A_1028, %swap3A_1029] {strides = array<i32>} : memref<3x48x128xf32, #tpu.memory_space<vmem>>, vector<16xf32>,
          tpu.vector_store %arg13[%swap3A_1027, %swap3A_1028, %swap3A_1029], %mul3A_1025 {strides = array<i32>} : memref<3x48x128xf32, #tpu.memory_space<vmem>>, vector<16xf32>,
        }
        %scan3A_817 = arith.constant 48 : i32
        %dma_start3A_818 = arith.constant 2 : i32
        %dma_start3A_819 = arith.constant 2 : i32
        %dma_start3A_820 = arith.constant 0 : i32
        %dma_start3A_821 = arith.constant 0 : i32
        %dma_start3A_822 = tpu.memref_slice %arg13[%dma_start3A_818, %dma_start3A_820, %dma_start3A_821] : memref<3x48x128xf32, #tpu.memory_space<vmem>> -> memref<1x48x128xf32, #tpu.memory_space<vmem>>
        %dma_start3A_823 = tpu.memref_squeeze %dma_start3A_822 : memref<1x48x128xf32, #tpu.memory_space<vmem>> -> memref<48x128xf32, #tpu.memory_space<vmem>>
        %dma_start3A_824 = arith.constant 0 : i32
        %dma_start3A_825 = tpu.memref_slice %arg12[%dma_start3A_819, %dma_start3A_824] : memref<3x48xi32, #tpu.memory_space<vmem>> -> memref<1x48xi32, #tpu.memory_space<vmem>>
        %dma_start3A_826 = tpu.memref_squeeze %dma_start3A_825 : memref<1x48xi32, #tpu.memory_space<vmem>> -> memref<48xi32, #tpu.memory_space<vmem>>
        %dma_start3A_827 = arith.constant 0 : i32
        %dma_start3A_828 = arith.constant 0 : i32
        %dma_start3A_829 = tpu.memref_slice %arg15[%dma_start3A_827, %dma_start3A_828] : memref<10112x128xf32, #tpu.memory_space<vmem_shared>> -> memref<10112x128xf32, #tpu.memory_space<vmem_shared>>
        tpu.enqueue_indirect_dma source(%dma_start3A_823 : memref<48x128xf32, #tpu.memory_space<vmem>>) target(%dma_start3A_829 : memref<10112x128xf32, #tpu.memory_space<vmem_shared>>) offsets(%dma_start3A_826 : memref<48xi32, #tpu.memory_space<vmem>>) semaphore(%arg24 : memref<!tpu.dma_semaphore, #tpu.memory_space<semaphore_mem>>) {add = true}
        %ge3A_830 = arith.constant 1 : i32
        %ge3A_831 = arith.cmpi sge, %add3A_648, %ge3A_830 : i32
        %add3A_832 = arith.constant 2 : i32
        %add3A_833 = arith.addi %add3A_648, %add3A_832 : i32
        %lt3A_834 = arith.constant 198 : i32
        %lt3A_835 = arith.cmpi slt, %add3A_833, %lt3A_834 : i32
        %and3A_836 = arith.andi %ge3A_831, %lt3A_835 : i1
        %convert_element_type3A_837 = arith.extui %and3A_836 : i1 to i32
        %cond3A_838 = arith.constant 0 : i32
        %cond3A_839 = arith.cmpi ne, %convert_element_type3A_837, %cond3A_838 : i32
        scf.if %cond3A_839 {
          %add3A_840 = arith.constant 2 : i32
          %add3A_841 = arith.addi %add3A_648, %add3A_840 : i32
          %mul3A_842 = arith.constant 48 : i32
          %mul3A_843 = arith.muli %add3A_841, %mul3A_842 : i32
          %add3A_844 = arith.addi %mul3A_153, %mul3A_843 : i32
          %dma_start3A_845 = arith.constant 1 : i32
          %dma_start3A_846 = arith.constant 0 : i32
          %dma_start3A_847 = arith.constant 0 : i32
          %dma_start3A_848 = tpu.memref_slice %arg10[%dma_start3A_845, %dma_start3A_846, %dma_start3A_847] : memref<3x2x48xi32, #tpu.memory_space<vmem>> -> memref<1x1x48xi32, #tpu.memory_space<vmem>>
          %dma_start3A_849 = tpu.memref_squeeze %dma_start3A_848 : memref<1x1x48xi32, #tpu.memory_space<vmem>> -> memref<48xi32, #tpu.memory_space<vmem>>
          %dma_start3A_850 = tpu.memref_slice %arg4[%add3A_844] : memref<640512xi32, #tpu.memory_space<hbm>> -> memref<48xi32, #tpu.memory_space<hbm>>
          %dma_start3A_851 = arith.constant 0 : i32
          %dma_start3A_852 = tpu.memref_slice %arg10[%dma_start3A_845, %dma_start3A_846, %dma_start3A_851] : memref<3x2x48xi32, #tpu.memory_space<vmem>> -> memref<1x1x48xi32, #tpu.memory_space<vmem>>
          %dma_start3A_853 = tpu.memref_squeeze %dma_start3A_852 : memref<1x1x48xi32, #tpu.memory_space<vmem>> -> memref<48xi32, #tpu.memory_space<vmem>>
          %dma_start3A_854 = tpu.memref_slice %arg4[%add3A_844] : memref<640512xi32, #tpu.memory_space<hbm>> -> memref<48xi32, #tpu.memory_space<hbm>>
          tpu.enqueue_dma source(%dma_start3A_854 : memref<48xi32, #tpu.memory_space<hbm>>) target(%dma_start3A_853 : memref<48xi32, #tpu.memory_space<vmem>>) target_semaphore(%arg17 : memref<!tpu.dma_semaphore, #tpu.memory_space<semaphore_mem>>)
          %add3A_855 = arith.constant 320256 : i32
          %add3A_856 = arith.addi %add3A_855, %add3A_844 : i32
          %dma_start3A_857 = arith.constant 1 : i32
          %dma_start3A_858 = arith.constant 1 : i32
          %dma_start3A_859 = arith.constant 0 : i32
          %dma_start3A_860 = tpu.memref_slice %arg10[%dma_start3A_857, %dma_start3A_858, %dma_start3A_859] : memref<3x2x48xi32, #tpu.memory_space<vmem>> -> memref<1x1x48xi32, #tpu.memory_space<vmem>>
          %dma_start3A_861 = tpu.memref_squeeze %dma_start3A_860 : memref<1x1x48xi32, #tpu.memory_space<vmem>> -> memref<48xi32, #tpu.memory_space<vmem>>
          %dma_start3A_862 = tpu.memref_slice %arg4[%add3A_856] : memref<640512xi32, #tpu.memory_space<hbm>> -> memref<48xi32, #tpu.memory_space<hbm>>
          %dma_start3A_863 = arith.constant 0 : i32
          %dma_start3A_864 = tpu.memref_slice %arg10[%dma_start3A_857, %dma_start3A_858, %dma_start3A_863] : memref<3x2x48xi32, #tpu.memory_space<vmem>> -> memref<1x1x48xi32, #tpu.memory_space<vmem>>
          %dma_start3A_865 = tpu.memref_squeeze %dma_start3A_864 : memref<1x1x48xi32, #tpu.memory_space<vmem>> -> memref<48xi32, #tpu.memory_space<vmem>>
          %dma_start3A_866 = tpu.memref_slice %arg4[%add3A_856] : memref<640512xi32, #tpu.memory_space<hbm>> -> memref<48xi32, #tpu.memory_space<hbm>>
          tpu.enqueue_dma source(%dma_start3A_866 : memref<48xi32, #tpu.memory_space<hbm>>) target(%dma_start3A_865 : memref<48xi32, #tpu.memory_space<vmem>>) target_semaphore(%arg17 : memref<!tpu.dma_semaphore, #tpu.memory_space<semaphore_mem>>)
        } else {
        }
      }
      %scan3A_264 = arith.constant 66 : i32
    } else {
    }
    %eq3A_55 = arith.constant 1 : i32
    %eq3A_56 = arith.cmpi eq, %arg0, %eq3A_55 : i32
    %convert_element_type3A_57 = arith.extui %eq3A_56 : i1 to i32
    %cond3A_58 = arith.constant 0 : i32
    %cond3A_59 = arith.cmpi ne, %convert_element_type3A_57, %cond3A_58 : i32
    scf.if %cond3A_59 {
      %mul3A_152 = arith.constant 10512 : i32
      %mul3A_153 = arith.muli %arg1, %mul3A_152 : i32
      %add3A_154 = arith.constant 152064 : i32
      %add3A_155 = arith.addi %add3A_154, %mul3A_153 : i32
      %add3A_156 = arith.constant 0 : i32
      %add3A_157 = arith.addi %add3A_155, %add3A_156 : i32
      %dma_start3A = arith.constant 0 : i32
      %dma_start3A_158 = arith.constant 0 : i32
      %dma_start3A_159 = arith.constant 0 : i32
      %dma_start3A_160 = tpu.memref_slice %arg10[%dma_start3A, %dma_start3A_158, %dma_start3A_159] : memref<3x2x48xi32, #tpu.memory_space<vmem>> -> memref<1x1x48xi32, #tpu.memory_space<vmem>>
      %dma_start3A_161 = tpu.memref_squeeze %dma_start3A_160 : memref<1x1x48xi32, #tpu.memory_space<vmem>> -> memref<48xi32, #tpu.memory_space<vmem>>
      %dma_start3A_162 = tpu.memref_slice %arg4[%add3A_157] : memref<640512xi32, #tpu.memory_space<hbm>> -> memref<48xi32, #tpu.memory_space<hbm>>
      %dma_start3A_163 = arith.constant 0 : i32
      %dma_start3A_164 = tpu.memref_slice %arg10[%dma_start3A, %dma_start3A_158, %dma_start3A_163] : memref<3x2x48xi32, #tpu.memory_space<vmem>> -> memref<1x1x48xi32, #tpu.memory_space<vmem>>
      %dma_start3A_165 = tpu.memref_squeeze %dma_start3A_164 : memref<1x1x48xi32, #tpu.memory_space<vmem>> -> memref<48xi32, #tpu.memory_space<vmem>>
      %dma_start3A_166 = tpu.memref_slice %arg4[%add3A_157] : memref<640512xi32, #tpu.memory_space<hbm>> -> memref<48xi32, #tpu.memory_space<hbm>>
      tpu.enqueue_dma source(%dma_start3A_166 : memref<48xi32, #tpu.memory_space<hbm>>) target(%dma_start3A_165 : memref<48xi32, #tpu.memory_space<vmem>>) target_semaphore(%arg16 : memref<!tpu.dma_semaphore, #tpu.memory_space<semaphore_mem>>)
      %add3A_167 = arith.constant 320256 : i32
      %add3A_168 = arith.addi %add3A_167, %add3A_157 : i32
      %dma_start3A_169 = arith.constant 0 : i32
      %dma_start3A_170 = arith.constant 1 : i32
      %dma_start3A_171 = arith.constant 0 : i32
      %dma_start3A_172 = tpu.memref_slice %arg10[%dma_start3A_169, %dma_start3A_170, %dma_start3A_171] : memref<3x2x48xi32, #tpu.memory_space<vmem>> -> memref<1x1x48xi32, #tpu.memory_space<vmem>>
      %dma_start3A_173 = tpu.memref_squeeze %dma_start3A_172 : memref<1x1x48xi32, #tpu.memory_space<vmem>> -> memref<48xi32, #tpu.memory_space<vmem>>
      %dma_start3A_174 = tpu.memref_slice %arg4[%add3A_168] : memref<640512xi32, #tpu.memory_space<hbm>> -> memref<48xi32, #tpu.memory_space<hbm>>
      %dma_start3A_175 = arith.constant 0 : i32
      %dma_start3A_176 = tpu.memref_slice %arg10[%dma_start3A_169, %dma_start3A_170, %dma_start3A_175] : memref<3x2x48xi32, #tpu.memory_space<vmem>> -> memref<1x1x48xi32, #tpu.memory_space<vmem>>
      %dma_start3A_177 = tpu.memref_squeeze %dma_start3A_176 : memref<1x1x48xi32, #tpu.memory_space<vmem>> -> memref<48xi32, #tpu.memory_space<vmem>>
      %dma_start3A_178 = tpu.memref_slice %arg4[%add3A_168] : memref<640512xi32, #tpu.memory_space<hbm>> -> memref<48xi32, #tpu.memory_space<hbm>>
      tpu.enqueue_dma source(%dma_start3A_178 : memref<48xi32, #tpu.memory_space<hbm>>) target(%dma_start3A_177 : memref<48xi32, #tpu.memory_space<vmem>>) target_semaphore(%arg16 : memref<!tpu.dma_semaphore, #tpu.memory_space<semaphore_mem>>)
      %add3A_179 = arith.constant 48 : i32
      %add3A_180 = arith.addi %add3A_155, %add3A_179 : i32
      %dma_start3A_181 = arith.constant 1 : i32
      %dma_start3A_182 = arith.constant 0 : i32
      %dma_start3A_183 = arith.constant 0 : i32
      %dma_start3A_184 = tpu.memref_slice %arg10[%dma_start3A_181, %dma_start3A_182, %dma_start3A_183] : memref<3x2x48xi32, #tpu.memory_space<vmem>> -> memref<1x1x48xi32, #tpu.memory_space<vmem>>
      %dma_start3A_185 = tpu.memref_squeeze %dma_start3A_184 : memref<1x1x48xi32, #tpu.memory_space<vmem>> -> memref<48xi32, #tpu.memory_space<vmem>>
      %dma_start3A_186 = tpu.memref_slice %arg4[%add3A_180] : memref<640512xi32, #tpu.memory_space<hbm>> -> memref<48xi32, #tpu.memory_space<hbm>>
      %dma_start3A_187 = arith.constant 0 : i32
      %dma_start3A_188 = tpu.memref_slice %arg10[%dma_start3A_181, %dma_start3A_182, %dma_start3A_187] : memref<3x2x48xi32, #tpu.memory_space<vmem>> -> memref<1x1x48xi32, #tpu.memory_space<vmem>>
      %dma_start3A_189 = tpu.memref_squeeze %dma_start3A_188 : memref<1x1x48xi32, #tpu.memory_space<vmem>> -> memref<48xi32, #tpu.memory_space<vmem>>
      %dma_start3A_190 = tpu.memref_slice %arg4[%add3A_180] : memref<640512xi32, #tpu.memory_space<hbm>> -> memref<48xi32, #tpu.memory_space<hbm>>
      tpu.enqueue_dma source(%dma_start3A_190 : memref<48xi32, #tpu.memory_space<hbm>>) target(%dma_start3A_189 : memref<48xi32, #tpu.memory_space<vmem>>) target_semaphore(%arg17 : memref<!tpu.dma_semaphore, #tpu.memory_space<semaphore_mem>>)
      %add3A_191 = arith.constant 320256 : i32
      %add3A_192 = arith.addi %add3A_191, %add3A_180 : i32
      %dma_start3A_193 = arith.constant 1 : i32
      %dma_start3A_194 = arith.constant 1 : i32
      %dma_start3A_195 = arith.constant 0 : i32
      %dma_start3A_196 = tpu.memref_slice %arg10[%dma_start3A_193, %dma_start3A_194, %dma_start3A_195] : memref<3x2x48xi32, #tpu.memory_space<vmem>> -> memref<1x1x48xi32, #tpu.memory_space<vmem>>
      %dma_start3A_197 = tpu.memref_squeeze %dma_start3A_196 : memref<1x1x48xi32, #tpu.memory_space<vmem>> -> memref<48xi32, #tpu.memory_space<vmem>>
      %dma_start3A_198 = tpu.memref_slice %arg4[%add3A_192] : memref<640512xi32, #tpu.memory_space<hbm>> -> memref<48xi32, #tpu.memory_space<hbm>>
      %dma_start3A_199 = arith.constant 0 : i32
      %dma_start3A_200 = tpu.memref_slice %arg10[%dma_start3A_193, %dma_start3A_194, %dma_start3A_199] : memref<3x2x48xi32, #tpu.memory_space<vmem>> -> memref<1x1x48xi32, #tpu.memory_space<vmem>>
      %dma_start3A_201 = tpu.memref_squeeze %dma_start3A_200 : memref<1x1x48xi32, #tpu.memory_space<vmem>> -> memref<48xi32, #tpu.memory_space<vmem>>
      %dma_start3A_202 = tpu.memref_slice %arg4[%add3A_192] : memref<640512xi32, #tpu.memory_space<hbm>> -> memref<48xi32, #tpu.memory_space<hbm>>
      tpu.enqueue_dma source(%dma_start3A_202 : memref<48xi32, #tpu.memory_space<hbm>>) target(%dma_start3A_201 : memref<48xi32, #tpu.memory_space<vmem>>) target_semaphore(%arg17 : memref<!tpu.dma_semaphore, #tpu.memory_space<semaphore_mem>>)
      %add3A_203 = arith.constant 96 : i32
      %add3A_204 = arith.addi %add3A_155, %add3A_203 : i32
      %dma_start3A_205 = arith.constant 2 : i32
      %dma_start3A_206 = arith.constant 0 : i32
      %dma_start3A_207 = arith.constant 0 : i32
      %dma_start3A_208 = tpu.memref_slice %arg10[%dma_start3A_205, %dma_start3A_206, %dma_start3A_207] : memref<3x2x48xi32, #tpu.memory_space<vmem>> -> memref<1x1x48xi32, #tpu.memory_space<vmem>>
      %dma_start3A_209 = tpu.memref_squeeze %dma_start3A_208 : memref<1x1x48xi32, #tpu.memory_space<vmem>> -> memref<48xi32, #tpu.memory_space<vmem>>
      %dma_start3A_210 = tpu.memref_slice %arg4[%add3A_204] : memref<640512xi32, #tpu.memory_space<hbm>> -> memref<48xi32, #tpu.memory_space<hbm>>
      %dma_start3A_211 = arith.constant 0 : i32
      %dma_start3A_212 = tpu.memref_slice %arg10[%dma_start3A_205, %dma_start3A_206, %dma_start3A_211] : memref<3x2x48xi32, #tpu.memory_space<vmem>> -> memref<1x1x48xi32, #tpu.memory_space<vmem>>
      %dma_start3A_213 = tpu.memref_squeeze %dma_start3A_212 : memref<1x1x48xi32, #tpu.memory_space<vmem>> -> memref<48xi32, #tpu.memory_space<vmem>>
      %dma_start3A_214 = tpu.memref_slice %arg4[%add3A_204] : memref<640512xi32, #tpu.memory_space<hbm>> -> memref<48xi32, #tpu.memory_space<hbm>>
      tpu.enqueue_dma source(%dma_start3A_214 : memref<48xi32, #tpu.memory_space<hbm>>) target(%dma_start3A_213 : memref<48xi32, #tpu.memory_space<vmem>>) target_semaphore(%arg18 : memref<!tpu.dma_semaphore, #tpu.memory_space<semaphore_mem>>)
      %add3A_215 = arith.constant 320256 : i32
      %add3A_216 = arith.addi %add3A_215, %add3A_204 : i32
      %dma_start3A_217 = arith.constant 2 : i32
      %dma_start3A_218 = arith.constant 1 : i32
      %dma_start3A_219 = arith.constant 0 : i32
      %dma_start3A_220 = tpu.memref_slice %arg10[%dma_start3A_217, %dma_start3A_218, %dma_start3A_219] : memref<3x2x48xi32, #tpu.memory_space<vmem>> -> memref<1x1x48xi32, #tpu.memory_space<vmem>>
      %dma_start3A_221 = tpu.memref_squeeze %dma_start3A_220 : memref<1x1x48xi32, #tpu.memory_space<vmem>> -> memref<48xi32, #tpu.memory_space<vmem>>
      %dma_start3A_222 = tpu.memref_slice %arg4[%add3A_216] : memref<640512xi32, #tpu.memory_space<hbm>> -> memref<48xi32, #tpu.memory_space<hbm>>
      %dma_start3A_223 = arith.constant 0 : i32
      %dma_start3A_224 = tpu.memref_slice %arg10[%dma_start3A_217, %dma_start3A_218, %dma_start3A_223] : memref<3x2x48xi32, #tpu.memory_space<vmem>> -> memref<1x1x48xi32, #tpu.memory_space<vmem>>
      %dma_start3A_225 = tpu.memref_squeeze %dma_start3A_224 : memref<1x1x48xi32, #tpu.memory_space<vmem>> -> memref<48xi32, #tpu.memory_space<vmem>>
      %dma_start3A_226 = tpu.memref_slice %arg4[%add3A_216] : memref<640512xi32, #tpu.memory_space<hbm>> -> memref<48xi32, #tpu.memory_space<hbm>>
      tpu.enqueue_dma source(%dma_start3A_226 : memref<48xi32, #tpu.memory_space<hbm>>) target(%dma_start3A_225 : memref<48xi32, #tpu.memory_space<vmem>>) target_semaphore(%arg18 : memref<!tpu.dma_semaphore, #tpu.memory_space<semaphore_mem>>)
      %dma_wait3A_227 = arith.constant 0 : i32
      %dma_wait3A_228 = arith.constant 0 : i32
      %dma_wait3A_229 = arith.constant 0 : i32
      %dma_wait3A_230 = tpu.memref_slice %arg10[%dma_wait3A_227, %dma_wait3A_228, %dma_wait3A_229] : memref<3x2x48xi32, #tpu.memory_space<vmem>> -> memref<1x1x48xi32, #tpu.memory_space<vmem>>
      %dma_wait3A_231 = tpu.memref_squeeze %dma_wait3A_230 : memref<1x1x48xi32, #tpu.memory_space<vmem>> -> memref<48xi32, #tpu.memory_space<vmem>>
      %dma_wait3A_232 = tpu.memref_slice %arg4[%add3A_155] : memref<640512xi32, #tpu.memory_space<hbm>> -> memref<48xi32, #tpu.memory_space<hbm>>
      %dma_wait3A_233 = arith.constant 0 : i32
      %dma_wait3A_234 = tpu.memref_slice %arg10[%dma_wait3A_227, %dma_wait3A_228, %dma_wait3A_233] : memref<3x2x48xi32, #tpu.memory_space<vmem>> -> memref<1x1x48xi32, #tpu.memory_space<vmem>>
      %dma_wait3A_235 = tpu.memref_squeeze %dma_wait3A_234 : memref<1x1x48xi32, #tpu.memory_space<vmem>> -> memref<48xi32, #tpu.memory_space<vmem>>
      %dma_wait3A_236 = tpu.memref_slice %arg4[%add3A_155] : memref<640512xi32, #tpu.memory_space<hbm>> -> memref<48xi32, #tpu.memory_space<hbm>>
      tpu.wait_dma2 semaphore(%arg16 : memref<!tpu.dma_semaphore, #tpu.memory_space<semaphore_mem>>) src(%dma_wait3A_236 : memref<48xi32, #tpu.memory_space<hbm>>) dst(%dma_wait3A_235 : memref<48xi32, #tpu.memory_space<vmem>>)
      %add3A_237 = arith.constant 320256 : i32
      %add3A_238 = arith.addi %add3A_237, %add3A_155 : i32
      %dma_wait3A_239 = arith.constant 0 : i32
      %dma_wait3A_240 = arith.constant 1 : i32
      %dma_wait3A_241 = arith.constant 0 : i32
      %dma_wait3A_242 = tpu.memref_slice %arg10[%dma_wait3A_239, %dma_wait3A_240, %dma_wait3A_241] : memref<3x2x48xi32, #tpu.memory_space<vmem>> -> memref<1x1x48xi32, #tpu.memory_space<vmem>>
      %dma_wait3A_243 = tpu.memref_squeeze %dma_wait3A_242 : memref<1x1x48xi32, #tpu.memory_space<vmem>> -> memref<48xi32, #tpu.memory_space<vmem>>
      %dma_wait3A_244 = tpu.memref_slice %arg4[%add3A_238] : memref<640512xi32, #tpu.memory_space<hbm>> -> memref<48xi32, #tpu.memory_space<hbm>>
      %dma_wait3A_245 = arith.constant 0 : i32
      %dma_wait3A_246 = tpu.memref_slice %arg10[%dma_wait3A_239, %dma_wait3A_240, %dma_wait3A_245] : memref<3x2x48xi32, #tpu.memory_space<vmem>> -> memref<1x1x48xi32, #tpu.memory_space<vmem>>
      %dma_wait3A_247 = tpu.memref_squeeze %dma_wait3A_246 : memref<1x1x48xi32, #tpu.memory_space<vmem>> -> memref<48xi32, #tpu.memory_space<vmem>>
      %dma_wait3A_248 = tpu.memref_slice %arg4[%add3A_238] : memref<640512xi32, #tpu.memory_space<hbm>> -> memref<48xi32, #tpu.memory_space<hbm>>
      tpu.wait_dma2 semaphore(%arg16 : memref<!tpu.dma_semaphore, #tpu.memory_space<semaphore_mem>>) src(%dma_wait3A_248 : memref<48xi32, #tpu.memory_space<hbm>>) dst(%dma_wait3A_247 : memref<48xi32, #tpu.memory_space<vmem>>)
      %dma_start3A_249 = arith.constant 0 : i32
      %dma_start3A_250 = arith.constant 0 : i32
      %dma_start3A_251 = arith.constant 0 : i32
      %dma_start3A_252 = arith.constant 0 : i32
      %dma_start3A_253 = arith.constant 0 : i32
      %dma_start3A_254 = tpu.memref_slice %arg13[%dma_start3A_251, %dma_start3A_252, %dma_start3A_253] : memref<3x48x128xf32, #tpu.memory_space<vmem>> -> memref<1x48x128xf32, #tpu.memory_space<vmem>>
      %dma_start3A_255 = tpu.memref_squeeze %dma_start3A_254 : memref<1x48x128xf32, #tpu.memory_space<vmem>> -> memref<48x128xf32, #tpu.memory_space<vmem>>
      %dma_start3A_256 = arith.constant 0 : i32
      %dma_start3A_257 = tpu.memref_slice %arg10[%dma_start3A_249, %dma_start3A_250, %dma_start3A_256] : memref<3x2x48xi32, #tpu.memory_space<vmem>> -> memref<1x1x48xi32, #tpu.memory_space<vmem>>
      %dma_start3A_258 = tpu.memref_squeeze %dma_start3A_257 : memref<1x1x48xi32, #tpu.memory_space<vmem>> -> memref<48xi32, #tpu.memory_space<vmem>>
      %dma_start3A_259 = arith.constant 0 : i32
      %dma_start3A_260 = arith.constant 0 : i32
      %dma_start3A_261 = tpu.memref_slice %arg5[%dma_start3A_259, %dma_start3A_260] : memref<10000x128xf32, #tpu.memory_space<hbm>> -> memref<10000x128xf32, #tpu.memory_space<hbm>>
      tpu.enqueue_indirect_dma source(%dma_start3A_261 : memref<10000x128xf32, #tpu.memory_space<hbm>>) target(%dma_start3A_255 : memref<48x128xf32, #tpu.memory_space<vmem>>) offsets(%dma_start3A_258 : memref<48xi32, #tpu.memory_space<vmem>>) semaphore(%arg19 : memref<!tpu.dma_semaphore, #tpu.memory_space<semaphore_mem>>)
      %scan3A_262 = arith.constant 0 : i32
      %scan3A_263 = arith.constant 73 : i32
      %scan3A_264 = arith.addi %scan3A_262, %scan3A_263 : i32
      %scan3A_265 = arith.constant 1 : i32
      scf.for %scan3A_267 = %scan3A_262 to %scan3A_264 step %scan3A_265  : i32 {
        %mul3A_268 = arith.constant 1 : i32
        %mul3A_269 = arith.muli %scan3A_267, %mul3A_268 : i32
        %add3A_270 = arith.constant 0 : i32
        %add3A_271 = arith.addi %add3A_270, %mul3A_269 : i32
        %mul3A_272 = arith.constant 3 : i32
        %mul3A_273 = arith.muli %add3A_271, %mul3A_272 : i32
        %add3A_274 = arith.constant 0 : i32
        %add3A_275 = arith.addi %mul3A_273, %add3A_274 : i32
        %dma_wait3A_276 = arith.constant 0 : i32
        %dma_wait3A_277 = arith.constant 0 : i32
        %dma_wait3A_278 = arith.constant 0 : i32
        %dma_wait3A_279 = arith.constant 0 : i32
        %dma_wait3A_280 = arith.constant 0 : i32
        %dma_wait3A_281 = tpu.memref_slice %arg13[%dma_wait3A_278, %dma_wait3A_279, %dma_wait3A_280] : memref<3x48x128xf32, #tpu.memory_space<vmem>> -> memref<1x48x128xf32, #tpu.memory_space<vmem>>
        %dma_wait3A_282 = tpu.memref_squeeze %dma_wait3A_281 : memref<1x48x128xf32, #tpu.memory_space<vmem>> -> memref<48x128xf32, #tpu.memory_space<vmem>>
        %dma_wait3A_283 = arith.constant 0 : i32
        %dma_wait3A_284 = tpu.memref_slice %arg10[%dma_wait3A_276, %dma_wait3A_277, %dma_wait3A_283] : memref<3x2x48xi32, #tpu.memory_space<vmem>> -> memref<1x1x48xi32, #tpu.memory_space<vmem>>
        %dma_wait3A_285 = tpu.memref_squeeze %dma_wait3A_284 : memref<1x1x48xi32, #tpu.memory_space<vmem>> -> memref<48xi32, #tpu.memory_space<vmem>>
        %dma_wait3A_286 = arith.constant 0 : i32
        %dma_wait3A_287 = arith.constant 0 : i32
        %dma_wait3A_288 = tpu.memref_slice %arg5[%dma_wait3A_286, %dma_wait3A_287] : memref<10000x128xf32, #tpu.memory_space<hbm>> -> memref<10000x128xf32, #tpu.memory_space<hbm>>
        tpu.wait_indirect_dma semaphore(%arg19 : memref<!tpu.dma_semaphore, #tpu.memory_space<semaphore_mem>>) src(%dma_wait3A_288 : memref<10000x128xf32, #tpu.memory_space<hbm>>) dst(%dma_wait3A_282 : memref<48x128xf32, #tpu.memory_space<vmem>>)
        %add3A_289 = arith.constant 1 : i32
        %add3A_290 = arith.addi %add3A_275, %add3A_289 : i32
        %lt3A = arith.constant 219 : i32
        %lt3A_291 = arith.cmpi slt, %add3A_290, %lt3A : i32
        %convert_element_type3A_292 = arith.extui %lt3A_291 : i1 to i32
        %cond3A_293 = arith.constant 0 : i32
        %cond3A_294 = arith.cmpi ne, %convert_element_type3A_292, %cond3A_293 : i32
        scf.if %cond3A_294 {
          %ge3A_842 = arith.constant 2 : i32
          %ge3A_843 = arith.cmpi sge, %add3A_275, %ge3A_842 : i32
          %convert_element_type3A_844 = arith.extui %ge3A_843 : i1 to i32
          %cond3A_845 = arith.constant 0 : i32
          %cond3A_846 = arith.cmpi ne, %convert_element_type3A_844, %cond3A_845 : i32
          scf.if %cond3A_846 {
            %dma_wait3A_887 = arith.constant 1 : i32
            %dma_wait3A_888 = arith.constant 1 : i32
            %dma_wait3A_889 = arith.constant 0 : i32
            %dma_wait3A_890 = arith.constant 0 : i32
            %dma_wait3A_891 = tpu.memref_slice %arg13[%dma_wait3A_887, %dma_wait3A_889, %dma_wait3A_890] : memref<3x48x128xf32, #tpu.memory_space<vmem>> -> memref<1x48x128xf32, #tpu.memory_space<vmem>>
            %dma_wait3A_892 = tpu.memref_squeeze %dma_wait3A_891 : memref<1x48x128xf32, #tpu.memory_space<vmem>> -> memref<48x128xf32, #tpu.memory_space<vmem>>
            %dma_wait3A_893 = arith.constant 0 : i32
            %dma_wait3A_894 = tpu.memref_slice %arg12[%dma_wait3A_888, %dma_wait3A_893] : memref<3x48xi32, #tpu.memory_space<vmem>> -> memref<1x48xi32, #tpu.memory_space<vmem>>
            %dma_wait3A_895 = tpu.memref_squeeze %dma_wait3A_894 : memref<1x48xi32, #tpu.memory_space<vmem>> -> memref<48xi32, #tpu.memory_space<vmem>>
            %dma_wait3A_896 = arith.constant 0 : i32
            %dma_wait3A_897 = arith.constant 0 : i32
            %dma_wait3A_898 = tpu.memref_slice %arg15[%dma_wait3A_896, %dma_wait3A_897] : memref<10112x128xf32, #tpu.memory_space<vmem_shared>> -> memref<10112x128xf32, #tpu.memory_space<vmem_shared>>
            tpu.wait_indirect_dma semaphore(%arg23 : memref<!tpu.dma_semaphore, #tpu.memory_space<semaphore_mem>>) src(%dma_wait3A_892 : memref<48x128xf32, #tpu.memory_space<vmem>>) dst(%dma_wait3A_898 : memref<10112x128xf32, #tpu.memory_space<vmem_shared>>)
          } else {
          }
          %add3A_847 = arith.constant 1 : i32
          %add3A_848 = arith.addi %add3A_275, %add3A_847 : i32
          %mul3A_849 = arith.constant 48 : i32
          %mul3A_850 = arith.muli %add3A_848, %mul3A_849 : i32
          %add3A_851 = arith.addi %add3A_155, %mul3A_850 : i32
          %dma_wait3A_852 = arith.constant 1 : i32
          %dma_wait3A_853 = arith.constant 0 : i32
          %dma_wait3A_854 = arith.constant 0 : i32
          %dma_wait3A_855 = tpu.memref_slice %arg10[%dma_wait3A_852, %dma_wait3A_853, %dma_wait3A_854] : memref<3x2x48xi32, #tpu.memory_space<vmem>> -> memref<1x1x48xi32, #tpu.memory_space<vmem>>
          %dma_wait3A_856 = tpu.memref_squeeze %dma_wait3A_855 : memref<1x1x48xi32, #tpu.memory_space<vmem>> -> memref<48xi32, #tpu.memory_space<vmem>>
          %dma_wait3A_857 = tpu.memref_slice %arg4[%add3A_851] : memref<640512xi32, #tpu.memory_space<hbm>> -> memref<48xi32, #tpu.memory_space<hbm>>
          %dma_wait3A_858 = arith.constant 0 : i32
          %dma_wait3A_859 = tpu.memref_slice %arg10[%dma_wait3A_852, %dma_wait3A_853, %dma_wait3A_858] : memref<3x2x48xi32, #tpu.memory_space<vmem>> -> memref<1x1x48xi32, #tpu.memory_space<vmem>>
          %dma_wait3A_860 = tpu.memref_squeeze %dma_wait3A_859 : memref<1x1x48xi32, #tpu.memory_space<vmem>> -> memref<48xi32, #tpu.memory_space<vmem>>
          %dma_wait3A_861 = tpu.memref_slice %arg4[%add3A_851] : memref<640512xi32, #tpu.memory_space<hbm>> -> memref<48xi32, #tpu.memory_space<hbm>>
          tpu.wait_dma2 semaphore(%arg17 : memref<!tpu.dma_semaphore, #tpu.memory_space<semaphore_mem>>) src(%dma_wait3A_861 : memref<48xi32, #tpu.memory_space<hbm>>) dst(%dma_wait3A_860 : memref<48xi32, #tpu.memory_space<vmem>>)
          %add3A_862 = arith.constant 320256 : i32
          %add3A_863 = arith.addi %add3A_862, %add3A_851 : i32
          %dma_wait3A_864 = arith.constant 1 : i32
          %dma_wait3A_865 = arith.constant 1 : i32
          %dma_wait3A_866 = arith.constant 0 : i32
          %dma_wait3A_867 = tpu.memref_slice %arg10[%dma_wait3A_864, %dma_wait3A_865, %dma_wait3A_866] : memref<3x2x48xi32, #tpu.memory_space<vmem>> -> memref<1x1x48xi32, #tpu.memory_space<vmem>>
          %dma_wait3A_868 = tpu.memref_squeeze %dma_wait3A_867 : memref<1x1x48xi32, #tpu.memory_space<vmem>> -> memref<48xi32, #tpu.memory_space<vmem>>
          %dma_wait3A_869 = tpu.memref_slice %arg4[%add3A_863] : memref<640512xi32, #tpu.memory_space<hbm>> -> memref<48xi32, #tpu.memory_space<hbm>>
          %dma_wait3A_870 = arith.constant 0 : i32
          %dma_wait3A_871 = tpu.memref_slice %arg10[%dma_wait3A_864, %dma_wait3A_865, %dma_wait3A_870] : memref<3x2x48xi32, #tpu.memory_space<vmem>> -> memref<1x1x48xi32, #tpu.memory_space<vmem>>
          %dma_wait3A_872 = tpu.memref_squeeze %dma_wait3A_871 : memref<1x1x48xi32, #tpu.memory_space<vmem>> -> memref<48xi32, #tpu.memory_space<vmem>>
          %dma_wait3A_873 = tpu.memref_slice %arg4[%add3A_863] : memref<640512xi32, #tpu.memory_space<hbm>> -> memref<48xi32, #tpu.memory_space<hbm>>
          tpu.wait_dma2 semaphore(%arg17 : memref<!tpu.dma_semaphore, #tpu.memory_space<semaphore_mem>>) src(%dma_wait3A_873 : memref<48xi32, #tpu.memory_space<hbm>>) dst(%dma_wait3A_872 : memref<48xi32, #tpu.memory_space<vmem>>)
          %dma_start3A_874 = arith.constant 1 : i32
          %dma_start3A_875 = arith.constant 0 : i32
          %dma_start3A_876 = arith.constant 1 : i32
          %dma_start3A_877 = arith.constant 0 : i32
          %dma_start3A_878 = arith.constant 0 : i32
          %dma_start3A_879 = tpu.memref_slice %arg13[%dma_start3A_876, %dma_start3A_877, %dma_start3A_878] : memref<3x48x128xf32, #tpu.memory_space<vmem>> -> memref<1x48x128xf32, #tpu.memory_space<vmem>>
          %dma_start3A_880 = tpu.memref_squeeze %dma_start3A_879 : memref<1x48x128xf32, #tpu.memory_space<vmem>> -> memref<48x128xf32, #tpu.memory_space<vmem>>
          %dma_start3A_881 = arith.constant 0 : i32
          %dma_start3A_882 = tpu.memref_slice %arg10[%dma_start3A_874, %dma_start3A_875, %dma_start3A_881] : memref<3x2x48xi32, #tpu.memory_space<vmem>> -> memref<1x1x48xi32, #tpu.memory_space<vmem>>
          %dma_start3A_883 = tpu.memref_squeeze %dma_start3A_882 : memref<1x1x48xi32, #tpu.memory_space<vmem>> -> memref<48xi32, #tpu.memory_space<vmem>>
          %dma_start3A_884 = arith.constant 0 : i32
          %dma_start3A_885 = arith.constant 0 : i32
          %dma_start3A_886 = tpu.memref_slice %arg5[%dma_start3A_884, %dma_start3A_885] : memref<10000x128xf32, #tpu.memory_space<hbm>> -> memref<10000x128xf32, #tpu.memory_space<hbm>>
          tpu.enqueue_indirect_dma source(%dma_start3A_886 : memref<10000x128xf32, #tpu.memory_space<hbm>>) target(%dma_start3A_880 : memref<48x128xf32, #tpu.memory_space<vmem>>) offsets(%dma_start3A_883 : memref<48xi32, #tpu.memory_space<vmem>>) semaphore(%arg20 : memref<!tpu.dma_semaphore, #tpu.memory_space<semaphore_mem>>)
        } else {
        }
        %get3A = arith.constant 0 : i32
        %get3A_295 = arith.constant 0 : i32
        %get3A_296 = arith.index_cast %get3A : i32 to index
        %get3A_297 = arith.index_cast %get3A_295 : i32 to index
        %get3A_298 = arith.constant 0 : index
        %get3A_299 = tpu.vector_load %arg10[%get3A_296, %get3A_297, %get3A_298] {strides = array<i32>} : memref<3x2x48xi32, #tpu.memory_space<vmem>>, vector<16xi32>,
        %get3A_300 = arith.constant 0 : i32
        %get3A_301 = arith.constant 1 : i32
        %get3A_302 = arith.index_cast %get3A_300 : i32 to index
        %get3A_303 = arith.index_cast %get3A_301 : i32 to index
        %get3A_304 = arith.constant 0 : index
        %get3A_305 = tpu.vector_load %arg10[%get3A_302, %get3A_303, %get3A_304] {strides = array<i32>} : memref<3x2x48xi32, #tpu.memory_space<vmem>>, vector<16xi32>,
        %gather3A = tpu.vector_load_idx %arg9[%get3A_299] : memref<10000xf32, #tpu.memory_space<vmem>>[vector<16xi32>], vector<16xf32>,
        %gather3A_306 = tpu.vector_load_idx %arg8[%get3A_299] : memref<10000xf32, #tpu.memory_space<vmem>>[vector<16xi32>], vector<16xf32>,
        %gather3A_307 = tpu.vector_load_idx %arg8[%get3A_305] : memref<10000xf32, #tpu.memory_space<vmem>>[vector<16xi32>], vector<16xf32>,
        %sub3A = arith.subf %gather3A_306, %gather3A_307 : vector<16xf32>
        %abs3A = math.absf %sub3A : vector<16xf32>
        %neg3A = arith.constant 0.000000e+00 : f32
        %neg3A_308 = vector.broadcast %neg3A : f32 to vector<16xf32>
        %neg3A_309 = arith.subf %neg3A_308, %abs3A : vector<16xf32>
        %mul3A_310 = arith.mulf %gather3A, %neg3A_309 : vector<16xf32>
        %div3A = arith.constant 5.000000e+02 : f32
        %div3A_311 = vector.broadcast %div3A : f32 to vector<16xf32>
        %div3A_312 = arith.divf %mul3A_310, %div3A_311 : vector<16xf32>
        %exp3A = math.exp %div3A_312 : vector<16xf32>
        %exp3A_313 = math.exp %exp3A : vector<16xf32>
        %mul3A_314 = arith.constant 48 : i32
        %mul3A_315 = arith.muli %add3A_275, %mul3A_314 : i32
        %add3A_316 = arith.addi %add3A_155, %mul3A_315 : i32
        %add3A_317 = arith.constant 0 : i32
        %add3A_318 = arith.addi %add3A_316, %add3A_317 : i32
        %iota3A = tpu.iota {dimensions = array<i32: 0>} : vector<16xi32>
        %add3A_319 = vector.broadcast %add3A_318 : i32 to vector<16xi32>
        %add3A_320 = arith.addi %add3A_319, %iota3A : vector<16xi32>
        %lt3A_321 = arith.constant 320000 : i32
        %lt3A_322 = vector.broadcast %lt3A_321 : i32 to vector<16xi32>
        %lt3A_323 = arith.cmpi slt, %add3A_320, %lt3A_322 : vector<16xi32>
        %jit3A = arith.constant 0.000000e+00 : f32
        %broadcast_in_dim3A = vector.broadcast %jit3A : f32 to vector<16xf32>
        %select_n3A = arith.select %lt3A_323, %exp3A_313, %broadcast_in_dim3A : vector<16xi1>, vector<16xf32>
        %swap3A = arith.constant 0 : index
        %swap3A_324 = tpu.vector_load %arg11[%swap3A] {strides = array<i32>} : memref<48xf32, #tpu.memory_space<vmem>>, vector<16xf32>,
        tpu.vector_store %arg11[%swap3A], %select_n3A {strides = array<i32>} : memref<48xf32, #tpu.memory_space<vmem>>, vector<16xf32>,
        %swap3A_325 = arith.constant 0 : i32
        %swap3A_326 = arith.index_cast %swap3A_325 : i32 to index
        %swap3A_327 = arith.constant 0 : index
        %swap3A_328 = tpu.vector_load %arg12[%swap3A_326, %swap3A_327] {strides = array<i32>} : memref<3x48xi32, #tpu.memory_space<vmem>>, vector<16xi32>,
        tpu.vector_store %arg12[%swap3A_326, %swap3A_327], %get3A_305 {strides = array<i32>} : memref<3x48xi32, #tpu.memory_space<vmem>>, vector<16xi32>,
        %broadcast_in_dim3A_329 = arith.constant 0 : i32
        %broadcast_in_dim3A_330 = vector.broadcast %broadcast_in_dim3A_329 : i32 to vector<16xi32>
        tpu.vector_store_idx %arg14[%broadcast_in_dim3A_330, %get3A_305], %select_n3A {add = true} : memref<1x10000xf32, #tpu.memory_space<vmem>>[vector<16xi32>, vector<16xi32>], vector<16xf32>,
        %get3A_331 = arith.constant 0 : i32
        %get3A_332 = arith.constant 0 : i32
        %get3A_333 = arith.index_cast %get3A_331 : i32 to index
        %get3A_334 = arith.index_cast %get3A_332 : i32 to index
        %get3A_335 = arith.constant 16 : index
        %get3A_336 = tpu.vector_load %arg10[%get3A_333, %get3A_334, %get3A_335] {strides = array<i32>} : memref<3x2x48xi32, #tpu.memory_space<vmem>>, vector<16xi32>,
        %get3A_337 = arith.constant 0 : i32
        %get3A_338 = arith.constant 1 : i32
        %get3A_339 = arith.index_cast %get3A_337 : i32 to index
        %get3A_340 = arith.index_cast %get3A_338 : i32 to index
        %get3A_341 = arith.constant 16 : index
        %get3A_342 = tpu.vector_load %arg10[%get3A_339, %get3A_340, %get3A_341] {strides = array<i32>} : memref<3x2x48xi32, #tpu.memory_space<vmem>>, vector<16xi32>,
        %gather3A_343 = tpu.vector_load_idx %arg9[%get3A_336] : memref<10000xf32, #tpu.memory_space<vmem>>[vector<16xi32>], vector<16xf32>,
        %gather3A_344 = tpu.vector_load_idx %arg8[%get3A_336] : memref<10000xf32, #tpu.memory_space<vmem>>[vector<16xi32>], vector<16xf32>,
        %gather3A_345 = tpu.vector_load_idx %arg8[%get3A_342] : memref<10000xf32, #tpu.memory_space<vmem>>[vector<16xi32>], vector<16xf32>,
        %sub3A_346 = arith.subf %gather3A_344, %gather3A_345 : vector<16xf32>
        %abs3A_347 = math.absf %sub3A_346 : vector<16xf32>
        %neg3A_348 = arith.constant 0.000000e+00 : f32
        %neg3A_349 = vector.broadcast %neg3A_348 : f32 to vector<16xf32>
        %neg3A_350 = arith.subf %neg3A_349, %abs3A_347 : vector<16xf32>
        %mul3A_351 = arith.mulf %gather3A_343, %neg3A_350 : vector<16xf32>
        %div3A_352 = arith.constant 5.000000e+02 : f32
        %div3A_353 = vector.broadcast %div3A_352 : f32 to vector<16xf32>
        %div3A_354 = arith.divf %mul3A_351, %div3A_353 : vector<16xf32>
        %exp3A_355 = math.exp %div3A_354 : vector<16xf32>
        %exp3A_356 = math.exp %exp3A_355 : vector<16xf32>
        %mul3A_357 = arith.constant 48 : i32
        %mul3A_358 = arith.muli %add3A_275, %mul3A_357 : i32
        %add3A_359 = arith.addi %add3A_155, %mul3A_358 : i32
        %add3A_360 = arith.constant 16 : i32
        %add3A_361 = arith.addi %add3A_359, %add3A_360 : i32
        %iota3A_362 = tpu.iota {dimensions = array<i32: 0>} : vector<16xi32>
        %add3A_363 = vector.broadcast %add3A_361 : i32 to vector<16xi32>
        %add3A_364 = arith.addi %add3A_363, %iota3A_362 : vector<16xi32>
        %lt3A_365 = arith.constant 320000 : i32
        %lt3A_366 = vector.broadcast %lt3A_365 : i32 to vector<16xi32>
        %lt3A_367 = arith.cmpi slt, %add3A_364, %lt3A_366 : vector<16xi32>
        %jit3A_368 = arith.constant 0.000000e+00 : f32
        %broadcast_in_dim3A_369 = vector.broadcast %jit3A_368 : f32 to vector<16xf32>
        %select_n3A_370 = arith.select %lt3A_367, %exp3A_356, %broadcast_in_dim3A_369 : vector<16xi1>, vector<16xf32>
        %swap3A_371 = arith.constant 16 : index
        %swap3A_372 = tpu.vector_load %arg11[%swap3A_371] {strides = array<i32>} : memref<48xf32, #tpu.memory_space<vmem>>, vector<16xf32>,
        tpu.vector_store %arg11[%swap3A_371], %select_n3A_370 {strides = array<i32>} : memref<48xf32, #tpu.memory_space<vmem>>, vector<16xf32>,
        %swap3A_373 = arith.constant 0 : i32
        %swap3A_374 = arith.index_cast %swap3A_373 : i32 to index
        %swap3A_375 = arith.constant 16 : index
        %swap3A_376 = tpu.vector_load %arg12[%swap3A_374, %swap3A_375] {strides = array<i32>} : memref<3x48xi32, #tpu.memory_space<vmem>>, vector<16xi32>,
        tpu.vector_store %arg12[%swap3A_374, %swap3A_375], %get3A_342 {strides = array<i32>} : memref<3x48xi32, #tpu.memory_space<vmem>>, vector<16xi32>,
        %broadcast_in_dim3A_377 = arith.constant 0 : i32
        %broadcast_in_dim3A_378 = vector.broadcast %broadcast_in_dim3A_377 : i32 to vector<16xi32>
        tpu.vector_store_idx %arg14[%broadcast_in_dim3A_378, %get3A_342], %select_n3A_370 {add = true} : memref<1x10000xf32, #tpu.memory_space<vmem>>[vector<16xi32>, vector<16xi32>], vector<16xf32>,
        %get3A_379 = arith.constant 0 : i32
        %get3A_380 = arith.constant 0 : i32
        %get3A_381 = arith.index_cast %get3A_379 : i32 to index
        %get3A_382 = arith.index_cast %get3A_380 : i32 to index
        %get3A_383 = arith.constant 32 : index
        %get3A_384 = tpu.vector_load %arg10[%get3A_381, %get3A_382, %get3A_383] {strides = array<i32>} : memref<3x2x48xi32, #tpu.memory_space<vmem>>, vector<16xi32>,
        %get3A_385 = arith.constant 0 : i32
        %get3A_386 = arith.constant 1 : i32
        %get3A_387 = arith.index_cast %get3A_385 : i32 to index
        %get3A_388 = arith.index_cast %get3A_386 : i32 to index
        %get3A_389 = arith.constant 32 : index
        %get3A_390 = tpu.vector_load %arg10[%get3A_387, %get3A_388, %get3A_389] {strides = array<i32>} : memref<3x2x48xi32, #tpu.memory_space<vmem>>, vector<16xi32>,
        %gather3A_391 = tpu.vector_load_idx %arg9[%get3A_384] : memref<10000xf32, #tpu.memory_space<vmem>>[vector<16xi32>], vector<16xf32>,
        %gather3A_392 = tpu.vector_load_idx %arg8[%get3A_384] : memref<10000xf32, #tpu.memory_space<vmem>>[vector<16xi32>], vector<16xf32>,
        %gather3A_393 = tpu.vector_load_idx %arg8[%get3A_390] : memref<10000xf32, #tpu.memory_space<vmem>>[vector<16xi32>], vector<16xf32>,
        %sub3A_394 = arith.subf %gather3A_392, %gather3A_393 : vector<16xf32>
        %abs3A_395 = math.absf %sub3A_394 : vector<16xf32>
        %neg3A_396 = arith.constant 0.000000e+00 : f32
        %neg3A_397 = vector.broadcast %neg3A_396 : f32 to vector<16xf32>
        %neg3A_398 = arith.subf %neg3A_397, %abs3A_395 : vector<16xf32>
        %mul3A_399 = arith.mulf %gather3A_391, %neg3A_398 : vector<16xf32>
        %div3A_400 = arith.constant 5.000000e+02 : f32
        %div3A_401 = vector.broadcast %div3A_400 : f32 to vector<16xf32>
        %div3A_402 = arith.divf %mul3A_399, %div3A_401 : vector<16xf32>
        %exp3A_403 = math.exp %div3A_402 : vector<16xf32>
        %exp3A_404 = math.exp %exp3A_403 : vector<16xf32>
        %mul3A_405 = arith.constant 48 : i32
        %mul3A_406 = arith.muli %add3A_275, %mul3A_405 : i32
        %add3A_407 = arith.addi %add3A_155, %mul3A_406 : i32
        %add3A_408 = arith.constant 32 : i32
        %add3A_409 = arith.addi %add3A_407, %add3A_408 : i32
        %iota3A_410 = tpu.iota {dimensions = array<i32: 0>} : vector<16xi32>
        %add3A_411 = vector.broadcast %add3A_409 : i32 to vector<16xi32>
        %add3A_412 = arith.addi %add3A_411, %iota3A_410 : vector<16xi32>
        %lt3A_413 = arith.constant 320000 : i32
        %lt3A_414 = vector.broadcast %lt3A_413 : i32 to vector<16xi32>
        %lt3A_415 = arith.cmpi slt, %add3A_412, %lt3A_414 : vector<16xi32>
        %jit3A_416 = arith.constant 0.000000e+00 : f32
        %broadcast_in_dim3A_417 = vector.broadcast %jit3A_416 : f32 to vector<16xf32>
        %select_n3A_418 = arith.select %lt3A_415, %exp3A_404, %broadcast_in_dim3A_417 : vector<16xi1>, vector<16xf32>
        %swap3A_419 = arith.constant 32 : index
        %swap3A_420 = tpu.vector_load %arg11[%swap3A_419] {strides = array<i32>} : memref<48xf32, #tpu.memory_space<vmem>>, vector<16xf32>,
        tpu.vector_store %arg11[%swap3A_419], %select_n3A_418 {strides = array<i32>} : memref<48xf32, #tpu.memory_space<vmem>>, vector<16xf32>,
        %swap3A_421 = arith.constant 0 : i32
        %swap3A_422 = arith.index_cast %swap3A_421 : i32 to index
        %swap3A_423 = arith.constant 32 : index
        %swap3A_424 = tpu.vector_load %arg12[%swap3A_422, %swap3A_423] {strides = array<i32>} : memref<3x48xi32, #tpu.memory_space<vmem>>, vector<16xi32>,
        tpu.vector_store %arg12[%swap3A_422, %swap3A_423], %get3A_390 {strides = array<i32>} : memref<3x48xi32, #tpu.memory_space<vmem>>, vector<16xi32>,
        %broadcast_in_dim3A_425 = arith.constant 0 : i32
        %broadcast_in_dim3A_426 = vector.broadcast %broadcast_in_dim3A_425 : i32 to vector<16xi32>
        tpu.vector_store_idx %arg14[%broadcast_in_dim3A_426, %get3A_390], %select_n3A_418 {add = true} : memref<1x10000xf32, #tpu.memory_space<vmem>>[vector<16xi32>, vector<16xi32>], vector<16xf32>,
        %scan3A_427 = arith.constant 0 : i32
        %scan3A_428 = arith.constant 48 : i32
        %scan3A_429 = arith.addi %scan3A_427, %scan3A_428 : i32
        %scan3A_430 = arith.constant 2 : i32
        scf.for %scan3A_842 = %scan3A_427 to %scan3A_429 step %scan3A_430  : i32 {
          %mul3A_843 = arith.constant 1 : i32
          %mul3A_844 = arith.muli %scan3A_842, %mul3A_843 : i32
          %add3A_845 = arith.constant 0 : i32
          %add3A_846 = arith.addi %add3A_845, %mul3A_844 : i32
          %broadcast_in_dim3A_847 = vector.broadcast %add3A_846 : i32 to vector<16xi32>
          %gather3A_848 = tpu.vector_load_idx %arg11[%broadcast_in_dim3A_847] : memref<48xf32, #tpu.memory_space<vmem>>[vector<16xi32>], vector<16xf32>,
          %get3A_849 = arith.constant 0 : i32
          %get3A_850 = arith.index_cast %get3A_849 : i32 to index
          %get3A_851 = arith.index_cast %add3A_846 : i32 to index
          %get3A_852 = arith.constant 0 : index
          %get3A_853 = tpu.vector_load %arg13[%get3A_850, %get3A_851, %get3A_852] {strides = array<i32>} : memref<3x48x128xf32, #tpu.memory_space<vmem>>, vector<16xf32>,
          %mul3A_854 = arith.mulf %get3A_853, %gather3A_848 : vector<16xf32>
          %swap3A_855 = arith.constant 0 : i32
          %swap3A_856 = arith.index_cast %swap3A_855 : i32 to index
          %swap3A_857 = arith.index_cast %add3A_846 : i32 to index
          %swap3A_858 = arith.constant 0 : index
          %swap3A_859 = tpu.vector_load %arg13[%swap3A_856, %swap3A_857, %swap3A_858] {strides = array<i32>} : memref<3x48x128xf32, #tpu.memory_space<vmem>>, vector<16xf32>,
          tpu.vector_store %arg13[%swap3A_856, %swap3A_857, %swap3A_858], %mul3A_854 {strides = array<i32>} : memref<3x48x128xf32, #tpu.memory_space<vmem>>, vector<16xf32>,
          %get3A_860 = arith.constant 0 : i32
          %get3A_861 = arith.index_cast %get3A_860 : i32 to index
          %get3A_862 = arith.index_cast %add3A_846 : i32 to index
          %get3A_863 = arith.constant 16 : index
          %get3A_864 = tpu.vector_load %arg13[%get3A_861, %get3A_862, %get3A_863] {strides = array<i32>} : memref<3x48x128xf32, #tpu.memory_space<vmem>>, vector<16xf32>,
          %mul3A_865 = arith.mulf %get3A_864, %gather3A_848 : vector<16xf32>
          %swap3A_866 = arith.constant 0 : i32
          %swap3A_867 = arith.index_cast %swap3A_866 : i32 to index
          %swap3A_868 = arith.index_cast %add3A_846 : i32 to index
          %swap3A_869 = arith.constant 16 : index
          %swap3A_870 = tpu.vector_load %arg13[%swap3A_867, %swap3A_868, %swap3A_869] {strides = array<i32>} : memref<3x48x128xf32, #tpu.memory_space<vmem>>, vector<16xf32>,
          tpu.vector_store %arg13[%swap3A_867, %swap3A_868, %swap3A_869], %mul3A_865 {strides = array<i32>} : memref<3x48x128xf32, #tpu.memory_space<vmem>>, vector<16xf32>,
          %get3A_871 = arith.constant 0 : i32
          %get3A_872 = arith.index_cast %get3A_871 : i32 to index
          %get3A_873 = arith.index_cast %add3A_846 : i32 to index
          %get3A_874 = arith.constant 32 : index
          %get3A_875 = tpu.vector_load %arg13[%get3A_872, %get3A_873, %get3A_874] {strides = array<i32>} : memref<3x48x128xf32, #tpu.memory_space<vmem>>, vector<16xf32>,
          %mul3A_876 = arith.mulf %get3A_875, %gather3A_848 : vector<16xf32>
          %swap3A_877 = arith.constant 0 : i32
          %swap3A_878 = arith.index_cast %swap3A_877 : i32 to index
          %swap3A_879 = arith.index_cast %add3A_846 : i32 to index
          %swap3A_880 = arith.constant 32 : index
          %swap3A_881 = tpu.vector_load %arg13[%swap3A_878, %swap3A_879, %swap3A_880] {strides = array<i32>} : memref<3x48x128xf32, #tpu.memory_space<vmem>>, vector<16xf32>,
          tpu.vector_store %arg13[%swap3A_878, %swap3A_879, %swap3A_880], %mul3A_876 {strides = array<i32>} : memref<3x48x128xf32, #tpu.memory_space<vmem>>, vector<16xf32>,
          %get3A_882 = arith.constant 0 : i32
          %get3A_883 = arith.index_cast %get3A_882 : i32 to index
          %get3A_884 = arith.index_cast %add3A_846 : i32 to index
          %get3A_885 = arith.constant 48 : index
          %get3A_886 = tpu.vector_load %arg13[%get3A_883, %get3A_884, %get3A_885] {strides = array<i32>} : memref<3x48x128xf32, #tpu.memory_space<vmem>>, vector<16xf32>,
          %mul3A_887 = arith.mulf %get3A_886, %gather3A_848 : vector<16xf32>
          %swap3A_888 = arith.constant 0 : i32
          %swap3A_889 = arith.index_cast %swap3A_888 : i32 to index
          %swap3A_890 = arith.index_cast %add3A_846 : i32 to index
          %swap3A_891 = arith.constant 48 : index
          %swap3A_892 = tpu.vector_load %arg13[%swap3A_889, %swap3A_890, %swap3A_891] {strides = array<i32>} : memref<3x48x128xf32, #tpu.memory_space<vmem>>, vector<16xf32>,
          tpu.vector_store %arg13[%swap3A_889, %swap3A_890, %swap3A_891], %mul3A_887 {strides = array<i32>} : memref<3x48x128xf32, #tpu.memory_space<vmem>>, vector<16xf32>,
          %get3A_893 = arith.constant 0 : i32
          %get3A_894 = arith.index_cast %get3A_893 : i32 to index
          %get3A_895 = arith.index_cast %add3A_846 : i32 to index
          %get3A_896 = arith.constant 64 : index
          %get3A_897 = tpu.vector_load %arg13[%get3A_894, %get3A_895, %get3A_896] {strides = array<i32>} : memref<3x48x128xf32, #tpu.memory_space<vmem>>, vector<16xf32>,
          %mul3A_898 = arith.mulf %get3A_897, %gather3A_848 : vector<16xf32>
          %swap3A_899 = arith.constant 0 : i32
          %swap3A_900 = arith.index_cast %swap3A_899 : i32 to index
          %swap3A_901 = arith.index_cast %add3A_846 : i32 to index
          %swap3A_902 = arith.constant 64 : index
          %swap3A_903 = tpu.vector_load %arg13[%swap3A_900, %swap3A_901, %swap3A_902] {strides = array<i32>} : memref<3x48x128xf32, #tpu.memory_space<vmem>>, vector<16xf32>,
          tpu.vector_store %arg13[%swap3A_900, %swap3A_901, %swap3A_902], %mul3A_898 {strides = array<i32>} : memref<3x48x128xf32, #tpu.memory_space<vmem>>, vector<16xf32>,
          %get3A_904 = arith.constant 0 : i32
          %get3A_905 = arith.index_cast %get3A_904 : i32 to index
          %get3A_906 = arith.index_cast %add3A_846 : i32 to index
          %get3A_907 = arith.constant 80 : index
          %get3A_908 = tpu.vector_load %arg13[%get3A_905, %get3A_906, %get3A_907] {strides = array<i32>} : memref<3x48x128xf32, #tpu.memory_space<vmem>>, vector<16xf32>,
          %mul3A_909 = arith.mulf %get3A_908, %gather3A_848 : vector<16xf32>
          %swap3A_910 = arith.constant 0 : i32
          %swap3A_911 = arith.index_cast %swap3A_910 : i32 to index
          %swap3A_912 = arith.index_cast %add3A_846 : i32 to index
          %swap3A_913 = arith.constant 80 : index
          %swap3A_914 = tpu.vector_load %arg13[%swap3A_911, %swap3A_912, %swap3A_913] {strides = array<i32>} : memref<3x48x128xf32, #tpu.memory_space<vmem>>, vector<16xf32>,
          tpu.vector_store %arg13[%swap3A_911, %swap3A_912, %swap3A_913], %mul3A_909 {strides = array<i32>} : memref<3x48x128xf32, #tpu.memory_space<vmem>>, vector<16xf32>,
          %get3A_915 = arith.constant 0 : i32
          %get3A_916 = arith.index_cast %get3A_915 : i32 to index
          %get3A_917 = arith.index_cast %add3A_846 : i32 to index
          %get3A_918 = arith.constant 96 : index
          %get3A_919 = tpu.vector_load %arg13[%get3A_916, %get3A_917, %get3A_918] {strides = array<i32>} : memref<3x48x128xf32, #tpu.memory_space<vmem>>, vector<16xf32>,
          %mul3A_920 = arith.mulf %get3A_919, %gather3A_848 : vector<16xf32>
          %swap3A_921 = arith.constant 0 : i32
          %swap3A_922 = arith.index_cast %swap3A_921 : i32 to index
          %swap3A_923 = arith.index_cast %add3A_846 : i32 to index
          %swap3A_924 = arith.constant 96 : index
          %swap3A_925 = tpu.vector_load %arg13[%swap3A_922, %swap3A_923, %swap3A_924] {strides = array<i32>} : memref<3x48x128xf32, #tpu.memory_space<vmem>>, vector<16xf32>,
          tpu.vector_store %arg13[%swap3A_922, %swap3A_923, %swap3A_924], %mul3A_920 {strides = array<i32>} : memref<3x48x128xf32, #tpu.memory_space<vmem>>, vector<16xf32>,
          %get3A_926 = arith.constant 0 : i32
          %get3A_927 = arith.index_cast %get3A_926 : i32 to index
          %get3A_928 = arith.index_cast %add3A_846 : i32 to index
          %get3A_929 = arith.constant 112 : index
          %get3A_930 = tpu.vector_load %arg13[%get3A_927, %get3A_928, %get3A_929] {strides = array<i32>} : memref<3x48x128xf32, #tpu.memory_space<vmem>>, vector<16xf32>,
          %mul3A_931 = arith.mulf %get3A_930, %gather3A_848 : vector<16xf32>
          %swap3A_932 = arith.constant 0 : i32
          %swap3A_933 = arith.index_cast %swap3A_932 : i32 to index
          %swap3A_934 = arith.index_cast %add3A_846 : i32 to index
          %swap3A_935 = arith.constant 112 : index
          %swap3A_936 = tpu.vector_load %arg13[%swap3A_933, %swap3A_934, %swap3A_935] {strides = array<i32>} : memref<3x48x128xf32, #tpu.memory_space<vmem>>, vector<16xf32>,
          tpu.vector_store %arg13[%swap3A_933, %swap3A_934, %swap3A_935], %mul3A_931 {strides = array<i32>} : memref<3x48x128xf32, #tpu.memory_space<vmem>>, vector<16xf32>,
          %scan3A_937 = arith.constant 1 : i32
          %scan3A_938 = arith.addi %scan3A_842, %scan3A_937 : i32
          %mul3A_939 = arith.constant 1 : i32
          %mul3A_940 = arith.muli %scan3A_938, %mul3A_939 : i32
          %add3A_941 = arith.constant 0 : i32
          %add3A_942 = arith.addi %add3A_941, %mul3A_940 : i32
          %broadcast_in_dim3A_943 = vector.broadcast %add3A_942 : i32 to vector<16xi32>
          %gather3A_944 = tpu.vector_load_idx %arg11[%broadcast_in_dim3A_943] : memref<48xf32, #tpu.memory_space<vmem>>[vector<16xi32>], vector<16xf32>,
          %get3A_945 = arith.constant 0 : i32
          %get3A_946 = arith.index_cast %get3A_945 : i32 to index
          %get3A_947 = arith.index_cast %add3A_942 : i32 to index
          %get3A_948 = arith.constant 0 : index
          %get3A_949 = tpu.vector_load %arg13[%get3A_946, %get3A_947, %get3A_948] {strides = array<i32>} : memref<3x48x128xf32, #tpu.memory_space<vmem>>, vector<16xf32>,
          %mul3A_950 = arith.mulf %get3A_949, %gather3A_944 : vector<16xf32>
          %swap3A_951 = arith.constant 0 : i32
          %swap3A_952 = arith.index_cast %swap3A_951 : i32 to index
          %swap3A_953 = arith.index_cast %add3A_942 : i32 to index
          %swap3A_954 = arith.constant 0 : index
          %swap3A_955 = tpu.vector_load %arg13[%swap3A_952, %swap3A_953, %swap3A_954] {strides = array<i32>} : memref<3x48x128xf32, #tpu.memory_space<vmem>>, vector<16xf32>,
          tpu.vector_store %arg13[%swap3A_952, %swap3A_953, %swap3A_954], %mul3A_950 {strides = array<i32>} : memref<3x48x128xf32, #tpu.memory_space<vmem>>, vector<16xf32>,
          %get3A_956 = arith.constant 0 : i32
          %get3A_957 = arith.index_cast %get3A_956 : i32 to index
          %get3A_958 = arith.index_cast %add3A_942 : i32 to index
          %get3A_959 = arith.constant 16 : index
          %get3A_960 = tpu.vector_load %arg13[%get3A_957, %get3A_958, %get3A_959] {strides = array<i32>} : memref<3x48x128xf32, #tpu.memory_space<vmem>>, vector<16xf32>,
          %mul3A_961 = arith.mulf %get3A_960, %gather3A_944 : vector<16xf32>
          %swap3A_962 = arith.constant 0 : i32
          %swap3A_963 = arith.index_cast %swap3A_962 : i32 to index
          %swap3A_964 = arith.index_cast %add3A_942 : i32 to index
          %swap3A_965 = arith.constant 16 : index
          %swap3A_966 = tpu.vector_load %arg13[%swap3A_963, %swap3A_964, %swap3A_965] {strides = array<i32>} : memref<3x48x128xf32, #tpu.memory_space<vmem>>, vector<16xf32>,
          tpu.vector_store %arg13[%swap3A_963, %swap3A_964, %swap3A_965], %mul3A_961 {strides = array<i32>} : memref<3x48x128xf32, #tpu.memory_space<vmem>>, vector<16xf32>,
          %get3A_967 = arith.constant 0 : i32
          %get3A_968 = arith.index_cast %get3A_967 : i32 to index
          %get3A_969 = arith.index_cast %add3A_942 : i32 to index
          %get3A_970 = arith.constant 32 : index
          %get3A_971 = tpu.vector_load %arg13[%get3A_968, %get3A_969, %get3A_970] {strides = array<i32>} : memref<3x48x128xf32, #tpu.memory_space<vmem>>, vector<16xf32>,
          %mul3A_972 = arith.mulf %get3A_971, %gather3A_944 : vector<16xf32>
          %swap3A_973 = arith.constant 0 : i32
          %swap3A_974 = arith.index_cast %swap3A_973 : i32 to index
          %swap3A_975 = arith.index_cast %add3A_942 : i32 to index
          %swap3A_976 = arith.constant 32 : index
          %swap3A_977 = tpu.vector_load %arg13[%swap3A_974, %swap3A_975, %swap3A_976] {strides = array<i32>} : memref<3x48x128xf32, #tpu.memory_space<vmem>>, vector<16xf32>,
          tpu.vector_store %arg13[%swap3A_974, %swap3A_975, %swap3A_976], %mul3A_972 {strides = array<i32>} : memref<3x48x128xf32, #tpu.memory_space<vmem>>, vector<16xf32>,
          %get3A_978 = arith.constant 0 : i32
          %get3A_979 = arith.index_cast %get3A_978 : i32 to index
          %get3A_980 = arith.index_cast %add3A_942 : i32 to index
          %get3A_981 = arith.constant 48 : index
          %get3A_982 = tpu.vector_load %arg13[%get3A_979, %get3A_980, %get3A_981] {strides = array<i32>} : memref<3x48x128xf32, #tpu.memory_space<vmem>>, vector<16xf32>,
          %mul3A_983 = arith.mulf %get3A_982, %gather3A_944 : vector<16xf32>
          %swap3A_984 = arith.constant 0 : i32
          %swap3A_985 = arith.index_cast %swap3A_984 : i32 to index
          %swap3A_986 = arith.index_cast %add3A_942 : i32 to index
          %swap3A_987 = arith.constant 48 : index
          %swap3A_988 = tpu.vector_load %arg13[%swap3A_985, %swap3A_986, %swap3A_987] {strides = array<i32>} : memref<3x48x128xf32, #tpu.memory_space<vmem>>, vector<16xf32>,
          tpu.vector_store %arg13[%swap3A_985, %swap3A_986, %swap3A_987], %mul3A_983 {strides = array<i32>} : memref<3x48x128xf32, #tpu.memory_space<vmem>>, vector<16xf32>,
          %get3A_989 = arith.constant 0 : i32
          %get3A_990 = arith.index_cast %get3A_989 : i32 to index
          %get3A_991 = arith.index_cast %add3A_942 : i32 to index
          %get3A_992 = arith.constant 64 : index
          %get3A_993 = tpu.vector_load %arg13[%get3A_990, %get3A_991, %get3A_992] {strides = array<i32>} : memref<3x48x128xf32, #tpu.memory_space<vmem>>, vector<16xf32>,
          %mul3A_994 = arith.mulf %get3A_993, %gather3A_944 : vector<16xf32>
          %swap3A_995 = arith.constant 0 : i32
          %swap3A_996 = arith.index_cast %swap3A_995 : i32 to index
          %swap3A_997 = arith.index_cast %add3A_942 : i32 to index
          %swap3A_998 = arith.constant 64 : index
          %swap3A_999 = tpu.vector_load %arg13[%swap3A_996, %swap3A_997, %swap3A_998] {strides = array<i32>} : memref<3x48x128xf32, #tpu.memory_space<vmem>>, vector<16xf32>,
          tpu.vector_store %arg13[%swap3A_996, %swap3A_997, %swap3A_998], %mul3A_994 {strides = array<i32>} : memref<3x48x128xf32, #tpu.memory_space<vmem>>, vector<16xf32>,
          %get3A_1000 = arith.constant 0 : i32
          %get3A_1001 = arith.index_cast %get3A_1000 : i32 to index
          %get3A_1002 = arith.index_cast %add3A_942 : i32 to index
          %get3A_1003 = arith.constant 80 : index
          %get3A_1004 = tpu.vector_load %arg13[%get3A_1001, %get3A_1002, %get3A_1003] {strides = array<i32>} : memref<3x48x128xf32, #tpu.memory_space<vmem>>, vector<16xf32>,
          %mul3A_1005 = arith.mulf %get3A_1004, %gather3A_944 : vector<16xf32>
          %swap3A_1006 = arith.constant 0 : i32
          %swap3A_1007 = arith.index_cast %swap3A_1006 : i32 to index
          %swap3A_1008 = arith.index_cast %add3A_942 : i32 to index
          %swap3A_1009 = arith.constant 80 : index
          %swap3A_1010 = tpu.vector_load %arg13[%swap3A_1007, %swap3A_1008, %swap3A_1009] {strides = array<i32>} : memref<3x48x128xf32, #tpu.memory_space<vmem>>, vector<16xf32>,
          tpu.vector_store %arg13[%swap3A_1007, %swap3A_1008, %swap3A_1009], %mul3A_1005 {strides = array<i32>} : memref<3x48x128xf32, #tpu.memory_space<vmem>>, vector<16xf32>,
          %get3A_1011 = arith.constant 0 : i32
          %get3A_1012 = arith.index_cast %get3A_1011 : i32 to index
          %get3A_1013 = arith.index_cast %add3A_942 : i32 to index
          %get3A_1014 = arith.constant 96 : index
          %get3A_1015 = tpu.vector_load %arg13[%get3A_1012, %get3A_1013, %get3A_1014] {strides = array<i32>} : memref<3x48x128xf32, #tpu.memory_space<vmem>>, vector<16xf32>,
          %mul3A_1016 = arith.mulf %get3A_1015, %gather3A_944 : vector<16xf32>
          %swap3A_1017 = arith.constant 0 : i32
          %swap3A_1018 = arith.index_cast %swap3A_1017 : i32 to index
          %swap3A_1019 = arith.index_cast %add3A_942 : i32 to index
          %swap3A_1020 = arith.constant 96 : index
          %swap3A_1021 = tpu.vector_load %arg13[%swap3A_1018, %swap3A_1019, %swap3A_1020] {strides = array<i32>} : memref<3x48x128xf32, #tpu.memory_space<vmem>>, vector<16xf32>,
          tpu.vector_store %arg13[%swap3A_1018, %swap3A_1019, %swap3A_1020], %mul3A_1016 {strides = array<i32>} : memref<3x48x128xf32, #tpu.memory_space<vmem>>, vector<16xf32>,
          %get3A_1022 = arith.constant 0 : i32
          %get3A_1023 = arith.index_cast %get3A_1022 : i32 to index
          %get3A_1024 = arith.index_cast %add3A_942 : i32 to index
          %get3A_1025 = arith.constant 112 : index
          %get3A_1026 = tpu.vector_load %arg13[%get3A_1023, %get3A_1024, %get3A_1025] {strides = array<i32>} : memref<3x48x128xf32, #tpu.memory_space<vmem>>, vector<16xf32>,
          %mul3A_1027 = arith.mulf %get3A_1026, %gather3A_944 : vector<16xf32>
          %swap3A_1028 = arith.constant 0 : i32
          %swap3A_1029 = arith.index_cast %swap3A_1028 : i32 to index
          %swap3A_1030 = arith.index_cast %add3A_942 : i32 to index
          %swap3A_1031 = arith.constant 112 : index
          %swap3A_1032 = tpu.vector_load %arg13[%swap3A_1029, %swap3A_1030, %swap3A_1031] {strides = array<i32>} : memref<3x48x128xf32, #tpu.memory_space<vmem>>, vector<16xf32>,
          tpu.vector_store %arg13[%swap3A_1029, %swap3A_1030, %swap3A_1031], %mul3A_1027 {strides = array<i32>} : memref<3x48x128xf32, #tpu.memory_space<vmem>>, vector<16xf32>,
        }
        %scan3A_431 = arith.constant 48 : i32
        %dma_start3A_432 = arith.constant 0 : i32
        %dma_start3A_433 = arith.constant 0 : i32
        %dma_start3A_434 = arith.constant 0 : i32
        %dma_start3A_435 = arith.constant 0 : i32
        %dma_start3A_436 = tpu.memref_slice %arg13[%dma_start3A_432, %dma_start3A_434, %dma_start3A_435] : memref<3x48x128xf32, #tpu.memory_space<vmem>> -> memref<1x48x128xf32, #tpu.memory_space<vmem>>
        %dma_start3A_437 = tpu.memref_squeeze %dma_start3A_436 : memref<1x48x128xf32, #tpu.memory_space<vmem>> -> memref<48x128xf32, #tpu.memory_space<vmem>>
        %dma_start3A_438 = arith.constant 0 : i32
        %dma_start3A_439 = tpu.memref_slice %arg12[%dma_start3A_433, %dma_start3A_438] : memref<3x48xi32, #tpu.memory_space<vmem>> -> memref<1x48xi32, #tpu.memory_space<vmem>>
        %dma_start3A_440 = tpu.memref_squeeze %dma_start3A_439 : memref<1x48xi32, #tpu.memory_space<vmem>> -> memref<48xi32, #tpu.memory_space<vmem>>
        %dma_start3A_441 = arith.constant 0 : i32
        %dma_start3A_442 = arith.constant 0 : i32
        %dma_start3A_443 = tpu.memref_slice %arg15[%dma_start3A_441, %dma_start3A_442] : memref<10112x128xf32, #tpu.memory_space<vmem_shared>> -> memref<10112x128xf32, #tpu.memory_space<vmem_shared>>
        tpu.enqueue_indirect_dma source(%dma_start3A_437 : memref<48x128xf32, #tpu.memory_space<vmem>>) target(%dma_start3A_443 : memref<10112x128xf32, #tpu.memory_space<vmem_shared>>) offsets(%dma_start3A_440 : memref<48xi32, #tpu.memory_space<vmem>>) semaphore(%arg22 : memref<!tpu.dma_semaphore, #tpu.memory_space<semaphore_mem>>) {add = true}
        %ge3A = arith.constant 1 : i32
        %ge3A_444 = arith.cmpi sge, %add3A_275, %ge3A : i32
        %add3A_445 = arith.constant 2 : i32
        %add3A_446 = arith.addi %add3A_275, %add3A_445 : i32
        %lt3A_447 = arith.constant 219 : i32
        %lt3A_448 = arith.cmpi slt, %add3A_446, %lt3A_447 : i32
        %and3A = arith.andi %ge3A_444, %lt3A_448 : i1
        %convert_element_type3A_449 = arith.extui %and3A : i1 to i32
        %cond3A_450 = arith.constant 0 : i32
        %cond3A_451 = arith.cmpi ne, %convert_element_type3A_449, %cond3A_450 : i32
        scf.if %cond3A_451 {
          %add3A_842 = arith.constant 2 : i32
          %add3A_843 = arith.addi %add3A_275, %add3A_842 : i32
          %mul3A_844 = arith.constant 48 : i32
          %mul3A_845 = arith.muli %add3A_843, %mul3A_844 : i32
          %add3A_846 = arith.addi %add3A_155, %mul3A_845 : i32
          %dma_start3A_847 = arith.constant 2 : i32
          %dma_start3A_848 = arith.constant 0 : i32
          %dma_start3A_849 = arith.constant 0 : i32
          %dma_start3A_850 = tpu.memref_slice %arg10[%dma_start3A_847, %dma_start3A_848, %dma_start3A_849] : memref<3x2x48xi32, #tpu.memory_space<vmem>> -> memref<1x1x48xi32, #tpu.memory_space<vmem>>
          %dma_start3A_851 = tpu.memref_squeeze %dma_start3A_850 : memref<1x1x48xi32, #tpu.memory_space<vmem>> -> memref<48xi32, #tpu.memory_space<vmem>>
          %dma_start3A_852 = tpu.memref_slice %arg4[%add3A_846] : memref<640512xi32, #tpu.memory_space<hbm>> -> memref<48xi32, #tpu.memory_space<hbm>>
          %dma_start3A_853 = arith.constant 0 : i32
          %dma_start3A_854 = tpu.memref_slice %arg10[%dma_start3A_847, %dma_start3A_848, %dma_start3A_853] : memref<3x2x48xi32, #tpu.memory_space<vmem>> -> memref<1x1x48xi32, #tpu.memory_space<vmem>>
          %dma_start3A_855 = tpu.memref_squeeze %dma_start3A_854 : memref<1x1x48xi32, #tpu.memory_space<vmem>> -> memref<48xi32, #tpu.memory_space<vmem>>
          %dma_start3A_856 = tpu.memref_slice %arg4[%add3A_846] : memref<640512xi32, #tpu.memory_space<hbm>> -> memref<48xi32, #tpu.memory_space<hbm>>
          tpu.enqueue_dma source(%dma_start3A_856 : memref<48xi32, #tpu.memory_space<hbm>>) target(%dma_start3A_855 : memref<48xi32, #tpu.memory_space<vmem>>) target_semaphore(%arg18 : memref<!tpu.dma_semaphore, #tpu.memory_space<semaphore_mem>>)
          %add3A_857 = arith.constant 320256 : i32
          %add3A_858 = arith.addi %add3A_857, %add3A_846 : i32
          %dma_start3A_859 = arith.constant 2 : i32
          %dma_start3A_860 = arith.constant 1 : i32
          %dma_start3A_861 = arith.constant 0 : i32
          %dma_start3A_862 = tpu.memref_slice %arg10[%dma_start3A_859, %dma_start3A_860, %dma_start3A_861] : memref<3x2x48xi32, #tpu.memory_space<vmem>> -> memref<1x1x48xi32, #tpu.memory_space<vmem>>
          %dma_start3A_863 = tpu.memref_squeeze %dma_start3A_862 : memref<1x1x48xi32, #tpu.memory_space<vmem>> -> memref<48xi32, #tpu.memory_space<vmem>>
          %dma_start3A_864 = tpu.memref_slice %arg4[%add3A_858] : memref<640512xi32, #tpu.memory_space<hbm>> -> memref<48xi32, #tpu.memory_space<hbm>>
          %dma_start3A_865 = arith.constant 0 : i32
          %dma_start3A_866 = tpu.memref_slice %arg10[%dma_start3A_859, %dma_start3A_860, %dma_start3A_865] : memref<3x2x48xi32, #tpu.memory_space<vmem>> -> memref<1x1x48xi32, #tpu.memory_space<vmem>>
          %dma_start3A_867 = tpu.memref_squeeze %dma_start3A_866 : memref<1x1x48xi32, #tpu.memory_space<vmem>> -> memref<48xi32, #tpu.memory_space<vmem>>
          %dma_start3A_868 = tpu.memref_slice %arg4[%add3A_858] : memref<640512xi32, #tpu.memory_space<hbm>> -> memref<48xi32, #tpu.memory_space<hbm>>
          tpu.enqueue_dma source(%dma_start3A_868 : memref<48xi32, #tpu.memory_space<hbm>>) target(%dma_start3A_867 : memref<48xi32, #tpu.memory_space<vmem>>) target_semaphore(%arg18 : memref<!tpu.dma_semaphore, #tpu.memory_space<semaphore_mem>>)
        } else {
        }
        %mul3A_452 = arith.constant 3 : i32
        %mul3A_453 = arith.muli %add3A_271, %mul3A_452 : i32
        %add3A_454 = arith.constant 1 : i32
        %add3A_455 = arith.addi %mul3A_453, %add3A_454 : i32
        %dma_wait3A_456 = arith.constant 1 : i32
        %dma_wait3A_457 = arith.constant 0 : i32
        %dma_wait3A_458 = arith.constant 1 : i32
        %dma_wait3A_459 = arith.constant 0 : i32
        %dma_wait3A_460 = arith.constant 0 : i32
        %dma_wait3A_461 = tpu.memref_slice %arg13[%dma_wait3A_458, %dma_wait3A_459, %dma_wait3A_460] : memref<3x48x128xf32, #tpu.memory_space<vmem>> -> memref<1x48x128xf32, #tpu.memory_space<vmem>>
        %dma_wait3A_462 = tpu.memref_squeeze %dma_wait3A_461 : memref<1x48x128xf32, #tpu.memory_space<vmem>> -> memref<48x128xf32, #tpu.memory_space<vmem>>
        %dma_wait3A_463 = arith.constant 0 : i32
        %dma_wait3A_464 = tpu.memref_slice %arg10[%dma_wait3A_456, %dma_wait3A_457, %dma_wait3A_463] : memref<3x2x48xi32, #tpu.memory_space<vmem>> -> memref<1x1x48xi32, #tpu.memory_space<vmem>>
        %dma_wait3A_465 = tpu.memref_squeeze %dma_wait3A_464 : memref<1x1x48xi32, #tpu.memory_space<vmem>> -> memref<48xi32, #tpu.memory_space<vmem>>
        %dma_wait3A_466 = arith.constant 0 : i32
        %dma_wait3A_467 = arith.constant 0 : i32
        %dma_wait3A_468 = tpu.memref_slice %arg5[%dma_wait3A_466, %dma_wait3A_467] : memref<10000x128xf32, #tpu.memory_space<hbm>> -> memref<10000x128xf32, #tpu.memory_space<hbm>>
        tpu.wait_indirect_dma semaphore(%arg20 : memref<!tpu.dma_semaphore, #tpu.memory_space<semaphore_mem>>) src(%dma_wait3A_468 : memref<10000x128xf32, #tpu.memory_space<hbm>>) dst(%dma_wait3A_462 : memref<48x128xf32, #tpu.memory_space<vmem>>)
        %add3A_469 = arith.constant 1 : i32
        %add3A_470 = arith.addi %add3A_455, %add3A_469 : i32
        %lt3A_471 = arith.constant 219 : i32
        %lt3A_472 = arith.cmpi slt, %add3A_470, %lt3A_471 : i32
        %convert_element_type3A_473 = arith.extui %lt3A_472 : i1 to i32
        %cond3A_474 = arith.constant 0 : i32
        %cond3A_475 = arith.cmpi ne, %convert_element_type3A_473, %cond3A_474 : i32
        scf.if %cond3A_475 {
          %ge3A_842 = arith.constant 2 : i32
          %ge3A_843 = arith.cmpi sge, %add3A_455, %ge3A_842 : i32
          %convert_element_type3A_844 = arith.extui %ge3A_843 : i1 to i32
          %cond3A_845 = arith.constant 0 : i32
          %cond3A_846 = arith.cmpi ne, %convert_element_type3A_844, %cond3A_845 : i32
          scf.if %cond3A_846 {
            %dma_wait3A_887 = arith.constant 2 : i32
            %dma_wait3A_888 = arith.constant 2 : i32
            %dma_wait3A_889 = arith.constant 0 : i32
            %dma_wait3A_890 = arith.constant 0 : i32
            %dma_wait3A_891 = tpu.memref_slice %arg13[%dma_wait3A_887, %dma_wait3A_889, %dma_wait3A_890] : memref<3x48x128xf32, #tpu.memory_space<vmem>> -> memref<1x48x128xf32, #tpu.memory_space<vmem>>
            %dma_wait3A_892 = tpu.memref_squeeze %dma_wait3A_891 : memref<1x48x128xf32, #tpu.memory_space<vmem>> -> memref<48x128xf32, #tpu.memory_space<vmem>>
            %dma_wait3A_893 = arith.constant 0 : i32
            %dma_wait3A_894 = tpu.memref_slice %arg12[%dma_wait3A_888, %dma_wait3A_893] : memref<3x48xi32, #tpu.memory_space<vmem>> -> memref<1x48xi32, #tpu.memory_space<vmem>>
            %dma_wait3A_895 = tpu.memref_squeeze %dma_wait3A_894 : memref<1x48xi32, #tpu.memory_space<vmem>> -> memref<48xi32, #tpu.memory_space<vmem>>
            %dma_wait3A_896 = arith.constant 0 : i32
            %dma_wait3A_897 = arith.constant 0 : i32
            %dma_wait3A_898 = tpu.memref_slice %arg15[%dma_wait3A_896, %dma_wait3A_897] : memref<10112x128xf32, #tpu.memory_space<vmem_shared>> -> memref<10112x128xf32, #tpu.memory_space<vmem_shared>>
            tpu.wait_indirect_dma semaphore(%arg24 : memref<!tpu.dma_semaphore, #tpu.memory_space<semaphore_mem>>) src(%dma_wait3A_892 : memref<48x128xf32, #tpu.memory_space<vmem>>) dst(%dma_wait3A_898 : memref<10112x128xf32, #tpu.memory_space<vmem_shared>>)
          } else {
          }
          %add3A_847 = arith.constant 1 : i32
          %add3A_848 = arith.addi %add3A_455, %add3A_847 : i32
          %mul3A_849 = arith.constant 48 : i32
          %mul3A_850 = arith.muli %add3A_848, %mul3A_849 : i32
          %add3A_851 = arith.addi %add3A_155, %mul3A_850 : i32
          %dma_wait3A_852 = arith.constant 2 : i32
          %dma_wait3A_853 = arith.constant 0 : i32
          %dma_wait3A_854 = arith.constant 0 : i32
          %dma_wait3A_855 = tpu.memref_slice %arg10[%dma_wait3A_852, %dma_wait3A_853, %dma_wait3A_854] : memref<3x2x48xi32, #tpu.memory_space<vmem>> -> memref<1x1x48xi32, #tpu.memory_space<vmem>>
          %dma_wait3A_856 = tpu.memref_squeeze %dma_wait3A_855 : memref<1x1x48xi32, #tpu.memory_space<vmem>> -> memref<48xi32, #tpu.memory_space<vmem>>
          %dma_wait3A_857 = tpu.memref_slice %arg4[%add3A_851] : memref<640512xi32, #tpu.memory_space<hbm>> -> memref<48xi32, #tpu.memory_space<hbm>>
          %dma_wait3A_858 = arith.constant 0 : i32
          %dma_wait3A_859 = tpu.memref_slice %arg10[%dma_wait3A_852, %dma_wait3A_853, %dma_wait3A_858] : memref<3x2x48xi32, #tpu.memory_space<vmem>> -> memref<1x1x48xi32, #tpu.memory_space<vmem>>
          %dma_wait3A_860 = tpu.memref_squeeze %dma_wait3A_859 : memref<1x1x48xi32, #tpu.memory_space<vmem>> -> memref<48xi32, #tpu.memory_space<vmem>>
          %dma_wait3A_861 = tpu.memref_slice %arg4[%add3A_851] : memref<640512xi32, #tpu.memory_space<hbm>> -> memref<48xi32, #tpu.memory_space<hbm>>
          tpu.wait_dma2 semaphore(%arg18 : memref<!tpu.dma_semaphore, #tpu.memory_space<semaphore_mem>>) src(%dma_wait3A_861 : memref<48xi32, #tpu.memory_space<hbm>>) dst(%dma_wait3A_860 : memref<48xi32, #tpu.memory_space<vmem>>)
          %add3A_862 = arith.constant 320256 : i32
          %add3A_863 = arith.addi %add3A_862, %add3A_851 : i32
          %dma_wait3A_864 = arith.constant 2 : i32
          %dma_wait3A_865 = arith.constant 1 : i32
          %dma_wait3A_866 = arith.constant 0 : i32
          %dma_wait3A_867 = tpu.memref_slice %arg10[%dma_wait3A_864, %dma_wait3A_865, %dma_wait3A_866] : memref<3x2x48xi32, #tpu.memory_space<vmem>> -> memref<1x1x48xi32, #tpu.memory_space<vmem>>
          %dma_wait3A_868 = tpu.memref_squeeze %dma_wait3A_867 : memref<1x1x48xi32, #tpu.memory_space<vmem>> -> memref<48xi32, #tpu.memory_space<vmem>>
          %dma_wait3A_869 = tpu.memref_slice %arg4[%add3A_863] : memref<640512xi32, #tpu.memory_space<hbm>> -> memref<48xi32, #tpu.memory_space<hbm>>
          %dma_wait3A_870 = arith.constant 0 : i32
          %dma_wait3A_871 = tpu.memref_slice %arg10[%dma_wait3A_864, %dma_wait3A_865, %dma_wait3A_870] : memref<3x2x48xi32, #tpu.memory_space<vmem>> -> memref<1x1x48xi32, #tpu.memory_space<vmem>>
          %dma_wait3A_872 = tpu.memref_squeeze %dma_wait3A_871 : memref<1x1x48xi32, #tpu.memory_space<vmem>> -> memref<48xi32, #tpu.memory_space<vmem>>
          %dma_wait3A_873 = tpu.memref_slice %arg4[%add3A_863] : memref<640512xi32, #tpu.memory_space<hbm>> -> memref<48xi32, #tpu.memory_space<hbm>>
          tpu.wait_dma2 semaphore(%arg18 : memref<!tpu.dma_semaphore, #tpu.memory_space<semaphore_mem>>) src(%dma_wait3A_873 : memref<48xi32, #tpu.memory_space<hbm>>) dst(%dma_wait3A_872 : memref<48xi32, #tpu.memory_space<vmem>>)
          %dma_start3A_874 = arith.constant 2 : i32
          %dma_start3A_875 = arith.constant 0 : i32
          %dma_start3A_876 = arith.constant 2 : i32
          %dma_start3A_877 = arith.constant 0 : i32
          %dma_start3A_878 = arith.constant 0 : i32
          %dma_start3A_879 = tpu.memref_slice %arg13[%dma_start3A_876, %dma_start3A_877, %dma_start3A_878] : memref<3x48x128xf32, #tpu.memory_space<vmem>> -> memref<1x48x128xf32, #tpu.memory_space<vmem>>
          %dma_start3A_880 = tpu.memref_squeeze %dma_start3A_879 : memref<1x48x128xf32, #tpu.memory_space<vmem>> -> memref<48x128xf32, #tpu.memory_space<vmem>>
          %dma_start3A_881 = arith.constant 0 : i32
          %dma_start3A_882 = tpu.memref_slice %arg10[%dma_start3A_874, %dma_start3A_875, %dma_start3A_881] : memref<3x2x48xi32, #tpu.memory_space<vmem>> -> memref<1x1x48xi32, #tpu.memory_space<vmem>>
          %dma_start3A_883 = tpu.memref_squeeze %dma_start3A_882 : memref<1x1x48xi32, #tpu.memory_space<vmem>> -> memref<48xi32, #tpu.memory_space<vmem>>
          %dma_start3A_884 = arith.constant 0 : i32
          %dma_start3A_885 = arith.constant 0 : i32
          %dma_start3A_886 = tpu.memref_slice %arg5[%dma_start3A_884, %dma_start3A_885] : memref<10000x128xf32, #tpu.memory_space<hbm>> -> memref<10000x128xf32, #tpu.memory_space<hbm>>
          tpu.enqueue_indirect_dma source(%dma_start3A_886 : memref<10000x128xf32, #tpu.memory_space<hbm>>) target(%dma_start3A_880 : memref<48x128xf32, #tpu.memory_space<vmem>>) offsets(%dma_start3A_883 : memref<48xi32, #tpu.memory_space<vmem>>) semaphore(%arg21 : memref<!tpu.dma_semaphore, #tpu.memory_space<semaphore_mem>>)
        } else {
        }
        %get3A_476 = arith.constant 1 : i32
        %get3A_477 = arith.constant 0 : i32
        %get3A_478 = arith.index_cast %get3A_476 : i32 to index
        %get3A_479 = arith.index_cast %get3A_477 : i32 to index
        %get3A_480 = arith.constant 0 : index
        %get3A_481 = tpu.vector_load %arg10[%get3A_478, %get3A_479, %get3A_480] {strides = array<i32>} : memref<3x2x48xi32, #tpu.memory_space<vmem>>, vector<16xi32>,
        %get3A_482 = arith.constant 1 : i32
        %get3A_483 = arith.constant 1 : i32
        %get3A_484 = arith.index_cast %get3A_482 : i32 to index
        %get3A_485 = arith.index_cast %get3A_483 : i32 to index
        %get3A_486 = arith.constant 0 : index
        %get3A_487 = tpu.vector_load %arg10[%get3A_484, %get3A_485, %get3A_486] {strides = array<i32>} : memref<3x2x48xi32, #tpu.memory_space<vmem>>, vector<16xi32>,
        %gather3A_488 = tpu.vector_load_idx %arg9[%get3A_481] : memref<10000xf32, #tpu.memory_space<vmem>>[vector<16xi32>], vector<16xf32>,
        %gather3A_489 = tpu.vector_load_idx %arg8[%get3A_481] : memref<10000xf32, #tpu.memory_space<vmem>>[vector<16xi32>], vector<16xf32>,
        %gather3A_490 = tpu.vector_load_idx %arg8[%get3A_487] : memref<10000xf32, #tpu.memory_space<vmem>>[vector<16xi32>], vector<16xf32>,
        %sub3A_491 = arith.subf %gather3A_489, %gather3A_490 : vector<16xf32>
        %abs3A_492 = math.absf %sub3A_491 : vector<16xf32>
        %neg3A_493 = arith.constant 0.000000e+00 : f32
        %neg3A_494 = vector.broadcast %neg3A_493 : f32 to vector<16xf32>
        %neg3A_495 = arith.subf %neg3A_494, %abs3A_492 : vector<16xf32>
        %mul3A_496 = arith.mulf %gather3A_488, %neg3A_495 : vector<16xf32>
        %div3A_497 = arith.constant 5.000000e+02 : f32
        %div3A_498 = vector.broadcast %div3A_497 : f32 to vector<16xf32>
        %div3A_499 = arith.divf %mul3A_496, %div3A_498 : vector<16xf32>
        %exp3A_500 = math.exp %div3A_499 : vector<16xf32>
        %exp3A_501 = math.exp %exp3A_500 : vector<16xf32>
        %mul3A_502 = arith.constant 48 : i32
        %mul3A_503 = arith.muli %add3A_455, %mul3A_502 : i32
        %add3A_504 = arith.addi %add3A_155, %mul3A_503 : i32
        %add3A_505 = arith.constant 0 : i32
        %add3A_506 = arith.addi %add3A_504, %add3A_505 : i32
        %iota3A_507 = tpu.iota {dimensions = array<i32: 0>} : vector<16xi32>
        %add3A_508 = vector.broadcast %add3A_506 : i32 to vector<16xi32>
        %add3A_509 = arith.addi %add3A_508, %iota3A_507 : vector<16xi32>
        %lt3A_510 = arith.constant 320000 : i32
        %lt3A_511 = vector.broadcast %lt3A_510 : i32 to vector<16xi32>
        %lt3A_512 = arith.cmpi slt, %add3A_509, %lt3A_511 : vector<16xi32>
        %jit3A_513 = arith.constant 0.000000e+00 : f32
        %broadcast_in_dim3A_514 = vector.broadcast %jit3A_513 : f32 to vector<16xf32>
        %select_n3A_515 = arith.select %lt3A_512, %exp3A_501, %broadcast_in_dim3A_514 : vector<16xi1>, vector<16xf32>
        %swap3A_516 = arith.constant 0 : index
        %swap3A_517 = tpu.vector_load %arg11[%swap3A_516] {strides = array<i32>} : memref<48xf32, #tpu.memory_space<vmem>>, vector<16xf32>,
        tpu.vector_store %arg11[%swap3A_516], %select_n3A_515 {strides = array<i32>} : memref<48xf32, #tpu.memory_space<vmem>>, vector<16xf32>,
        %swap3A_518 = arith.constant 1 : i32
        %swap3A_519 = arith.index_cast %swap3A_518 : i32 to index
        %swap3A_520 = arith.constant 0 : index
        %swap3A_521 = tpu.vector_load %arg12[%swap3A_519, %swap3A_520] {strides = array<i32>} : memref<3x48xi32, #tpu.memory_space<vmem>>, vector<16xi32>,
        tpu.vector_store %arg12[%swap3A_519, %swap3A_520], %get3A_487 {strides = array<i32>} : memref<3x48xi32, #tpu.memory_space<vmem>>, vector<16xi32>,
        %broadcast_in_dim3A_522 = arith.constant 0 : i32
        %broadcast_in_dim3A_523 = vector.broadcast %broadcast_in_dim3A_522 : i32 to vector<16xi32>
        tpu.vector_store_idx %arg14[%broadcast_in_dim3A_523, %get3A_487], %select_n3A_515 {add = true} : memref<1x10000xf32, #tpu.memory_space<vmem>>[vector<16xi32>, vector<16xi32>], vector<16xf32>,
        %get3A_524 = arith.constant 1 : i32
        %get3A_525 = arith.constant 0 : i32
        %get3A_526 = arith.index_cast %get3A_524 : i32 to index
        %get3A_527 = arith.index_cast %get3A_525 : i32 to index
        %get3A_528 = arith.constant 16 : index
        %get3A_529 = tpu.vector_load %arg10[%get3A_526, %get3A_527, %get3A_528] {strides = array<i32>} : memref<3x2x48xi32, #tpu.memory_space<vmem>>, vector<16xi32>,
        %get3A_530 = arith.constant 1 : i32
        %get3A_531 = arith.constant 1 : i32
        %get3A_532 = arith.index_cast %get3A_530 : i32 to index
        %get3A_533 = arith.index_cast %get3A_531 : i32 to index
        %get3A_534 = arith.constant 16 : index
        %get3A_535 = tpu.vector_load %arg10[%get3A_532, %get3A_533, %get3A_534] {strides = array<i32>} : memref<3x2x48xi32, #tpu.memory_space<vmem>>, vector<16xi32>,
        %gather3A_536 = tpu.vector_load_idx %arg9[%get3A_529] : memref<10000xf32, #tpu.memory_space<vmem>>[vector<16xi32>], vector<16xf32>,
        %gather3A_537 = tpu.vector_load_idx %arg8[%get3A_529] : memref<10000xf32, #tpu.memory_space<vmem>>[vector<16xi32>], vector<16xf32>,
        %gather3A_538 = tpu.vector_load_idx %arg8[%get3A_535] : memref<10000xf32, #tpu.memory_space<vmem>>[vector<16xi32>], vector<16xf32>,
        %sub3A_539 = arith.subf %gather3A_537, %gather3A_538 : vector<16xf32>
        %abs3A_540 = math.absf %sub3A_539 : vector<16xf32>
        %neg3A_541 = arith.constant 0.000000e+00 : f32
        %neg3A_542 = vector.broadcast %neg3A_541 : f32 to vector<16xf32>
        %neg3A_543 = arith.subf %neg3A_542, %abs3A_540 : vector<16xf32>
        %mul3A_544 = arith.mulf %gather3A_536, %neg3A_543 : vector<16xf32>
        %div3A_545 = arith.constant 5.000000e+02 : f32
        %div3A_546 = vector.broadcast %div3A_545 : f32 to vector<16xf32>
        %div3A_547 = arith.divf %mul3A_544, %div3A_546 : vector<16xf32>
        %exp3A_548 = math.exp %div3A_547 : vector<16xf32>
        %exp3A_549 = math.exp %exp3A_548 : vector<16xf32>
        %mul3A_550 = arith.constant 48 : i32
        %mul3A_551 = arith.muli %add3A_455, %mul3A_550 : i32
        %add3A_552 = arith.addi %add3A_155, %mul3A_551 : i32
        %add3A_553 = arith.constant 16 : i32
        %add3A_554 = arith.addi %add3A_552, %add3A_553 : i32
        %iota3A_555 = tpu.iota {dimensions = array<i32: 0>} : vector<16xi32>
        %add3A_556 = vector.broadcast %add3A_554 : i32 to vector<16xi32>
        %add3A_557 = arith.addi %add3A_556, %iota3A_555 : vector<16xi32>
        %lt3A_558 = arith.constant 320000 : i32
        %lt3A_559 = vector.broadcast %lt3A_558 : i32 to vector<16xi32>
        %lt3A_560 = arith.cmpi slt, %add3A_557, %lt3A_559 : vector<16xi32>
        %jit3A_561 = arith.constant 0.000000e+00 : f32
        %broadcast_in_dim3A_562 = vector.broadcast %jit3A_561 : f32 to vector<16xf32>
        %select_n3A_563 = arith.select %lt3A_560, %exp3A_549, %broadcast_in_dim3A_562 : vector<16xi1>, vector<16xf32>
        %swap3A_564 = arith.constant 16 : index
        %swap3A_565 = tpu.vector_load %arg11[%swap3A_564] {strides = array<i32>} : memref<48xf32, #tpu.memory_space<vmem>>, vector<16xf32>,
        tpu.vector_store %arg11[%swap3A_564], %select_n3A_563 {strides = array<i32>} : memref<48xf32, #tpu.memory_space<vmem>>, vector<16xf32>,
        %swap3A_566 = arith.constant 1 : i32
        %swap3A_567 = arith.index_cast %swap3A_566 : i32 to index
        %swap3A_568 = arith.constant 16 : index
        %swap3A_569 = tpu.vector_load %arg12[%swap3A_567, %swap3A_568] {strides = array<i32>} : memref<3x48xi32, #tpu.memory_space<vmem>>, vector<16xi32>,
        tpu.vector_store %arg12[%swap3A_567, %swap3A_568], %get3A_535 {strides = array<i32>} : memref<3x48xi32, #tpu.memory_space<vmem>>, vector<16xi32>,
        %broadcast_in_dim3A_570 = arith.constant 0 : i32
        %broadcast_in_dim3A_571 = vector.broadcast %broadcast_in_dim3A_570 : i32 to vector<16xi32>
        tpu.vector_store_idx %arg14[%broadcast_in_dim3A_571, %get3A_535], %select_n3A_563 {add = true} : memref<1x10000xf32, #tpu.memory_space<vmem>>[vector<16xi32>, vector<16xi32>], vector<16xf32>,
        %get3A_572 = arith.constant 1 : i32
        %get3A_573 = arith.constant 0 : i32
        %get3A_574 = arith.index_cast %get3A_572 : i32 to index
        %get3A_575 = arith.index_cast %get3A_573 : i32 to index
        %get3A_576 = arith.constant 32 : index
        %get3A_577 = tpu.vector_load %arg10[%get3A_574, %get3A_575, %get3A_576] {strides = array<i32>} : memref<3x2x48xi32, #tpu.memory_space<vmem>>, vector<16xi32>,
        %get3A_578 = arith.constant 1 : i32
        %get3A_579 = arith.constant 1 : i32
        %get3A_580 = arith.index_cast %get3A_578 : i32 to index
        %get3A_581 = arith.index_cast %get3A_579 : i32 to index
        %get3A_582 = arith.constant 32 : index
        %get3A_583 = tpu.vector_load %arg10[%get3A_580, %get3A_581, %get3A_582] {strides = array<i32>} : memref<3x2x48xi32, #tpu.memory_space<vmem>>, vector<16xi32>,
        %gather3A_584 = tpu.vector_load_idx %arg9[%get3A_577] : memref<10000xf32, #tpu.memory_space<vmem>>[vector<16xi32>], vector<16xf32>,
        %gather3A_585 = tpu.vector_load_idx %arg8[%get3A_577] : memref<10000xf32, #tpu.memory_space<vmem>>[vector<16xi32>], vector<16xf32>,
        %gather3A_586 = tpu.vector_load_idx %arg8[%get3A_583] : memref<10000xf32, #tpu.memory_space<vmem>>[vector<16xi32>], vector<16xf32>,
        %sub3A_587 = arith.subf %gather3A_585, %gather3A_586 : vector<16xf32>
        %abs3A_588 = math.absf %sub3A_587 : vector<16xf32>
        %neg3A_589 = arith.constant 0.000000e+00 : f32
        %neg3A_590 = vector.broadcast %neg3A_589 : f32 to vector<16xf32>
        %neg3A_591 = arith.subf %neg3A_590, %abs3A_588 : vector<16xf32>
        %mul3A_592 = arith.mulf %gather3A_584, %neg3A_591 : vector<16xf32>
        %div3A_593 = arith.constant 5.000000e+02 : f32
        %div3A_594 = vector.broadcast %div3A_593 : f32 to vector<16xf32>
        %div3A_595 = arith.divf %mul3A_592, %div3A_594 : vector<16xf32>
        %exp3A_596 = math.exp %div3A_595 : vector<16xf32>
        %exp3A_597 = math.exp %exp3A_596 : vector<16xf32>
        %mul3A_598 = arith.constant 48 : i32
        %mul3A_599 = arith.muli %add3A_455, %mul3A_598 : i32
        %add3A_600 = arith.addi %add3A_155, %mul3A_599 : i32
        %add3A_601 = arith.constant 32 : i32
        %add3A_602 = arith.addi %add3A_600, %add3A_601 : i32
        %iota3A_603 = tpu.iota {dimensions = array<i32: 0>} : vector<16xi32>
        %add3A_604 = vector.broadcast %add3A_602 : i32 to vector<16xi32>
        %add3A_605 = arith.addi %add3A_604, %iota3A_603 : vector<16xi32>
        %lt3A_606 = arith.constant 320000 : i32
        %lt3A_607 = vector.broadcast %lt3A_606 : i32 to vector<16xi32>
        %lt3A_608 = arith.cmpi slt, %add3A_605, %lt3A_607 : vector<16xi32>
        %jit3A_609 = arith.constant 0.000000e+00 : f32
        %broadcast_in_dim3A_610 = vector.broadcast %jit3A_609 : f32 to vector<16xf32>
        %select_n3A_611 = arith.select %lt3A_608, %exp3A_597, %broadcast_in_dim3A_610 : vector<16xi1>, vector<16xf32>
        %swap3A_612 = arith.constant 32 : index
        %swap3A_613 = tpu.vector_load %arg11[%swap3A_612] {strides = array<i32>} : memref<48xf32, #tpu.memory_space<vmem>>, vector<16xf32>,
        tpu.vector_store %arg11[%swap3A_612], %select_n3A_611 {strides = array<i32>} : memref<48xf32, #tpu.memory_space<vmem>>, vector<16xf32>,
        %swap3A_614 = arith.constant 1 : i32
        %swap3A_615 = arith.index_cast %swap3A_614 : i32 to index
        %swap3A_616 = arith.constant 32 : index
        %swap3A_617 = tpu.vector_load %arg12[%swap3A_615, %swap3A_616] {strides = array<i32>} : memref<3x48xi32, #tpu.memory_space<vmem>>, vector<16xi32>,
        tpu.vector_store %arg12[%swap3A_615, %swap3A_616], %get3A_583 {strides = array<i32>} : memref<3x48xi32, #tpu.memory_space<vmem>>, vector<16xi32>,
        %broadcast_in_dim3A_618 = arith.constant 0 : i32
        %broadcast_in_dim3A_619 = vector.broadcast %broadcast_in_dim3A_618 : i32 to vector<16xi32>
        tpu.vector_store_idx %arg14[%broadcast_in_dim3A_619, %get3A_583], %select_n3A_611 {add = true} : memref<1x10000xf32, #tpu.memory_space<vmem>>[vector<16xi32>, vector<16xi32>], vector<16xf32>,
        %scan3A_620 = arith.constant 0 : i32
        %scan3A_621 = arith.constant 48 : i32
        %scan3A_622 = arith.addi %scan3A_620, %scan3A_621 : i32
        %scan3A_623 = arith.constant 2 : i32
        scf.for %scan3A_842 = %scan3A_620 to %scan3A_622 step %scan3A_623  : i32 {
          %mul3A_843 = arith.constant 1 : i32
          %mul3A_844 = arith.muli %scan3A_842, %mul3A_843 : i32
          %add3A_845 = arith.constant 0 : i32
          %add3A_846 = arith.addi %add3A_845, %mul3A_844 : i32
          %broadcast_in_dim3A_847 = vector.broadcast %add3A_846 : i32 to vector<16xi32>
          %gather3A_848 = tpu.vector_load_idx %arg11[%broadcast_in_dim3A_847] : memref<48xf32, #tpu.memory_space<vmem>>[vector<16xi32>], vector<16xf32>,
          %get3A_849 = arith.constant 1 : i32
          %get3A_850 = arith.index_cast %get3A_849 : i32 to index
          %get3A_851 = arith.index_cast %add3A_846 : i32 to index
          %get3A_852 = arith.constant 0 : index
          %get3A_853 = tpu.vector_load %arg13[%get3A_850, %get3A_851, %get3A_852] {strides = array<i32>} : memref<3x48x128xf32, #tpu.memory_space<vmem>>, vector<16xf32>,
          %mul3A_854 = arith.mulf %get3A_853, %gather3A_848 : vector<16xf32>
          %swap3A_855 = arith.constant 1 : i32
          %swap3A_856 = arith.index_cast %swap3A_855 : i32 to index
          %swap3A_857 = arith.index_cast %add3A_846 : i32 to index
          %swap3A_858 = arith.constant 0 : index
          %swap3A_859 = tpu.vector_load %arg13[%swap3A_856, %swap3A_857, %swap3A_858] {strides = array<i32>} : memref<3x48x128xf32, #tpu.memory_space<vmem>>, vector<16xf32>,
          tpu.vector_store %arg13[%swap3A_856, %swap3A_857, %swap3A_858], %mul3A_854 {strides = array<i32>} : memref<3x48x128xf32, #tpu.memory_space<vmem>>, vector<16xf32>,
          %get3A_860 = arith.constant 1 : i32
          %get3A_861 = arith.index_cast %get3A_860 : i32 to index
          %get3A_862 = arith.index_cast %add3A_846 : i32 to index
          %get3A_863 = arith.constant 16 : index
          %get3A_864 = tpu.vector_load %arg13[%get3A_861, %get3A_862, %get3A_863] {strides = array<i32>} : memref<3x48x128xf32, #tpu.memory_space<vmem>>, vector<16xf32>,
          %mul3A_865 = arith.mulf %get3A_864, %gather3A_848 : vector<16xf32>
          %swap3A_866 = arith.constant 1 : i32
          %swap3A_867 = arith.index_cast %swap3A_866 : i32 to index
          %swap3A_868 = arith.index_cast %add3A_846 : i32 to index
          %swap3A_869 = arith.constant 16 : index
          %swap3A_870 = tpu.vector_load %arg13[%swap3A_867, %swap3A_868, %swap3A_869] {strides = array<i32>} : memref<3x48x128xf32, #tpu.memory_space<vmem>>, vector<16xf32>,
          tpu.vector_store %arg13[%swap3A_867, %swap3A_868, %swap3A_869], %mul3A_865 {strides = array<i32>} : memref<3x48x128xf32, #tpu.memory_space<vmem>>, vector<16xf32>,
          %get3A_871 = arith.constant 1 : i32
          %get3A_872 = arith.index_cast %get3A_871 : i32 to index
          %get3A_873 = arith.index_cast %add3A_846 : i32 to index
          %get3A_874 = arith.constant 32 : index
          %get3A_875 = tpu.vector_load %arg13[%get3A_872, %get3A_873, %get3A_874] {strides = array<i32>} : memref<3x48x128xf32, #tpu.memory_space<vmem>>, vector<16xf32>,
          %mul3A_876 = arith.mulf %get3A_875, %gather3A_848 : vector<16xf32>
          %swap3A_877 = arith.constant 1 : i32
          %swap3A_878 = arith.index_cast %swap3A_877 : i32 to index
          %swap3A_879 = arith.index_cast %add3A_846 : i32 to index
          %swap3A_880 = arith.constant 32 : index
          %swap3A_881 = tpu.vector_load %arg13[%swap3A_878, %swap3A_879, %swap3A_880] {strides = array<i32>} : memref<3x48x128xf32, #tpu.memory_space<vmem>>, vector<16xf32>,
          tpu.vector_store %arg13[%swap3A_878, %swap3A_879, %swap3A_880], %mul3A_876 {strides = array<i32>} : memref<3x48x128xf32, #tpu.memory_space<vmem>>, vector<16xf32>,
          %get3A_882 = arith.constant 1 : i32
          %get3A_883 = arith.index_cast %get3A_882 : i32 to index
          %get3A_884 = arith.index_cast %add3A_846 : i32 to index
          %get3A_885 = arith.constant 48 : index
          %get3A_886 = tpu.vector_load %arg13[%get3A_883, %get3A_884, %get3A_885] {strides = array<i32>} : memref<3x48x128xf32, #tpu.memory_space<vmem>>, vector<16xf32>,
          %mul3A_887 = arith.mulf %get3A_886, %gather3A_848 : vector<16xf32>
          %swap3A_888 = arith.constant 1 : i32
          %swap3A_889 = arith.index_cast %swap3A_888 : i32 to index
          %swap3A_890 = arith.index_cast %add3A_846 : i32 to index
          %swap3A_891 = arith.constant 48 : index
          %swap3A_892 = tpu.vector_load %arg13[%swap3A_889, %swap3A_890, %swap3A_891] {strides = array<i32>} : memref<3x48x128xf32, #tpu.memory_space<vmem>>, vector<16xf32>,
          tpu.vector_store %arg13[%swap3A_889, %swap3A_890, %swap3A_891], %mul3A_887 {strides = array<i32>} : memref<3x48x128xf32, #tpu.memory_space<vmem>>, vector<16xf32>,
          %get3A_893 = arith.constant 1 : i32
          %get3A_894 = arith.index_cast %get3A_893 : i32 to index
          %get3A_895 = arith.index_cast %add3A_846 : i32 to index
          %get3A_896 = arith.constant 64 : index
          %get3A_897 = tpu.vector_load %arg13[%get3A_894, %get3A_895, %get3A_896] {strides = array<i32>} : memref<3x48x128xf32, #tpu.memory_space<vmem>>, vector<16xf32>,
          %mul3A_898 = arith.mulf %get3A_897, %gather3A_848 : vector<16xf32>
          %swap3A_899 = arith.constant 1 : i32
          %swap3A_900 = arith.index_cast %swap3A_899 : i32 to index
          %swap3A_901 = arith.index_cast %add3A_846 : i32 to index
          %swap3A_902 = arith.constant 64 : index
          %swap3A_903 = tpu.vector_load %arg13[%swap3A_900, %swap3A_901, %swap3A_902] {strides = array<i32>} : memref<3x48x128xf32, #tpu.memory_space<vmem>>, vector<16xf32>,
          tpu.vector_store %arg13[%swap3A_900, %swap3A_901, %swap3A_902], %mul3A_898 {strides = array<i32>} : memref<3x48x128xf32, #tpu.memory_space<vmem>>, vector<16xf32>,
          %get3A_904 = arith.constant 1 : i32
          %get3A_905 = arith.index_cast %get3A_904 : i32 to index
          %get3A_906 = arith.index_cast %add3A_846 : i32 to index
          %get3A_907 = arith.constant 80 : index
          %get3A_908 = tpu.vector_load %arg13[%get3A_905, %get3A_906, %get3A_907] {strides = array<i32>} : memref<3x48x128xf32, #tpu.memory_space<vmem>>, vector<16xf32>,
          %mul3A_909 = arith.mulf %get3A_908, %gather3A_848 : vector<16xf32>
          %swap3A_910 = arith.constant 1 : i32
          %swap3A_911 = arith.index_cast %swap3A_910 : i32 to index
          %swap3A_912 = arith.index_cast %add3A_846 : i32 to index
          %swap3A_913 = arith.constant 80 : index
          %swap3A_914 = tpu.vector_load %arg13[%swap3A_911, %swap3A_912, %swap3A_913] {strides = array<i32>} : memref<3x48x128xf32, #tpu.memory_space<vmem>>, vector<16xf32>,
          tpu.vector_store %arg13[%swap3A_911, %swap3A_912, %swap3A_913], %mul3A_909 {strides = array<i32>} : memref<3x48x128xf32, #tpu.memory_space<vmem>>, vector<16xf32>,
          %get3A_915 = arith.constant 1 : i32
          %get3A_916 = arith.index_cast %get3A_915 : i32 to index
          %get3A_917 = arith.index_cast %add3A_846 : i32 to index
          %get3A_918 = arith.constant 96 : index
          %get3A_919 = tpu.vector_load %arg13[%get3A_916, %get3A_917, %get3A_918] {strides = array<i32>} : memref<3x48x128xf32, #tpu.memory_space<vmem>>, vector<16xf32>,
          %mul3A_920 = arith.mulf %get3A_919, %gather3A_848 : vector<16xf32>
          %swap3A_921 = arith.constant 1 : i32
          %swap3A_922 = arith.index_cast %swap3A_921 : i32 to index
          %swap3A_923 = arith.index_cast %add3A_846 : i32 to index
          %swap3A_924 = arith.constant 96 : index
          %swap3A_925 = tpu.vector_load %arg13[%swap3A_922, %swap3A_923, %swap3A_924] {strides = array<i32>} : memref<3x48x128xf32, #tpu.memory_space<vmem>>, vector<16xf32>,
          tpu.vector_store %arg13[%swap3A_922, %swap3A_923, %swap3A_924], %mul3A_920 {strides = array<i32>} : memref<3x48x128xf32, #tpu.memory_space<vmem>>, vector<16xf32>,
          %get3A_926 = arith.constant 1 : i32
          %get3A_927 = arith.index_cast %get3A_926 : i32 to index
          %get3A_928 = arith.index_cast %add3A_846 : i32 to index
          %get3A_929 = arith.constant 112 : index
          %get3A_930 = tpu.vector_load %arg13[%get3A_927, %get3A_928, %get3A_929] {strides = array<i32>} : memref<3x48x128xf32, #tpu.memory_space<vmem>>, vector<16xf32>,
          %mul3A_931 = arith.mulf %get3A_930, %gather3A_848 : vector<16xf32>
          %swap3A_932 = arith.constant 1 : i32
          %swap3A_933 = arith.index_cast %swap3A_932 : i32 to index
          %swap3A_934 = arith.index_cast %add3A_846 : i32 to index
          %swap3A_935 = arith.constant 112 : index
          %swap3A_936 = tpu.vector_load %arg13[%swap3A_933, %swap3A_934, %swap3A_935] {strides = array<i32>} : memref<3x48x128xf32, #tpu.memory_space<vmem>>, vector<16xf32>,
          tpu.vector_store %arg13[%swap3A_933, %swap3A_934, %swap3A_935], %mul3A_931 {strides = array<i32>} : memref<3x48x128xf32, #tpu.memory_space<vmem>>, vector<16xf32>,
          %scan3A_937 = arith.constant 1 : i32
          %scan3A_938 = arith.addi %scan3A_842, %scan3A_937 : i32
          %mul3A_939 = arith.constant 1 : i32
          %mul3A_940 = arith.muli %scan3A_938, %mul3A_939 : i32
          %add3A_941 = arith.constant 0 : i32
          %add3A_942 = arith.addi %add3A_941, %mul3A_940 : i32
          %broadcast_in_dim3A_943 = vector.broadcast %add3A_942 : i32 to vector<16xi32>
          %gather3A_944 = tpu.vector_load_idx %arg11[%broadcast_in_dim3A_943] : memref<48xf32, #tpu.memory_space<vmem>>[vector<16xi32>], vector<16xf32>,
          %get3A_945 = arith.constant 1 : i32
          %get3A_946 = arith.index_cast %get3A_945 : i32 to index
          %get3A_947 = arith.index_cast %add3A_942 : i32 to index
          %get3A_948 = arith.constant 0 : index
          %get3A_949 = tpu.vector_load %arg13[%get3A_946, %get3A_947, %get3A_948] {strides = array<i32>} : memref<3x48x128xf32, #tpu.memory_space<vmem>>, vector<16xf32>,
          %mul3A_950 = arith.mulf %get3A_949, %gather3A_944 : vector<16xf32>
          %swap3A_951 = arith.constant 1 : i32
          %swap3A_952 = arith.index_cast %swap3A_951 : i32 to index
          %swap3A_953 = arith.index_cast %add3A_942 : i32 to index
          %swap3A_954 = arith.constant 0 : index
          %swap3A_955 = tpu.vector_load %arg13[%swap3A_952, %swap3A_953, %swap3A_954] {strides = array<i32>} : memref<3x48x128xf32, #tpu.memory_space<vmem>>, vector<16xf32>,
          tpu.vector_store %arg13[%swap3A_952, %swap3A_953, %swap3A_954], %mul3A_950 {strides = array<i32>} : memref<3x48x128xf32, #tpu.memory_space<vmem>>, vector<16xf32>,
          %get3A_956 = arith.constant 1 : i32
          %get3A_957 = arith.index_cast %get3A_956 : i32 to index
          %get3A_958 = arith.index_cast %add3A_942 : i32 to index
          %get3A_959 = arith.constant 16 : index
          %get3A_960 = tpu.vector_load %arg13[%get3A_957, %get3A_958, %get3A_959] {strides = array<i32>} : memref<3x48x128xf32, #tpu.memory_space<vmem>>, vector<16xf32>,
          %mul3A_961 = arith.mulf %get3A_960, %gather3A_944 : vector<16xf32>
          %swap3A_962 = arith.constant 1 : i32
          %swap3A_963 = arith.index_cast %swap3A_962 : i32 to index
          %swap3A_964 = arith.index_cast %add3A_942 : i32 to index
          %swap3A_965 = arith.constant 16 : index
          %swap3A_966 = tpu.vector_load %arg13[%swap3A_963, %swap3A_964, %swap3A_965] {strides = array<i32>} : memref<3x48x128xf32, #tpu.memory_space<vmem>>, vector<16xf32>,
          tpu.vector_store %arg13[%swap3A_963, %swap3A_964, %swap3A_965], %mul3A_961 {strides = array<i32>} : memref<3x48x128xf32, #tpu.memory_space<vmem>>, vector<16xf32>,
          %get3A_967 = arith.constant 1 : i32
          %get3A_968 = arith.index_cast %get3A_967 : i32 to index
          %get3A_969 = arith.index_cast %add3A_942 : i32 to index
          %get3A_970 = arith.constant 32 : index
          %get3A_971 = tpu.vector_load %arg13[%get3A_968, %get3A_969, %get3A_970] {strides = array<i32>} : memref<3x48x128xf32, #tpu.memory_space<vmem>>, vector<16xf32>,
          %mul3A_972 = arith.mulf %get3A_971, %gather3A_944 : vector<16xf32>
          %swap3A_973 = arith.constant 1 : i32
          %swap3A_974 = arith.index_cast %swap3A_973 : i32 to index
          %swap3A_975 = arith.index_cast %add3A_942 : i32 to index
          %swap3A_976 = arith.constant 32 : index
          %swap3A_977 = tpu.vector_load %arg13[%swap3A_974, %swap3A_975, %swap3A_976] {strides = array<i32>} : memref<3x48x128xf32, #tpu.memory_space<vmem>>, vector<16xf32>,
          tpu.vector_store %arg13[%swap3A_974, %swap3A_975, %swap3A_976], %mul3A_972 {strides = array<i32>} : memref<3x48x128xf32, #tpu.memory_space<vmem>>, vector<16xf32>,
          %get3A_978 = arith.constant 1 : i32
          %get3A_979 = arith.index_cast %get3A_978 : i32 to index
          %get3A_980 = arith.index_cast %add3A_942 : i32 to index
          %get3A_981 = arith.constant 48 : index
          %get3A_982 = tpu.vector_load %arg13[%get3A_979, %get3A_980, %get3A_981] {strides = array<i32>} : memref<3x48x128xf32, #tpu.memory_space<vmem>>, vector<16xf32>,
          %mul3A_983 = arith.mulf %get3A_982, %gather3A_944 : vector<16xf32>
          %swap3A_984 = arith.constant 1 : i32
          %swap3A_985 = arith.index_cast %swap3A_984 : i32 to index
          %swap3A_986 = arith.index_cast %add3A_942 : i32 to index
          %swap3A_987 = arith.constant 48 : index
          %swap3A_988 = tpu.vector_load %arg13[%swap3A_985, %swap3A_986, %swap3A_987] {strides = array<i32>} : memref<3x48x128xf32, #tpu.memory_space<vmem>>, vector<16xf32>,
          tpu.vector_store %arg13[%swap3A_985, %swap3A_986, %swap3A_987], %mul3A_983 {strides = array<i32>} : memref<3x48x128xf32, #tpu.memory_space<vmem>>, vector<16xf32>,
          %get3A_989 = arith.constant 1 : i32
          %get3A_990 = arith.index_cast %get3A_989 : i32 to index
          %get3A_991 = arith.index_cast %add3A_942 : i32 to index
          %get3A_992 = arith.constant 64 : index
          %get3A_993 = tpu.vector_load %arg13[%get3A_990, %get3A_991, %get3A_992] {strides = array<i32>} : memref<3x48x128xf32, #tpu.memory_space<vmem>>, vector<16xf32>,
          %mul3A_994 = arith.mulf %get3A_993, %gather3A_944 : vector<16xf32>
          %swap3A_995 = arith.constant 1 : i32
          %swap3A_996 = arith.index_cast %swap3A_995 : i32 to index
          %swap3A_997 = arith.index_cast %add3A_942 : i32 to index
          %swap3A_998 = arith.constant 64 : index
          %swap3A_999 = tpu.vector_load %arg13[%swap3A_996, %swap3A_997, %swap3A_998] {strides = array<i32>} : memref<3x48x128xf32, #tpu.memory_space<vmem>>, vector<16xf32>,
          tpu.vector_store %arg13[%swap3A_996, %swap3A_997, %swap3A_998], %mul3A_994 {strides = array<i32>} : memref<3x48x128xf32, #tpu.memory_space<vmem>>, vector<16xf32>,
          %get3A_1000 = arith.constant 1 : i32
          %get3A_1001 = arith.index_cast %get3A_1000 : i32 to index
          %get3A_1002 = arith.index_cast %add3A_942 : i32 to index
          %get3A_1003 = arith.constant 80 : index
          %get3A_1004 = tpu.vector_load %arg13[%get3A_1001, %get3A_1002, %get3A_1003] {strides = array<i32>} : memref<3x48x128xf32, #tpu.memory_space<vmem>>, vector<16xf32>,
          %mul3A_1005 = arith.mulf %get3A_1004, %gather3A_944 : vector<16xf32>
          %swap3A_1006 = arith.constant 1 : i32
          %swap3A_1007 = arith.index_cast %swap3A_1006 : i32 to index
          %swap3A_1008 = arith.index_cast %add3A_942 : i32 to index
          %swap3A_1009 = arith.constant 80 : index
          %swap3A_1010 = tpu.vector_load %arg13[%swap3A_1007, %swap3A_1008, %swap3A_1009] {strides = array<i32>} : memref<3x48x128xf32, #tpu.memory_space<vmem>>, vector<16xf32>,
          tpu.vector_store %arg13[%swap3A_1007, %swap3A_1008, %swap3A_1009], %mul3A_1005 {strides = array<i32>} : memref<3x48x128xf32, #tpu.memory_space<vmem>>, vector<16xf32>,
          %get3A_1011 = arith.constant 1 : i32
          %get3A_1012 = arith.index_cast %get3A_1011 : i32 to index
          %get3A_1013 = arith.index_cast %add3A_942 : i32 to index
          %get3A_1014 = arith.constant 96 : index
          %get3A_1015 = tpu.vector_load %arg13[%get3A_1012, %get3A_1013, %get3A_1014] {strides = array<i32>} : memref<3x48x128xf32, #tpu.memory_space<vmem>>, vector<16xf32>,
          %mul3A_1016 = arith.mulf %get3A_1015, %gather3A_944 : vector<16xf32>
          %swap3A_1017 = arith.constant 1 : i32
          %swap3A_1018 = arith.index_cast %swap3A_1017 : i32 to index
          %swap3A_1019 = arith.index_cast %add3A_942 : i32 to index
          %swap3A_1020 = arith.constant 96 : index
          %swap3A_1021 = tpu.vector_load %arg13[%swap3A_1018, %swap3A_1019, %swap3A_1020] {strides = array<i32>} : memref<3x48x128xf32, #tpu.memory_space<vmem>>, vector<16xf32>,
          tpu.vector_store %arg13[%swap3A_1018, %swap3A_1019, %swap3A_1020], %mul3A_1016 {strides = array<i32>} : memref<3x48x128xf32, #tpu.memory_space<vmem>>, vector<16xf32>,
          %get3A_1022 = arith.constant 1 : i32
          %get3A_1023 = arith.index_cast %get3A_1022 : i32 to index
          %get3A_1024 = arith.index_cast %add3A_942 : i32 to index
          %get3A_1025 = arith.constant 112 : index
          %get3A_1026 = tpu.vector_load %arg13[%get3A_1023, %get3A_1024, %get3A_1025] {strides = array<i32>} : memref<3x48x128xf32, #tpu.memory_space<vmem>>, vector<16xf32>,
          %mul3A_1027 = arith.mulf %get3A_1026, %gather3A_944 : vector<16xf32>
          %swap3A_1028 = arith.constant 1 : i32
          %swap3A_1029 = arith.index_cast %swap3A_1028 : i32 to index
          %swap3A_1030 = arith.index_cast %add3A_942 : i32 to index
          %swap3A_1031 = arith.constant 112 : index
          %swap3A_1032 = tpu.vector_load %arg13[%swap3A_1029, %swap3A_1030, %swap3A_1031] {strides = array<i32>} : memref<3x48x128xf32, #tpu.memory_space<vmem>>, vector<16xf32>,
          tpu.vector_store %arg13[%swap3A_1029, %swap3A_1030, %swap3A_1031], %mul3A_1027 {strides = array<i32>} : memref<3x48x128xf32, #tpu.memory_space<vmem>>, vector<16xf32>,
        }
        %scan3A_624 = arith.constant 48 : i32
        %dma_start3A_625 = arith.constant 1 : i32
        %dma_start3A_626 = arith.constant 1 : i32
        %dma_start3A_627 = arith.constant 0 : i32
        %dma_start3A_628 = arith.constant 0 : i32
        %dma_start3A_629 = tpu.memref_slice %arg13[%dma_start3A_625, %dma_start3A_627, %dma_start3A_628] : memref<3x48x128xf32, #tpu.memory_space<vmem>> -> memref<1x48x128xf32, #tpu.memory_space<vmem>>
        %dma_start3A_630 = tpu.memref_squeeze %dma_start3A_629 : memref<1x48x128xf32, #tpu.memory_space<vmem>> -> memref<48x128xf32, #tpu.memory_space<vmem>>
        %dma_start3A_631 = arith.constant 0 : i32
        %dma_start3A_632 = tpu.memref_slice %arg12[%dma_start3A_626, %dma_start3A_631] : memref<3x48xi32, #tpu.memory_space<vmem>> -> memref<1x48xi32, #tpu.memory_space<vmem>>
        %dma_start3A_633 = tpu.memref_squeeze %dma_start3A_632 : memref<1x48xi32, #tpu.memory_space<vmem>> -> memref<48xi32, #tpu.memory_space<vmem>>
        %dma_start3A_634 = arith.constant 0 : i32
        %dma_start3A_635 = arith.constant 0 : i32
        %dma_start3A_636 = tpu.memref_slice %arg15[%dma_start3A_634, %dma_start3A_635] : memref<10112x128xf32, #tpu.memory_space<vmem_shared>> -> memref<10112x128xf32, #tpu.memory_space<vmem_shared>>
        tpu.enqueue_indirect_dma source(%dma_start3A_630 : memref<48x128xf32, #tpu.memory_space<vmem>>) target(%dma_start3A_636 : memref<10112x128xf32, #tpu.memory_space<vmem_shared>>) offsets(%dma_start3A_633 : memref<48xi32, #tpu.memory_space<vmem>>) semaphore(%arg23 : memref<!tpu.dma_semaphore, #tpu.memory_space<semaphore_mem>>) {add = true}
        %ge3A_637 = arith.constant 1 : i32
        %ge3A_638 = arith.cmpi sge, %add3A_455, %ge3A_637 : i32
        %add3A_639 = arith.constant 2 : i32
        %add3A_640 = arith.addi %add3A_455, %add3A_639 : i32
        %lt3A_641 = arith.constant 219 : i32
        %lt3A_642 = arith.cmpi slt, %add3A_640, %lt3A_641 : i32
        %and3A_643 = arith.andi %ge3A_638, %lt3A_642 : i1
        %convert_element_type3A_644 = arith.extui %and3A_643 : i1 to i32
        %cond3A_645 = arith.constant 0 : i32
        %cond3A_646 = arith.cmpi ne, %convert_element_type3A_644, %cond3A_645 : i32
        scf.if %cond3A_646 {
          %add3A_842 = arith.constant 2 : i32
          %add3A_843 = arith.addi %add3A_455, %add3A_842 : i32
          %mul3A_844 = arith.constant 48 : i32
          %mul3A_845 = arith.muli %add3A_843, %mul3A_844 : i32
          %add3A_846 = arith.addi %add3A_155, %mul3A_845 : i32
          %dma_start3A_847 = arith.constant 0 : i32
          %dma_start3A_848 = arith.constant 0 : i32
          %dma_start3A_849 = arith.constant 0 : i32
          %dma_start3A_850 = tpu.memref_slice %arg10[%dma_start3A_847, %dma_start3A_848, %dma_start3A_849] : memref<3x2x48xi32, #tpu.memory_space<vmem>> -> memref<1x1x48xi32, #tpu.memory_space<vmem>>
          %dma_start3A_851 = tpu.memref_squeeze %dma_start3A_850 : memref<1x1x48xi32, #tpu.memory_space<vmem>> -> memref<48xi32, #tpu.memory_space<vmem>>
          %dma_start3A_852 = tpu.memref_slice %arg4[%add3A_846] : memref<640512xi32, #tpu.memory_space<hbm>> -> memref<48xi32, #tpu.memory_space<hbm>>
          %dma_start3A_853 = arith.constant 0 : i32
          %dma_start3A_854 = tpu.memref_slice %arg10[%dma_start3A_847, %dma_start3A_848, %dma_start3A_853] : memref<3x2x48xi32, #tpu.memory_space<vmem>> -> memref<1x1x48xi32, #tpu.memory_space<vmem>>
          %dma_start3A_855 = tpu.memref_squeeze %dma_start3A_854 : memref<1x1x48xi32, #tpu.memory_space<vmem>> -> memref<48xi32, #tpu.memory_space<vmem>>
          %dma_start3A_856 = tpu.memref_slice %arg4[%add3A_846] : memref<640512xi32, #tpu.memory_space<hbm>> -> memref<48xi32, #tpu.memory_space<hbm>>
          tpu.enqueue_dma source(%dma_start3A_856 : memref<48xi32, #tpu.memory_space<hbm>>) target(%dma_start3A_855 : memref<48xi32, #tpu.memory_space<vmem>>) target_semaphore(%arg16 : memref<!tpu.dma_semaphore, #tpu.memory_space<semaphore_mem>>)
          %add3A_857 = arith.constant 320256 : i32
          %add3A_858 = arith.addi %add3A_857, %add3A_846 : i32
          %dma_start3A_859 = arith.constant 0 : i32
          %dma_start3A_860 = arith.constant 1 : i32
          %dma_start3A_861 = arith.constant 0 : i32
          %dma_start3A_862 = tpu.memref_slice %arg10[%dma_start3A_859, %dma_start3A_860, %dma_start3A_861] : memref<3x2x48xi32, #tpu.memory_space<vmem>> -> memref<1x1x48xi32, #tpu.memory_space<vmem>>
          %dma_start3A_863 = tpu.memref_squeeze %dma_start3A_862 : memref<1x1x48xi32, #tpu.memory_space<vmem>> -> memref<48xi32, #tpu.memory_space<vmem>>
          %dma_start3A_864 = tpu.memref_slice %arg4[%add3A_858] : memref<640512xi32, #tpu.memory_space<hbm>> -> memref<48xi32, #tpu.memory_space<hbm>>
          %dma_start3A_865 = arith.constant 0 : i32
          %dma_start3A_866 = tpu.memref_slice %arg10[%dma_start3A_859, %dma_start3A_860, %dma_start3A_865] : memref<3x2x48xi32, #tpu.memory_space<vmem>> -> memref<1x1x48xi32, #tpu.memory_space<vmem>>
          %dma_start3A_867 = tpu.memref_squeeze %dma_start3A_866 : memref<1x1x48xi32, #tpu.memory_space<vmem>> -> memref<48xi32, #tpu.memory_space<vmem>>
          %dma_start3A_868 = tpu.memref_slice %arg4[%add3A_858] : memref<640512xi32, #tpu.memory_space<hbm>> -> memref<48xi32, #tpu.memory_space<hbm>>
          tpu.enqueue_dma source(%dma_start3A_868 : memref<48xi32, #tpu.memory_space<hbm>>) target(%dma_start3A_867 : memref<48xi32, #tpu.memory_space<vmem>>) target_semaphore(%arg16 : memref<!tpu.dma_semaphore, #tpu.memory_space<semaphore_mem>>)
        } else {
        }
        %mul3A_647 = arith.constant 3 : i32
        %mul3A_648 = arith.muli %add3A_271, %mul3A_647 : i32
        %add3A_649 = arith.constant 2 : i32
        %add3A_650 = arith.addi %mul3A_648, %add3A_649 : i32
        %dma_wait3A_651 = arith.constant 2 : i32
        %dma_wait3A_652 = arith.constant 0 : i32
        %dma_wait3A_653 = arith.constant 2 : i32
        %dma_wait3A_654 = arith.constant 0 : i32
        %dma_wait3A_655 = arith.constant 0 : i32
        %dma_wait3A_656 = tpu.memref_slice %arg13[%dma_wait3A_653, %dma_wait3A_654, %dma_wait3A_655] : memref<3x48x128xf32, #tpu.memory_space<vmem>> -> memref<1x48x128xf32, #tpu.memory_space<vmem>>
        %dma_wait3A_657 = tpu.memref_squeeze %dma_wait3A_656 : memref<1x48x128xf32, #tpu.memory_space<vmem>> -> memref<48x128xf32, #tpu.memory_space<vmem>>
        %dma_wait3A_658 = arith.constant 0 : i32
        %dma_wait3A_659 = tpu.memref_slice %arg10[%dma_wait3A_651, %dma_wait3A_652, %dma_wait3A_658] : memref<3x2x48xi32, #tpu.memory_space<vmem>> -> memref<1x1x48xi32, #tpu.memory_space<vmem>>
        %dma_wait3A_660 = tpu.memref_squeeze %dma_wait3A_659 : memref<1x1x48xi32, #tpu.memory_space<vmem>> -> memref<48xi32, #tpu.memory_space<vmem>>
        %dma_wait3A_661 = arith.constant 0 : i32
        %dma_wait3A_662 = arith.constant 0 : i32
        %dma_wait3A_663 = tpu.memref_slice %arg5[%dma_wait3A_661, %dma_wait3A_662] : memref<10000x128xf32, #tpu.memory_space<hbm>> -> memref<10000x128xf32, #tpu.memory_space<hbm>>
        tpu.wait_indirect_dma semaphore(%arg21 : memref<!tpu.dma_semaphore, #tpu.memory_space<semaphore_mem>>) src(%dma_wait3A_663 : memref<10000x128xf32, #tpu.memory_space<hbm>>) dst(%dma_wait3A_657 : memref<48x128xf32, #tpu.memory_space<vmem>>)
        %add3A_664 = arith.constant 1 : i32
        %add3A_665 = arith.addi %add3A_650, %add3A_664 : i32
        %lt3A_666 = arith.constant 219 : i32
        %lt3A_667 = arith.cmpi slt, %add3A_665, %lt3A_666 : i32
        %convert_element_type3A_668 = arith.extui %lt3A_667 : i1 to i32
        %cond3A_669 = arith.constant 0 : i32
        %cond3A_670 = arith.cmpi ne, %convert_element_type3A_668, %cond3A_669 : i32
        scf.if %cond3A_670 {
          %ge3A_842 = arith.constant 2 : i32
          %ge3A_843 = arith.cmpi sge, %add3A_650, %ge3A_842 : i32
          %convert_element_type3A_844 = arith.extui %ge3A_843 : i1 to i32
          %cond3A_845 = arith.constant 0 : i32
          %cond3A_846 = arith.cmpi ne, %convert_element_type3A_844, %cond3A_845 : i32
          scf.if %cond3A_846 {
            %dma_wait3A_887 = arith.constant 0 : i32
            %dma_wait3A_888 = arith.constant 0 : i32
            %dma_wait3A_889 = arith.constant 0 : i32
            %dma_wait3A_890 = arith.constant 0 : i32
            %dma_wait3A_891 = tpu.memref_slice %arg13[%dma_wait3A_887, %dma_wait3A_889, %dma_wait3A_890] : memref<3x48x128xf32, #tpu.memory_space<vmem>> -> memref<1x48x128xf32, #tpu.memory_space<vmem>>
            %dma_wait3A_892 = tpu.memref_squeeze %dma_wait3A_891 : memref<1x48x128xf32, #tpu.memory_space<vmem>> -> memref<48x128xf32, #tpu.memory_space<vmem>>
            %dma_wait3A_893 = arith.constant 0 : i32
            %dma_wait3A_894 = tpu.memref_slice %arg12[%dma_wait3A_888, %dma_wait3A_893] : memref<3x48xi32, #tpu.memory_space<vmem>> -> memref<1x48xi32, #tpu.memory_space<vmem>>
            %dma_wait3A_895 = tpu.memref_squeeze %dma_wait3A_894 : memref<1x48xi32, #tpu.memory_space<vmem>> -> memref<48xi32, #tpu.memory_space<vmem>>
            %dma_wait3A_896 = arith.constant 0 : i32
            %dma_wait3A_897 = arith.constant 0 : i32
            %dma_wait3A_898 = tpu.memref_slice %arg15[%dma_wait3A_896, %dma_wait3A_897] : memref<10112x128xf32, #tpu.memory_space<vmem_shared>> -> memref<10112x128xf32, #tpu.memory_space<vmem_shared>>
            tpu.wait_indirect_dma semaphore(%arg22 : memref<!tpu.dma_semaphore, #tpu.memory_space<semaphore_mem>>) src(%dma_wait3A_892 : memref<48x128xf32, #tpu.memory_space<vmem>>) dst(%dma_wait3A_898 : memref<10112x128xf32, #tpu.memory_space<vmem_shared>>)
          } else {
          }
          %add3A_847 = arith.constant 1 : i32
          %add3A_848 = arith.addi %add3A_650, %add3A_847 : i32
          %mul3A_849 = arith.constant 48 : i32
          %mul3A_850 = arith.muli %add3A_848, %mul3A_849 : i32
          %add3A_851 = arith.addi %add3A_155, %mul3A_850 : i32
          %dma_wait3A_852 = arith.constant 0 : i32
          %dma_wait3A_853 = arith.constant 0 : i32
          %dma_wait3A_854 = arith.constant 0 : i32
          %dma_wait3A_855 = tpu.memref_slice %arg10[%dma_wait3A_852, %dma_wait3A_853, %dma_wait3A_854] : memref<3x2x48xi32, #tpu.memory_space<vmem>> -> memref<1x1x48xi32, #tpu.memory_space<vmem>>
          %dma_wait3A_856 = tpu.memref_squeeze %dma_wait3A_855 : memref<1x1x48xi32, #tpu.memory_space<vmem>> -> memref<48xi32, #tpu.memory_space<vmem>>
          %dma_wait3A_857 = tpu.memref_slice %arg4[%add3A_851] : memref<640512xi32, #tpu.memory_space<hbm>> -> memref<48xi32, #tpu.memory_space<hbm>>
          %dma_wait3A_858 = arith.constant 0 : i32
          %dma_wait3A_859 = tpu.memref_slice %arg10[%dma_wait3A_852, %dma_wait3A_853, %dma_wait3A_858] : memref<3x2x48xi32, #tpu.memory_space<vmem>> -> memref<1x1x48xi32, #tpu.memory_space<vmem>>
          %dma_wait3A_860 = tpu.memref_squeeze %dma_wait3A_859 : memref<1x1x48xi32, #tpu.memory_space<vmem>> -> memref<48xi32, #tpu.memory_space<vmem>>
          %dma_wait3A_861 = tpu.memref_slice %arg4[%add3A_851] : memref<640512xi32, #tpu.memory_space<hbm>> -> memref<48xi32, #tpu.memory_space<hbm>>
          tpu.wait_dma2 semaphore(%arg16 : memref<!tpu.dma_semaphore, #tpu.memory_space<semaphore_mem>>) src(%dma_wait3A_861 : memref<48xi32, #tpu.memory_space<hbm>>) dst(%dma_wait3A_860 : memref<48xi32, #tpu.memory_space<vmem>>)
          %add3A_862 = arith.constant 320256 : i32
          %add3A_863 = arith.addi %add3A_862, %add3A_851 : i32
          %dma_wait3A_864 = arith.constant 0 : i32
          %dma_wait3A_865 = arith.constant 1 : i32
          %dma_wait3A_866 = arith.constant 0 : i32
          %dma_wait3A_867 = tpu.memref_slice %arg10[%dma_wait3A_864, %dma_wait3A_865, %dma_wait3A_866] : memref<3x2x48xi32, #tpu.memory_space<vmem>> -> memref<1x1x48xi32, #tpu.memory_space<vmem>>
          %dma_wait3A_868 = tpu.memref_squeeze %dma_wait3A_867 : memref<1x1x48xi32, #tpu.memory_space<vmem>> -> memref<48xi32, #tpu.memory_space<vmem>>
          %dma_wait3A_869 = tpu.memref_slice %arg4[%add3A_863] : memref<640512xi32, #tpu.memory_space<hbm>> -> memref<48xi32, #tpu.memory_space<hbm>>
          %dma_wait3A_870 = arith.constant 0 : i32
          %dma_wait3A_871 = tpu.memref_slice %arg10[%dma_wait3A_864, %dma_wait3A_865, %dma_wait3A_870] : memref<3x2x48xi32, #tpu.memory_space<vmem>> -> memref<1x1x48xi32, #tpu.memory_space<vmem>>
          %dma_wait3A_872 = tpu.memref_squeeze %dma_wait3A_871 : memref<1x1x48xi32, #tpu.memory_space<vmem>> -> memref<48xi32, #tpu.memory_space<vmem>>
          %dma_wait3A_873 = tpu.memref_slice %arg4[%add3A_863] : memref<640512xi32, #tpu.memory_space<hbm>> -> memref<48xi32, #tpu.memory_space<hbm>>
          tpu.wait_dma2 semaphore(%arg16 : memref<!tpu.dma_semaphore, #tpu.memory_space<semaphore_mem>>) src(%dma_wait3A_873 : memref<48xi32, #tpu.memory_space<hbm>>) dst(%dma_wait3A_872 : memref<48xi32, #tpu.memory_space<vmem>>)
          %dma_start3A_874 = arith.constant 0 : i32
          %dma_start3A_875 = arith.constant 0 : i32
          %dma_start3A_876 = arith.constant 0 : i32
          %dma_start3A_877 = arith.constant 0 : i32
          %dma_start3A_878 = arith.constant 0 : i32
          %dma_start3A_879 = tpu.memref_slice %arg13[%dma_start3A_876, %dma_start3A_877, %dma_start3A_878] : memref<3x48x128xf32, #tpu.memory_space<vmem>> -> memref<1x48x128xf32, #tpu.memory_space<vmem>>
          %dma_start3A_880 = tpu.memref_squeeze %dma_start3A_879 : memref<1x48x128xf32, #tpu.memory_space<vmem>> -> memref<48x128xf32, #tpu.memory_space<vmem>>
          %dma_start3A_881 = arith.constant 0 : i32
          %dma_start3A_882 = tpu.memref_slice %arg10[%dma_start3A_874, %dma_start3A_875, %dma_start3A_881] : memref<3x2x48xi32, #tpu.memory_space<vmem>> -> memref<1x1x48xi32, #tpu.memory_space<vmem>>
          %dma_start3A_883 = tpu.memref_squeeze %dma_start3A_882 : memref<1x1x48xi32, #tpu.memory_space<vmem>> -> memref<48xi32, #tpu.memory_space<vmem>>
          %dma_start3A_884 = arith.constant 0 : i32
          %dma_start3A_885 = arith.constant 0 : i32
          %dma_start3A_886 = tpu.memref_slice %arg5[%dma_start3A_884, %dma_start3A_885] : memref<10000x128xf32, #tpu.memory_space<hbm>> -> memref<10000x128xf32, #tpu.memory_space<hbm>>
          tpu.enqueue_indirect_dma source(%dma_start3A_886 : memref<10000x128xf32, #tpu.memory_space<hbm>>) target(%dma_start3A_880 : memref<48x128xf32, #tpu.memory_space<vmem>>) offsets(%dma_start3A_883 : memref<48xi32, #tpu.memory_space<vmem>>) semaphore(%arg19 : memref<!tpu.dma_semaphore, #tpu.memory_space<semaphore_mem>>)
        } else {
        }
        %get3A_671 = arith.constant 2 : i32
        %get3A_672 = arith.constant 0 : i32
        %get3A_673 = arith.index_cast %get3A_671 : i32 to index
        %get3A_674 = arith.index_cast %get3A_672 : i32 to index
        %get3A_675 = arith.constant 0 : index
        %get3A_676 = tpu.vector_load %arg10[%get3A_673, %get3A_674, %get3A_675] {strides = array<i32>} : memref<3x2x48xi32, #tpu.memory_space<vmem>>, vector<16xi32>,
        %get3A_677 = arith.constant 2 : i32
        %get3A_678 = arith.constant 1 : i32
        %get3A_679 = arith.index_cast %get3A_677 : i32 to index
        %get3A_680 = arith.index_cast %get3A_678 : i32 to index
        %get3A_681 = arith.constant 0 : index
        %get3A_682 = tpu.vector_load %arg10[%get3A_679, %get3A_680, %get3A_681] {strides = array<i32>} : memref<3x2x48xi32, #tpu.memory_space<vmem>>, vector<16xi32>,
        %gather3A_683 = tpu.vector_load_idx %arg9[%get3A_676] : memref<10000xf32, #tpu.memory_space<vmem>>[vector<16xi32>], vector<16xf32>,
        %gather3A_684 = tpu.vector_load_idx %arg8[%get3A_676] : memref<10000xf32, #tpu.memory_space<vmem>>[vector<16xi32>], vector<16xf32>,
        %gather3A_685 = tpu.vector_load_idx %arg8[%get3A_682] : memref<10000xf32, #tpu.memory_space<vmem>>[vector<16xi32>], vector<16xf32>,
        %sub3A_686 = arith.subf %gather3A_684, %gather3A_685 : vector<16xf32>
        %abs3A_687 = math.absf %sub3A_686 : vector<16xf32>
        %neg3A_688 = arith.constant 0.000000e+00 : f32
        %neg3A_689 = vector.broadcast %neg3A_688 : f32 to vector<16xf32>
        %neg3A_690 = arith.subf %neg3A_689, %abs3A_687 : vector<16xf32>
        %mul3A_691 = arith.mulf %gather3A_683, %neg3A_690 : vector<16xf32>
        %div3A_692 = arith.constant 5.000000e+02 : f32
        %div3A_693 = vector.broadcast %div3A_692 : f32 to vector<16xf32>
        %div3A_694 = arith.divf %mul3A_691, %div3A_693 : vector<16xf32>
        %exp3A_695 = math.exp %div3A_694 : vector<16xf32>
        %exp3A_696 = math.exp %exp3A_695 : vector<16xf32>
        %mul3A_697 = arith.constant 48 : i32
        %mul3A_698 = arith.muli %add3A_650, %mul3A_697 : i32
        %add3A_699 = arith.addi %add3A_155, %mul3A_698 : i32
        %add3A_700 = arith.constant 0 : i32
        %add3A_701 = arith.addi %add3A_699, %add3A_700 : i32
        %iota3A_702 = tpu.iota {dimensions = array<i32: 0>} : vector<16xi32>
        %add3A_703 = vector.broadcast %add3A_701 : i32 to vector<16xi32>
        %add3A_704 = arith.addi %add3A_703, %iota3A_702 : vector<16xi32>
        %lt3A_705 = arith.constant 320000 : i32
        %lt3A_706 = vector.broadcast %lt3A_705 : i32 to vector<16xi32>
        %lt3A_707 = arith.cmpi slt, %add3A_704, %lt3A_706 : vector<16xi32>
        %jit3A_708 = arith.constant 0.000000e+00 : f32
        %broadcast_in_dim3A_709 = vector.broadcast %jit3A_708 : f32 to vector<16xf32>
        %select_n3A_710 = arith.select %lt3A_707, %exp3A_696, %broadcast_in_dim3A_709 : vector<16xi1>, vector<16xf32>
        %swap3A_711 = arith.constant 0 : index
        %swap3A_712 = tpu.vector_load %arg11[%swap3A_711] {strides = array<i32>} : memref<48xf32, #tpu.memory_space<vmem>>, vector<16xf32>,
        tpu.vector_store %arg11[%swap3A_711], %select_n3A_710 {strides = array<i32>} : memref<48xf32, #tpu.memory_space<vmem>>, vector<16xf32>,
        %swap3A_713 = arith.constant 2 : i32
        %swap3A_714 = arith.index_cast %swap3A_713 : i32 to index
        %swap3A_715 = arith.constant 0 : index
        %swap3A_716 = tpu.vector_load %arg12[%swap3A_714, %swap3A_715] {strides = array<i32>} : memref<3x48xi32, #tpu.memory_space<vmem>>, vector<16xi32>,
        tpu.vector_store %arg12[%swap3A_714, %swap3A_715], %get3A_682 {strides = array<i32>} : memref<3x48xi32, #tpu.memory_space<vmem>>, vector<16xi32>,
        %broadcast_in_dim3A_717 = arith.constant 0 : i32
        %broadcast_in_dim3A_718 = vector.broadcast %broadcast_in_dim3A_717 : i32 to vector<16xi32>
        tpu.vector_store_idx %arg14[%broadcast_in_dim3A_718, %get3A_682], %select_n3A_710 {add = true} : memref<1x10000xf32, #tpu.memory_space<vmem>>[vector<16xi32>, vector<16xi32>], vector<16xf32>,
        %get3A_719 = arith.constant 2 : i32
        %get3A_720 = arith.constant 0 : i32
        %get3A_721 = arith.index_cast %get3A_719 : i32 to index
        %get3A_722 = arith.index_cast %get3A_720 : i32 to index
        %get3A_723 = arith.constant 16 : index
        %get3A_724 = tpu.vector_load %arg10[%get3A_721, %get3A_722, %get3A_723] {strides = array<i32>} : memref<3x2x48xi32, #tpu.memory_space<vmem>>, vector<16xi32>,
        %get3A_725 = arith.constant 2 : i32
        %get3A_726 = arith.constant 1 : i32
        %get3A_727 = arith.index_cast %get3A_725 : i32 to index
        %get3A_728 = arith.index_cast %get3A_726 : i32 to index
        %get3A_729 = arith.constant 16 : index
        %get3A_730 = tpu.vector_load %arg10[%get3A_727, %get3A_728, %get3A_729] {strides = array<i32>} : memref<3x2x48xi32, #tpu.memory_space<vmem>>, vector<16xi32>,
        %gather3A_731 = tpu.vector_load_idx %arg9[%get3A_724] : memref<10000xf32, #tpu.memory_space<vmem>>[vector<16xi32>], vector<16xf32>,
        %gather3A_732 = tpu.vector_load_idx %arg8[%get3A_724] : memref<10000xf32, #tpu.memory_space<vmem>>[vector<16xi32>], vector<16xf32>,
        %gather3A_733 = tpu.vector_load_idx %arg8[%get3A_730] : memref<10000xf32, #tpu.memory_space<vmem>>[vector<16xi32>], vector<16xf32>,
        %sub3A_734 = arith.subf %gather3A_732, %gather3A_733 : vector<16xf32>
        %abs3A_735 = math.absf %sub3A_734 : vector<16xf32>
        %neg3A_736 = arith.constant 0.000000e+00 : f32
        %neg3A_737 = vector.broadcast %neg3A_736 : f32 to vector<16xf32>
        %neg3A_738 = arith.subf %neg3A_737, %abs3A_735 : vector<16xf32>
        %mul3A_739 = arith.mulf %gather3A_731, %neg3A_738 : vector<16xf32>
        %div3A_740 = arith.constant 5.000000e+02 : f32
        %div3A_741 = vector.broadcast %div3A_740 : f32 to vector<16xf32>
        %div3A_742 = arith.divf %mul3A_739, %div3A_741 : vector<16xf32>
        %exp3A_743 = math.exp %div3A_742 : vector<16xf32>
        %exp3A_744 = math.exp %exp3A_743 : vector<16xf32>
        %mul3A_745 = arith.constant 48 : i32
        %mul3A_746 = arith.muli %add3A_650, %mul3A_745 : i32
        %add3A_747 = arith.addi %add3A_155, %mul3A_746 : i32
        %add3A_748 = arith.constant 16 : i32
        %add3A_749 = arith.addi %add3A_747, %add3A_748 : i32
        %iota3A_750 = tpu.iota {dimensions = array<i32: 0>} : vector<16xi32>
        %add3A_751 = vector.broadcast %add3A_749 : i32 to vector<16xi32>
        %add3A_752 = arith.addi %add3A_751, %iota3A_750 : vector<16xi32>
        %lt3A_753 = arith.constant 320000 : i32
        %lt3A_754 = vector.broadcast %lt3A_753 : i32 to vector<16xi32>
        %lt3A_755 = arith.cmpi slt, %add3A_752, %lt3A_754 : vector<16xi32>
        %jit3A_756 = arith.constant 0.000000e+00 : f32
        %broadcast_in_dim3A_757 = vector.broadcast %jit3A_756 : f32 to vector<16xf32>
        %select_n3A_758 = arith.select %lt3A_755, %exp3A_744, %broadcast_in_dim3A_757 : vector<16xi1>, vector<16xf32>
        %swap3A_759 = arith.constant 16 : index
        %swap3A_760 = tpu.vector_load %arg11[%swap3A_759] {strides = array<i32>} : memref<48xf32, #tpu.memory_space<vmem>>, vector<16xf32>,
        tpu.vector_store %arg11[%swap3A_759], %select_n3A_758 {strides = array<i32>} : memref<48xf32, #tpu.memory_space<vmem>>, vector<16xf32>,
        %swap3A_761 = arith.constant 2 : i32
        %swap3A_762 = arith.index_cast %swap3A_761 : i32 to index
        %swap3A_763 = arith.constant 16 : index
        %swap3A_764 = tpu.vector_load %arg12[%swap3A_762, %swap3A_763] {strides = array<i32>} : memref<3x48xi32, #tpu.memory_space<vmem>>, vector<16xi32>,
        tpu.vector_store %arg12[%swap3A_762, %swap3A_763], %get3A_730 {strides = array<i32>} : memref<3x48xi32, #tpu.memory_space<vmem>>, vector<16xi32>,
        %broadcast_in_dim3A_765 = arith.constant 0 : i32
        %broadcast_in_dim3A_766 = vector.broadcast %broadcast_in_dim3A_765 : i32 to vector<16xi32>
        tpu.vector_store_idx %arg14[%broadcast_in_dim3A_766, %get3A_730], %select_n3A_758 {add = true} : memref<1x10000xf32, #tpu.memory_space<vmem>>[vector<16xi32>, vector<16xi32>], vector<16xf32>,
        %get3A_767 = arith.constant 2 : i32
        %get3A_768 = arith.constant 0 : i32
        %get3A_769 = arith.index_cast %get3A_767 : i32 to index
        %get3A_770 = arith.index_cast %get3A_768 : i32 to index
        %get3A_771 = arith.constant 32 : index
        %get3A_772 = tpu.vector_load %arg10[%get3A_769, %get3A_770, %get3A_771] {strides = array<i32>} : memref<3x2x48xi32, #tpu.memory_space<vmem>>, vector<16xi32>,
        %get3A_773 = arith.constant 2 : i32
        %get3A_774 = arith.constant 1 : i32
        %get3A_775 = arith.index_cast %get3A_773 : i32 to index
        %get3A_776 = arith.index_cast %get3A_774 : i32 to index
        %get3A_777 = arith.constant 32 : index
        %get3A_778 = tpu.vector_load %arg10[%get3A_775, %get3A_776, %get3A_777] {strides = array<i32>} : memref<3x2x48xi32, #tpu.memory_space<vmem>>, vector<16xi32>,
        %gather3A_779 = tpu.vector_load_idx %arg9[%get3A_772] : memref<10000xf32, #tpu.memory_space<vmem>>[vector<16xi32>], vector<16xf32>,
        %gather3A_780 = tpu.vector_load_idx %arg8[%get3A_772] : memref<10000xf32, #tpu.memory_space<vmem>>[vector<16xi32>], vector<16xf32>,
        %gather3A_781 = tpu.vector_load_idx %arg8[%get3A_778] : memref<10000xf32, #tpu.memory_space<vmem>>[vector<16xi32>], vector<16xf32>,
        %sub3A_782 = arith.subf %gather3A_780, %gather3A_781 : vector<16xf32>
        %abs3A_783 = math.absf %sub3A_782 : vector<16xf32>
        %neg3A_784 = arith.constant 0.000000e+00 : f32
        %neg3A_785 = vector.broadcast %neg3A_784 : f32 to vector<16xf32>
        %neg3A_786 = arith.subf %neg3A_785, %abs3A_783 : vector<16xf32>
        %mul3A_787 = arith.mulf %gather3A_779, %neg3A_786 : vector<16xf32>
        %div3A_788 = arith.constant 5.000000e+02 : f32
        %div3A_789 = vector.broadcast %div3A_788 : f32 to vector<16xf32>
        %div3A_790 = arith.divf %mul3A_787, %div3A_789 : vector<16xf32>
        %exp3A_791 = math.exp %div3A_790 : vector<16xf32>
        %exp3A_792 = math.exp %exp3A_791 : vector<16xf32>
        %mul3A_793 = arith.constant 48 : i32
        %mul3A_794 = arith.muli %add3A_650, %mul3A_793 : i32
        %add3A_795 = arith.addi %add3A_155, %mul3A_794 : i32
        %add3A_796 = arith.constant 32 : i32
        %add3A_797 = arith.addi %add3A_795, %add3A_796 : i32
        %iota3A_798 = tpu.iota {dimensions = array<i32: 0>} : vector<16xi32>
        %add3A_799 = vector.broadcast %add3A_797 : i32 to vector<16xi32>
        %add3A_800 = arith.addi %add3A_799, %iota3A_798 : vector<16xi32>
        %lt3A_801 = arith.constant 320000 : i32
        %lt3A_802 = vector.broadcast %lt3A_801 : i32 to vector<16xi32>
        %lt3A_803 = arith.cmpi slt, %add3A_800, %lt3A_802 : vector<16xi32>
        %jit3A_804 = arith.constant 0.000000e+00 : f32
        %broadcast_in_dim3A_805 = vector.broadcast %jit3A_804 : f32 to vector<16xf32>
        %select_n3A_806 = arith.select %lt3A_803, %exp3A_792, %broadcast_in_dim3A_805 : vector<16xi1>, vector<16xf32>
        %swap3A_807 = arith.constant 32 : index
        %swap3A_808 = tpu.vector_load %arg11[%swap3A_807] {strides = array<i32>} : memref<48xf32, #tpu.memory_space<vmem>>, vector<16xf32>,
        tpu.vector_store %arg11[%swap3A_807], %select_n3A_806 {strides = array<i32>} : memref<48xf32, #tpu.memory_space<vmem>>, vector<16xf32>,
        %swap3A_809 = arith.constant 2 : i32
        %swap3A_810 = arith.index_cast %swap3A_809 : i32 to index
        %swap3A_811 = arith.constant 32 : index
        %swap3A_812 = tpu.vector_load %arg12[%swap3A_810, %swap3A_811] {strides = array<i32>} : memref<3x48xi32, #tpu.memory_space<vmem>>, vector<16xi32>,
        tpu.vector_store %arg12[%swap3A_810, %swap3A_811], %get3A_778 {strides = array<i32>} : memref<3x48xi32, #tpu.memory_space<vmem>>, vector<16xi32>,
        %broadcast_in_dim3A_813 = arith.constant 0 : i32
        %broadcast_in_dim3A_814 = vector.broadcast %broadcast_in_dim3A_813 : i32 to vector<16xi32>
        tpu.vector_store_idx %arg14[%broadcast_in_dim3A_814, %get3A_778], %select_n3A_806 {add = true} : memref<1x10000xf32, #tpu.memory_space<vmem>>[vector<16xi32>, vector<16xi32>], vector<16xf32>,
        %scan3A_815 = arith.constant 0 : i32
        %scan3A_816 = arith.constant 48 : i32
        %scan3A_817 = arith.addi %scan3A_815, %scan3A_816 : i32
        %scan3A_818 = arith.constant 2 : i32
        scf.for %scan3A_842 = %scan3A_815 to %scan3A_817 step %scan3A_818  : i32 {
          %mul3A_843 = arith.constant 1 : i32
          %mul3A_844 = arith.muli %scan3A_842, %mul3A_843 : i32
          %add3A_845 = arith.constant 0 : i32
          %add3A_846 = arith.addi %add3A_845, %mul3A_844 : i32
          %broadcast_in_dim3A_847 = vector.broadcast %add3A_846 : i32 to vector<16xi32>
          %gather3A_848 = tpu.vector_load_idx %arg11[%broadcast_in_dim3A_847] : memref<48xf32, #tpu.memory_space<vmem>>[vector<16xi32>], vector<16xf32>,
          %get3A_849 = arith.constant 2 : i32
          %get3A_850 = arith.index_cast %get3A_849 : i32 to index
          %get3A_851 = arith.index_cast %add3A_846 : i32 to index
          %get3A_852 = arith.constant 0 : index
          %get3A_853 = tpu.vector_load %arg13[%get3A_850, %get3A_851, %get3A_852] {strides = array<i32>} : memref<3x48x128xf32, #tpu.memory_space<vmem>>, vector<16xf32>,
          %mul3A_854 = arith.mulf %get3A_853, %gather3A_848 : vector<16xf32>
          %swap3A_855 = arith.constant 2 : i32
          %swap3A_856 = arith.index_cast %swap3A_855 : i32 to index
          %swap3A_857 = arith.index_cast %add3A_846 : i32 to index
          %swap3A_858 = arith.constant 0 : index
          %swap3A_859 = tpu.vector_load %arg13[%swap3A_856, %swap3A_857, %swap3A_858] {strides = array<i32>} : memref<3x48x128xf32, #tpu.memory_space<vmem>>, vector<16xf32>,
          tpu.vector_store %arg13[%swap3A_856, %swap3A_857, %swap3A_858], %mul3A_854 {strides = array<i32>} : memref<3x48x128xf32, #tpu.memory_space<vmem>>, vector<16xf32>,
          %get3A_860 = arith.constant 2 : i32
          %get3A_861 = arith.index_cast %get3A_860 : i32 to index
          %get3A_862 = arith.index_cast %add3A_846 : i32 to index
          %get3A_863 = arith.constant 16 : index
          %get3A_864 = tpu.vector_load %arg13[%get3A_861, %get3A_862, %get3A_863] {strides = array<i32>} : memref<3x48x128xf32, #tpu.memory_space<vmem>>, vector<16xf32>,
          %mul3A_865 = arith.mulf %get3A_864, %gather3A_848 : vector<16xf32>
          %swap3A_866 = arith.constant 2 : i32
          %swap3A_867 = arith.index_cast %swap3A_866 : i32 to index
          %swap3A_868 = arith.index_cast %add3A_846 : i32 to index
          %swap3A_869 = arith.constant 16 : index
          %swap3A_870 = tpu.vector_load %arg13[%swap3A_867, %swap3A_868, %swap3A_869] {strides = array<i32>} : memref<3x48x128xf32, #tpu.memory_space<vmem>>, vector<16xf32>,
          tpu.vector_store %arg13[%swap3A_867, %swap3A_868, %swap3A_869], %mul3A_865 {strides = array<i32>} : memref<3x48x128xf32, #tpu.memory_space<vmem>>, vector<16xf32>,
          %get3A_871 = arith.constant 2 : i32
          %get3A_872 = arith.index_cast %get3A_871 : i32 to index
          %get3A_873 = arith.index_cast %add3A_846 : i32 to index
          %get3A_874 = arith.constant 32 : index
          %get3A_875 = tpu.vector_load %arg13[%get3A_872, %get3A_873, %get3A_874] {strides = array<i32>} : memref<3x48x128xf32, #tpu.memory_space<vmem>>, vector<16xf32>,
          %mul3A_876 = arith.mulf %get3A_875, %gather3A_848 : vector<16xf32>
          %swap3A_877 = arith.constant 2 : i32
          %swap3A_878 = arith.index_cast %swap3A_877 : i32 to index
          %swap3A_879 = arith.index_cast %add3A_846 : i32 to index
          %swap3A_880 = arith.constant 32 : index
          %swap3A_881 = tpu.vector_load %arg13[%swap3A_878, %swap3A_879, %swap3A_880] {strides = array<i32>} : memref<3x48x128xf32, #tpu.memory_space<vmem>>, vector<16xf32>,
          tpu.vector_store %arg13[%swap3A_878, %swap3A_879, %swap3A_880], %mul3A_876 {strides = array<i32>} : memref<3x48x128xf32, #tpu.memory_space<vmem>>, vector<16xf32>,
          %get3A_882 = arith.constant 2 : i32
          %get3A_883 = arith.index_cast %get3A_882 : i32 to index
          %get3A_884 = arith.index_cast %add3A_846 : i32 to index
          %get3A_885 = arith.constant 48 : index
          %get3A_886 = tpu.vector_load %arg13[%get3A_883, %get3A_884, %get3A_885] {strides = array<i32>} : memref<3x48x128xf32, #tpu.memory_space<vmem>>, vector<16xf32>,
          %mul3A_887 = arith.mulf %get3A_886, %gather3A_848 : vector<16xf32>
          %swap3A_888 = arith.constant 2 : i32
          %swap3A_889 = arith.index_cast %swap3A_888 : i32 to index
          %swap3A_890 = arith.index_cast %add3A_846 : i32 to index
          %swap3A_891 = arith.constant 48 : index
          %swap3A_892 = tpu.vector_load %arg13[%swap3A_889, %swap3A_890, %swap3A_891] {strides = array<i32>} : memref<3x48x128xf32, #tpu.memory_space<vmem>>, vector<16xf32>,
          tpu.vector_store %arg13[%swap3A_889, %swap3A_890, %swap3A_891], %mul3A_887 {strides = array<i32>} : memref<3x48x128xf32, #tpu.memory_space<vmem>>, vector<16xf32>,
          %get3A_893 = arith.constant 2 : i32
          %get3A_894 = arith.index_cast %get3A_893 : i32 to index
          %get3A_895 = arith.index_cast %add3A_846 : i32 to index
          %get3A_896 = arith.constant 64 : index
          %get3A_897 = tpu.vector_load %arg13[%get3A_894, %get3A_895, %get3A_896] {strides = array<i32>} : memref<3x48x128xf32, #tpu.memory_space<vmem>>, vector<16xf32>,
          %mul3A_898 = arith.mulf %get3A_897, %gather3A_848 : vector<16xf32>
          %swap3A_899 = arith.constant 2 : i32
          %swap3A_900 = arith.index_cast %swap3A_899 : i32 to index
          %swap3A_901 = arith.index_cast %add3A_846 : i32 to index
          %swap3A_902 = arith.constant 64 : index
          %swap3A_903 = tpu.vector_load %arg13[%swap3A_900, %swap3A_901, %swap3A_902] {strides = array<i32>} : memref<3x48x128xf32, #tpu.memory_space<vmem>>, vector<16xf32>,
          tpu.vector_store %arg13[%swap3A_900, %swap3A_901, %swap3A_902], %mul3A_898 {strides = array<i32>} : memref<3x48x128xf32, #tpu.memory_space<vmem>>, vector<16xf32>,
          %get3A_904 = arith.constant 2 : i32
          %get3A_905 = arith.index_cast %get3A_904 : i32 to index
          %get3A_906 = arith.index_cast %add3A_846 : i32 to index
          %get3A_907 = arith.constant 80 : index
          %get3A_908 = tpu.vector_load %arg13[%get3A_905, %get3A_906, %get3A_907] {strides = array<i32>} : memref<3x48x128xf32, #tpu.memory_space<vmem>>, vector<16xf32>,
          %mul3A_909 = arith.mulf %get3A_908, %gather3A_848 : vector<16xf32>
          %swap3A_910 = arith.constant 2 : i32
          %swap3A_911 = arith.index_cast %swap3A_910 : i32 to index
          %swap3A_912 = arith.index_cast %add3A_846 : i32 to index
          %swap3A_913 = arith.constant 80 : index
          %swap3A_914 = tpu.vector_load %arg13[%swap3A_911, %swap3A_912, %swap3A_913] {strides = array<i32>} : memref<3x48x128xf32, #tpu.memory_space<vmem>>, vector<16xf32>,
          tpu.vector_store %arg13[%swap3A_911, %swap3A_912, %swap3A_913], %mul3A_909 {strides = array<i32>} : memref<3x48x128xf32, #tpu.memory_space<vmem>>, vector<16xf32>,
          %get3A_915 = arith.constant 2 : i32
          %get3A_916 = arith.index_cast %get3A_915 : i32 to index
          %get3A_917 = arith.index_cast %add3A_846 : i32 to index
          %get3A_918 = arith.constant 96 : index
          %get3A_919 = tpu.vector_load %arg13[%get3A_916, %get3A_917, %get3A_918] {strides = array<i32>} : memref<3x48x128xf32, #tpu.memory_space<vmem>>, vector<16xf32>,
          %mul3A_920 = arith.mulf %get3A_919, %gather3A_848 : vector<16xf32>
          %swap3A_921 = arith.constant 2 : i32
          %swap3A_922 = arith.index_cast %swap3A_921 : i32 to index
          %swap3A_923 = arith.index_cast %add3A_846 : i32 to index
          %swap3A_924 = arith.constant 96 : index
          %swap3A_925 = tpu.vector_load %arg13[%swap3A_922, %swap3A_923, %swap3A_924] {strides = array<i32>} : memref<3x48x128xf32, #tpu.memory_space<vmem>>, vector<16xf32>,
          tpu.vector_store %arg13[%swap3A_922, %swap3A_923, %swap3A_924], %mul3A_920 {strides = array<i32>} : memref<3x48x128xf32, #tpu.memory_space<vmem>>, vector<16xf32>,
          %get3A_926 = arith.constant 2 : i32
          %get3A_927 = arith.index_cast %get3A_926 : i32 to index
          %get3A_928 = arith.index_cast %add3A_846 : i32 to index
          %get3A_929 = arith.constant 112 : index
          %get3A_930 = tpu.vector_load %arg13[%get3A_927, %get3A_928, %get3A_929] {strides = array<i32>} : memref<3x48x128xf32, #tpu.memory_space<vmem>>, vector<16xf32>,
          %mul3A_931 = arith.mulf %get3A_930, %gather3A_848 : vector<16xf32>
          %swap3A_932 = arith.constant 2 : i32
          %swap3A_933 = arith.index_cast %swap3A_932 : i32 to index
          %swap3A_934 = arith.index_cast %add3A_846 : i32 to index
          %swap3A_935 = arith.constant 112 : index
          %swap3A_936 = tpu.vector_load %arg13[%swap3A_933, %swap3A_934, %swap3A_935] {strides = array<i32>} : memref<3x48x128xf32, #tpu.memory_space<vmem>>, vector<16xf32>,
          tpu.vector_store %arg13[%swap3A_933, %swap3A_934, %swap3A_935], %mul3A_931 {strides = array<i32>} : memref<3x48x128xf32, #tpu.memory_space<vmem>>, vector<16xf32>,
          %scan3A_937 = arith.constant 1 : i32
          %scan3A_938 = arith.addi %scan3A_842, %scan3A_937 : i32
          %mul3A_939 = arith.constant 1 : i32
          %mul3A_940 = arith.muli %scan3A_938, %mul3A_939 : i32
          %add3A_941 = arith.constant 0 : i32
          %add3A_942 = arith.addi %add3A_941, %mul3A_940 : i32
          %broadcast_in_dim3A_943 = vector.broadcast %add3A_942 : i32 to vector<16xi32>
          %gather3A_944 = tpu.vector_load_idx %arg11[%broadcast_in_dim3A_943] : memref<48xf32, #tpu.memory_space<vmem>>[vector<16xi32>], vector<16xf32>,
          %get3A_945 = arith.constant 2 : i32
          %get3A_946 = arith.index_cast %get3A_945 : i32 to index
          %get3A_947 = arith.index_cast %add3A_942 : i32 to index
          %get3A_948 = arith.constant 0 : index
          %get3A_949 = tpu.vector_load %arg13[%get3A_946, %get3A_947, %get3A_948] {strides = array<i32>} : memref<3x48x128xf32, #tpu.memory_space<vmem>>, vector<16xf32>,
          %mul3A_950 = arith.mulf %get3A_949, %gather3A_944 : vector<16xf32>
          %swap3A_951 = arith.constant 2 : i32
          %swap3A_952 = arith.index_cast %swap3A_951 : i32 to index
          %swap3A_953 = arith.index_cast %add3A_942 : i32 to index
          %swap3A_954 = arith.constant 0 : index
          %swap3A_955 = tpu.vector_load %arg13[%swap3A_952, %swap3A_953, %swap3A_954] {strides = array<i32>} : memref<3x48x128xf32, #tpu.memory_space<vmem>>, vector<16xf32>,
          tpu.vector_store %arg13[%swap3A_952, %swap3A_953, %swap3A_954], %mul3A_950 {strides = array<i32>} : memref<3x48x128xf32, #tpu.memory_space<vmem>>, vector<16xf32>,
          %get3A_956 = arith.constant 2 : i32
          %get3A_957 = arith.index_cast %get3A_956 : i32 to index
          %get3A_958 = arith.index_cast %add3A_942 : i32 to index
          %get3A_959 = arith.constant 16 : index
          %get3A_960 = tpu.vector_load %arg13[%get3A_957, %get3A_958, %get3A_959] {strides = array<i32>} : memref<3x48x128xf32, #tpu.memory_space<vmem>>, vector<16xf32>,
          %mul3A_961 = arith.mulf %get3A_960, %gather3A_944 : vector<16xf32>
          %swap3A_962 = arith.constant 2 : i32
          %swap3A_963 = arith.index_cast %swap3A_962 : i32 to index
          %swap3A_964 = arith.index_cast %add3A_942 : i32 to index
          %swap3A_965 = arith.constant 16 : index
          %swap3A_966 = tpu.vector_load %arg13[%swap3A_963, %swap3A_964, %swap3A_965] {strides = array<i32>} : memref<3x48x128xf32, #tpu.memory_space<vmem>>, vector<16xf32>,
          tpu.vector_store %arg13[%swap3A_963, %swap3A_964, %swap3A_965], %mul3A_961 {strides = array<i32>} : memref<3x48x128xf32, #tpu.memory_space<vmem>>, vector<16xf32>,
          %get3A_967 = arith.constant 2 : i32
          %get3A_968 = arith.index_cast %get3A_967 : i32 to index
          %get3A_969 = arith.index_cast %add3A_942 : i32 to index
          %get3A_970 = arith.constant 32 : index
          %get3A_971 = tpu.vector_load %arg13[%get3A_968, %get3A_969, %get3A_970] {strides = array<i32>} : memref<3x48x128xf32, #tpu.memory_space<vmem>>, vector<16xf32>,
          %mul3A_972 = arith.mulf %get3A_971, %gather3A_944 : vector<16xf32>
          %swap3A_973 = arith.constant 2 : i32
          %swap3A_974 = arith.index_cast %swap3A_973 : i32 to index
          %swap3A_975 = arith.index_cast %add3A_942 : i32 to index
          %swap3A_976 = arith.constant 32 : index
          %swap3A_977 = tpu.vector_load %arg13[%swap3A_974, %swap3A_975, %swap3A_976] {strides = array<i32>} : memref<3x48x128xf32, #tpu.memory_space<vmem>>, vector<16xf32>,
          tpu.vector_store %arg13[%swap3A_974, %swap3A_975, %swap3A_976], %mul3A_972 {strides = array<i32>} : memref<3x48x128xf32, #tpu.memory_space<vmem>>, vector<16xf32>,
          %get3A_978 = arith.constant 2 : i32
          %get3A_979 = arith.index_cast %get3A_978 : i32 to index
          %get3A_980 = arith.index_cast %add3A_942 : i32 to index
          %get3A_981 = arith.constant 48 : index
          %get3A_982 = tpu.vector_load %arg13[%get3A_979, %get3A_980, %get3A_981] {strides = array<i32>} : memref<3x48x128xf32, #tpu.memory_space<vmem>>, vector<16xf32>,
          %mul3A_983 = arith.mulf %get3A_982, %gather3A_944 : vector<16xf32>
          %swap3A_984 = arith.constant 2 : i32
          %swap3A_985 = arith.index_cast %swap3A_984 : i32 to index
          %swap3A_986 = arith.index_cast %add3A_942 : i32 to index
          %swap3A_987 = arith.constant 48 : index
          %swap3A_988 = tpu.vector_load %arg13[%swap3A_985, %swap3A_986, %swap3A_987] {strides = array<i32>} : memref<3x48x128xf32, #tpu.memory_space<vmem>>, vector<16xf32>,
          tpu.vector_store %arg13[%swap3A_985, %swap3A_986, %swap3A_987], %mul3A_983 {strides = array<i32>} : memref<3x48x128xf32, #tpu.memory_space<vmem>>, vector<16xf32>,
          %get3A_989 = arith.constant 2 : i32
          %get3A_990 = arith.index_cast %get3A_989 : i32 to index
          %get3A_991 = arith.index_cast %add3A_942 : i32 to index
          %get3A_992 = arith.constant 64 : index
          %get3A_993 = tpu.vector_load %arg13[%get3A_990, %get3A_991, %get3A_992] {strides = array<i32>} : memref<3x48x128xf32, #tpu.memory_space<vmem>>, vector<16xf32>,
          %mul3A_994 = arith.mulf %get3A_993, %gather3A_944 : vector<16xf32>
          %swap3A_995 = arith.constant 2 : i32
          %swap3A_996 = arith.index_cast %swap3A_995 : i32 to index
          %swap3A_997 = arith.index_cast %add3A_942 : i32 to index
          %swap3A_998 = arith.constant 64 : index
          %swap3A_999 = tpu.vector_load %arg13[%swap3A_996, %swap3A_997, %swap3A_998] {strides = array<i32>} : memref<3x48x128xf32, #tpu.memory_space<vmem>>, vector<16xf32>,
          tpu.vector_store %arg13[%swap3A_996, %swap3A_997, %swap3A_998], %mul3A_994 {strides = array<i32>} : memref<3x48x128xf32, #tpu.memory_space<vmem>>, vector<16xf32>,
          %get3A_1000 = arith.constant 2 : i32
          %get3A_1001 = arith.index_cast %get3A_1000 : i32 to index
          %get3A_1002 = arith.index_cast %add3A_942 : i32 to index
          %get3A_1003 = arith.constant 80 : index
          %get3A_1004 = tpu.vector_load %arg13[%get3A_1001, %get3A_1002, %get3A_1003] {strides = array<i32>} : memref<3x48x128xf32, #tpu.memory_space<vmem>>, vector<16xf32>,
          %mul3A_1005 = arith.mulf %get3A_1004, %gather3A_944 : vector<16xf32>
          %swap3A_1006 = arith.constant 2 : i32
          %swap3A_1007 = arith.index_cast %swap3A_1006 : i32 to index
          %swap3A_1008 = arith.index_cast %add3A_942 : i32 to index
          %swap3A_1009 = arith.constant 80 : index
          %swap3A_1010 = tpu.vector_load %arg13[%swap3A_1007, %swap3A_1008, %swap3A_1009] {strides = array<i32>} : memref<3x48x128xf32, #tpu.memory_space<vmem>>, vector<16xf32>,
          tpu.vector_store %arg13[%swap3A_1007, %swap3A_1008, %swap3A_1009], %mul3A_1005 {strides = array<i32>} : memref<3x48x128xf32, #tpu.memory_space<vmem>>, vector<16xf32>,
          %get3A_1011 = arith.constant 2 : i32
          %get3A_1012 = arith.index_cast %get3A_1011 : i32 to index
          %get3A_1013 = arith.index_cast %add3A_942 : i32 to index
          %get3A_1014 = arith.constant 96 : index
          %get3A_1015 = tpu.vector_load %arg13[%get3A_1012, %get3A_1013, %get3A_1014] {strides = array<i32>} : memref<3x48x128xf32, #tpu.memory_space<vmem>>, vector<16xf32>,
          %mul3A_1016 = arith.mulf %get3A_1015, %gather3A_944 : vector<16xf32>
          %swap3A_1017 = arith.constant 2 : i32
          %swap3A_1018 = arith.index_cast %swap3A_1017 : i32 to index
          %swap3A_1019 = arith.index_cast %add3A_942 : i32 to index
          %swap3A_1020 = arith.constant 96 : index
          %swap3A_1021 = tpu.vector_load %arg13[%swap3A_1018, %swap3A_1019, %swap3A_1020] {strides = array<i32>} : memref<3x48x128xf32, #tpu.memory_space<vmem>>, vector<16xf32>,
          tpu.vector_store %arg13[%swap3A_1018, %swap3A_1019, %swap3A_1020], %mul3A_1016 {strides = array<i32>} : memref<3x48x128xf32, #tpu.memory_space<vmem>>, vector<16xf32>,
          %get3A_1022 = arith.constant 2 : i32
          %get3A_1023 = arith.index_cast %get3A_1022 : i32 to index
          %get3A_1024 = arith.index_cast %add3A_942 : i32 to index
          %get3A_1025 = arith.constant 112 : index
          %get3A_1026 = tpu.vector_load %arg13[%get3A_1023, %get3A_1024, %get3A_1025] {strides = array<i32>} : memref<3x48x128xf32, #tpu.memory_space<vmem>>, vector<16xf32>,
          %mul3A_1027 = arith.mulf %get3A_1026, %gather3A_944 : vector<16xf32>
          %swap3A_1028 = arith.constant 2 : i32
          %swap3A_1029 = arith.index_cast %swap3A_1028 : i32 to index
          %swap3A_1030 = arith.index_cast %add3A_942 : i32 to index
          %swap3A_1031 = arith.constant 112 : index
          %swap3A_1032 = tpu.vector_load %arg13[%swap3A_1029, %swap3A_1030, %swap3A_1031] {strides = array<i32>} : memref<3x48x128xf32, #tpu.memory_space<vmem>>, vector<16xf32>,
          tpu.vector_store %arg13[%swap3A_1029, %swap3A_1030, %swap3A_1031], %mul3A_1027 {strides = array<i32>} : memref<3x48x128xf32, #tpu.memory_space<vmem>>, vector<16xf32>,
        }
        %scan3A_819 = arith.constant 48 : i32
        %dma_start3A_820 = arith.constant 2 : i32
        %dma_start3A_821 = arith.constant 2 : i32
        %dma_start3A_822 = arith.constant 0 : i32
        %dma_start3A_823 = arith.constant 0 : i32
        %dma_start3A_824 = tpu.memref_slice %arg13[%dma_start3A_820, %dma_start3A_822, %dma_start3A_823] : memref<3x48x128xf32, #tpu.memory_space<vmem>> -> memref<1x48x128xf32, #tpu.memory_space<vmem>>
        %dma_start3A_825 = tpu.memref_squeeze %dma_start3A_824 : memref<1x48x128xf32, #tpu.memory_space<vmem>> -> memref<48x128xf32, #tpu.memory_space<vmem>>
        %dma_start3A_826 = arith.constant 0 : i32
        %dma_start3A_827 = tpu.memref_slice %arg12[%dma_start3A_821, %dma_start3A_826] : memref<3x48xi32, #tpu.memory_space<vmem>> -> memref<1x48xi32, #tpu.memory_space<vmem>>
        %dma_start3A_828 = tpu.memref_squeeze %dma_start3A_827 : memref<1x48xi32, #tpu.memory_space<vmem>> -> memref<48xi32, #tpu.memory_space<vmem>>
        %dma_start3A_829 = arith.constant 0 : i32
        %dma_start3A_830 = arith.constant 0 : i32
        %dma_start3A_831 = tpu.memref_slice %arg15[%dma_start3A_829, %dma_start3A_830] : memref<10112x128xf32, #tpu.memory_space<vmem_shared>> -> memref<10112x128xf32, #tpu.memory_space<vmem_shared>>
        tpu.enqueue_indirect_dma source(%dma_start3A_825 : memref<48x128xf32, #tpu.memory_space<vmem>>) target(%dma_start3A_831 : memref<10112x128xf32, #tpu.memory_space<vmem_shared>>) offsets(%dma_start3A_828 : memref<48xi32, #tpu.memory_space<vmem>>) semaphore(%arg24 : memref<!tpu.dma_semaphore, #tpu.memory_space<semaphore_mem>>) {add = true}
        %ge3A_832 = arith.constant 1 : i32
        %ge3A_833 = arith.cmpi sge, %add3A_650, %ge3A_832 : i32
        %add3A_834 = arith.constant 2 : i32
        %add3A_835 = arith.addi %add3A_650, %add3A_834 : i32
        %lt3A_836 = arith.constant 219 : i32
        %lt3A_837 = arith.cmpi slt, %add3A_835, %lt3A_836 : i32
        %and3A_838 = arith.andi %ge3A_833, %lt3A_837 : i1
        %convert_element_type3A_839 = arith.extui %and3A_838 : i1 to i32
        %cond3A_840 = arith.constant 0 : i32
        %cond3A_841 = arith.cmpi ne, %convert_element_type3A_839, %cond3A_840 : i32
        scf.if %cond3A_841 {
          %add3A_842 = arith.constant 2 : i32
          %add3A_843 = arith.addi %add3A_650, %add3A_842 : i32
          %mul3A_844 = arith.constant 48 : i32
          %mul3A_845 = arith.muli %add3A_843, %mul3A_844 : i32
          %add3A_846 = arith.addi %add3A_155, %mul3A_845 : i32
          %dma_start3A_847 = arith.constant 1 : i32
          %dma_start3A_848 = arith.constant 0 : i32
          %dma_start3A_849 = arith.constant 0 : i32
          %dma_start3A_850 = tpu.memref_slice %arg10[%dma_start3A_847, %dma_start3A_848, %dma_start3A_849] : memref<3x2x48xi32, #tpu.memory_space<vmem>> -> memref<1x1x48xi32, #tpu.memory_space<vmem>>
          %dma_start3A_851 = tpu.memref_squeeze %dma_start3A_850 : memref<1x1x48xi32, #tpu.memory_space<vmem>> -> memref<48xi32, #tpu.memory_space<vmem>>
          %dma_start3A_852 = tpu.memref_slice %arg4[%add3A_846] : memref<640512xi32, #tpu.memory_space<hbm>> -> memref<48xi32, #tpu.memory_space<hbm>>
          %dma_start3A_853 = arith.constant 0 : i32
          %dma_start3A_854 = tpu.memref_slice %arg10[%dma_start3A_847, %dma_start3A_848, %dma_start3A_853] : memref<3x2x48xi32, #tpu.memory_space<vmem>> -> memref<1x1x48xi32, #tpu.memory_space<vmem>>
          %dma_start3A_855 = tpu.memref_squeeze %dma_start3A_854 : memref<1x1x48xi32, #tpu.memory_space<vmem>> -> memref<48xi32, #tpu.memory_space<vmem>>
          %dma_start3A_856 = tpu.memref_slice %arg4[%add3A_846] : memref<640512xi32, #tpu.memory_space<hbm>> -> memref<48xi32, #tpu.memory_space<hbm>>
          tpu.enqueue_dma source(%dma_start3A_856 : memref<48xi32, #tpu.memory_space<hbm>>) target(%dma_start3A_855 : memref<48xi32, #tpu.memory_space<vmem>>) target_semaphore(%arg17 : memref<!tpu.dma_semaphore, #tpu.memory_space<semaphore_mem>>)
          %add3A_857 = arith.constant 320256 : i32
          %add3A_858 = arith.addi %add3A_857, %add3A_846 : i32
          %dma_start3A_859 = arith.constant 1 : i32
          %dma_start3A_860 = arith.constant 1 : i32
          %dma_start3A_861 = arith.constant 0 : i32
          %dma_start3A_862 = tpu.memref_slice %arg10[%dma_start3A_859, %dma_start3A_860, %dma_start3A_861] : memref<3x2x48xi32, #tpu.memory_space<vmem>> -> memref<1x1x48xi32, #tpu.memory_space<vmem>>
          %dma_start3A_863 = tpu.memref_squeeze %dma_start3A_862 : memref<1x1x48xi32, #tpu.memory_space<vmem>> -> memref<48xi32, #tpu.memory_space<vmem>>
          %dma_start3A_864 = tpu.memref_slice %arg4[%add3A_858] : memref<640512xi32, #tpu.memory_space<hbm>> -> memref<48xi32, #tpu.memory_space<hbm>>
          %dma_start3A_865 = arith.constant 0 : i32
          %dma_start3A_866 = tpu.memref_slice %arg10[%dma_start3A_859, %dma_start3A_860, %dma_start3A_865] : memref<3x2x48xi32, #tpu.memory_space<vmem>> -> memref<1x1x48xi32, #tpu.memory_space<vmem>>
          %dma_start3A_867 = tpu.memref_squeeze %dma_start3A_866 : memref<1x1x48xi32, #tpu.memory_space<vmem>> -> memref<48xi32, #tpu.memory_space<vmem>>
          %dma_start3A_868 = tpu.memref_slice %arg4[%add3A_858] : memref<640512xi32, #tpu.memory_space<hbm>> -> memref<48xi32, #tpu.memory_space<hbm>>
          tpu.enqueue_dma source(%dma_start3A_868 : memref<48xi32, #tpu.memory_space<hbm>>) target(%dma_start3A_867 : memref<48xi32, #tpu.memory_space<vmem>>) target_semaphore(%arg17 : memref<!tpu.dma_semaphore, #tpu.memory_space<semaphore_mem>>)
        } else {
        }
      }
      %scan3A_266 = arith.constant 73 : i32
    } else {
    }
    %dma_wait3A = arith.constant 0 : i32
    %dma_wait3A_60 = arith.constant 0 : i32
    %dma_wait3A_61 = arith.constant 0 : i32
    %dma_wait3A_62 = arith.constant 0 : i32
    %dma_wait3A_63 = tpu.memref_slice %arg13[%dma_wait3A, %dma_wait3A_61, %dma_wait3A_62] : memref<3x48x128xf32, #tpu.memory_space<vmem>> -> memref<1x48x128xf32, #tpu.memory_space<vmem>>
    %dma_wait3A_64 = tpu.memref_squeeze %dma_wait3A_63 : memref<1x48x128xf32, #tpu.memory_space<vmem>> -> memref<48x128xf32, #tpu.memory_space<vmem>>
    %dma_wait3A_65 = arith.constant 0 : i32
    %dma_wait3A_66 = tpu.memref_slice %arg12[%dma_wait3A_60, %dma_wait3A_65] : memref<3x48xi32, #tpu.memory_space<vmem>> -> memref<1x48xi32, #tpu.memory_space<vmem>>
    %dma_wait3A_67 = tpu.memref_squeeze %dma_wait3A_66 : memref<1x48xi32, #tpu.memory_space<vmem>> -> memref<48xi32, #tpu.memory_space<vmem>>
    %dma_wait3A_68 = arith.constant 0 : i32
    %dma_wait3A_69 = arith.constant 0 : i32
    %dma_wait3A_70 = tpu.memref_slice %arg15[%dma_wait3A_68, %dma_wait3A_69] : memref<10112x128xf32, #tpu.memory_space<vmem_shared>> -> memref<10112x128xf32, #tpu.memory_space<vmem_shared>>
    tpu.wait_indirect_dma semaphore(%arg22 : memref<!tpu.dma_semaphore, #tpu.memory_space<semaphore_mem>>) src(%dma_wait3A_64 : memref<48x128xf32, #tpu.memory_space<vmem>>) dst(%dma_wait3A_70 : memref<10112x128xf32, #tpu.memory_space<vmem_shared>>)
    %dma_wait3A_71 = arith.constant 1 : i32
    %dma_wait3A_72 = arith.constant 1 : i32
    %dma_wait3A_73 = arith.constant 0 : i32
    %dma_wait3A_74 = arith.constant 0 : i32
    %dma_wait3A_75 = tpu.memref_slice %arg13[%dma_wait3A_71, %dma_wait3A_73, %dma_wait3A_74] : memref<3x48x128xf32, #tpu.memory_space<vmem>> -> memref<1x48x128xf32, #tpu.memory_space<vmem>>
    %dma_wait3A_76 = tpu.memref_squeeze %dma_wait3A_75 : memref<1x48x128xf32, #tpu.memory_space<vmem>> -> memref<48x128xf32, #tpu.memory_space<vmem>>
    %dma_wait3A_77 = arith.constant 0 : i32
    %dma_wait3A_78 = tpu.memref_slice %arg12[%dma_wait3A_72, %dma_wait3A_77] : memref<3x48xi32, #tpu.memory_space<vmem>> -> memref<1x48xi32, #tpu.memory_space<vmem>>
    %dma_wait3A_79 = tpu.memref_squeeze %dma_wait3A_78 : memref<1x48xi32, #tpu.memory_space<vmem>> -> memref<48xi32, #tpu.memory_space<vmem>>
    %dma_wait3A_80 = arith.constant 0 : i32
    %dma_wait3A_81 = arith.constant 0 : i32
    %dma_wait3A_82 = tpu.memref_slice %arg15[%dma_wait3A_80, %dma_wait3A_81] : memref<10112x128xf32, #tpu.memory_space<vmem_shared>> -> memref<10112x128xf32, #tpu.memory_space<vmem_shared>>
    tpu.wait_indirect_dma semaphore(%arg23 : memref<!tpu.dma_semaphore, #tpu.memory_space<semaphore_mem>>) src(%dma_wait3A_76 : memref<48x128xf32, #tpu.memory_space<vmem>>) dst(%dma_wait3A_82 : memref<10112x128xf32, #tpu.memory_space<vmem_shared>>)
    %dma_wait3A_83 = arith.constant 2 : i32
    %dma_wait3A_84 = arith.constant 2 : i32
    %dma_wait3A_85 = arith.constant 0 : i32
    %dma_wait3A_86 = arith.constant 0 : i32
    %dma_wait3A_87 = tpu.memref_slice %arg13[%dma_wait3A_83, %dma_wait3A_85, %dma_wait3A_86] : memref<3x48x128xf32, #tpu.memory_space<vmem>> -> memref<1x48x128xf32, #tpu.memory_space<vmem>>
    %dma_wait3A_88 = tpu.memref_squeeze %dma_wait3A_87 : memref<1x48x128xf32, #tpu.memory_space<vmem>> -> memref<48x128xf32, #tpu.memory_space<vmem>>
    %dma_wait3A_89 = arith.constant 0 : i32
    %dma_wait3A_90 = tpu.memref_slice %arg12[%dma_wait3A_84, %dma_wait3A_89] : memref<3x48xi32, #tpu.memory_space<vmem>> -> memref<1x48xi32, #tpu.memory_space<vmem>>
    %dma_wait3A_91 = tpu.memref_squeeze %dma_wait3A_90 : memref<1x48xi32, #tpu.memory_space<vmem>> -> memref<48xi32, #tpu.memory_space<vmem>>
    %dma_wait3A_92 = arith.constant 0 : i32
    %dma_wait3A_93 = arith.constant 0 : i32
    %dma_wait3A_94 = tpu.memref_slice %arg15[%dma_wait3A_92, %dma_wait3A_93] : memref<10112x128xf32, #tpu.memory_space<vmem_shared>> -> memref<10112x128xf32, #tpu.memory_space<vmem_shared>>
    tpu.wait_indirect_dma semaphore(%arg24 : memref<!tpu.dma_semaphore, #tpu.memory_space<semaphore_mem>>) src(%dma_wait3A_88 : memref<48x128xf32, #tpu.memory_space<vmem>>) dst(%dma_wait3A_94 : memref<10112x128xf32, #tpu.memory_space<vmem_shared>>)
    %barrier3A_95 = arith.constant 0 : index
    tpu.barrier barrier_id(%barrier3A_95)
    "tpu.region"() ({
      %run_scoped3A_152 = tpu.sem_alloc : memref<!tpu.dma_semaphore, #tpu.memory_space<semaphore_mem>>
      %dma_start3A = arith.constant 0 : i32
      %dma_start3A_153 = arith.constant 0 : i32
      %dma_start3A_154 = tpu.memref_slice %arg7[%add3A, %dma_start3A, %dma_start3A_153] : memref<32x1x10000xf32, #tpu.memory_space<hbm>> -> memref<1x1x10000xf32, #tpu.memory_space<hbm>>
      %dma_start3A_155 = tpu.memref_squeeze %dma_start3A_154 : memref<1x1x10000xf32, #tpu.memory_space<hbm>> -> memref<1x10000xf32, #tpu.memory_space<hbm>>
      %dma_start3A_156 = arith.constant 0 : i32
      %dma_start3A_157 = arith.constant 0 : i32
      %dma_start3A_158 = tpu.memref_slice %arg7[%add3A, %dma_start3A_156, %dma_start3A_157] : memref<32x1x10000xf32, #tpu.memory_space<hbm>> -> memref<1x1x10000xf32, #tpu.memory_space<hbm>>
      %dma_start3A_159 = tpu.memref_squeeze %dma_start3A_158 : memref<1x1x10000xf32, #tpu.memory_space<hbm>> -> memref<1x10000xf32, #tpu.memory_space<hbm>>
      tpu.enqueue_dma source(%arg14 : memref<1x10000xf32, #tpu.memory_space<vmem>>) target(%dma_start3A_159 : memref<1x10000xf32, #tpu.memory_space<hbm>>) target_semaphore(%run_scoped3A_152 : memref<!tpu.dma_semaphore, #tpu.memory_space<semaphore_mem>>)
      %dma_wait3A_160 = arith.constant 0 : i32
      %dma_wait3A_161 = arith.constant 0 : i32
      %dma_wait3A_162 = tpu.memref_slice %arg7[%add3A, %dma_wait3A_160, %dma_wait3A_161] : memref<32x1x10000xf32, #tpu.memory_space<hbm>> -> memref<1x1x10000xf32, #tpu.memory_space<hbm>>
      %dma_wait3A_163 = tpu.memref_squeeze %dma_wait3A_162 : memref<1x1x10000xf32, #tpu.memory_space<hbm>> -> memref<1x10000xf32, #tpu.memory_space<hbm>>
      %dma_wait3A_164 = arith.constant 0 : i32
      %dma_wait3A_165 = arith.constant 0 : i32
      %dma_wait3A_166 = tpu.memref_slice %arg7[%add3A, %dma_wait3A_164, %dma_wait3A_165] : memref<32x1x10000xf32, #tpu.memory_space<hbm>> -> memref<1x1x10000xf32, #tpu.memory_space<hbm>>
      %dma_wait3A_167 = tpu.memref_squeeze %dma_wait3A_166 : memref<1x1x10000xf32, #tpu.memory_space<hbm>> -> memref<1x10000xf32, #tpu.memory_space<hbm>>
      tpu.wait_dma2 semaphore(%run_scoped3A_152 : memref<!tpu.dma_semaphore, #tpu.memory_space<semaphore_mem>>) src(%arg14 : memref<1x10000xf32, #tpu.memory_space<vmem>>) dst(%dma_wait3A_167 : memref<1x10000xf32, #tpu.memory_space<hbm>>)
      tpu.yield
    }) : () -> ()
    %add3A_96 = arith.constant 0 : i32
    %add3A_97 = arith.addi %mul3A_11, %add3A_96 : i32
    %add3A_98 = arith.constant 0 : i32
    %add3A_99 = arith.addi %mul3A_11, %add3A_98 : i32
    "tpu.region"() ({
      %run_scoped3A_152 = tpu.sem_alloc : memref<!tpu.dma_semaphore, #tpu.memory_space<semaphore_mem>>
      %dma_start3A = arith.constant 0 : i32
      %dma_start3A_153 = tpu.memref_slice %arg6[%arg0, %add3A_99, %dma_start3A] : memref<2x10112x128xf32, #tpu.memory_space<hbm>> -> memref<1x48x128xf32, #tpu.memory_space<hbm>>
      %dma_start3A_154 = tpu.memref_squeeze %dma_start3A_153 : memref<1x48x128xf32, #tpu.memory_space<hbm>> -> memref<48x128xf32, #tpu.memory_space<hbm>>
      %dma_start3A_155 = arith.constant 0 : i32
      %dma_start3A_156 = tpu.memref_slice %arg15[%add3A_97, %dma_start3A_155] : memref<10112x128xf32, #tpu.memory_space<vmem_shared>> -> memref<48x128xf32, #tpu.memory_space<vmem_shared>>
      tpu.enqueue_dma source(%dma_start3A_156 : memref<48x128xf32, #tpu.memory_space<vmem_shared>>) target(%dma_start3A_154 : memref<48x128xf32, #tpu.memory_space<hbm>>) target_semaphore(%run_scoped3A_152 : memref<!tpu.dma_semaphore, #tpu.memory_space<semaphore_mem>>)
      %dma_wait3A_157 = arith.constant 0 : i32
      %dma_wait3A_158 = tpu.memref_slice %arg6[%arg0, %add3A_99, %dma_wait3A_157] : memref<2x10112x128xf32, #tpu.memory_space<hbm>> -> memref<1x48x128xf32, #tpu.memory_space<hbm>>
      %dma_wait3A_159 = tpu.memref_squeeze %dma_wait3A_158 : memref<1x48x128xf32, #tpu.memory_space<hbm>> -> memref<48x128xf32, #tpu.memory_space<hbm>>
      %dma_wait3A_160 = arith.constant 0 : i32
      %dma_wait3A_161 = tpu.memref_slice %arg15[%add3A_97, %dma_wait3A_160] : memref<10112x128xf32, #tpu.memory_space<vmem_shared>> -> memref<48x128xf32, #tpu.memory_space<vmem_shared>>
      tpu.wait_dma2 semaphore(%run_scoped3A_152 : memref<!tpu.dma_semaphore, #tpu.memory_space<semaphore_mem>>) src(%dma_wait3A_161 : memref<48x128xf32, #tpu.memory_space<vmem_shared>>) dst(%dma_wait3A_159 : memref<48x128xf32, #tpu.memory_space<hbm>>)
      tpu.yield
    }) : () -> ()
    %add3A_100 = arith.constant 48 : i32
    %add3A_101 = arith.addi %mul3A_11, %add3A_100 : i32
    %add3A_102 = arith.constant 48 : i32
    %add3A_103 = arith.addi %mul3A_11, %add3A_102 : i32
    "tpu.region"() ({
      %run_scoped3A_152 = tpu.sem_alloc : memref<!tpu.dma_semaphore, #tpu.memory_space<semaphore_mem>>
      %dma_start3A = arith.constant 0 : i32
      %dma_start3A_153 = tpu.memref_slice %arg6[%arg0, %add3A_103, %dma_start3A] : memref<2x10112x128xf32, #tpu.memory_space<hbm>> -> memref<1x48x128xf32, #tpu.memory_space<hbm>>
      %dma_start3A_154 = tpu.memref_squeeze %dma_start3A_153 : memref<1x48x128xf32, #tpu.memory_space<hbm>> -> memref<48x128xf32, #tpu.memory_space<hbm>>
      %dma_start3A_155 = arith.constant 0 : i32
      %dma_start3A_156 = tpu.memref_slice %arg15[%add3A_101, %dma_start3A_155] : memref<10112x128xf32, #tpu.memory_space<vmem_shared>> -> memref<48x128xf32, #tpu.memory_space<vmem_shared>>
      tpu.enqueue_dma source(%dma_start3A_156 : memref<48x128xf32, #tpu.memory_space<vmem_shared>>) target(%dma_start3A_154 : memref<48x128xf32, #tpu.memory_space<hbm>>) target_semaphore(%run_scoped3A_152 : memref<!tpu.dma_semaphore, #tpu.memory_space<semaphore_mem>>)
      %dma_wait3A_157 = arith.constant 0 : i32
      %dma_wait3A_158 = tpu.memref_slice %arg6[%arg0, %add3A_103, %dma_wait3A_157] : memref<2x10112x128xf32, #tpu.memory_space<hbm>> -> memref<1x48x128xf32, #tpu.memory_space<hbm>>
      %dma_wait3A_159 = tpu.memref_squeeze %dma_wait3A_158 : memref<1x48x128xf32, #tpu.memory_space<hbm>> -> memref<48x128xf32, #tpu.memory_space<hbm>>
      %dma_wait3A_160 = arith.constant 0 : i32
      %dma_wait3A_161 = tpu.memref_slice %arg15[%add3A_101, %dma_wait3A_160] : memref<10112x128xf32, #tpu.memory_space<vmem_shared>> -> memref<48x128xf32, #tpu.memory_space<vmem_shared>>
      tpu.wait_dma2 semaphore(%run_scoped3A_152 : memref<!tpu.dma_semaphore, #tpu.memory_space<semaphore_mem>>) src(%dma_wait3A_161 : memref<48x128xf32, #tpu.memory_space<vmem_shared>>) dst(%dma_wait3A_159 : memref<48x128xf32, #tpu.memory_space<hbm>>)
      tpu.yield
    }) : () -> ()
    %add3A_104 = arith.constant 96 : i32
    %add3A_105 = arith.addi %mul3A_11, %add3A_104 : i32
    %add3A_106 = arith.constant 96 : i32
    %add3A_107 = arith.addi %mul3A_11, %add3A_106 : i32
    "tpu.region"() ({
      %run_scoped3A_152 = tpu.sem_alloc : memref<!tpu.dma_semaphore, #tpu.memory_space<semaphore_mem>>
      %dma_start3A = arith.constant 0 : i32
      %dma_start3A_153 = tpu.memref_slice %arg6[%arg0, %add3A_107, %dma_start3A] : memref<2x10112x128xf32, #tpu.memory_space<hbm>> -> memref<1x48x128xf32, #tpu.memory_space<hbm>>
      %dma_start3A_154 = tpu.memref_squeeze %dma_start3A_153 : memref<1x48x128xf32, #tpu.memory_space<hbm>> -> memref<48x128xf32, #tpu.memory_space<hbm>>
      %dma_start3A_155 = arith.constant 0 : i32
      %dma_start3A_156 = tpu.memref_slice %arg15[%add3A_105, %dma_start3A_155] : memref<10112x128xf32, #tpu.memory_space<vmem_shared>> -> memref<48x128xf32, #tpu.memory_space<vmem_shared>>
      tpu.enqueue_dma source(%dma_start3A_156 : memref<48x128xf32, #tpu.memory_space<vmem_shared>>) target(%dma_start3A_154 : memref<48x128xf32, #tpu.memory_space<hbm>>) target_semaphore(%run_scoped3A_152 : memref<!tpu.dma_semaphore, #tpu.memory_space<semaphore_mem>>)
      %dma_wait3A_157 = arith.constant 0 : i32
      %dma_wait3A_158 = tpu.memref_slice %arg6[%arg0, %add3A_107, %dma_wait3A_157] : memref<2x10112x128xf32, #tpu.memory_space<hbm>> -> memref<1x48x128xf32, #tpu.memory_space<hbm>>
      %dma_wait3A_159 = tpu.memref_squeeze %dma_wait3A_158 : memref<1x48x128xf32, #tpu.memory_space<hbm>> -> memref<48x128xf32, #tpu.memory_space<hbm>>
      %dma_wait3A_160 = arith.constant 0 : i32
      %dma_wait3A_161 = tpu.memref_slice %arg15[%add3A_105, %dma_wait3A_160] : memref<10112x128xf32, #tpu.memory_space<vmem_shared>> -> memref<48x128xf32, #tpu.memory_space<vmem_shared>>
      tpu.wait_dma2 semaphore(%run_scoped3A_152 : memref<!tpu.dma_semaphore, #tpu.memory_space<semaphore_mem>>) src(%dma_wait3A_161 : memref<48x128xf32, #tpu.memory_space<vmem_shared>>) dst(%dma_wait3A_159 : memref<48x128xf32, #tpu.memory_space<hbm>>)
      tpu.yield
    }) : () -> ()
    %add3A_108 = arith.constant 144 : i32
    %add3A_109 = arith.addi %mul3A_11, %add3A_108 : i32
    %add3A_110 = arith.constant 144 : i32
    %add3A_111 = arith.addi %mul3A_11, %add3A_110 : i32
    "tpu.region"() ({
      %run_scoped3A_152 = tpu.sem_alloc : memref<!tpu.dma_semaphore, #tpu.memory_space<semaphore_mem>>
      %dma_start3A = arith.constant 0 : i32
      %dma_start3A_153 = tpu.memref_slice %arg6[%arg0, %add3A_111, %dma_start3A] : memref<2x10112x128xf32, #tpu.memory_space<hbm>> -> memref<1x48x128xf32, #tpu.memory_space<hbm>>
      %dma_start3A_154 = tpu.memref_squeeze %dma_start3A_153 : memref<1x48x128xf32, #tpu.memory_space<hbm>> -> memref<48x128xf32, #tpu.memory_space<hbm>>
      %dma_start3A_155 = arith.constant 0 : i32
      %dma_start3A_156 = tpu.memref_slice %arg15[%add3A_109, %dma_start3A_155] : memref<10112x128xf32, #tpu.memory_space<vmem_shared>> -> memref<48x128xf32, #tpu.memory_space<vmem_shared>>
      tpu.enqueue_dma source(%dma_start3A_156 : memref<48x128xf32, #tpu.memory_space<vmem_shared>>) target(%dma_start3A_154 : memref<48x128xf32, #tpu.memory_space<hbm>>) target_semaphore(%run_scoped3A_152 : memref<!tpu.dma_semaphore, #tpu.memory_space<semaphore_mem>>)
      %dma_wait3A_157 = arith.constant 0 : i32
      %dma_wait3A_158 = tpu.memref_slice %arg6[%arg0, %add3A_111, %dma_wait3A_157] : memref<2x10112x128xf32, #tpu.memory_space<hbm>> -> memref<1x48x128xf32, #tpu.memory_space<hbm>>
      %dma_wait3A_159 = tpu.memref_squeeze %dma_wait3A_158 : memref<1x48x128xf32, #tpu.memory_space<hbm>> -> memref<48x128xf32, #tpu.memory_space<hbm>>
      %dma_wait3A_160 = arith.constant 0 : i32
      %dma_wait3A_161 = tpu.memref_slice %arg15[%add3A_109, %dma_wait3A_160] : memref<10112x128xf32, #tpu.memory_space<vmem_shared>> -> memref<48x128xf32, #tpu.memory_space<vmem_shared>>
      tpu.wait_dma2 semaphore(%run_scoped3A_152 : memref<!tpu.dma_semaphore, #tpu.memory_space<semaphore_mem>>) src(%dma_wait3A_161 : memref<48x128xf32, #tpu.memory_space<vmem_shared>>) dst(%dma_wait3A_159 : memref<48x128xf32, #tpu.memory_space<hbm>>)
      tpu.yield
    }) : () -> ()
    %add3A_112 = arith.constant 192 : i32
    %add3A_113 = arith.addi %mul3A_11, %add3A_112 : i32
    %add3A_114 = arith.constant 192 : i32
    %add3A_115 = arith.addi %mul3A_11, %add3A_114 : i32
    "tpu.region"() ({
      %run_scoped3A_152 = tpu.sem_alloc : memref<!tpu.dma_semaphore, #tpu.memory_space<semaphore_mem>>
      %dma_start3A = arith.constant 0 : i32
      %dma_start3A_153 = tpu.memref_slice %arg6[%arg0, %add3A_115, %dma_start3A] : memref<2x10112x128xf32, #tpu.memory_space<hbm>> -> memref<1x48x128xf32, #tpu.memory_space<hbm>>
      %dma_start3A_154 = tpu.memref_squeeze %dma_start3A_153 : memref<1x48x128xf32, #tpu.memory_space<hbm>> -> memref<48x128xf32, #tpu.memory_space<hbm>>
      %dma_start3A_155 = arith.constant 0 : i32
      %dma_start3A_156 = tpu.memref_slice %arg15[%add3A_113, %dma_start3A_155] : memref<10112x128xf32, #tpu.memory_space<vmem_shared>> -> memref<48x128xf32, #tpu.memory_space<vmem_shared>>
      tpu.enqueue_dma source(%dma_start3A_156 : memref<48x128xf32, #tpu.memory_space<vmem_shared>>) target(%dma_start3A_154 : memref<48x128xf32, #tpu.memory_space<hbm>>) target_semaphore(%run_scoped3A_152 : memref<!tpu.dma_semaphore, #tpu.memory_space<semaphore_mem>>)
      %dma_wait3A_157 = arith.constant 0 : i32
      %dma_wait3A_158 = tpu.memref_slice %arg6[%arg0, %add3A_115, %dma_wait3A_157] : memref<2x10112x128xf32, #tpu.memory_space<hbm>> -> memref<1x48x128xf32, #tpu.memory_space<hbm>>
      %dma_wait3A_159 = tpu.memref_squeeze %dma_wait3A_158 : memref<1x48x128xf32, #tpu.memory_space<hbm>> -> memref<48x128xf32, #tpu.memory_space<hbm>>
      %dma_wait3A_160 = arith.constant 0 : i32
      %dma_wait3A_161 = tpu.memref_slice %arg15[%add3A_113, %dma_wait3A_160] : memref<10112x128xf32, #tpu.memory_space<vmem_shared>> -> memref<48x128xf32, #tpu.memory_space<vmem_shared>>
      tpu.wait_dma2 semaphore(%run_scoped3A_152 : memref<!tpu.dma_semaphore, #tpu.memory_space<semaphore_mem>>) src(%dma_wait3A_161 : memref<48x128xf32, #tpu.memory_space<vmem_shared>>) dst(%dma_wait3A_159 : memref<48x128xf32, #tpu.memory_space<hbm>>)
      tpu.yield
    }) : () -> ()
    %add3A_116 = arith.constant 240 : i32
    %add3A_117 = arith.addi %mul3A_11, %add3A_116 : i32
    %add3A_118 = arith.constant 240 : i32
    %add3A_119 = arith.addi %mul3A_11, %add3A_118 : i32
    "tpu.region"() ({
      %run_scoped3A_152 = tpu.sem_alloc : memref<!tpu.dma_semaphore, #tpu.memory_space<semaphore_mem>>
      %dma_start3A = arith.constant 0 : i32
      %dma_start3A_153 = tpu.memref_slice %arg6[%arg0, %add3A_119, %dma_start3A] : memref<2x10112x128xf32, #tpu.memory_space<hbm>> -> memref<1x48x128xf32, #tpu.memory_space<hbm>>
      %dma_start3A_154 = tpu.memref_squeeze %dma_start3A_153 : memref<1x48x128xf32, #tpu.memory_space<hbm>> -> memref<48x128xf32, #tpu.memory_space<hbm>>
      %dma_start3A_155 = arith.constant 0 : i32
      %dma_start3A_156 = tpu.memref_slice %arg15[%add3A_117, %dma_start3A_155] : memref<10112x128xf32, #tpu.memory_space<vmem_shared>> -> memref<48x128xf32, #tpu.memory_space<vmem_shared>>
      tpu.enqueue_dma source(%dma_start3A_156 : memref<48x128xf32, #tpu.memory_space<vmem_shared>>) target(%dma_start3A_154 : memref<48x128xf32, #tpu.memory_space<hbm>>) target_semaphore(%run_scoped3A_152 : memref<!tpu.dma_semaphore, #tpu.memory_space<semaphore_mem>>)
      %dma_wait3A_157 = arith.constant 0 : i32
      %dma_wait3A_158 = tpu.memref_slice %arg6[%arg0, %add3A_119, %dma_wait3A_157] : memref<2x10112x128xf32, #tpu.memory_space<hbm>> -> memref<1x48x128xf32, #tpu.memory_space<hbm>>
      %dma_wait3A_159 = tpu.memref_squeeze %dma_wait3A_158 : memref<1x48x128xf32, #tpu.memory_space<hbm>> -> memref<48x128xf32, #tpu.memory_space<hbm>>
      %dma_wait3A_160 = arith.constant 0 : i32
      %dma_wait3A_161 = tpu.memref_slice %arg15[%add3A_117, %dma_wait3A_160] : memref<10112x128xf32, #tpu.memory_space<vmem_shared>> -> memref<48x128xf32, #tpu.memory_space<vmem_shared>>
      tpu.wait_dma2 semaphore(%run_scoped3A_152 : memref<!tpu.dma_semaphore, #tpu.memory_space<semaphore_mem>>) src(%dma_wait3A_161 : memref<48x128xf32, #tpu.memory_space<vmem_shared>>) dst(%dma_wait3A_159 : memref<48x128xf32, #tpu.memory_space<hbm>>)
      tpu.yield
    }) : () -> ()
    %add3A_120 = arith.constant 288 : i32
    %add3A_121 = arith.addi %mul3A_11, %add3A_120 : i32
    %add3A_122 = arith.constant 288 : i32
    %add3A_123 = arith.addi %mul3A_11, %add3A_122 : i32
    "tpu.region"() ({
      %run_scoped3A_152 = tpu.sem_alloc : memref<!tpu.dma_semaphore, #tpu.memory_space<semaphore_mem>>
      %dma_start3A = arith.constant 0 : i32
      %dma_start3A_153 = tpu.memref_slice %arg6[%arg0, %add3A_123, %dma_start3A] : memref<2x10112x128xf32, #tpu.memory_space<hbm>> -> memref<1x48x128xf32, #tpu.memory_space<hbm>>
      %dma_start3A_154 = tpu.memref_squeeze %dma_start3A_153 : memref<1x48x128xf32, #tpu.memory_space<hbm>> -> memref<48x128xf32, #tpu.memory_space<hbm>>
      %dma_start3A_155 = arith.constant 0 : i32
      %dma_start3A_156 = tpu.memref_slice %arg15[%add3A_121, %dma_start3A_155] : memref<10112x128xf32, #tpu.memory_space<vmem_shared>> -> memref<48x128xf32, #tpu.memory_space<vmem_shared>>
      tpu.enqueue_dma source(%dma_start3A_156 : memref<48x128xf32, #tpu.memory_space<vmem_shared>>) target(%dma_start3A_154 : memref<48x128xf32, #tpu.memory_space<hbm>>) target_semaphore(%run_scoped3A_152 : memref<!tpu.dma_semaphore, #tpu.memory_space<semaphore_mem>>)
      %dma_wait3A_157 = arith.constant 0 : i32
      %dma_wait3A_158 = tpu.memref_slice %arg6[%arg0, %add3A_123, %dma_wait3A_157] : memref<2x10112x128xf32, #tpu.memory_space<hbm>> -> memref<1x48x128xf32, #tpu.memory_space<hbm>>
      %dma_wait3A_159 = tpu.memref_squeeze %dma_wait3A_158 : memref<1x48x128xf32, #tpu.memory_space<hbm>> -> memref<48x128xf32, #tpu.memory_space<hbm>>
      %dma_wait3A_160 = arith.constant 0 : i32
      %dma_wait3A_161 = tpu.memref_slice %arg15[%add3A_121, %dma_wait3A_160] : memref<10112x128xf32, #tpu.memory_space<vmem_shared>> -> memref<48x128xf32, #tpu.memory_space<vmem_shared>>
      tpu.wait_dma2 semaphore(%run_scoped3A_152 : memref<!tpu.dma_semaphore, #tpu.memory_space<semaphore_mem>>) src(%dma_wait3A_161 : memref<48x128xf32, #tpu.memory_space<vmem_shared>>) dst(%dma_wait3A_159 : memref<48x128xf32, #tpu.memory_space<hbm>>)
      tpu.yield
    }) : () -> ()
    %add3A_124 = arith.constant 336 : i32
    %add3A_125 = arith.addi %mul3A_11, %add3A_124 : i32
    %add3A_126 = arith.constant 336 : i32
    %add3A_127 = arith.addi %mul3A_11, %add3A_126 : i32
    "tpu.region"() ({
      %run_scoped3A_152 = tpu.sem_alloc : memref<!tpu.dma_semaphore, #tpu.memory_space<semaphore_mem>>
      %dma_start3A = arith.constant 0 : i32
      %dma_start3A_153 = tpu.memref_slice %arg6[%arg0, %add3A_127, %dma_start3A] : memref<2x10112x128xf32, #tpu.memory_space<hbm>> -> memref<1x48x128xf32, #tpu.memory_space<hbm>>
      %dma_start3A_154 = tpu.memref_squeeze %dma_start3A_153 : memref<1x48x128xf32, #tpu.memory_space<hbm>> -> memref<48x128xf32, #tpu.memory_space<hbm>>
      %dma_start3A_155 = arith.constant 0 : i32
      %dma_start3A_156 = tpu.memref_slice %arg15[%add3A_125, %dma_start3A_155] : memref<10112x128xf32, #tpu.memory_space<vmem_shared>> -> memref<48x128xf32, #tpu.memory_space<vmem_shared>>
      tpu.enqueue_dma source(%dma_start3A_156 : memref<48x128xf32, #tpu.memory_space<vmem_shared>>) target(%dma_start3A_154 : memref<48x128xf32, #tpu.memory_space<hbm>>) target_semaphore(%run_scoped3A_152 : memref<!tpu.dma_semaphore, #tpu.memory_space<semaphore_mem>>)
      %dma_wait3A_157 = arith.constant 0 : i32
      %dma_wait3A_158 = tpu.memref_slice %arg6[%arg0, %add3A_127, %dma_wait3A_157] : memref<2x10112x128xf32, #tpu.memory_space<hbm>> -> memref<1x48x128xf32, #tpu.memory_space<hbm>>
      %dma_wait3A_159 = tpu.memref_squeeze %dma_wait3A_158 : memref<1x48x128xf32, #tpu.memory_space<hbm>> -> memref<48x128xf32, #tpu.memory_space<hbm>>
      %dma_wait3A_160 = arith.constant 0 : i32
      %dma_wait3A_161 = tpu.memref_slice %arg15[%add3A_125, %dma_wait3A_160] : memref<10112x128xf32, #tpu.memory_space<vmem_shared>> -> memref<48x128xf32, #tpu.memory_space<vmem_shared>>
      tpu.wait_dma2 semaphore(%run_scoped3A_152 : memref<!tpu.dma_semaphore, #tpu.memory_space<semaphore_mem>>) src(%dma_wait3A_161 : memref<48x128xf32, #tpu.memory_space<vmem_shared>>) dst(%dma_wait3A_159 : memref<48x128xf32, #tpu.memory_space<hbm>>)
      tpu.yield
    }) : () -> ()
    %add3A_128 = arith.constant 384 : i32
    %add3A_129 = arith.addi %mul3A_11, %add3A_128 : i32
    %add3A_130 = arith.constant 384 : i32
    %add3A_131 = arith.addi %mul3A_11, %add3A_130 : i32
    "tpu.region"() ({
      %run_scoped3A_152 = tpu.sem_alloc : memref<!tpu.dma_semaphore, #tpu.memory_space<semaphore_mem>>
      %dma_start3A = arith.constant 0 : i32
      %dma_start3A_153 = tpu.memref_slice %arg6[%arg0, %add3A_131, %dma_start3A] : memref<2x10112x128xf32, #tpu.memory_space<hbm>> -> memref<1x48x128xf32, #tpu.memory_space<hbm>>
      %dma_start3A_154 = tpu.memref_squeeze %dma_start3A_153 : memref<1x48x128xf32, #tpu.memory_space<hbm>> -> memref<48x128xf32, #tpu.memory_space<hbm>>
      %dma_start3A_155 = arith.constant 0 : i32
      %dma_start3A_156 = tpu.memref_slice %arg15[%add3A_129, %dma_start3A_155] : memref<10112x128xf32, #tpu.memory_space<vmem_shared>> -> memref<48x128xf32, #tpu.memory_space<vmem_shared>>
      tpu.enqueue_dma source(%dma_start3A_156 : memref<48x128xf32, #tpu.memory_space<vmem_shared>>) target(%dma_start3A_154 : memref<48x128xf32, #tpu.memory_space<hbm>>) target_semaphore(%run_scoped3A_152 : memref<!tpu.dma_semaphore, #tpu.memory_space<semaphore_mem>>)
      %dma_wait3A_157 = arith.constant 0 : i32
      %dma_wait3A_158 = tpu.memref_slice %arg6[%arg0, %add3A_131, %dma_wait3A_157] : memref<2x10112x128xf32, #tpu.memory_space<hbm>> -> memref<1x48x128xf32, #tpu.memory_space<hbm>>
      %dma_wait3A_159 = tpu.memref_squeeze %dma_wait3A_158 : memref<1x48x128xf32, #tpu.memory_space<hbm>> -> memref<48x128xf32, #tpu.memory_space<hbm>>
      %dma_wait3A_160 = arith.constant 0 : i32
      %dma_wait3A_161 = tpu.memref_slice %arg15[%add3A_129, %dma_wait3A_160] : memref<10112x128xf32, #tpu.memory_space<vmem_shared>> -> memref<48x128xf32, #tpu.memory_space<vmem_shared>>
      tpu.wait_dma2 semaphore(%run_scoped3A_152 : memref<!tpu.dma_semaphore, #tpu.memory_space<semaphore_mem>>) src(%dma_wait3A_161 : memref<48x128xf32, #tpu.memory_space<vmem_shared>>) dst(%dma_wait3A_159 : memref<48x128xf32, #tpu.memory_space<hbm>>)
      tpu.yield
    }) : () -> ()
    %add3A_132 = arith.constant 432 : i32
    %add3A_133 = arith.addi %mul3A_11, %add3A_132 : i32
    %add3A_134 = arith.constant 432 : i32
    %add3A_135 = arith.addi %mul3A_11, %add3A_134 : i32
    "tpu.region"() ({
      %run_scoped3A_152 = tpu.sem_alloc : memref<!tpu.dma_semaphore, #tpu.memory_space<semaphore_mem>>
      %dma_start3A = arith.constant 0 : i32
      %dma_start3A_153 = tpu.memref_slice %arg6[%arg0, %add3A_135, %dma_start3A] : memref<2x10112x128xf32, #tpu.memory_space<hbm>> -> memref<1x48x128xf32, #tpu.memory_space<hbm>>
      %dma_start3A_154 = tpu.memref_squeeze %dma_start3A_153 : memref<1x48x128xf32, #tpu.memory_space<hbm>> -> memref<48x128xf32, #tpu.memory_space<hbm>>
      %dma_start3A_155 = arith.constant 0 : i32
      %dma_start3A_156 = tpu.memref_slice %arg15[%add3A_133, %dma_start3A_155] : memref<10112x128xf32, #tpu.memory_space<vmem_shared>> -> memref<48x128xf32, #tpu.memory_space<vmem_shared>>
      tpu.enqueue_dma source(%dma_start3A_156 : memref<48x128xf32, #tpu.memory_space<vmem_shared>>) target(%dma_start3A_154 : memref<48x128xf32, #tpu.memory_space<hbm>>) target_semaphore(%run_scoped3A_152 : memref<!tpu.dma_semaphore, #tpu.memory_space<semaphore_mem>>)
      %dma_wait3A_157 = arith.constant 0 : i32
      %dma_wait3A_158 = tpu.memref_slice %arg6[%arg0, %add3A_135, %dma_wait3A_157] : memref<2x10112x128xf32, #tpu.memory_space<hbm>> -> memref<1x48x128xf32, #tpu.memory_space<hbm>>
      %dma_wait3A_159 = tpu.memref_squeeze %dma_wait3A_158 : memref<1x48x128xf32, #tpu.memory_space<hbm>> -> memref<48x128xf32, #tpu.memory_space<hbm>>
      %dma_wait3A_160 = arith.constant 0 : i32
      %dma_wait3A_161 = tpu.memref_slice %arg15[%add3A_133, %dma_wait3A_160] : memref<10112x128xf32, #tpu.memory_space<vmem_shared>> -> memref<48x128xf32, #tpu.memory_space<vmem_shared>>
      tpu.wait_dma2 semaphore(%run_scoped3A_152 : memref<!tpu.dma_semaphore, #tpu.memory_space<semaphore_mem>>) src(%dma_wait3A_161 : memref<48x128xf32, #tpu.memory_space<vmem_shared>>) dst(%dma_wait3A_159 : memref<48x128xf32, #tpu.memory_space<hbm>>)
      tpu.yield
    }) : () -> ()
    %add3A_136 = arith.constant 480 : i32
    %add3A_137 = arith.addi %mul3A_11, %add3A_136 : i32
    %add3A_138 = arith.constant 480 : i32
    %add3A_139 = arith.addi %mul3A_11, %add3A_138 : i32
    "tpu.region"() ({
      %run_scoped3A_152 = tpu.sem_alloc : memref<!tpu.dma_semaphore, #tpu.memory_space<semaphore_mem>>
      %dma_start3A = arith.constant 0 : i32
      %dma_start3A_153 = tpu.memref_slice %arg6[%arg0, %add3A_139, %dma_start3A] : memref<2x10112x128xf32, #tpu.memory_space<hbm>> -> memref<1x48x128xf32, #tpu.memory_space<hbm>>
      %dma_start3A_154 = tpu.memref_squeeze %dma_start3A_153 : memref<1x48x128xf32, #tpu.memory_space<hbm>> -> memref<48x128xf32, #tpu.memory_space<hbm>>
      %dma_start3A_155 = arith.constant 0 : i32
      %dma_start3A_156 = tpu.memref_slice %arg15[%add3A_137, %dma_start3A_155] : memref<10112x128xf32, #tpu.memory_space<vmem_shared>> -> memref<48x128xf32, #tpu.memory_space<vmem_shared>>
      tpu.enqueue_dma source(%dma_start3A_156 : memref<48x128xf32, #tpu.memory_space<vmem_shared>>) target(%dma_start3A_154 : memref<48x128xf32, #tpu.memory_space<hbm>>) target_semaphore(%run_scoped3A_152 : memref<!tpu.dma_semaphore, #tpu.memory_space<semaphore_mem>>)
      %dma_wait3A_157 = arith.constant 0 : i32
      %dma_wait3A_158 = tpu.memref_slice %arg6[%arg0, %add3A_139, %dma_wait3A_157] : memref<2x10112x128xf32, #tpu.memory_space<hbm>> -> memref<1x48x128xf32, #tpu.memory_space<hbm>>
      %dma_wait3A_159 = tpu.memref_squeeze %dma_wait3A_158 : memref<1x48x128xf32, #tpu.memory_space<hbm>> -> memref<48x128xf32, #tpu.memory_space<hbm>>
      %dma_wait3A_160 = arith.constant 0 : i32
      %dma_wait3A_161 = tpu.memref_slice %arg15[%add3A_137, %dma_wait3A_160] : memref<10112x128xf32, #tpu.memory_space<vmem_shared>> -> memref<48x128xf32, #tpu.memory_space<vmem_shared>>
      tpu.wait_dma2 semaphore(%run_scoped3A_152 : memref<!tpu.dma_semaphore, #tpu.memory_space<semaphore_mem>>) src(%dma_wait3A_161 : memref<48x128xf32, #tpu.memory_space<vmem_shared>>) dst(%dma_wait3A_159 : memref<48x128xf32, #tpu.memory_space<hbm>>)
      tpu.yield
    }) : () -> ()
    %add3A_140 = arith.constant 528 : i32
    %add3A_141 = arith.addi %mul3A_11, %add3A_140 : i32
    %add3A_142 = arith.constant 528 : i32
    %add3A_143 = arith.addi %mul3A_11, %add3A_142 : i32
    "tpu.region"() ({
      %run_scoped3A_152 = tpu.sem_alloc : memref<!tpu.dma_semaphore, #tpu.memory_space<semaphore_mem>>
      %dma_start3A = arith.constant 0 : i32
      %dma_start3A_153 = tpu.memref_slice %arg6[%arg0, %add3A_143, %dma_start3A] : memref<2x10112x128xf32, #tpu.memory_space<hbm>> -> memref<1x48x128xf32, #tpu.memory_space<hbm>>
      %dma_start3A_154 = tpu.memref_squeeze %dma_start3A_153 : memref<1x48x128xf32, #tpu.memory_space<hbm>> -> memref<48x128xf32, #tpu.memory_space<hbm>>
      %dma_start3A_155 = arith.constant 0 : i32
      %dma_start3A_156 = tpu.memref_slice %arg15[%add3A_141, %dma_start3A_155] : memref<10112x128xf32, #tpu.memory_space<vmem_shared>> -> memref<48x128xf32, #tpu.memory_space<vmem_shared>>
      tpu.enqueue_dma source(%dma_start3A_156 : memref<48x128xf32, #tpu.memory_space<vmem_shared>>) target(%dma_start3A_154 : memref<48x128xf32, #tpu.memory_space<hbm>>) target_semaphore(%run_scoped3A_152 : memref<!tpu.dma_semaphore, #tpu.memory_space<semaphore_mem>>)
      %dma_wait3A_157 = arith.constant 0 : i32
      %dma_wait3A_158 = tpu.memref_slice %arg6[%arg0, %add3A_143, %dma_wait3A_157] : memref<2x10112x128xf32, #tpu.memory_space<hbm>> -> memref<1x48x128xf32, #tpu.memory_space<hbm>>
      %dma_wait3A_159 = tpu.memref_squeeze %dma_wait3A_158 : memref<1x48x128xf32, #tpu.memory_space<hbm>> -> memref<48x128xf32, #tpu.memory_space<hbm>>
      %dma_wait3A_160 = arith.constant 0 : i32
      %dma_wait3A_161 = tpu.memref_slice %arg15[%add3A_141, %dma_wait3A_160] : memref<10112x128xf32, #tpu.memory_space<vmem_shared>> -> memref<48x128xf32, #tpu.memory_space<vmem_shared>>
      tpu.wait_dma2 semaphore(%run_scoped3A_152 : memref<!tpu.dma_semaphore, #tpu.memory_space<semaphore_mem>>) src(%dma_wait3A_161 : memref<48x128xf32, #tpu.memory_space<vmem_shared>>) dst(%dma_wait3A_159 : memref<48x128xf32, #tpu.memory_space<hbm>>)
      tpu.yield
    }) : () -> ()
    %add3A_144 = arith.constant 576 : i32
    %add3A_145 = arith.addi %mul3A_11, %add3A_144 : i32
    %add3A_146 = arith.constant 576 : i32
    %add3A_147 = arith.addi %mul3A_11, %add3A_146 : i32
    "tpu.region"() ({
      %run_scoped3A_152 = tpu.sem_alloc : memref<!tpu.dma_semaphore, #tpu.memory_space<semaphore_mem>>
      %dma_start3A = arith.constant 0 : i32
      %dma_start3A_153 = tpu.memref_slice %arg6[%arg0, %add3A_147, %dma_start3A] : memref<2x10112x128xf32, #tpu.memory_space<hbm>> -> memref<1x48x128xf32, #tpu.memory_space<hbm>>
      %dma_start3A_154 = tpu.memref_squeeze %dma_start3A_153 : memref<1x48x128xf32, #tpu.memory_space<hbm>> -> memref<48x128xf32, #tpu.memory_space<hbm>>
      %dma_start3A_155 = arith.constant 0 : i32
      %dma_start3A_156 = tpu.memref_slice %arg15[%add3A_145, %dma_start3A_155] : memref<10112x128xf32, #tpu.memory_space<vmem_shared>> -> memref<48x128xf32, #tpu.memory_space<vmem_shared>>
      tpu.enqueue_dma source(%dma_start3A_156 : memref<48x128xf32, #tpu.memory_space<vmem_shared>>) target(%dma_start3A_154 : memref<48x128xf32, #tpu.memory_space<hbm>>) target_semaphore(%run_scoped3A_152 : memref<!tpu.dma_semaphore, #tpu.memory_space<semaphore_mem>>)
      %dma_wait3A_157 = arith.constant 0 : i32
      %dma_wait3A_158 = tpu.memref_slice %arg6[%arg0, %add3A_147, %dma_wait3A_157] : memref<2x10112x128xf32, #tpu.memory_space<hbm>> -> memref<1x48x128xf32, #tpu.memory_space<hbm>>
      %dma_wait3A_159 = tpu.memref_squeeze %dma_wait3A_158 : memref<1x48x128xf32, #tpu.memory_space<hbm>> -> memref<48x128xf32, #tpu.memory_space<hbm>>
      %dma_wait3A_160 = arith.constant 0 : i32
      %dma_wait3A_161 = tpu.memref_slice %arg15[%add3A_145, %dma_wait3A_160] : memref<10112x128xf32, #tpu.memory_space<vmem_shared>> -> memref<48x128xf32, #tpu.memory_space<vmem_shared>>
      tpu.wait_dma2 semaphore(%run_scoped3A_152 : memref<!tpu.dma_semaphore, #tpu.memory_space<semaphore_mem>>) src(%dma_wait3A_161 : memref<48x128xf32, #tpu.memory_space<vmem_shared>>) dst(%dma_wait3A_159 : memref<48x128xf32, #tpu.memory_space<hbm>>)
      tpu.yield
    }) : () -> ()
    %add3A_148 = arith.constant 624 : i32
    %add3A_149 = arith.addi %mul3A_11, %add3A_148 : i32
    %add3A_150 = arith.constant 624 : i32
    %add3A_151 = arith.addi %mul3A_11, %add3A_150 : i32
    "tpu.region"() ({
      %run_scoped3A_152 = tpu.sem_alloc : memref<!tpu.dma_semaphore, #tpu.memory_space<semaphore_mem>>
      %dma_start3A = arith.constant 0 : i32
      %dma_start3A_153 = tpu.memref_slice %arg6[%arg0, %add3A_151, %dma_start3A] : memref<2x10112x128xf32, #tpu.memory_space<hbm>> -> memref<1x8x128xf32, #tpu.memory_space<hbm>>
      %dma_start3A_154 = tpu.memref_squeeze %dma_start3A_153 : memref<1x8x128xf32, #tpu.memory_space<hbm>> -> memref<8x128xf32, #tpu.memory_space<hbm>>
      %dma_start3A_155 = arith.constant 0 : i32
      %dma_start3A_156 = tpu.memref_slice %arg15[%add3A_149, %dma_start3A_155] : memref<10112x128xf32, #tpu.memory_space<vmem_shared>> -> memref<8x128xf32, #tpu.memory_space<vmem_shared>>
      tpu.enqueue_dma source(%dma_start3A_156 : memref<8x128xf32, #tpu.memory_space<vmem_shared>>) target(%dma_start3A_154 : memref<8x128xf32, #tpu.memory_space<hbm>>) target_semaphore(%run_scoped3A_152 : memref<!tpu.dma_semaphore, #tpu.memory_space<semaphore_mem>>)
      %dma_wait3A_157 = arith.constant 0 : i32
      %dma_wait3A_158 = tpu.memref_slice %arg6[%arg0, %add3A_151, %dma_wait3A_157] : memref<2x10112x128xf32, #tpu.memory_space<hbm>> -> memref<1x8x128xf32, #tpu.memory_space<hbm>>
      %dma_wait3A_159 = tpu.memref_squeeze %dma_wait3A_158 : memref<1x8x128xf32, #tpu.memory_space<hbm>> -> memref<8x128xf32, #tpu.memory_space<hbm>>
      %dma_wait3A_160 = arith.constant 0 : i32
      %dma_wait3A_161 = tpu.memref_slice %arg15[%add3A_149, %dma_wait3A_160] : memref<10112x128xf32, #tpu.memory_space<vmem_shared>> -> memref<8x128xf32, #tpu.memory_space<vmem_shared>>
      tpu.wait_dma2 semaphore(%run_scoped3A_152 : memref<!tpu.dma_semaphore, #tpu.memory_space<semaphore_mem>>) src(%dma_wait3A_161 : memref<8x128xf32, #tpu.memory_space<vmem_shared>>) dst(%dma_wait3A_159 : memref<8x128xf32, #tpu.memory_space<hbm>>)
      tpu.yield
    }) : () -> ()
    return
  }
}

module attributes {stable_mosaic.version = 14 : i64} {
  func.func @_zq_body(%arg0: i32, %arg1: memref<2000x128xf32, #tpu.memory_space<vmem>>, %arg2: memref<128x128xf32, #tpu.memory_space<vmem>>, %arg3: memref<128x1xf32, #tpu.memory_space<vmem>>, %arg4: memref<2000x128xf32, #tpu.memory_space<vmem>>, %arg5: memref<2000x1xf32, #tpu.memory_space<vmem>>) attributes {dimension_semantics = [#tpu.dimension_semantics<arbitrary>], iteration_bounds = array<i64: 5>, scalar_prefetch = 0 : i64, scratch_operands = 0 : i64, tpu.core_type = #tpu.core_type<tc>, window_params = [{transform_indices = @transform_0, window_bounds = array<i64: 2000, 128>}, {pipeline_mode = #tpu.pipeline_mode<synchronous>, transform_indices = @transform_1, window_bounds = array<i64: 128, 128>}, {pipeline_mode = #tpu.pipeline_mode<synchronous>, transform_indices = @transform_2, window_bounds = array<i64: 128, 1>}, {transform_indices = @transform_3, window_bounds = array<i64: 2000, 128>}, {transform_indices = @transform_4, window_bounds = array<i64: 2000, 1>}]} {
    %get3A = arith.constant 0 : index
    %get3A_0 = arith.constant 0 : index
    %get3A_1 = vector.load %arg1[%get3A, %get3A_0] : memref<2000x128xf32, #tpu.memory_space<vmem>>, vector<2000x128xf32>
    %get3A_2 = arith.constant 0 : index
    %get3A_3 = arith.constant 0 : index
    %get3A_4 = vector.load %arg2[%get3A_2, %get3A_3] : memref<128x128xf32, #tpu.memory_space<vmem>>, vector<128x128xf32>
    %dot_general3A = arith.constant dense<0.000000e+00> : vector<2000x128xf32>
    %dot_general3A_5 = tpu.matmul %get3A_1, %get3A_4, %dot_general3A {dimension_numbers = #tpu.dot_dimension_numbers<[1], [1], [0], [0], [0, 0, 1, 0], [], []>, transpose_lhs_hint = false} : vector<2000x128xf32>, vector<128x128xf32>, vector<2000x128xf32> -> vector<2000x128xf32>
    %swap3A = arith.constant 0 : index
    %swap3A_6 = arith.constant 0 : index
    %swap3A_7 = vector.load %arg4[%swap3A, %swap3A_6] : memref<2000x128xf32, #tpu.memory_space<vmem>>, vector<2000x128xf32>
    tpu.vector_store %arg4[%swap3A, %swap3A_6], %dot_general3A_5 {strides = array<i32>} : memref<2000x128xf32, #tpu.memory_space<vmem>>, vector<2000x128xf32>,
    %get3A_8 = arith.constant 0 : index
    %get3A_9 = arith.constant 0 : index
    %get3A_10 = vector.load %arg3[%get3A_8, %get3A_9] : memref<128x1xf32, #tpu.memory_space<vmem>>, vector<128x1xf32>
    %dot_general3A_11 = arith.constant dense<0.000000e+00> : vector<2000x1xf32>
    %dot_general3A_12 = tpu.matmul %dot_general3A_5, %get3A_10, %dot_general3A_11 {dimension_numbers = #tpu.dot_dimension_numbers<[1], [0], [0], [1], [0, 0, 1, 1], [], []>, transpose_lhs_hint = false} : vector<2000x128xf32>, vector<128x1xf32>, vector<2000x1xf32> -> vector<2000x1xf32>
    %swap3A_13 = arith.constant 0 : index
    %swap3A_14 = arith.constant 0 : index
    %swap3A_15 = vector.load %arg5[%swap3A_13, %swap3A_14] : memref<2000x1xf32, #tpu.memory_space<vmem>>, vector<2000x1xf32>
    tpu.vector_store %arg5[%swap3A_13, %swap3A_14], %dot_general3A_12 {strides = array<i32>} : memref<2000x1xf32, #tpu.memory_space<vmem>>, vector<2000x1xf32>,
    return
  }
  func.func @transform_0(%arg0: i32) -> (i32, i32) {
    %c0_i32 = arith.constant 0 : i32
    %c0_i32_0 = arith.constant 0 : i32
    return %arg0, %c0_i32 : i32, i32
  }
  func.func @transform_1(%arg0: i32) -> (i32, i32) {
    %c0_i32 = arith.constant 0 : i32
    %c0_i32_0 = arith.constant 0 : i32
    %c0_i32_1 = arith.constant 0 : i32
    return %c0_i32, %c0_i32_0 : i32, i32
  }
  func.func @transform_2(%arg0: i32) -> (i32, i32) {
    %c0_i32 = arith.constant 0 : i32
    %c0_i32_0 = arith.constant 0 : i32
    %c0_i32_1 = arith.constant 0 : i32
    return %c0_i32, %c0_i32_0 : i32, i32
  }
  func.func @transform_3(%arg0: i32) -> (i32, i32) {
    %c0_i32 = arith.constant 0 : i32
    %c0_i32_0 = arith.constant 0 : i32
    return %arg0, %c0_i32 : i32, i32
  }
  func.func @transform_4(%arg0: i32) -> (i32, i32) {
    %c0_i32 = arith.constant 0 : i32
    %c0_i32_0 = arith.constant 0 : i32
    return %arg0, %c0_i32 : i32, i32
  }
}

module attributes {stable_mosaic.version = 14 : i64} {
  func.func @_combine_body(%arg0: i32, %arg1: memref<2000x128xf32, #tpu.memory_space<vmem>>, %arg2: memref<2x2000x128xf32, #tpu.memory_space<vmem>>, %arg3: memref<2000x32xf32, #tpu.memory_space<vmem>>, %arg4: memref<2000x128xf32, #tpu.memory_space<vmem>>) attributes {dimension_semantics = [#tpu.dimension_semantics<arbitrary>], iteration_bounds = array<i64: 5>, scalar_prefetch = 0 : i64, scratch_operands = 0 : i64, tpu.core_type = #tpu.core_type<tc>, window_params = [{transform_indices = @transform_0, window_bounds = array<i64: 2000, 128>}, {transform_indices = @transform_1, window_bounds = array<i64: 2, 2000, 128>}, {transform_indices = @transform_2, window_bounds = array<i64: 2000, 32>}, {transform_indices = @transform_3, window_bounds = array<i64: 2000, 128>}]} {
    %get3A = arith.constant 0 : index
    %get3A_0 = arith.constant 0 : index
    %get3A_1 = vector.load %arg3[%get3A, %get3A_0] : memref<2000x32xf32, #tpu.memory_space<vmem>>, vector<2000x32xf32>
    %reduce_sum3A = arith.constant dense<0.000000e+00> : vector<2000xf32>
    %reduce_sum3A_2 = vector.multi_reduction <add>, %get3A_1, %reduce_sum3A [1] : vector<2000x32xf32> to vector<2000xf32>
    %get3A_3 = arith.constant 0 : index
    %get3A_4 = arith.constant 0 : index
    %get3A_5 = arith.constant 0 : index
    %get3A_6 = vector.load %arg2[%get3A_3, %get3A_4, %get3A_5] : memref<2x2000x128xf32, #tpu.memory_space<vmem>>, vector<1x2000x128xf32>
    %get3A_7 = vector.shape_cast %get3A_6 : vector<1x2000x128xf32> to vector<2000x128xf32>
    %get3A_8 = arith.constant 1 : index
    %get3A_9 = arith.constant 0 : index
    %get3A_10 = arith.constant 0 : index
    %get3A_11 = vector.load %arg2[%get3A_8, %get3A_9, %get3A_10] : memref<2x2000x128xf32, #tpu.memory_space<vmem>>, vector<1x2000x128xf32>
    %get3A_12 = vector.shape_cast %get3A_11 : vector<1x2000x128xf32> to vector<2000x128xf32>
    %add3A = arith.addf %get3A_7, %get3A_12 : vector<2000x128xf32>
    %broadcast_in_dim3A = vector.shape_cast %reduce_sum3A_2 : vector<2000xf32> to vector<2000x1xf32>
    %gt3A = arith.constant 0.000000e+00 : f32
    %gt3A_13 = vector.broadcast %gt3A : f32 to vector<2000x1xf32>
    %gt3A_14 = arith.cmpf ogt, %broadcast_in_dim3A, %gt3A_13 : vector<2000x1xf32>
    %gt3A_15 = arith.constant 0.000000e+00 : f32
    %gt3A_16 = vector.broadcast %gt3A_15 : f32 to vector<2000x1xf32>
    %gt3A_17 = arith.cmpf ogt, %broadcast_in_dim3A, %gt3A_16 : vector<2000x1xf32>
    %jit3A = arith.constant 1.000000e+00 : f32
    %broadcast_in_dim3A_18 = vector.broadcast %jit3A : f32 to vector<2000x1xf32>
    %select_n3A = arith.select %gt3A_17, %broadcast_in_dim3A, %broadcast_in_dim3A_18 : vector<2000x1xi1>, vector<2000x1xf32>
    %div3A = vector.broadcast %select_n3A : vector<2000x1xf32> to vector<2000x128xf32>
    %div3A_19 = arith.divf %add3A, %div3A : vector<2000x128xf32>
    %jit3A_20 = arith.constant 0.000000e+00 : f32
    %broadcast_in_dim3A_21 = vector.shape_cast %gt3A_14 : vector<2000x1xi1> to vector<2000x1xi1>
    %broadcast_in_dim3A_22 = vector.broadcast %broadcast_in_dim3A_21 : vector<2000x1xi1> to vector<2000x128xi1>
    %broadcast_in_dim3A_23 = vector.broadcast %jit3A_20 : f32 to vector<2000x128xf32>
    %select_n3A_24 = arith.select %broadcast_in_dim3A_22, %div3A_19, %broadcast_in_dim3A_23 : vector<2000x128xi1>, vector<2000x128xf32>
    %get3A_25 = arith.constant 0 : index
    %get3A_26 = arith.constant 0 : index
    %get3A_27 = vector.load %arg1[%get3A_25, %get3A_26] : memref<2000x128xf32, #tpu.memory_space<vmem>>, vector<2000x128xf32>
    %add3A_28 = arith.addf %get3A_27, %select_n3A_24 : vector<2000x128xf32>
    %swap3A = arith.constant 0 : index
    %swap3A_29 = arith.constant 0 : index
    %swap3A_30 = vector.load %arg4[%swap3A, %swap3A_29] : memref<2000x128xf32, #tpu.memory_space<vmem>>, vector<2000x128xf32>
    tpu.vector_store %arg4[%swap3A, %swap3A_29], %add3A_28 {strides = array<i32>} : memref<2000x128xf32, #tpu.memory_space<vmem>>, vector<2000x128xf32>,
    return
  }
  func.func @transform_0(%arg0: i32) -> (i32, i32) {
    %c0_i32 = arith.constant 0 : i32
    %c0_i32_0 = arith.constant 0 : i32
    return %arg0, %c0_i32 : i32, i32
  }
  func.func @transform_1(%arg0: i32) -> (i32, i32, i32) {
    %c0_i32 = arith.constant 0 : i32
    %c0_i32_0 = arith.constant 0 : i32
    %c0_i32_1 = arith.constant 0 : i32
    return %c0_i32, %arg0, %c0_i32_0 : i32, i32, i32
  }
  func.func @transform_2(%arg0: i32) -> (i32, i32) {
    %c0_i32 = arith.constant 0 : i32
    %c0_i32_0 = arith.constant 0 : i32
    return %arg0, %c0_i32 : i32, i32
  }
  func.func @transform_3(%arg0: i32) -> (i32, i32) {
    %c0_i32 = arith.constant 0 : i32
    %c0_i32_0 = arith.constant 0 : i32
    return %arg0, %c0_i32 : i32, i32
  }
}

</mosaic_0001>

<sc_bundles>
// kernel: kernel.5.cloned.1.call-start
scs
__scs_entry_jumppad:
0x0: {  	(pc) =	sbr.rel $0x88, $3  }
0x1: {  	(tag) =	ssettag $0x0;
	lr =	simm.s32 $0x1  }
0x2: {  	[smem:$0x3F9C] =	sst lr;
	_ =	strace $0xD0000000  }
0x3: {  	_ = 	snop  }
0x4: {  	_ = 	snop  }
0x5: {  	_ = 	snop  }
0x6: {  	_ = 	snop  }
0x7: {  	_ = 	snop  }
__scs_overlays_trampoline_lowered:
0x8: {  	[smem:$0x3FAB] =	sst s0  }
0x9: {  	[smem:$0x3FAC] =	sst s1  }
0xa: {  	[smem:$0x3FAD] =	sst s2  }
0xb: {  	[smem:$0x3FAE] =	sst s3  }
0xc: {  	[smem:$0x3FAF] =	sst s4  }
0xd: {  	[smem:$0x3FB0] =	sst s5  }
0xe: {  	[smem:$0x3FB1] =	sst s6  }
0xf: {  	[smem:$0x3FB2] =	sst s7  }
0x10: {  	[smem:$0x3FB3] =	sst s8  }
0x11: {  	[smem:$0x3FB4] =	sst s9;
	s0 =	simm.s32 @!p0 $0x0  }
0x12: {  	s1 =	sld [smem:$0x3F9A];
	s0 =	simm.s32 @p0 $0x1  }
0x13: {  	[smem:$0x3FB5] =	sst s0;
	s0 =	simm.s32 @!p1 $0x0  }
0x14: {  	s2 =	sld [smem:$0x3F99];
	s0 =	simm.s32 @p1 $0x1  }
0x15: {  	[smem:$0x3FB6] =	sst s0;
	s0 =	simm.s32 @!p2 $0x0  }
0x16: {  	s3 =	sld [smem:$0x3FDB];
	s0 =	simm.s32 @p2 $0x1  }
0x17: {  	s4 =	simm.s32 $0x1BF5;
	[smem:$0x3FB8] =	sst s0  }
0x18: {  	s0 =	sld [smem:$0x3F9B];
	_ =	swait.ge [sflag:s4], $0x0  }
0x19: {  	s7 =	sld [smem:$0x3F9C]  }
0x1a: {  	s8 =	sadd.s32 $0xFFFFE003, lr  }
0x1b: {  	s9 =	sadd.s32 $0xFFFFFEF7, lr;
	s5 =	simm.s32 $0xFFFFFFFF;
	p2 =	slt.u32 s8, $0xFFFFF086  }
0x1c: {  	p1 =	slt.u32 s9, $0xF7A;
	s5 =	simm.s32 @!p2 $0x0  }
0x1d: {  	s5 =	simm.s32 @p1 $0x1;
	p0 =	seq.s32 s7, s2  }
0x1e: {  	s7 =	smul.u32 @!p0 $0xF7A, s2;
	p2 =	seq.s32 @!p0 s5, $0x0  }
0x1f: {  	s9 =	smul.u32 $0xF7A, s1;
	s8 =	simm.s32 @!p0 $0x1BF5;
	p2 =	por !p2, p0  }
0x20: {  	[sflag:s8] =	ssyncset.s32 @!p0 $0xFFFFF086;
	s6 =	sadd.s32 @!p0 s3, s7;
	s7 =	simm.s32 @!p0 $0x108  }
0x21: {  	s3 =	sadd.s32 s3, s9;
	s6 =	sadd.s32 @!p0 $0x88, s6;
	s7 =	simm.s32 @p2 $0x1082  }
0x22: {  	[simem:s7], [sflag:s8] =	dma.local @!p0 [hbm:s6], $0xF7A  }
0x23: {  	s9 =	sor.u32 $0xD0000000, s2;
	s6 =	simm.s32 $0x108;
	_ =	swait.ge @!p0 [sflag:s8], $0x0  }
0x24: {  	s3 =	sadd.s32 $0x88, s3;
	s6 =	simm.s32 @!p1 $0x1082;
	[sflag:s4] =	ssyncset.s32 $0xFFFFF086  }
0x25: {  	[simem:s6], [sflag:s4] =	dma.local [hbm:s3], $0xF7A  }
0x26: {  	[smem:$0x3F9C] =	sst s1;
	(tag) =	ssettag s2;
	_ =	strace s9  }
0x27: {  	s1 =	sld [smem:$0x3FAC]  }
0x28: {  	s2 =	sld [smem:$0x3FAD]  }
0x29: {  	s4 =	sld [smem:$0x3FAF]  }
0x2a: {  	p0 =	seq.s32 s5, $0x0;
	s5 =	sld [smem:$0x3FB0]  }
0x2b: {  	s6 =	sld [smem:$0x3FB1]  }
0x2c: {  	s7 =	sld [smem:$0x3FB2]  }
0x2d: {  	s3 =	simm.s32 $0x108;
	s8 =	sld [smem:$0x3FB3]  }
0x2e: {  	s3 =	simm.s32 @!p0 $0x1082;
	s9 =	sld [smem:$0x3FB4]  }
0x2f: {  	lr =	sadd.s32 s0, s3;
	s0 =	sld [smem:$0x3FAB]  }
0x30: {  	s3 =	sld [smem:$0x3FAE]  }
0x31: {  	[smem:$0x3FB7] =	sst s10  }
0x32: {  	s10 =	sld [smem:$0x3FB5];
	_ =	sdelay $0x3  }
0x33: {  	p0 =	seq.s32 s10, $0x1;
	s10 =	sld [smem:$0x3FB7];
	_ =	sdelay $0x3  }
0x34: {  	[smem:$0x3FB7] =	sst s10  }
0x35: {  	s10 =	sld [smem:$0x3FB6];
	_ =	sdelay $0x3  }
0x36: {  	p1 =	seq.s32 s10, $0x1;
	s10 =	sld [smem:$0x3FB7];
	_ =	sdelay $0x3  }
0x37: {  	[smem:$0x3FB7] =	sst s10  }
0x38: {  	s10 =	sld [smem:$0x3FB8]  }
0x39: {  	_ = 	snop;
	(pc) =	sbr.ind lr, $3  }
0x3a: {  	_ = 	snop  }
0x3b: {  	_ = 	snop  }
0x3c: {  	p2 =	seq.s32 s10, $0x1;
	s10 =	sld [smem:$0x3FB7]  }
0x3d: {  	_ =	shalt  }
0x3e: {  	_ =	shalt  }
0x3f: {  	_ =	shalt  }
0x40: {  	_ =	shalt  }
0x41: {  	_ =	shalt  }
0x42: {  	_ =	shalt  }
0x43: {  	_ =	shalt  }
0x44: {  	_ =	shalt  }
0x45: {  	_ =	shalt  }
0x46: {  	_ =	shalt  }
0x47: {  	_ =	shalt  }
0x48: {  	_ =	shalt  }
0x49: {  	_ =	shalt  }
0x4a: {  	_ =	shalt  }
0x4b: {  	_ =	shalt  }
0x4c: {  	_ =	shalt  }
0x4d: {  	_ =	shalt  }
0x4e: {  	_ =	shalt  }
0x4f: {  	_ =	shalt  }
0x50: {  	_ =	shalt  }
0x51: {  	_ =	shalt  }
0x52: {  	_ =	shalt  }
0x53: {  	_ =	shalt  }
0x54: {  	_ =	shalt  }
0x55: {  	_ =	shalt  }
0x56: {  	_ =	shalt  }
0x57: {  	_ =	shalt  }
0x58: {  	_ =	shalt  }
0x59: {  	_ =	shalt  }
0x5a: {  	_ =	shalt  }
0x5b: {  	_ =	shalt  }
0x5c: {  	_ =	shalt  }
0x5d: {  	_ =	shalt  }
0x5e: {  	_ =	shalt  }
0x5f: {  	_ =	shalt  }
0x60: {  	_ =	shalt  }
0x61: {  	_ =	shalt  }
0x62: {  	_ =	shalt  }
0x63: {  	_ =	shalt  }
0x64: {  	_ =	shalt  }
0x65: {  	_ =	shalt  }
0x66: {  	_ =	shalt  }
0x67: {  	_ =	shalt  }
0x68: {  	_ =	shalt  }
0x69: {  	_ =	shalt  }
0x6a: {  	_ =	shalt  }
0x6b: {  	_ =	shalt  }
0x6c: {  	_ =	shalt  }
0x6d: {  	_ =	shalt  }
0x6e: {  	_ =	shalt  }
0x6f: {  	_ =	shalt  }
0x70: {  	_ =	shalt  }
0x71: {  	_ =	shalt  }
0x72: {  	_ =	shalt  }
0x73: {  	_ =	shalt  }
0x74: {  	_ =	shalt  }
0x75: {  	_ =	shalt  }
0x76: {  	_ =	shalt  }
0x77: {  	_ =	shalt  }
0x78: {  	_ =	shalt  }
0x79: {  	_ =	shalt  }
0x7a: {  	_ =	shalt  }
0x7b: {  	_ =	shalt  }
0x7c: {  	_ =	shalt  }
0x7d: {  	_ =	shalt  }
0x7e: {  	_ =	shalt  }
0x7f: {  	_ =	shalt  }
0x80: {  	_ =	shalt  }
0x81: {  	_ =	shalt  }
0x82: {  	_ =	shalt  }
0x83: {  	_ =	shalt  }
0x84: {  	_ =	shalt  }
0x85: {  	_ =	shalt  }
0x86: {  	_ =	shalt  }
0x87: {  	_ =	shalt  }
.Lfunc_end0:
.L_simem_size_0:
called_computation_lowered:
.L_overlay_start_0:
0x88: {  	s2 =	sld [smem:$0x3FD9]  }
0x89: {  	s3 =	sld [smem:$0x3FFE];
	_ =	sdelay $0x1  }
0x8a: {  	s1 =	srdreg.scid  }
0x8b: {  	s0 =	sand.u32 $0x1, s1  }
0x8c: {  	s17 =	sshll.u32 s0, $0xA;
	s2 =	sadd.s32 s3, s2  }
0x8d: {  	s2 =	sadd.s32 s2, s17  }
0x8e: {  	[smem:$0x3FC3] =	sst s2  }
0x8f: {  	_ = 	snop  }
0x90: {  	s2 =	sld [smem:$0x3FC8]  }
0x91: {  	s18 =	sld [smem:$0x3FD0];
	(tm) =	ssettm $0x1  }
0x92: {  	s4 =	sld [smem:$0x3FFB];
	_ =	sdelay $0x3  }
0x93: {  	_ =	strace s4  }
0x94: {  	s4 =	sld [smem:$0x3FFC];
	_ =	sdelay $0x3  }
0x95: {  	_ =	strace s4  }
0x96: {  	s4 =	sld [smem:$0x3FFD];
	_ =	sdelay $0x3  }
0x97: {  	_ =	strace s4  }
0x98: {  	_ =	strace $0x8FFFFFFF  }
0x99: {  	s19 =	sld [smem:$0x3FDB];
	_ =	sdelay $0x1  }
0x9a: {  	s5 =	simm.s32 $_scs_section_size  }
0x9b: {  	s6 =	simm.s32 $_size__tile_overlayer_lowered;
	s7 =	simm.s32 $_tile_overlayer_lowered  }
0x9c: {  	s22 =	simm.s32 $0x1BFF;
	s21 =	sshll.u32 s7, $0x1;
	s4 =	sadd.s32 s5, s19  }
0x9d: {  	s8 =	simm.s32 $0x0;
	s20 =	sshll.u32 s6, $0x1;
	s6 =	sadd.s32 s21, s4  }
0x9e: {  	[timem:s8], [sflag:s22] =	dma.local [hbm:s6], s20  }
0x9f: {  	_ =	swait.ge [sflag:s22], s20  }
0xa0: {  	s5 =	ssub.s32 $0x0, s20;
	[sflag:s22] =	ssyncset.done $0x0  }
0xa1: {  	[sflag:s22] =	ssyncadd.s32 s5;
	_ =	sdelay $0x1  }
0xa2: {  	s23 =	simm.s32 $0x1B8B  }
0xa3: {  	_ =	swait.ge [sflag:s23], $0x1  }
0xa4: {  	[sflag:s23] =	ssyncset.done $0x0  }
0xa5: {  	s25 =	simm.s32 $0x1B8E;
	s24 =	sld [smem:$0x3FFE];
	[sflag:s23] =	ssyncadd.s32 $0xFFFFFFFF  }
0xa6: {  	s26 =	simm.s32 $execute0_lowered;
	[smem:$0x3FD2] =	sst s25  }
0xa7: {  	s6 =	sshll.u32 s26, $0x1;
	_ =	strace $0x80000046;
	[dreg:$0x1] =	wrdreg $0xFFFFFFFF  }
0xa8: {  	s28 =	simm.s32 $_size_execute0_lowered;
	s4 =	sadd.s32 s4, s6;
	[dreg:$0x0] =	wrdreg $0x0  }
0xa9: {  	s6 =	sshll.u32 s28, $0x1;
	[dreg:$0x2] =	wrdreg s4  }
0xaa: {  	[dreg:$0x3] =	wrdreg s6  }
0xab: {  	[dreg:$0x4] =	wrdreg $0xC0  }
0xac: {  	_ =	task [dreg:s8], $0x5FFFF  }
0xad: {  	[dreg:$0x1] =	wrdreg $0xFFFFFFFF  }
0xae: {  	[dreg:$0x0] =	wrdreg $0x60  }
0xaf: {  	[dreg:$0x2] =	wrdreg s2  }
0xb0: {  	[dreg:$0x3] =	wrdreg s24  }
0xb1: {  	[dreg:$0x4] =	wrdreg s18  }
0xb2: {  	[dreg:$0x5] =	wrdreg $0xC4000  }
0xb3: {  	[dreg:$0x6] =	wrdreg $0x9  }
0xb4: {  	_ =	task.clear_ibuf [dreg:s8], $0x7FFFF;
	_ =	strace $0x90000046  }
0xb5: {  	s29 =	simm.s32 $0x9;
	_ =	strace $0x80000048  }
0xb6: {  	_ =	swait.ge [sflag:s29], $0x1  }
0xb7: {  	[sflag:s29] =	ssyncadd.s32 $0xFFFFFFFF  }
0xb8: {  	_ =	strace $0x90000048  }
0xb9: {  	_ =	sfence  }
0xba: {  	s30 =	sld [smem:$0x0];
	_ =	sdelay $0x2  }
0xbb: {  	s31 =	sshll.u32 s1, $0xD;
	s1 =	sshrl.u32 s1, $0x2  }
0xbc: {  	s3 =	sand.u32 $0x4000, s31;
	s1 =	sadd.s32 s1, s30  }
0xbd: {  	s0 =	sor.u32 s3, s0;
	s1 =	sshll.u32 s1, $0x11  }
0xbe: {  	s0 =	sor.u32 s1, s0  }
0xbf: {  	s0 =	sadd.s32 $0x8F2B, s0  }
0xc0: {  	[sflag:s0] =	ssyncadd.remote.s32 $0x1  }
0xc1: {  	_ =	sfence.sel $0xFFFF  }
0xc2: {  	[dreg:$0x0] =	wrdreg $0xFFFFFFFF;
	(pc) =	sbr.abs _section_cstart, $3  }
0xc3: {  	[dreg:$0x1] =	wrdreg $0xFFFFFFFF  }
0xc4: {  	_ =	task.clear_ibuf [dreg:s8], $0x2FFFF;
	_ =	strace $0x9FFFFFFF  }
0xc5: {  	(tm) =	ssettm $0x7FFFFFFF  }
tec
execute0_lowered:
.L_overlay_start_1:
0x0: {  	(tag) =	ssettag $0x1  }
0x1: {  	s2 =	rddreg [dreg:$0x1];
	s1 =	simm.s32 $0x0;
	s0 =	srdreg.scid  }
0x2: {  	s23 =	stileid.u32;
	[smem:$0x7FF] =	sst s1;
	s16 =	sand.u32 $0x1, s0  }
0x3: {  	s17 =	smul.u32 $0x13C00, s23;
	s19 =	sadd.s32 $0x15C00, s2;
	s0 =	sshll.u32 s16, $0x4  }
0x4: {  	s3 =	ssub.s32 $0x2, s16;
	s20 =	smul.u32 $0x13C000, s16;
	p0 =	seq.s32 s16, $0x1  }
0x5: {  	s0 =	sor.u32 s23, s0;
	s4 =	sshrl.u32 s3, $0x1;
	s5 =	sadd.s32 $0x3000, s17  }
0x6: {  	s6 =	sadd.s32 $0x4800, s17;
	s7 =	sadd.s32 $0x6000, s17;
	s8 =	sadd.s32 $0x7800, s17  }
0x7: {  	s9 =	sadd.s32 $0x9000, s17;
	s10 =	sadd.s32 $0xA800, s17;
	s11 =	sadd.s32 $0xC000, s17  }
0x8: {  	s13 =	sadd.s32 $0xD800, s17;
	s12 =	sadd.s32 $0xF000, s17;
	s14 =	sadd.s32 $0x10800, s17  }
0x9: {  	s15 =	sadd.s32 $0x12000, s17;
	s18 =	smul.u32 $0x4F0, s0;
	s0 =	ssub.s32 s3, s4  }
0xa: {  	s4 =	sadd.s32 $0x1800, s17;
	s3 =	sadd.s32 $0x13800, s17;
	s17 =	sadd.s32 s17, s20  }
0xb: {  	s21 =	sadd.s32 s20, s5;
	s24 =	sadd.s32 s20, s6;
	s25 =	sshrl.u32 s17, $0x3  }
0xc: {  	s26 =	sadd.s32 s20, s4;
	s22 =	sshrl.u32 s21, $0x3;
	s21 =	sadd.s32 s20, s8  }
0xd: {  	s16 =	sadd.s32 s19, s25;
	s17 =	sshrl.u32 s26, $0x3;
	s25 =	sshrl.u32 s24, $0x3  }
0xe: {  	s26 =	sadd.s32 s20, s7;
	s24 =	sadd.s32 s20, s9;
	[dreg:$0x5] =	wrdreg s16  }
0xf: {  	s16 =	sadd.s32 s19, s17;
	s17 =	sshrl.u32 s26, $0x3;
	s26 =	sadd.s32 s20, s10  }
0x10: {  	[dreg:$0x6] =	wrdreg s16;
	s16 =	sadd.s32 s19, s22;
	s22 =	sshrl.u32 s21, $0x3  }
0x11: {  	s21 =	sadd.s32 s20, s11;
	[dreg:$0x7] =	wrdreg s16;
	s16 =	sadd.s32 s19, s25  }
0x12: {  	s25 =	sshrl.u32 s24, $0x3;
	s24 =	sadd.s32 s20, s13;
	[dreg:$0x8] =	wrdreg s16  }
0x13: {  	s16 =	sadd.s32 s19, s17;
	s17 =	sshrl.u32 s26, $0x3;
	s26 =	sadd.s32 s20, s12  }
0x14: {  	[dreg:$0x9] =	wrdreg s16;
	s16 =	sadd.s32 s19, s22;
	s22 =	sshrl.u32 s21, $0x3  }
0x15: {  	s21 =	sadd.s32 s20, s14;
	[dreg:$0xa] =	wrdreg s16;
	s16 =	sadd.s32 s19, s25  }
0x16: {  	s25 =	sshrl.u32 s24, $0x3;
	[dreg:$0xb] =	wrdreg s16;
	s16 =	sadd.s32 s19, s17  }
0x17: {  	s24 =	sadd.s32 s20, s15;
	[dreg:$0xc] =	wrdreg s16;
	s16 =	sadd.s32 s19, s22  }
0x18: {  	s17 =	sshrl.u32 s26, $0x3;
	[dreg:$0xd] =	wrdreg s16;
	s16 =	sadd.s32 s19, s25  }
0x19: {  	s22 =	sshrl.u32 s21, $0x3;
	s21 =	sshrl.u32 s24, $0x3;
	[dreg:$0xe] =	wrdreg s16  }
0x1a: {  	s21 =	sadd.s32 s19, s21;
	s16 =	sadd.s32 s19, s17;
	s17 =	rddreg [dreg:$0x3]  }
0x1b: {  	[dreg:$0x11] =	wrdreg s21  }
0x1c: {  	s20 =	sadd.s32 s20, s3;
	[dreg:$0xf] =	wrdreg s16;
	s16 =	sadd.s32 s19, s22  }
0x1d: {  	s20 =	sshrl.u32 s20, $0x3;
	[dreg:$0x10] =	wrdreg s16  }
0x1e: {  	s19 =	sadd.s32 s19, s20;
	s16 =	rddreg [dreg:$0x2]  }
0x1f: {  	s26 =	sadd.s32 $0x15600, s2;
	[dreg:$0x12] =	wrdreg s19  }
0x20: {  	s20 =	sadd.s32 s4, s17;
	_ =	strace $0x80000047;
	[dreg:$0x13] =	wrdreg s26  }
0x21: {  	s24 =	sadd.s32 s6, s17;
	[dreg:$0x15] =	wrdreg s20  }
0x22: {  	s4 =	sadd.s32 s11, s17;
	[dreg:$0x17] =	wrdreg s24  }
0x23: {  	s6 =	sadd.s32 s14, s17;
	[dreg:$0x1c] =	wrdreg s4  }
0x24: {  	s0 =	smax.u32 s0, $0x1;
	[dreg:$0x1f] =	wrdreg s6  }
0x25: {  	s8 =	sadd.s32 s8, s17;
	[smem:$0x7F5] =	sst s0  }
0x26: {  	s9 =	sadd.s32 s9, s17;
	[dreg:$0x19] =	wrdreg s8  }
0x27: {  	s22 =	smul.u32 $0x4F000, s23;
	s12 =	sadd.s32 s12, s17;
	[dreg:$0x1a] =	wrdreg s9  }
0x28: {  	s28 =	simm.s32 $0x6C80;
	s14 =	sadd.s32 s3, s17;
	[dreg:$0x1e] =	wrdreg s12  }
0x29: {  	s25 =	sshrl.u32 s22, $0x2;
	s22 =	sadd.s32 s5, s17;
	[smem:$0x7FD] =	sst s14  }
0x2a: {  	s29 =	simm.s32 $0x9C80;
	s26 =	sadd.s32 s10, s17;
	[dreg:$0x16] =	wrdreg s22  }
0x2b: {  	s30 =	simm.s32 $0x5200;
	s5 =	sadd.s32 s13, s17;
	[dreg:$0x1b] =	wrdreg s26  }
0x2c: {  	s21 =	sadd.s32 $0x1C00, s2;
	s19 =	sadd.s32 s25, s17;
	[dreg:$0x1d] =	wrdreg s5  }
0x2d: {  	s13 =	smul.u32 $0x2520, s23;
	s25 =	sadd.s32 s7, s17;
	[dreg:$0x14] =	wrdreg s19  }
0x2e: {  	s7 =	sadd.s32 s15, s17;
	s15 =	smul.u32 $0x2910, s23;
	[dreg:$0x18] =	wrdreg s25  }
0x2f: {  	[smem:$0x7E8] =	sst s7;
	s10 =	sshrl.u32 s13, $0x3;
	s11 =	sadd.s32 $0x30, s13  }
0x30: {  	[smem:$0x7E9] =	sst s11;
	s19 =	sshrl.u32 s11, $0x3;
	s20 =	sadd.s32 $0x25230, s15  }
0x31: {  	s6 =	sadd.s32 $0x25200, s15;
	s11 =	sadd.s32 $0x25290, s15;
	[smem:$0x7EB] =	sst s20  }
0x32: {  	s23 =	sshrl.u32 s15, $0x3;
	s15 =	sadd.s32 $0x252C0, s15;
	[smem:$0x7F2] =	sst s11  }
0x33: {  	s31 =	simm.s32 $0x5280;
	s7 =	sadd.s32 s21, s10;
	[smem:$0x7F3] =	sst s15  }
0x34: {  	s18 =	sadd.s32 s18, s2;
	s2 =	sadd.s32 s21, s19;
	[smem:$0x7F9] =	sst s7  }
0x35: {  	s22 =	sshrl.u32 s6, $0x3;
	s19 =	sadd.s32 $0x64C00, s18;
	[smem:$0x7EA] =	sst s2  }
0x36: {  	s5 =	sshrl.u32 s20, $0x3;
	s20 =	sadd.s32 $0x9C60, s7;
	[smem:$0x7F4] =	sst s19  }
0x37: {  	s24 =	sadd.s32 s21, s23;
	s23 =	sadd.s32 $0xC, s7;
	[smem:$0x7F6] =	sst s20  }
0x38: {  	s3 =	simm.s32 $0x5380;
	s2 =	sadd.s32 s21, s22;
	[smem:$0x7F8] =	sst s23  }
0x39: {  	v0 =	vimm.f32 $5.000000000e+02;
	s0 =	simm.s32 $0x8480;
	s25 =	sadd.s32 s21, s5;
	[smem:$0x7EC] =	sst s2  }
0x3a: {  	(erf) = vrcp.f32 v0;
	s18 =	simm.s32 $0xA;
	s26 =	sadd.s32 $0xE6A0, s24;
	[smem:$0x7ED] =	sst s25  }
0x3b: {  	s11 =	simm.s32 $0x5080;
	s5 =	sadd.s32 $0xE6A6, s24;
	[smem:$0x7EE] =	sst s26  }
0x3c: {  	s15 =	simm.s32 $0x3;
	s10 =	sadd.s32 $0x4A4C, s24;
	[smem:$0x7EF] =	sst s5  }
0x3d: {  	s22 =	sadd.s32 $0x9C66, s7;
	s19 =	simm.s32 $0x2780;
	[smem:$0x7F0] =	sst s10  }
0x3e: {  	s20 =	simm.s32 $0x5480;
	s2 =	sadd.s32 $0xE6AC, s24;
	[smem:$0x7F7] =	sst s22  }
.Ltmp0:
0x3f: {  	s24 =	sadd.s32 $0x9C6C, s7;
	[smem:$0x7F1] =	sst s2;
	(pc) =	sbr.rel .LBB2_1-.Ltmp0, $4  }
0x40: {  	s25 =	sadd.s32 $0x90, s13;
	s26 =	sadd.s32 $0xC0, s13;
	[smem:$0x7FA] =	sst s24  }
0x41: {  	s10 =	simm.s32 $0x5000;
	s22 =	simm.s32 $0x5100;
	[smem:$0x7FB] =	sst s25  }
0x42: {  	s5 =	simm.s32 $0x0;
	[smem:$0x7FC] =	sst s26;
	s24 =	simm.s32 $0x30  }
0x43: {  	v1 =	vimm.f32 $0.0e+00;
	s25 =	simm.s32 $0x4;
	s26 =	simm.s32 $0x2;
	s2 =	simm.s32 $0x5300;
	v0 =	vpop (erf)  }
.LBB2_24:
0x44: {  	s4 =	simm.s32 $0x7  }
0x45: {  	_ =	swait.ge [sflag:s4], $0x1800  }
0x46: {  	[sflag:s4] =	ssyncset.done $0x0  }
0x47: {  	s12 =	simm.s32 $0x8;
	[sflag:s4] =	ssyncadd.s32 $0xFFFFE800  }
0x48: {  	_ =	swait.ge [sflag:s12], $0x1800  }
0x49: {  	[sflag:s12] =	ssyncset.done $0x0  }
0x4a: {  	s14 =	simm.s32 $0x9;
	[sflag:s12] =	ssyncadd.s32 $0xFFFFE800  }
0x4b: {  	_ =	swait.ge [sflag:s14], $0x1800  }
0x4c: {  	[sflag:s14] =	ssyncset.done $0x0  }
0x4d: {  	[sflag:s14] =	ssyncadd.s32 $0xFFFFE800  }
0x4e: {  	[bflag:$0x0] =	sbarrier.arrive $0xFFFF  }
0x4f: {  	s23 =	sld [smem:$0x7F4];
	_ =	sdelay $0x1  }
0x50: {  	s5 =	stileid.u32  }
0x51: {  	[hbm4b:s23+s1] =	stream.linear.scatter [tilespmem:s29], [sflag:$0xA], $0x2780, $0x38;
	v63 =	vld [tilespmem:$0x0]  }
0x52: {  	s4 =	sshll.u32 s5, $0x6;
	_ =	swait.ge [sflag:s18], $0x2780  }
0x53: {  	s4 =	sor.u32 $0x1C0A, s4;
	[sflag:s18] =	ssyncset.done $0x0;
	s5 =	rddreg [dreg:$0x14]  }
0x54: {  	s7 =	rddreg [dreg:$0x5];
	[sflag:s18] =	ssyncadd.s32 $0xFFFFD880;
	s5 =	sshrl.u32 s5, $0x3  }
0x55: {  	[hbm:s7], [sflag:s4] =	dma.local [spmem:s5], $0x300  }
0x56: {  	_ =	swait.ge [sflag:s18], $0x300  }
0x57: {  	[sflag:s18] =	ssyncset.done $0x0;
	s7 =	rddreg [dreg:$0x15]  }
0x58: {  	s8 =	rddreg [dreg:$0x6];
	[sflag:s18] =	ssyncadd.s32 $0xFFFFFD00;
	s5 =	sshrl.u32 s7, $0x3  }
0x59: {  	[hbm:s8], [sflag:s4] =	dma.local [spmem:s5], $0x300  }
0x5a: {  	_ =	swait.ge [sflag:s18], $0x300  }
0x5b: {  	[sflag:s18] =	ssyncset.done $0x0;
	s9 =	rddreg [dreg:$0x16]  }
0x5c: {  	s12 =	rddreg [dreg:$0x7];
	[sflag:s18] =	ssyncadd.s32 $0xFFFFFD00;
	s5 =	sshrl.u32 s9, $0x3  }
0x5d: {  	[hbm:s12], [sflag:s4] =	dma.local [spmem:s5], $0x300  }
0x5e: {  	_ =	swait.ge [sflag:s18], $0x300  }
0x5f: {  	[sflag:s18] =	ssyncset.done $0x0;
	s14 =	rddreg [dreg:$0x17]  }
0x60: {  	s23 =	rddreg [dreg:$0x8];
	[sflag:s18] =	ssyncadd.s32 $0xFFFFFD00;
	s5 =	sshrl.u32 s14, $0x3  }
0x61: {  	[hbm:s23], [sflag:s4] =	dma.local [spmem:s5], $0x300  }
0x62: {  	_ =	swait.ge [sflag:s18], $0x300  }
0x63: {  	[sflag:s18] =	ssyncset.done $0x0;
	s7 =	rddreg [dreg:$0x18]  }
0x64: {  	s8 =	rddreg [dreg:$0x9];
	[sflag:s18] =	ssyncadd.s32 $0xFFFFFD00;
	s5 =	sshrl.u32 s7, $0x3  }
0x65: {  	[hbm:s8], [sflag:s4] =	dma.local [spmem:s5], $0x300  }
0x66: {  	_ =	swait.ge [sflag:s18], $0x300  }
0x67: {  	[sflag:s18] =	ssyncset.done $0x0;
	s8 =	rddreg [dreg:$0x19]  }
0x68: {  	s12 =	rddreg [dreg:$0xa];
	[sflag:s18] =	ssyncadd.s32 $0xFFFFFD00;
	s9 =	sshrl.u32 s8, $0x3  }
0x69: {  	[hbm:s12], [sflag:s4] =	dma.local [spmem:s9], $0x300  }
0x6a: {  	_ =	swait.ge [sflag:s18], $0x300  }
0x6b: {  	[sflag:s18] =	ssyncset.done $0x0;
	s9 =	rddreg [dreg:$0x1a]  }
0x6c: {  	s23 =	rddreg [dreg:$0xb];
	[sflag:s18] =	ssyncadd.s32 $0xFFFFFD00;
	s14 =	sshrl.u32 s9, $0x3  }
0x6d: {  	[hbm:s23], [sflag:s4] =	dma.local [spmem:s14], $0x300  }
0x6e: {  	_ =	swait.ge [sflag:s18], $0x300  }
0x6f: {  	[sflag:s18] =	ssyncset.done $0x0;
	s7 =	rddreg [dreg:$0x1b]  }
0x70: {  	s12 =	rddreg [dreg:$0xc];
	[sflag:s18] =	ssyncadd.s32 $0xFFFFFD00;
	s5 =	sshrl.u32 s7, $0x3  }
0x71: {  	[hbm:s12], [sflag:s4] =	dma.local [spmem:s5], $0x300  }
0x72: {  	_ =	swait.ge [sflag:s18], $0x300  }
0x73: {  	[sflag:s18] =	ssyncset.done $0x0;
	s14 =	rddreg [dreg:$0x1c]  }
0x74: {  	s23 =	rddreg [dreg:$0xd];
	[sflag:s18] =	ssyncadd.s32 $0xFFFFFD00;
	s5 =	sshrl.u32 s14, $0x3  }
0x75: {  	[hbm:s23], [sflag:s4] =	dma.local [spmem:s5], $0x300  }
0x76: {  	_ =	swait.ge [sflag:s18], $0x300  }
0x77: {  	[sflag:s18] =	ssyncset.done $0x0;
	s7 =	rddreg [dreg:$0x1d]  }
0x78: {  	s12 =	rddreg [dreg:$0xe];
	[sflag:s18] =	ssyncadd.s32 $0xFFFFFD00;
	s5 =	sshrl.u32 s7, $0x3  }
0x79: {  	[hbm:s12], [sflag:s4] =	dma.local [spmem:s5], $0x300  }
0x7a: {  	_ =	swait.ge [sflag:s18], $0x300  }
0x7b: {  	[sflag:s18] =	ssyncset.done $0x0;
	s12 =	rddreg [dreg:$0x1e]  }
0x7c: {  	s23 =	rddreg [dreg:$0xf];
	[sflag:s18] =	ssyncadd.s32 $0xFFFFFD00;
	s14 =	sshrl.u32 s12, $0x3  }
0x7d: {  	[hbm:s23], [sflag:s4] =	dma.local [spmem:s14], $0x300  }
0x7e: {  	_ =	swait.ge [sflag:s18], $0x300  }
0x7f: {  	[sflag:s18] =	ssyncset.done $0x0;
	s14 =	rddreg [dreg:$0x1f]  }
0x80: {  	s23 =	rddreg [dreg:$0x10];
	[sflag:s18] =	ssyncadd.s32 $0xFFFFFD00;
	s5 =	sshrl.u32 s14, $0x3  }
0x81: {  	[hbm:s23], [sflag:s4] =	dma.local [spmem:s5], $0x300  }
0x82: {  	_ =	swait.ge [sflag:s18], $0x300  }
0x83: {  	s14 =	sld [smem:$0x7E8];
	_ =	sdelay $0x1  }
0x84: {  	[sflag:s18] =	ssyncset.done $0x0  }
0x85: {  	s23 =	rddreg [dreg:$0x11];
	[sflag:s18] =	ssyncadd.s32 $0xFFFFFD00;
	s5 =	sshrl.u32 s14, $0x3  }
0x86: {  	[hbm:s23], [sflag:s4] =	dma.local [spmem:s5], $0x300  }
0x87: {  	_ =	swait.ge [sflag:s18], $0x300  }
0x88: {  	s14 =	sld [smem:$0x7FD];
	_ =	sdelay $0x1  }
0x89: {  	[sflag:s18] =	ssyncset.done $0x0  }
0x8a: {  	s23 =	rddreg [dreg:$0x12];
	[sflag:s18] =	ssyncadd.s32 $0xFFFFFD00;
	s7 =	sshrl.u32 s14, $0x3  }
0x8b: {  	[hbm:s23], [sflag:s4] =	dma.local [spmem:s7], $0x80  }
0x8c: {  	_ =	swait.ge [sflag:s18], $0x80  }
0x8d: {  	s7 =	sld [smem:$0x7E7]  }
0x8e: {  	s23 =	sld [smem:$0x7F5];
	_ =	sdelay $0x1  }
0x8f: {  	s5 =	sadd.s32 $0x1, s7  }
0x90: {  	p1 =	sne.s32 s5, s23  }
.Ltmp1:
0x91: {  	_ = 	snop;
	(pc) =	sbr.rel @!p1 .LBB2_25-.Ltmp1, $3  }
0x92: {  	_ =	sdelay $0x1  }
0x93: {  	[sflag:s18] =	ssyncset.done $0x0  }
0x94: {  	[sflag:s18] =	ssyncadd.s32 $0xFFFFFF80  }
.LBB2_1:
0x95: {  	[smem:$0x7E7] =	sst s5  }
0x96: {  	s4 =	rddreg [dreg:$0x0]  }
0x97: {  	[tilespmem:s1], [sflag:$0xA] =	stream.linear.gather [hbm4b:s4+s1], $0x2780, $0x38;
	v63 =	vld [tilespmem:$0x0]  }
0x98: {  	_ =	swait.ge [sflag:s18], $0x2780  }
0x99: {  	[sflag:s18] =	ssyncset.done $0x0  }
0x9a: {  	s23 =	rddreg [dreg:$0x13];
	[sflag:s18] =	ssyncadd.s32 $0xFFFFD880  }
0x9b: {  	[tilespmem:s19], [sflag:$0xA] =	stream.linear.gather [hbm4b:s23+s1], $0x2780, $0x38;
	v63 =	vld [tilespmem:$0x0]  }
0x9c: {  	_ =	swait.ge [sflag:s18], $0x2780  }
0x9d: {  	[sflag:s18] =	ssyncset.done $0x0  }
0x9e: {  	s4 =	simm.s32 $0x0;
	[sflag:s18] =	ssyncadd.s32 $0xFFFFD880  }
.LBB2_2:
0x9f: {  	p1 =	sne.s32 s4, $0x9C00  }
.Ltmp2:
0xa0: {  	_ = 	snop;
	(pc) =	sbr.rel @p1 .LBB2_2-.Ltmp2, $3  }
0xa1: {  	_ =	sdelay $0x1  }
0xa2: {  	s5 =	sshra.s32 s4, $0x2  }
0xa3: {  	s4 =	sadd.s32 $0x40, s4;
	[tilespmem:s5+$0x9C80] =	vst v1  }
0xa4: {  	s4 =	simm.s32 $0x0;
	s5 =	simm.s32 $0x200  }
.LBB2_4:
0xa5: {  	p1 =	sne.s32 s5, $0x5E00;
	[tilespmem:s4+$0x54F0] =	vst v1  }
0xa6: {  	[tilespmem:s4+$0x5480] =	vst v1  }
0xa7: {  	[tilespmem:s4+$0x5490] =	vst v1  }
.Ltmp3:
0xa8: {  	[tilespmem:s4+$0x54A0] =	vst v1;
	(pc) =	sbr.rel @p1 .LBB2_4-.Ltmp3, $4  }
0xa9: {  	[tilespmem:s4+$0x54B0] =	vst v1  }
0xaa: {  	[tilespmem:s4+$0x54C0] =	vst v1  }
0xab: {  	[tilespmem:s4+$0x54D0] =	vst v1  }
0xac: {  	[tilespmem:s4+$0x54E0] =	vst v1;
	s4 =	sshra.s32 s5, $0x2;
	s5 =	sadd.s32 $0x200, s5  }
0xad: {  	[tilespmem:s4+$0x54F0] =	vst v1  }
0xae: {  	[tilespmem:s4+$0x5480] =	vst v1  }
0xaf: {  	[tilespmem:s4+$0x5490] =	vst v1  }
0xb0: {  	[tilespmem:s4+$0x54A0] =	vst v1  }
0xb1: {  	[tilespmem:s4+$0x54B0] =	vst v1  }
0xb2: {  	[tilespmem:s4+$0x54C0] =	vst v1  }
0xb3: {  	[tilespmem:s4+$0x54D0] =	vst v1  }
0xb4: {  	[tilespmem:s4+$0x54E0] =	vst v1;
	s23 =	rddreg [dreg:$0x14]  }
0xb5: {  	[spmem:s23] =	stream.linear.scatter [tilespmem:s20], [sflag:$0xA], $0x1800, $0x38;
	v63 =	vld [tilespmem:$0x0]  }
0xb6: {  	_ =	swait.ge [sflag:s18], $0x1800  }
0xb7: {  	[sflag:s18] =	ssyncset.done $0x0  }
0xb8: {  	s5 =	rddreg [dreg:$0x15];
	[sflag:s18] =	ssyncadd.s32 $0xFFFFE800  }
0xb9: {  	[spmem:s5] =	stream.linear.scatter [tilespmem:s20], [sflag:$0xA], $0x1800, $0x38;
	v63 =	vld [tilespmem:$0x0]  }
0xba: {  	_ =	swait.ge [sflag:s18], $0x1800  }
0xbb: {  	[sflag:s18] =	ssyncset.done $0x0  }
0xbc: {  	s7 =	rddreg [dreg:$0x16];
	[sflag:s18] =	ssyncadd.s32 $0xFFFFE800  }
0xbd: {  	[spmem:s7] =	stream.linear.scatter [tilespmem:s20], [sflag:$0xA], $0x1800, $0x38;
	v63 =	vld [tilespmem:$0x0]  }
0xbe: {  	_ =	swait.ge [sflag:s18], $0x1800  }
0xbf: {  	[sflag:s18] =	ssyncset.done $0x0  }
0xc0: {  	s23 =	rddreg [dreg:$0x17];
	[sflag:s18] =	ssyncadd.s32 $0xFFFFE800  }
0xc1: {  	[spmem:s23] =	stream.linear.scatter [tilespmem:s20], [sflag:$0xA], $0x1800, $0x38;
	v63 =	vld [tilespmem:$0x0]  }
0xc2: {  	_ =	swait.ge [sflag:s18], $0x1800  }
0xc3: {  	[sflag:s18] =	ssyncset.done $0x0  }
0xc4: {  	s5 =	rddreg [dreg:$0x18];
	[sflag:s18] =	ssyncadd.s32 $0xFFFFE800  }
0xc5: {  	[spmem:s5] =	stream.linear.scatter [tilespmem:s20], [sflag:$0xA], $0x1800, $0x38;
	v63 =	vld [tilespmem:$0x0]  }
0xc6: {  	_ =	swait.ge [sflag:s18], $0x1800  }
0xc7: {  	[sflag:s18] =	ssyncset.done $0x0  }
0xc8: {  	[sflag:s18] =	ssyncadd.s32 $0xFFFFE800  }
0xc9: {  	[spmem:s8] =	stream.linear.scatter [tilespmem:s20], [sflag:$0xA], $0x1800, $0x38;
	v63 =	vld [tilespmem:$0x0]  }
0xca: {  	_ =	swait.ge [sflag:s18], $0x1800  }
0xcb: {  	[sflag:s18] =	ssyncset.done $0x0  }
0xcc: {  	[sflag:s18] =	ssyncadd.s32 $0xFFFFE800  }
0xcd: {  	[spmem:s9] =	stream.linear.scatter [tilespmem:s20], [sflag:$0xA], $0x1800, $0x38;
	v63 =	vld [tilespmem:$0x0]  }
0xce: {  	_ =	swait.ge [sflag:s18], $0x1800  }
0xcf: {  	[sflag:s18] =	ssyncset.done $0x0  }
0xd0: {  	s7 =	rddreg [dreg:$0x1b];
	[sflag:s18] =	ssyncadd.s32 $0xFFFFE800  }
0xd1: {  	[spmem:s7] =	stream.linear.scatter [tilespmem:s20], [sflag:$0xA], $0x1800, $0x38;
	v63 =	vld [tilespmem:$0x0]  }
0xd2: {  	_ =	swait.ge [sflag:s18], $0x1800  }
0xd3: {  	[sflag:s18] =	ssyncset.done $0x0  }
0xd4: {  	s8 =	rddreg [dreg:$0x1c];
	[sflag:s18] =	ssyncadd.s32 $0xFFFFE800  }
0xd5: {  	[spmem:s8] =	stream.linear.scatter [tilespmem:s20], [sflag:$0xA], $0x1800, $0x38;
	v63 =	vld [tilespmem:$0x0]  }
0xd6: {  	_ =	swait.ge [sflag:s18], $0x1800  }
0xd7: {  	[sflag:s18] =	ssyncset.done $0x0  }
0xd8: {  	s9 =	rddreg [dreg:$0x1d];
	[sflag:s18] =	ssyncadd.s32 $0xFFFFE800  }
0xd9: {  	[spmem:s9] =	stream.linear.scatter [tilespmem:s20], [sflag:$0xA], $0x1800, $0x38;
	v63 =	vld [tilespmem:$0x0]  }
0xda: {  	_ =	swait.ge [sflag:s18], $0x1800  }
0xdb: {  	[sflag:s18] =	ssyncset.done $0x0  }
0xdc: {  	[sflag:s18] =	ssyncadd.s32 $0xFFFFE800  }
0xdd: {  	[spmem:s12] =	stream.linear.scatter [tilespmem:s20], [sflag:$0xA], $0x1800, $0x38;
	v63 =	vld [tilespmem:$0x0]  }
0xde: {  	_ =	swait.ge [sflag:s18], $0x1800  }
0xdf: {  	[sflag:s18] =	ssyncset.done $0x0  }
0xe0: {  	s12 =	rddreg [dreg:$0x1f];
	[sflag:s18] =	ssyncadd.s32 $0xFFFFE800  }
0xe1: {  	[spmem:s12] =	stream.linear.scatter [tilespmem:s20], [sflag:$0xA], $0x1800, $0x38;
	v63 =	vld [tilespmem:$0x0]  }
0xe2: {  	_ =	swait.ge [sflag:s18], $0x1800  }
0xe3: {  	s23 =	sld [smem:$0x7E8]  }
0xe4: {  	[sflag:s18] =	ssyncset.done $0x0  }
0xe5: {  	[sflag:s18] =	ssyncadd.s32 $0xFFFFE800  }
0xe6: {  	[spmem:s23] =	stream.linear.scatter [tilespmem:s20], [sflag:$0xA], $0x1800, $0x38;
	v63 =	vld [tilespmem:$0x0]  }
0xe7: {  	_ =	swait.ge [sflag:s18], $0x1800  }
0xe8: {  	[sflag:s18] =	ssyncset.done $0x0  }
0xe9: {  	[sflag:s18] =	ssyncadd.s32 $0xFFFFE800  }
0xea: {  	[spmem:s14] =	stream.linear.scatter [tilespmem:s20], [sflag:$0xA], $0x400, $0x38;
	v63 =	vld [tilespmem:$0x0]  }
.Ltmp4:
0xeb: {  	_ =	swait.ge [sflag:s18], $0x400;
	(pc) =	sbr.rel @!p0 .LBB2_6-.Ltmp4, $4  }
0xec: {  	[sflag:s18] =	ssyncset.done $0x0  }
0xed: {  	[sflag:s18] =	ssyncadd.s32 $0xFFFFFC00  }
0xee: {  	[bflag:$0x0] =	sbarrier.arrive $0xFFFF  }
0xef: {  	s23 =	simm.s32 $0x0  }
0xf0: {  	s4 =	sld [smem:$0x7EC];
	_ =	sdelay $0x1  }
0xf1: {  	s5 =	simm.s32 $0x4F00;
	s12 =	sld [smem:$0x7EE]  }
0xf2: {  	[tilespmem:s5], [sflag:$0x1] =	stream.linear.gather [hbm4b:s4+s23], $0x30, $0x38;
	v63 =	vld [tilespmem:$0x0]  }
0xf3: {  	s7 =	simm.s32 $0x4F80;
	s14 =	sld [smem:$0x7ED]  }
0xf4: {  	[tilespmem:s7], [sflag:$0x1] =	stream.linear.gather [hbm4b:s12+s23], $0x30, $0x38;
	v63 =	vld [tilespmem:$0x0]  }
0xf5: {  	s7 =	sld [smem:$0x7EF]  }
0xf6: {  	[tilespmem:s10], [sflag:$0x2] =	stream.linear.gather [hbm4b:s14+s23], $0x30, $0x38;
	v63 =	vld [tilespmem:$0x0]  }
0xf7: {  	s8 =	sld [smem:$0x7F0]  }
0xf8: {  	[tilespmem:s11], [sflag:$0x2] =	stream.linear.gather [hbm4b:s7+s23], $0x30, $0x38;
	v63 =	vld [tilespmem:$0x0]  }
0xf9: {  	s9 =	sld [smem:$0x7F1]  }
0xfa: {  	[tilespmem:s22], [sflag:$0x3] =	stream.linear.gather [hbm4b:s8+s23], $0x30, $0x38;
	v63 =	vld [tilespmem:$0x0]  }
0xfb: {  	s12 =	simm.s32 $0x5180;
	s14 =	simm.s32 $0x1  }
0xfc: {  	[tilespmem:s12], [sflag:$0x3] =	stream.linear.gather [hbm4b:s9+s23], $0x30, $0x38;
	v63 =	vld [tilespmem:$0x0]  }
0xfd: {  	_ =	swait.ge [sflag:s14], $0x30  }
0xfe: {  	[sflag:s14] =	ssyncset.done $0x0  }
0xff: {  	[sflag:s14] =	ssyncadd.s32 $0xFFFFFFD0  }
0x100: {  	_ =	swait.ge [sflag:s14], $0x30  }
0x101: {  	[sflag:s14] =	ssyncset.done $0x0  }
0x102: {  	[sflag:s14] =	ssyncadd.s32 $0xFFFFFFD0  }
0x103: {  	[tilespmem:s20], [sflag:$0x4] =	stream.indirect.gather [hbm4b:s16+s24], $0x80, s5, s24, $0xb8;
	v63 =	vld [tilespmem:$0x0]  }
0x104: {  	s5 =	simm.s32 $0x0  }
.LBB2_16:
0x105: {  	_ =	swait.ge [sflag:s25], $0x1800  }
0x106: {  	p1 =	seq.s32 s5, $0x0;
	[sflag:s25] =	ssyncset.done $0x0  }
0x107: {  	s4 =	simm.s32 @!p1 $0x8;
	[sflag:s25] =	ssyncadd.s32 $0xFFFFE800  }
0x108: {  	_ =	swait.ge @!p1 [sflag:s4], $0x1800  }
0x109: {  	[sflag:s4] =	ssyncset.done @!p1 $0x0  }
0x10a: {  	[sflag:s4] =	ssyncadd.s32 @!p1 $0xFFFFE800  }
0x10b: {  	_ =	swait.ge [sflag:s26], $0x30  }
0x10c: {  	[sflag:s26] =	ssyncset.done $0x0  }
0x10d: {  	[sflag:s26] =	ssyncadd.s32 $0xFFFFFFD0  }
0x10e: {  	_ =	swait.ge [sflag:s26], $0x30  }
0x10f: {  	[sflag:s26] =	ssyncset.done $0x0  }
0x110: {  	[sflag:s26] =	ssyncadd.s32 $0xFFFFFFD0  }
0x111: {  	[tilespmem:s28], [sflag:$0x5] =	stream.indirect.gather [hbm4b:s16+s24], $0x80, s10, s24, $0xb8;
	v63 =	vld [tilespmem:$0x0]  }
0x112: {  	v2 =	vld [tilespmem:$0x4F00]  }
0x113: {  	v3 =	vld [tilespmem:$0x4F80];
	_ =	sdelay $0x6  }
0x114: {  	v4 =	vld.idx.msk [tilespmem:v2+s23+$0x0], $0xffff  }
0x115: {  	v5 =	vld.idx.msk [tilespmem:v3+s23+$0x0], $0xffff;
	_ =	sdelay $0x4  }
0x116: {  	v2 =	vld.idx.msk [tilespmem:v2+s19+$0x0], $0xffff;
	v4 =	vsub.f32 v4, v5;
	_ =	sdelay $0x1  }
0x117: {  	v4 =	vand.u32 $0x7FFFFFFF, v4  }
0x118: {  	v4 =	vsub.f32 $0.0e+00, v4;
	_ =	sdelay $0x1  }
0x119: {  	v2 =	vmul.f32 v4, v2;
	_ =	sdelay $0x1  }
0x11a: {  	v2 =	vmul.f32 v2, v0;
	_ =	sdelay $0x1  }
0x11b: {  	v2 =	vmul.f32 $1.442695020e+00, v2;
	_ =	sdelay $0x1  }
0x11c: {  	(erf) = vpow2.f32 v2;
	_ =	sdelay $0x8  }
0x11d: {  	v2 =	vpop (erf)  }
0x11e: {  	v2 =	vmul.f32 $1.442695020e+00, v2;
	_ =	sdelay $0x1  }
0x11f: {  	(erf) = vpow2.f32 v2;
	_ =	sdelay $0x5  }
0x120: {  	s9 =	smul.u32 $0x90, s5;
	_ =	sdelay $0x1  }
0x121: {  	s12 =	sadd.s32 s6, s9  }
0x122: {  	p2 =	slt.u32 s12, $0x4E200;
	v2 =	vpop (erf)  }
0x123: {  	[tilespmem:$0x5280] =	vst v3;
	v2 =	vpsel !p2, $0x0, v2  }
0x124: {  	[tilespmem:$0x5200] =	vst v2  }
0x125: {  	[tilespmem:v3+s29+$0x0] =	vst.idx.add.f32.msk $0xffff, v2  }
0x126: {  	v2 =	vld [tilespmem:$0x4F10]  }
0x127: {  	v3 =	vld [tilespmem:$0x4F90];
	_ =	sdelay $0x6  }
0x128: {  	v4 =	vld.idx.msk [tilespmem:v2+s23+$0x0], $0xffff  }
0x129: {  	v5 =	vld.idx.msk [tilespmem:v3+s23+$0x0], $0xffff;
	_ =	sdelay $0x4  }
0x12a: {  	v2 =	vld.idx.msk [tilespmem:v2+s19+$0x0], $0xffff;
	v4 =	vsub.f32 v4, v5;
	_ =	sdelay $0x1  }
0x12b: {  	v4 =	vand.u32 $0x7FFFFFFF, v4  }
0x12c: {  	v4 =	vsub.f32 $0.0e+00, v4;
	_ =	sdelay $0x1  }
0x12d: {  	v2 =	vmul.f32 v4, v2;
	_ =	sdelay $0x1  }
0x12e: {  	v2 =	vmul.f32 v2, v0;
	_ =	sdelay $0x1  }
0x12f: {  	v2 =	vmul.f32 $1.442695020e+00, v2;
	_ =	sdelay $0x1  }
0x130: {  	(erf) = vpow2.f32 v2;
	_ =	sdelay $0x8  }
0x131: {  	v2 =	vpop (erf)  }
0x132: {  	v2 =	vmul.f32 $1.442695020e+00, v2;
	_ =	sdelay $0x1  }
0x133: {  	(erf) = vpow2.f32 v2;
	_ =	sdelay $0x7  }
0x134: {  	s7 =	sadd.s32 $0x10, s12  }
0x135: {  	p5 =	slt.u32 s7, $0x4E200;
	v2 =	vpop (erf)  }
0x136: {  	[tilespmem:$0x5290] =	vst v3;
	v2 =	vpsel !p5, $0x0, v2  }
0x137: {  	[tilespmem:$0x5210] =	vst v2  }
0x138: {  	[tilespmem:v3+s29+$0x0] =	vst.idx.add.f32.msk $0xffff, v2  }
0x139: {  	v2 =	vld [tilespmem:$0x4F20]  }
0x13a: {  	v3 =	vld [tilespmem:$0x4FA0];
	_ =	sdelay $0x6  }
0x13b: {  	v4 =	vld.idx.msk [tilespmem:v2+s23+$0x0], $0xffff  }
0x13c: {  	v5 =	vld.idx.msk [tilespmem:v3+s23+$0x0], $0xffff;
	_ =	sdelay $0x4  }
0x13d: {  	v2 =	vld.idx.msk [tilespmem:v2+s19+$0x0], $0xffff;
	v4 =	vsub.f32 v4, v5;
	_ =	sdelay $0x1  }
0x13e: {  	v4 =	vand.u32 $0x7FFFFFFF, v4  }
0x13f: {  	v4 =	vsub.f32 $0.0e+00, v4;
	_ =	sdelay $0x1  }
0x140: {  	v2 =	vmul.f32 v4, v2;
	_ =	sdelay $0x1  }
0x141: {  	v2 =	vmul.f32 v2, v0;
	_ =	sdelay $0x1  }
0x142: {  	v2 =	vmul.f32 $1.442695020e+00, v2;
	_ =	sdelay $0x1  }
0x143: {  	(erf) = vpow2.f32 v2;
	_ =	sdelay $0x8  }
0x144: {  	v2 =	vpop (erf)  }
0x145: {  	v2 =	vmul.f32 $1.442695020e+00, v2;
	_ =	sdelay $0x1  }
0x146: {  	(erf) = vpow2.f32 v2;
	_ =	sdelay $0x5  }
0x147: {  	v4 =	vmov s23  }
0x148: {  	v4 =	vand.u32 $0xFFFFFFFE, v4  }
0x149: {  	s4 =	sadd.s32 $0x20, s12;
	v4 =	vbroadcast v4, $0x0  }
0x14a: {  	p6 =	slt.u32 s4, $0x4E200;
	v2 =	vpop (erf)  }
0x14b: {  	[tilespmem:$0x52A0] =	vst v3;
	v2 =	vpsel !p6, $0x0, v2  }
0x14c: {  	[tilespmem:$0x5220] =	vst v2  }
0x14d: {  	s4 =	simm.s32 $0x5500;
	[tilespmem:v3+s29+$0x0] =	vst.idx.add.f32.msk $0xffff, v2  }
0x14e: {  	v3 =	vld [tilespmem:s4+$0xFFFFFFF0]  }
0x14f: {  	v4 =	vld.idx.msk [tilespmem:v4+s30+$0x0], $0xffff  }
0x150: {  	v7 =	vld [tilespmem:s4+$0xFFFFFF80]  }
0x151: {  	v8 =	vld [tilespmem:s4+$0xFFFFFFA0]  }
0x152: {  	v6 =	vld [tilespmem:s4+$0xFFFFFFB0]  }
0x153: {  	v5 =	vld [tilespmem:s4+$0xFFFFFFD0]  }
0x154: {  	v10 =	vld [tilespmem:s4+$0xFFFFFF90];
	v12 =	vmul.f32 v3, v4  }
0x155: {  	v9 =	vld [tilespmem:s4+$0xFFFFFFE0];
	v7 =	vmul.f32 v7, v4  }
0x156: {  	v11 =	vld [tilespmem:s4+$0xFFFFFFC0];
	v8 =	vmul.f32 v8, v4;
	[tilespmem:s4+$0xFFFFFFF0] =	vst v12  }
0x157: {  	v6 =	vmul.f32 v6, v4;
	[tilespmem:s4+$0xFFFFFF80] =	vst v7  }
0x158: {  	s14 =	simm.s32 $0x1;
	v5 =	vmul.f32 v5, v4;
	[tilespmem:s4+$0xFFFFFFA0] =	vst v8  }
0x159: {  	v7 =	vmul.f32 v10, v4;
	[tilespmem:s4+$0xFFFFFFB0] =	vst v6;
	v8 =	vmov s14  }
0x15a: {  	v2 =	vld [tilespmem:s4+$0x0];
	v6 =	vmul.f32 v9, v4;
	[tilespmem:s4+$0xFFFFFFD0] =	vst v5  }
0x15b: {  	v3 =	vld [tilespmem:s4+$0x10];
	v4 =	vmul.f32 v11, v4;
	[tilespmem:s4+$0xFFFFFF90] =	vst v7  }
0x15c: {  	v5 =	vld [tilespmem:s4+$0x70];
	[tilespmem:s4+$0xFFFFFFE0] =	vst v6  }
0x15d: {  	v6 =	vld [tilespmem:s4+$0x30];
	[tilespmem:s4+$0xFFFFFFC0] =	vst v4  }
0x15e: {  	s8 =	simm.s32 $0x5500;
	s7 =	simm.s32 $0x2;
	s14 =	smul.u32 $0x3, s5;
	v4 =	vld.idx.msk [tilespmem:v8+s30+$0x0], $0xffff  }
.LBB2_17:
0x15f: {  	p2 =	slt.u32 s7, $0x2E  }
0x160: {  	v7 =	vld [tilespmem:s4+$0x20];
	s8 =	sadd.s32 $0x100, s8;
	s12 =	smov.u32 s7;
	s7 =	sadd.s32 $0x2, s7  }
0x161: {  	v8 =	vld [tilespmem:s4+$0x40]  }
0x162: {  	v9 =	vld [tilespmem:s4+$0x50]  }
0x163: {  	v10 =	vld [tilespmem:s4+$0x60];
	_ =	sdelay $0x1  }
0x164: {  	v2 =	vmul.f32 v2, v4;
	v3 =	vmul.f32 v3, v4  }
0x165: {  	v6 =	vmul.f32 v6, v4;
	v7 =	vmul.f32 v7, v4  }
0x166: {  	v11 =	vmov s12;
	v8 =	vmul.f32 v8, v4;
	[tilespmem:s4+$0x0] =	vst v2;
	v9 =	vmul.f32 v9, v4  }
0x167: {  	v11 =	vand.u32 $0xFFFFFFFE, v11;
	v2 =	vld [tilespmem:s8+$0x0];
	[tilespmem:s4+$0x30] =	vst v6;
	v6 =	vmul.f32 v10, v4;
	v4 =	vmul.f32 v5, v4  }
0x168: {  	v5 =	vbroadcast v11, $0x0;
	[tilespmem:s4+$0x10] =	vst v3  }
0x169: {  	[tilespmem:s4+$0x70] =	vst v4  }
0x16a: {  	v4 =	vld [tilespmem:s8+$0xFFFFFFD0];
	[tilespmem:s4+$0x20] =	vst v7  }
0x16b: {  	v7 =	vld [tilespmem:s8+$0xFFFFFFB0];
	[tilespmem:s4+$0x60] =	vst v6  }
0x16c: {  	v6 =	vld [tilespmem:s8+$0xFFFFFFE0];
	[tilespmem:s4+$0x40] =	vst v8  }
0x16d: {  	v8 =	vld [tilespmem:s8+$0xFFFFFFF0];
	[tilespmem:s4+$0x50] =	vst v9;
	s4 =	smov.u32 s8  }
0x16e: {  	v5 =	vld.idx.msk [tilespmem:v5+s30+$0x0], $0xffff  }
0x16f: {  	v9 =	vld [tilespmem:s8+$0xFFFFFF80]  }
0x170: {  	v10 =	vld [tilespmem:s8+$0xFFFFFFA0]  }
0x171: {  	v11 =	vld [tilespmem:s8+$0xFFFFFF90]  }
0x172: {  	v12 =	vld [tilespmem:s8+$0xFFFFFFC0]  }
0x173: {  	v3 =	vld [tilespmem:s8+$0x10]  }
0x174: {  	v8 =	vmul.f32 v8, v5;
	v9 =	vmul.f32 v9, v5  }
0x175: {  	v6 =	vmul.f32 v6, v5;
	v10 =	vmul.f32 v10, v5  }
0x176: {  	v7 =	vmul.f32 v7, v5;
	v11 =	vmul.f32 v11, v5;
	[tilespmem:s8+$0xFFFFFFF0] =	vst v8  }
0x177: {  	v4 =	vmul.f32 v4, v5;
	[tilespmem:s8+$0xFFFFFF80] =	vst v9;
	v8 =	vmul.f32 v12, v5  }
0x178: {  	s12 =	sadd.s32 $0x1, s12;
	[tilespmem:s8+$0xFFFFFFA0] =	vst v10  }
0x179: {  	[tilespmem:s8+$0xFFFFFFB0] =	vst v7;
	v7 =	vmov s12  }
.Ltmp5:
0x17a: {  	[tilespmem:s8+$0xFFFFFFD0] =	vst v4;
	(pc) =	sbr.rel @p2 .LBB2_17-.Ltmp5, $4  }
0x17b: {  	[tilespmem:s8+$0xFFFFFF90] =	vst v11  }
0x17c: {  	[tilespmem:s8+$0xFFFFFFE0] =	vst v6;
	v6 =	vld [tilespmem:s8+$0x30]  }
0x17d: {  	[tilespmem:s8+$0xFFFFFFC0] =	vst v8;
	v5 =	vld [tilespmem:s8+$0x70]  }
0x17e: {  	v4 =	vld.idx.msk [tilespmem:v7+s30+$0x0], $0xffff  }
0x17f: {  	_ =	sdelay $0x2  }
0x180: {  	v7 =	vld [tilespmem:s4+$0x20]  }
0x181: {  	v8 =	vld [tilespmem:s4+$0x60];
	v2 =	vmul.f32 v2, v4  }
0x182: {  	v9 =	vld [tilespmem:s4+$0x40];
	v6 =	vmul.f32 v6, v4  }
0x183: {  	v10 =	vld [tilespmem:s4+$0x50];
	v3 =	vmul.f32 v3, v4;
	[tilespmem:s4+$0x0] =	vst v2  }
0x184: {  	[tilespmem:s4+$0x30] =	vst v6;
	v2 =	vmul.f32 v5, v4  }
0x185: {  	v5 =	vmul.f32 v7, v4;
	[tilespmem:s4+$0x10] =	vst v3  }
0x186: {  	v3 =	vmul.f32 v8, v4;
	[tilespmem:s4+$0x70] =	vst v2  }
0x187: {  	v2 =	vmul.f32 v9, v4;
	[tilespmem:s4+$0x20] =	vst v5  }
0x188: {  	v4 =	vmul.f32 v10, v4;
	[tilespmem:s4+$0x60] =	vst v3  }
0x189: {  	s14 =	sadd.s32 $0x2, s14;
	[tilespmem:s4+$0x40] =	vst v2  }
0x18a: {  	[tilespmem:s4+$0x50] =	vst v4;
	s4 =	smul.u32 @!p1 $0x30, s14  }
0x18b: {  	[spmem:s17] =	stream.indirect.scatter.add.f32 [tilespmem:s20], [sflag:$0x7], $0x80, s31, s24, $0xb8;
	v63 =	vld [tilespmem:$0x0]  }
0x18c: {  	s4 =	sadd.s32 @!p1 s6, s4  }
0x18d: {  	s4 =	sshrl.u32 @!p1 s4, $0x3  }
0x18e: {  	s7 =	simm.s32 @!p1 $0x0;
	s8 =	simm.s32 @!p1 $0x5100;
	s4 =	sadd.s32 @!p1 s21, s4  }
0x18f: {  	[tilespmem:s8], [sflag:$0x3] =	stream.linear.gather @!p1 [hbm4b:s4+s7], $0x30, $0x38;
	v63 =	vld [tilespmem:$0x0]  }
0x190: {  	s4 =	sadd.s32 @!p1 $0x9C60, s4;
	s8 =	simm.s32 @!p1 $0x5180  }
0x191: {  	[tilespmem:s8], [sflag:$0x3] =	stream.linear.gather @!p1 [hbm4b:s4+s7], $0x30, $0x38;
	v63 =	vld [tilespmem:$0x0]  }
0x192: {  	s4 =	simm.s32 @!p1 $0x5  }
0x193: {  	_ =	swait.ge @!p1 [sflag:s4], $0x1800  }
0x194: {  	s7 =	simm.s32 @!p1 $0x9;
	[sflag:s4] =	ssyncset.done @!p1 $0x0  }
0x195: {  	s7 =	simm.s32 @p1 $0x5;
	[sflag:s4] =	ssyncadd.s32 @!p1 $0xFFFFE800  }
0x196: {  	_ =	swait.ge [sflag:s7], $0x1800  }
0x197: {  	[sflag:s7] =	ssyncset.done $0x0  }
0x198: {  	[sflag:s7] =	ssyncadd.s32 $0xFFFFE800  }
0x199: {  	_ =	swait.ge [sflag:s15], $0x30  }
0x19a: {  	[sflag:s15] =	ssyncset.done $0x0  }
0x19b: {  	[sflag:s15] =	ssyncadd.s32 $0xFFFFFFD0  }
0x19c: {  	_ =	swait.ge [sflag:s15], $0x30  }
0x19d: {  	[sflag:s15] =	ssyncset.done $0x0  }
0x19e: {  	[sflag:s15] =	ssyncadd.s32 $0xFFFFFFD0  }
0x19f: {  	[tilespmem:s0], [sflag:$0x6] =	stream.indirect.gather [hbm4b:s16+s24], $0x80, s22, s24, $0xb8;
	v63 =	vld [tilespmem:$0x0]  }
0x1a0: {  	v2 =	vld [tilespmem:$0x5000]  }
0x1a1: {  	v3 =	vld [tilespmem:$0x5080];
	_ =	sdelay $0x5  }
0x1a2: {  	s4 =	simm.s32 $0x0  }
0x1a3: {  	v4 =	vld.idx.msk [tilespmem:v2+s4+$0x0], $0xffff  }
0x1a4: {  	v5 =	vld.idx.msk [tilespmem:v3+s4+$0x0], $0xffff;
	_ =	sdelay $0x4  }
0x1a5: {  	v2 =	vld.idx.msk [tilespmem:v2+s19+$0x0], $0xffff;
	v4 =	vsub.f32 v4, v5;
	_ =	sdelay $0x1  }
0x1a6: {  	v4 =	vand.u32 $0x7FFFFFFF, v4  }
0x1a7: {  	v4 =	vsub.f32 $0.0e+00, v4;
	_ =	sdelay $0x1  }
0x1a8: {  	v2 =	vmul.f32 v4, v2;
	_ =	sdelay $0x1  }
0x1a9: {  	v2 =	vmul.f32 v2, v0;
	_ =	sdelay $0x1  }
0x1aa: {  	v2 =	vmul.f32 $1.442695020e+00, v2;
	_ =	sdelay $0x1  }
0x1ab: {  	(erf) = vpow2.f32 v2;
	_ =	sdelay $0x8  }
0x1ac: {  	v2 =	vpop (erf)  }
0x1ad: {  	v2 =	vmul.f32 $1.442695020e+00, v2;
	_ =	sdelay $0x1  }
0x1ae: {  	(erf) = vpow2.f32 v2;
	_ =	sdelay $0x4  }
0x1af: {  	s8 =	sld [smem:$0x7EB];
	_ =	sdelay $0x2  }
0x1b0: {  	s7 =	sadd.s32 s9, s8  }
0x1b1: {  	p4 =	slt.u32 s7, $0x4E200;
	v2 =	vpop (erf)  }
0x1b2: {  	[tilespmem:$0x5300] =	vst v3;
	v2 =	vpsel !p4, $0x0, v2  }
0x1b3: {  	[tilespmem:$0x5200] =	vst v2  }
0x1b4: {  	[tilespmem:v3+s29+$0x0] =	vst.idx.add.f32.msk $0xffff, v2  }
0x1b5: {  	v2 =	vld [tilespmem:$0x5010]  }
0x1b6: {  	v3 =	vld [tilespmem:$0x5090];
	_ =	sdelay $0x6  }
0x1b7: {  	v4 =	vld.idx.msk [tilespmem:v2+s4+$0x0], $0xffff  }
0x1b8: {  	v5 =	vld.idx.msk [tilespmem:v3+s4+$0x0], $0xffff;
	_ =	sdelay $0x4  }
0x1b9: {  	v2 =	vld.idx.msk [tilespmem:v2+s19+$0x0], $0xffff;
	v4 =	vsub.f32 v4, v5;
	_ =	sdelay $0x1  }
0x1ba: {  	v4 =	vand.u32 $0x7FFFFFFF, v4  }
0x1bb: {  	v4 =	vsub.f32 $0.0e+00, v4;
	_ =	sdelay $0x1  }
0x1bc: {  	v2 =	vmul.f32 v4, v2;
	_ =	sdelay $0x1  }
0x1bd: {  	v2 =	vmul.f32 v2, v0;
	_ =	sdelay $0x1  }
0x1be: {  	v2 =	vmul.f32 $1.442695020e+00, v2;
	_ =	sdelay $0x1  }
0x1bf: {  	(erf) = vpow2.f32 v2;
	_ =	sdelay $0x8  }
0x1c0: {  	v2 =	vpop (erf)  }
0x1c1: {  	v2 =	vmul.f32 $1.442695020e+00, v2;
	_ =	sdelay $0x1  }
0x1c2: {  	(erf) = vpow2.f32 v2;
	_ =	sdelay $0x7  }
0x1c3: {  	s12 =	sadd.s32 $0x10, s7  }
0x1c4: {  	p5 =	slt.u32 s12, $0x4E200;
	v2 =	vpop (erf)  }
0x1c5: {  	[tilespmem:$0x5310] =	vst v3;
	v2 =	vpsel !p5, $0x0, v2  }
0x1c6: {  	[tilespmem:$0x5210] =	vst v2  }
0x1c7: {  	[tilespmem:v3+s29+$0x0] =	vst.idx.add.f32.msk $0xffff, v2  }
0x1c8: {  	v2 =	vld [tilespmem:$0x5020]  }
0x1c9: {  	v3 =	vld [tilespmem:$0x50A0];
	_ =	sdelay $0x6  }
0x1ca: {  	v4 =	vld.idx.msk [tilespmem:v2+s4+$0x0], $0xffff  }
0x1cb: {  	v5 =	vld.idx.msk [tilespmem:v3+s4+$0x0], $0xffff;
	_ =	sdelay $0x4  }
0x1cc: {  	v2 =	vld.idx.msk [tilespmem:v2+s19+$0x0], $0xffff;
	v4 =	vsub.f32 v4, v5;
	_ =	sdelay $0x1  }
0x1cd: {  	v4 =	vand.u32 $0x7FFFFFFF, v4  }
0x1ce: {  	v4 =	vsub.f32 $0.0e+00, v4;
	_ =	sdelay $0x1  }
0x1cf: {  	v2 =	vmul.f32 v4, v2;
	_ =	sdelay $0x1  }
0x1d0: {  	v2 =	vmul.f32 v2, v0;
	_ =	sdelay $0x1  }
0x1d1: {  	v2 =	vmul.f32 $1.442695020e+00, v2;
	_ =	sdelay $0x1  }
0x1d2: {  	(erf) = vpow2.f32 v2;
	_ =	sdelay $0x8  }
0x1d3: {  	v2 =	vpop (erf)  }
0x1d4: {  	v2 =	vmul.f32 $1.442695020e+00, v2;
	_ =	sdelay $0x1  }
0x1d5: {  	(erf) = vpow2.f32 v2;
	_ =	sdelay $0x5  }
0x1d6: {  	v4 =	vmov s4  }
0x1d7: {  	v4 =	vand.u32 $0xFFFFFFFE, v4  }
0x1d8: {  	s7 =	sadd.s32 $0x20, s7;
	v4 =	vbroadcast v4, $0x0  }
0x1d9: {  	p6 =	slt.u32 s7, $0x4E200;
	v2 =	vpop (erf)  }
0x1da: {  	[tilespmem:$0x5320] =	vst v3;
	v2 =	vpsel !p6, $0x0, v2  }
0x1db: {  	[tilespmem:$0x5220] =	vst v2  }
0x1dc: {  	s4 =	simm.s32 $0x6D70;
	[tilespmem:v3+s29+$0x0] =	vst.idx.add.f32.msk $0xffff, v2  }
0x1dd: {  	v3 =	vld [tilespmem:s4+$0xFFFFFF80]  }
0x1de: {  	v4 =	vld.idx.msk [tilespmem:v4+s30+$0x0], $0xffff  }
0x1df: {  	v7 =	vld [tilespmem:s4+$0xFFFFFF10]  }
0x1e0: {  	v8 =	vld [tilespmem:s4+$0xFFFFFF30]  }
0x1e1: {  	v6 =	vld [tilespmem:s4+$0xFFFFFF40]  }
0x1e2: {  	v5 =	vld [tilespmem:s4+$0xFFFFFF60]  }
0x1e3: {  	v62 =	vld [tilespmem:s4+$0xFFFFFF20];
	v12 =	vmul.f32 v3, v4  }
0x1e4: {  	v61 =	vld [tilespmem:s4+$0xFFFFFF70];
	v7 =	vmul.f32 v7, v4  }
0x1e5: {  	v11 =	vld [tilespmem:s4+$0xFFFFFF50];
	v8 =	vmul.f32 v8, v4;
	[tilespmem:s4+$0xFFFFFF80] =	vst v12  }
0x1e6: {  	v6 =	vmul.f32 v6, v4;
	[tilespmem:s4+$0xFFFFFF10] =	vst v7  }
0x1e7: {  	s12 =	simm.s32 $0x1;
	v5 =	vmul.f32 v5, v4;
	[tilespmem:s4+$0xFFFFFF30] =	vst v8  }
0x1e8: {  	v7 =	vmul.f32 v62, v4;
	[tilespmem:s4+$0xFFFFFF40] =	vst v6;
	v8 =	vmov s12  }
0x1e9: {  	v2 =	vld [tilespmem:s4+$0xFFFFFF90];
	v6 =	vmul.f32 v61, v4;
	[tilespmem:s4+$0xFFFFFF60] =	vst v5  }
0x1ea: {  	v3 =	vld [tilespmem:s4+$0xFFFFFFA0];
	v5 =	vmul.f32 v11, v4;
	[tilespmem:s4+$0xFFFFFF20] =	vst v7  }
0x1eb: {  	v4 =	vld [tilespmem:s4+$0xFFFFFFF0];
	[tilespmem:s4+$0xFFFFFF70] =	vst v6  }
0x1ec: {  	[tilespmem:s4+$0xFFFFFF50] =	vst v5;
	v6 =	vld [tilespmem:s4+$0xFFFFFFC0]  }
0x1ed: {  	s8 =	simm.s32 $0x6D70;
	s7 =	simm.s32 $0x2;
	v5 =	vld.idx.msk [tilespmem:v8+s30+$0x0], $0xffff  }
.LBB2_19:
0x1ee: {  	p1 =	slt.u32 s7, $0x2E  }
0x1ef: {  	v7 =	vld [tilespmem:s4+$0xFFFFFFB0];
	s8 =	sadd.s32 $0x100, s8;
	s12 =	smov.u32 s7;
	s7 =	sadd.s32 $0x2, s7  }
0x1f0: {  	v8 =	vld [tilespmem:s4+$0xFFFFFFD0]  }
0x1f1: {  	v9 =	vld [tilespmem:s4+$0xFFFFFFE0]  }
0x1f2: {  	v10 =	vld [tilespmem:s4+$0x0];
	_ =	sdelay $0x1  }
0x1f3: {  	v2 =	vmul.f32 v2, v5;
	v3 =	vmul.f32 v3, v5  }
0x1f4: {  	v6 =	vmul.f32 v6, v5;
	v7 =	vmul.f32 v7, v5  }
0x1f5: {  	v11 =	vmov s12;
	v8 =	vmul.f32 v8, v5;
	[tilespmem:s4+$0xFFFFFF90] =	vst v2;
	v9 =	vmul.f32 v9, v5  }
0x1f6: {  	v11 =	vand.u32 $0xFFFFFFFE, v11;
	v4 =	vmul.f32 v4, v5;
	v2 =	vld [tilespmem:s8+$0xFFFFFF90];
	[tilespmem:s4+$0xFFFFFFC0] =	vst v6;
	v5 =	vmul.f32 v10, v5  }
0x1f7: {  	v6 =	vbroadcast v11, $0x0;
	[tilespmem:s4+$0xFFFFFFA0] =	vst v3  }
0x1f8: {  	[tilespmem:s4+$0x0] =	vst v5  }
0x1f9: {  	v5 =	vld [tilespmem:s8+$0xFFFFFF60];
	[tilespmem:s4+$0xFFFFFFB0] =	vst v7  }
0x1fa: {  	v7 =	vld [tilespmem:s8+$0xFFFFFF40];
	[tilespmem:s4+$0xFFFFFFF0] =	vst v4  }
0x1fb: {  	v4 =	vld [tilespmem:s8+$0xFFFFFF70];
	[tilespmem:s4+$0xFFFFFFD0] =	vst v8  }
0x1fc: {  	v8 =	vld [tilespmem:s8+$0xFFFFFF80];
	[tilespmem:s4+$0xFFFFFFE0] =	vst v9;
	s4 =	smov.u32 s8  }
0x1fd: {  	v6 =	vld.idx.msk [tilespmem:v6+s30+$0x0], $0xffff  }
0x1fe: {  	v9 =	vld [tilespmem:s8+$0xFFFFFF10]  }
0x1ff: {  	v10 =	vld [tilespmem:s8+$0xFFFFFF30]  }
0x200: {  	v11 =	vld [tilespmem:s8+$0xFFFFFF20]  }
0x201: {  	v12 =	vld [tilespmem:s8+$0xFFFFFF50]  }
0x202: {  	v3 =	vld [tilespmem:s8+$0xFFFFFFA0]  }
0x203: {  	v8 =	vmul.f32 v8, v6;
	v9 =	vmul.f32 v9, v6  }
0x204: {  	v4 =	vmul.f32 v4, v6;
	v10 =	vmul.f32 v10, v6  }
0x205: {  	v7 =	vmul.f32 v7, v6;
	v11 =	vmul.f32 v11, v6;
	[tilespmem:s8+$0xFFFFFF80] =	vst v8  }
0x206: {  	v5 =	vmul.f32 v5, v6;
	[tilespmem:s8+$0xFFFFFF10] =	vst v9;
	v8 =	vmul.f32 v12, v6  }
0x207: {  	s12 =	sadd.s32 $0x1, s12;
	[tilespmem:s8+$0xFFFFFF30] =	vst v10  }
0x208: {  	[tilespmem:s8+$0xFFFFFF40] =	vst v7;
	v7 =	vmov s12  }
.Ltmp6:
0x209: {  	[tilespmem:s8+$0xFFFFFF60] =	vst v5;
	(pc) =	sbr.rel @p1 .LBB2_19-.Ltmp6, $4  }
0x20a: {  	[tilespmem:s8+$0xFFFFFF20] =	vst v11  }
0x20b: {  	[tilespmem:s8+$0xFFFFFF70] =	vst v4;
	v4 =	vld [tilespmem:s8+$0xFFFFFFF0]  }
0x20c: {  	[tilespmem:s8+$0xFFFFFF50] =	vst v8;
	v6 =	vld [tilespmem:s8+$0xFFFFFFC0]  }
0x20d: {  	v5 =	vld.idx.msk [tilespmem:v7+s30+$0x0], $0xffff  }
0x20e: {  	_ =	sdelay $0x1  }
0x20f: {  	v7 =	vld [tilespmem:s4+$0x0]  }
0x210: {  	v8 =	vld [tilespmem:s4+$0xFFFFFFB0]  }
0x211: {  	v2 =	vmul.f32 v2, v5  }
0x212: {  	v10 =	vld [tilespmem:s4+$0xFFFFFFE0];
	v6 =	vmul.f32 v6, v5  }
0x213: {  	v9 =	vld [tilespmem:s4+$0xFFFFFFD0];
	v3 =	vmul.f32 v3, v5;
	[tilespmem:s4+$0xFFFFFF90] =	vst v2  }
0x214: {  	[tilespmem:s4+$0xFFFFFFC0] =	vst v6;
	v2 =	vmul.f32 v7, v5  }
0x215: {  	v6 =	vmul.f32 v8, v5;
	[tilespmem:s4+$0xFFFFFFA0] =	vst v3  }
0x216: {  	v3 =	vmul.f32 v4, v5;
	[tilespmem:s4+$0x0] =	vst v2  }
0x217: {  	v4 =	vmul.f32 v10, v5;
	[tilespmem:s4+$0xFFFFFFB0] =	vst v6  }
0x218: {  	v2 =	vmul.f32 v9, v5;
	[tilespmem:s4+$0xFFFFFFF0] =	vst v3  }
0x219: {  	p1 =	seq.s32 s5, $0x48;
	[tilespmem:s4+$0xFFFFFFE0] =	vst v4  }
0x21a: {  	[tilespmem:s4+$0xFFFFFFD0] =	vst v2;
	s4 =	simm.s32 @p1 $0x6  }
0x21b: {  	[spmem:s17] =	stream.indirect.scatter.add.f32 [tilespmem:s28], [sflag:$0x8], $0x80, s2, s24, $0xb8;
	v63 =	vld [tilespmem:$0x0]  }
0x21c: {  	_ =	swait.ge @p1 [sflag:s4], $0x1800  }
0x21d: {  	s7 =	sld [smem:$0x7F2];
	_ =	sdelay $0x2  }
0x21e: {  	[sflag:s4] =	ssyncset.done @p1 $0x0;
	s7 =	sadd.s32 @!p1 s9, s7  }
0x21f: {  	[sflag:s4] =	ssyncadd.s32 @p1 $0xFFFFE800;
	s4 =	sshrl.u32 @!p1 s7, $0x3  }
0x220: {  	s8 =	simm.s32 @!p1 $0x4F00;
	s7 =	simm.s32 @!p1 $0x0;
	s4 =	sadd.s32 @!p1 s21, s4  }
0x221: {  	[tilespmem:s8], [sflag:$0x1] =	stream.linear.gather @!p1 [hbm4b:s4+s7], $0x30, $0x38;
	v63 =	vld [tilespmem:$0x0]  }
0x222: {  	s12 =	simm.s32 @!p1 $0x4F80;
	s4 =	sadd.s32 @!p1 $0x9C60, s4  }
0x223: {  	[tilespmem:s12], [sflag:$0x1] =	stream.linear.gather @!p1 [hbm4b:s4+s7], $0x30, $0x38;
	v63 =	vld [tilespmem:$0x0]  }
0x224: {  	s4 =	simm.s32 @!p1 $0x6  }
0x225: {  	_ =	swait.ge @!p1 [sflag:s4], $0x1800  }
0x226: {  	[sflag:s4] =	ssyncset.done @!p1 $0x0  }
0x227: {  	[sflag:s4] =	ssyncadd.s32 @!p1 $0xFFFFE800;
	s4 =	simm.s32 @!p1 $0x7  }
0x228: {  	_ =	swait.ge @!p1 [sflag:s4], $0x1800  }
0x229: {  	[sflag:s4] =	ssyncset.done @!p1 $0x0  }
0x22a: {  	[sflag:s4] =	ssyncadd.s32 @!p1 $0xFFFFE800;
	s4 =	simm.s32 @!p1 $0x1  }
0x22b: {  	_ =	swait.ge @!p1 [sflag:s4], $0x30  }
0x22c: {  	[sflag:s4] =	ssyncset.done @!p1 $0x0  }
0x22d: {  	[sflag:s4] =	ssyncadd.s32 @!p1 $0xFFFFFFD0  }
0x22e: {  	_ =	swait.ge @!p1 [sflag:s4], $0x30  }
0x22f: {  	[sflag:s4] =	ssyncset.done @!p1 $0x0  }
0x230: {  	s7 =	simm.s32 @!p1 $0x5480;
	[sflag:s4] =	ssyncadd.s32 @!p1 $0xFFFFFFD0;
	s4 =	simm.s32 @!p1 $0x30  }
0x231: {  	[tilespmem:s7], [sflag:$0x4] =	stream.indirect.gather @!p1 [hbm4b:s16+s4], $0x80, s8, s4, $0xb8;
	v63 =	vld [tilespmem:$0x0]  }
0x232: {  	v2 =	vld [tilespmem:$0x5100]  }
0x233: {  	v3 =	vld [tilespmem:$0x5180];
	_ =	sdelay $0x5  }
0x234: {  	s4 =	simm.s32 $0x0  }
0x235: {  	v4 =	vld.idx.msk [tilespmem:v2+s4+$0x0], $0xffff  }
0x236: {  	v5 =	vld.idx.msk [tilespmem:v3+s4+$0x0], $0xffff;
	_ =	sdelay $0x4  }
0x237: {  	v2 =	vld.idx.msk [tilespmem:v2+s19+$0x0], $0xffff;
	v4 =	vsub.f32 v4, v5;
	_ =	sdelay $0x1  }
0x238: {  	v4 =	vand.u32 $0x7FFFFFFF, v4  }
0x239: {  	v4 =	vsub.f32 $0.0e+00, v4;
	_ =	sdelay $0x1  }
0x23a: {  	v2 =	vmul.f32 v4, v2;
	_ =	sdelay $0x1  }
0x23b: {  	v2 =	vmul.f32 v2, v0;
	_ =	sdelay $0x1  }
0x23c: {  	v2 =	vmul.f32 $1.442695020e+00, v2;
	_ =	sdelay $0x1  }
0x23d: {  	(erf) = vpow2.f32 v2;
	_ =	sdelay $0x8  }
0x23e: {  	v2 =	vpop (erf)  }
0x23f: {  	v2 =	vmul.f32 $1.442695020e+00, v2;
	_ =	sdelay $0x1  }
0x240: {  	(erf) = vpow2.f32 v2;
	_ =	sdelay $0x5  }
0x241: {  	s8 =	smul.u32 $0x30, s14;
	_ =	sdelay $0x1  }
0x242: {  	s7 =	sadd.s32 s6, s8  }
0x243: {  	p2 =	slt.u32 s7, $0x4E200;
	v2 =	vpop (erf)  }
0x244: {  	[tilespmem:$0x5380] =	vst v3;
	v2 =	vpsel !p2, $0x0, v2  }
0x245: {  	[tilespmem:$0x5200] =	vst v2  }
0x246: {  	[tilespmem:v3+s29+$0x0] =	vst.idx.add.f32.msk $0xffff, v2  }
0x247: {  	v2 =	vld [tilespmem:$0x5110]  }
0x248: {  	v3 =	vld [tilespmem:$0x5190];
	_ =	sdelay $0x6  }
0x249: {  	v4 =	vld.idx.msk [tilespmem:v2+s4+$0x0], $0xffff  }
0x24a: {  	v5 =	vld.idx.msk [tilespmem:v3+s4+$0x0], $0xffff;
	_ =	sdelay $0x4  }
0x24b: {  	v2 =	vld.idx.msk [tilespmem:v2+s19+$0x0], $0xffff;
	v4 =	vsub.f32 v4, v5;
	_ =	sdelay $0x1  }
0x24c: {  	v4 =	vand.u32 $0x7FFFFFFF, v4  }
0x24d: {  	v4 =	vsub.f32 $0.0e+00, v4;
	_ =	sdelay $0x1  }
0x24e: {  	v2 =	vmul.f32 v4, v2;
	_ =	sdelay $0x1  }
0x24f: {  	v2 =	vmul.f32 v2, v0;
	_ =	sdelay $0x1  }
0x250: {  	v2 =	vmul.f32 $1.442695020e+00, v2;
	_ =	sdelay $0x1  }
0x251: {  	(erf) = vpow2.f32 v2;
	_ =	sdelay $0x8  }
0x252: {  	v2 =	vpop (erf)  }
0x253: {  	v2 =	vmul.f32 $1.442695020e+00, v2;
	_ =	sdelay $0x1  }
0x254: {  	(erf) = vpow2.f32 v2;
	_ =	sdelay $0x7  }
0x255: {  	s12 =	sadd.s32 $0x10, s7  }
0x256: {  	p5 =	slt.u32 s12, $0x4E200;
	v2 =	vpop (erf)  }
0x257: {  	[tilespmem:$0x5390] =	vst v3;
	v2 =	vpsel !p5, $0x0, v2  }
0x258: {  	[tilespmem:$0x5210] =	vst v2  }
0x259: {  	[tilespmem:v3+s29+$0x0] =	vst.idx.add.f32.msk $0xffff, v2  }
0x25a: {  	v2 =	vld [tilespmem:$0x5120]  }
0x25b: {  	v3 =	vld [tilespmem:$0x51A0];
	_ =	sdelay $0x6  }
0x25c: {  	v4 =	vld.idx.msk [tilespmem:v2+s4+$0x0], $0xffff  }
0x25d: {  	v5 =	vld.idx.msk [tilespmem:v3+s4+$0x0], $0xffff;
	_ =	sdelay $0x4  }
0x25e: {  	v2 =	vld.idx.msk [tilespmem:v2+s19+$0x0], $0xffff;
	v4 =	vsub.f32 v4, v5;
	_ =	sdelay $0x1  }
0x25f: {  	v4 =	vand.u32 $0x7FFFFFFF, v4  }
0x260: {  	v4 =	vsub.f32 $0.0e+00, v4;
	_ =	sdelay $0x1  }
0x261: {  	v2 =	vmul.f32 v4, v2;
	_ =	sdelay $0x1  }
0x262: {  	v2 =	vmul.f32 v2, v0;
	_ =	sdelay $0x1  }
0x263: {  	v2 =	vmul.f32 $1.442695020e+00, v2;
	_ =	sdelay $0x1  }
0x264: {  	(erf) = vpow2.f32 v2;
	_ =	sdelay $0x8  }
0x265: {  	v2 =	vpop (erf)  }
0x266: {  	v2 =	vmul.f32 $1.442695020e+00, v2;
	_ =	sdelay $0x1  }
0x267: {  	(erf) = vpow2.f32 v2;
	_ =	sdelay $0x5  }
0x268: {  	v4 =	vmov s4  }
0x269: {  	v4 =	vand.u32 $0xFFFFFFFE, v4  }
0x26a: {  	s7 =	sadd.s32 $0x20, s7;
	v4 =	vbroadcast v4, $0x0  }
0x26b: {  	p6 =	slt.u32 s7, $0x4E200;
	v2 =	vpop (erf)  }
0x26c: {  	[tilespmem:$0x53A0] =	vst v3;
	v2 =	vpsel !p6, $0x0, v2  }
0x26d: {  	[tilespmem:$0x5220] =	vst v2  }
0x26e: {  	s4 =	simm.s32 $0x8570;
	[tilespmem:v3+s29+$0x0] =	vst.idx.add.f32.msk $0xffff, v2  }
0x26f: {  	v3 =	vld [tilespmem:s4+$0xFFFFFF80]  }
0x270: {  	v4 =	vld.idx.msk [tilespmem:v4+s30+$0x0], $0xffff  }
0x271: {  	v7 =	vld [tilespmem:s4+$0xFFFFFF10]  }
0x272: {  	v8 =	vld [tilespmem:s4+$0xFFFFFF30]  }
0x273: {  	v6 =	vld [tilespmem:s4+$0xFFFFFF40]  }
0x274: {  	v5 =	vld [tilespmem:s4+$0xFFFFFF60]  }
0x275: {  	v62 =	vld [tilespmem:s4+$0xFFFFFF20];
	v12 =	vmul.f32 v3, v4  }
0x276: {  	v61 =	vld [tilespmem:s4+$0xFFFFFF70];
	v7 =	vmul.f32 v7, v4  }
0x277: {  	v11 =	vld [tilespmem:s4+$0xFFFFFF50];
	v8 =	vmul.f32 v8, v4;
	[tilespmem:s4+$0xFFFFFF80] =	vst v12  }
0x278: {  	v6 =	vmul.f32 v6, v4;
	[tilespmem:s4+$0xFFFFFF10] =	vst v7  }
0x279: {  	s14 =	simm.s32 $0x1;
	v5 =	vmul.f32 v5, v4;
	[tilespmem:s4+$0xFFFFFF30] =	vst v8  }
0x27a: {  	v7 =	vmul.f32 v62, v4;
	[tilespmem:s4+$0xFFFFFF40] =	vst v6;
	v8 =	vmov s14  }
0x27b: {  	v2 =	vld [tilespmem:s4+$0xFFFFFF90];
	v6 =	vmul.f32 v61, v4;
	[tilespmem:s4+$0xFFFFFF60] =	vst v5  }
0x27c: {  	v3 =	vld [tilespmem:s4+$0xFFFFFFA0];
	v5 =	vmul.f32 v11, v4;
	[tilespmem:s4+$0xFFFFFF20] =	vst v7  }
0x27d: {  	v4 =	vld [tilespmem:s4+$0xFFFFFFF0];
	[tilespmem:s4+$0xFFFFFF70] =	vst v6  }
0x27e: {  	[tilespmem:s4+$0xFFFFFF50] =	vst v5;
	v6 =	vld [tilespmem:s4+$0xFFFFFFC0]  }
0x27f: {  	s8 =	simm.s32 $0x8570;
	s7 =	simm.s32 $0x2;
	v5 =	vld.idx.msk [tilespmem:v8+s30+$0x0], $0xffff  }
.LBB2_21:
0x280: {  	p2 =	slt.u32 s7, $0x2E  }
0x281: {  	v7 =	vld [tilespmem:s4+$0xFFFFFFB0];
	s8 =	sadd.s32 $0x100, s8;
	s12 =	smov.u32 s7;
	s7 =	sadd.s32 $0x2, s7  }
0x282: {  	v8 =	vld [tilespmem:s4+$0xFFFFFFD0]  }
0x283: {  	v9 =	vld [tilespmem:s4+$0xFFFFFFE0]  }
0x284: {  	v10 =	vld [tilespmem:s4+$0x0];
	_ =	sdelay $0x1  }
0x285: {  	v2 =	vmul.f32 v2, v5;
	v3 =	vmul.f32 v3, v5  }
0x286: {  	v6 =	vmul.f32 v6, v5;
	v7 =	vmul.f32 v7, v5  }
0x287: {  	v11 =	vmov s12;
	v8 =	vmul.f32 v8, v5;
	[tilespmem:s4+$0xFFFFFF90] =	vst v2;
	v9 =	vmul.f32 v9, v5  }
0x288: {  	v11 =	vand.u32 $0xFFFFFFFE, v11;
	v4 =	vmul.f32 v4, v5;
	v2 =	vld [tilespmem:s8+$0xFFFFFF90];
	[tilespmem:s4+$0xFFFFFFC0] =	vst v6;
	v5 =	vmul.f32 v10, v5  }
0x289: {  	v6 =	vbroadcast v11, $0x0;
	[tilespmem:s4+$0xFFFFFFA0] =	vst v3  }
0x28a: {  	[tilespmem:s4+$0x0] =	vst v5  }
0x28b: {  	v5 =	vld [tilespmem:s8+$0xFFFFFF60];
	[tilespmem:s4+$0xFFFFFFB0] =	vst v7  }
0x28c: {  	v7 =	vld [tilespmem:s8+$0xFFFFFF40];
	[tilespmem:s4+$0xFFFFFFF0] =	vst v4  }
0x28d: {  	v4 =	vld [tilespmem:s8+$0xFFFFFF70];
	[tilespmem:s4+$0xFFFFFFD0] =	vst v8  }
0x28e: {  	v8 =	vld [tilespmem:s8+$0xFFFFFF80];
	[tilespmem:s4+$0xFFFFFFE0] =	vst v9;
	s4 =	smov.u32 s8  }
0x28f: {  	v6 =	vld.idx.msk [tilespmem:v6+s30+$0x0], $0xffff  }
0x290: {  	v9 =	vld [tilespmem:s8+$0xFFFFFF10]  }
0x291: {  	v10 =	vld [tilespmem:s8+$0xFFFFFF30]  }
0x292: {  	v11 =	vld [tilespmem:s8+$0xFFFFFF20]  }
0x293: {  	v12 =	vld [tilespmem:s8+$0xFFFFFF50]  }
0x294: {  	v3 =	vld [tilespmem:s8+$0xFFFFFFA0]  }
0x295: {  	v8 =	vmul.f32 v8, v6;
	v9 =	vmul.f32 v9, v6  }
0x296: {  	v4 =	vmul.f32 v4, v6;
	v10 =	vmul.f32 v10, v6  }
0x297: {  	v7 =	vmul.f32 v7, v6;
	v11 =	vmul.f32 v11, v6;
	[tilespmem:s8+$0xFFFFFF80] =	vst v8  }
0x298: {  	v5 =	vmul.f32 v5, v6;
	[tilespmem:s8+$0xFFFFFF10] =	vst v9;
	v8 =	vmul.f32 v12, v6  }
0x299: {  	s12 =	sadd.s32 $0x1, s12;
	[tilespmem:s8+$0xFFFFFF30] =	vst v10  }
0x29a: {  	[tilespmem:s8+$0xFFFFFF40] =	vst v7;
	v7 =	vmov s12  }
.Ltmp7:
0x29b: {  	[tilespmem:s8+$0xFFFFFF60] =	vst v5;
	(pc) =	sbr.rel @p2 .LBB2_21-.Ltmp7, $4  }
0x29c: {  	[tilespmem:s8+$0xFFFFFF20] =	vst v11  }
0x29d: {  	[tilespmem:s8+$0xFFFFFF70] =	vst v4;
	v4 =	vld [tilespmem:s8+$0xFFFFFFF0]  }
0x29e: {  	[tilespmem:s8+$0xFFFFFF50] =	vst v8;
	v6 =	vld [tilespmem:s8+$0xFFFFFFC0]  }
0x29f: {  	v5 =	vld.idx.msk [tilespmem:v7+s30+$0x0], $0xffff  }
0x2a0: {  	_ =	sdelay $0x1  }
0x2a1: {  	v8 =	vld [tilespmem:s4+$0xFFFFFFB0]  }
0x2a2: {  	v10 =	vld [tilespmem:s4+$0xFFFFFFE0]  }
0x2a3: {  	v7 =	vld [tilespmem:s4+$0x0];
	v2 =	vmul.f32 v2, v5  }
0x2a4: {  	v6 =	vmul.f32 v6, v5  }
0x2a5: {  	v9 =	vld [tilespmem:s4+$0xFFFFFFD0];
	v3 =	vmul.f32 v3, v5;
	[tilespmem:s4+$0xFFFFFF90] =	vst v2  }
0x2a6: {  	v61 =	vmul.f32 v8, v5;
	[tilespmem:s4+$0xFFFFFFC0] =	vst v6  }
0x2a7: {  	v62 =	vmul.f32 v10, v5;
	[tilespmem:s4+$0xFFFFFFA0] =	vst v3  }
0x2a8: {  	v2 =	vmul.f32 v7, v5;
	[tilespmem:s4+$0xFFFFFFB0] =	vst v61  }
.Ltmp8:
0x2a9: {  	v3 =	vmul.f32 v4, v5;
	[tilespmem:s4+$0xFFFFFFE0] =	vst v62;
	(pc) =	sbr.rel @p1 .LBB2_24-.Ltmp8, $4  }
0x2aa: {  	[tilespmem:s4+$0x0] =	vst v2;
	v2 =	vmul.f32 v9, v5  }
0x2ab: {  	[tilespmem:s4+$0xFFFFFFF0] =	vst v3  }
0x2ac: {  	[tilespmem:s4+$0xFFFFFFD0] =	vst v2  }
0x2ad: {  	[spmem:s17] =	stream.indirect.scatter.add.f32 [tilespmem:s0], [sflag:$0x9], $0x80, s3, s24, $0xb8;
	v63 =	vld [tilespmem:$0x0]  }
0x2ae: {  	s4 =	sld [smem:$0x7F3];
	_ =	sdelay $0x2  }
0x2af: {  	s4 =	sadd.s32 s9, s4  }
.Ltmp9:
0x2b0: {  	s4 =	sshrl.u32 s4, $0x3;
	(pc) =	sbr.rel .LBB2_16-.Ltmp9, $4  }
0x2b1: {  	s4 =	sadd.s32 s21, s4  }
0x2b2: {  	[tilespmem:s10], [sflag:$0x2] =	stream.linear.gather [hbm4b:s4+s1], $0x30, $0x38;
	v63 =	vld [tilespmem:$0x0]  }
0x2b3: {  	s5 =	sadd.s32 $0x1, s5;
	s4 =	sadd.s32 $0x9C60, s4  }
0x2b4: {  	[tilespmem:s11], [sflag:$0x2] =	stream.linear.gather [hbm4b:s4+s1], $0x30, $0x38;
	v63 =	vld [tilespmem:$0x0]  }
.LBB2_6:
0x2b5: {  	s4 =	sld [smem:$0x7F9];
	_ =	sdelay $0x1  }
0x2b6: {  	s5 =	simm.s32 $0x4F00;
	s12 =	sld [smem:$0x7F6]  }
0x2b7: {  	[tilespmem:s5], [sflag:$0x1] =	stream.linear.gather [hbm4b:s4+s23], $0x30, $0x38;
	v63 =	vld [tilespmem:$0x0]  }
0x2b8: {  	s7 =	simm.s32 $0x4F80;
	s14 =	sld [smem:$0x7EA]  }
0x2b9: {  	[tilespmem:s7], [sflag:$0x1] =	stream.linear.gather [hbm4b:s12+s23], $0x30, $0x38;
	v63 =	vld [tilespmem:$0x0]  }
0x2ba: {  	s7 =	sld [smem:$0x7F7]  }
0x2bb: {  	[tilespmem:s10], [sflag:$0x2] =	stream.linear.gather [hbm4b:s14+s23], $0x30, $0x38;
	v63 =	vld [tilespmem:$0x0]  }
0x2bc: {  	s8 =	sld [smem:$0x7F8]  }
0x2bd: {  	[tilespmem:s11], [sflag:$0x2] =	stream.linear.gather [hbm4b:s7+s23], $0x30, $0x38;
	v63 =	vld [tilespmem:$0x0]  }
0x2be: {  	s9 =	sld [smem:$0x7FA]  }
0x2bf: {  	[tilespmem:s22], [sflag:$0x3] =	stream.linear.gather [hbm4b:s8+s23], $0x30, $0x38;
	v63 =	vld [tilespmem:$0x0]  }
0x2c0: {  	s12 =	simm.s32 $0x5180;
	s14 =	simm.s32 $0x1  }
0x2c1: {  	[tilespmem:s12], [sflag:$0x3] =	stream.linear.gather [hbm4b:s9+s23], $0x30, $0x38;
	v63 =	vld [tilespmem:$0x0]  }
0x2c2: {  	_ =	swait.ge [sflag:s14], $0x30  }
0x2c3: {  	[sflag:s14] =	ssyncset.done $0x0  }
0x2c4: {  	[sflag:s14] =	ssyncadd.s32 $0xFFFFFFD0  }
0x2c5: {  	_ =	swait.ge [sflag:s14], $0x30  }
0x2c6: {  	[sflag:s14] =	ssyncset.done $0x0  }
0x2c7: {  	[sflag:s14] =	ssyncadd.s32 $0xFFFFFFD0  }
0x2c8: {  	[tilespmem:s20], [sflag:$0x4] =	stream.indirect.gather [hbm4b:s16+s24], $0x80, s5, s24, $0xb8;
	v63 =	vld [tilespmem:$0x0]  }
0x2c9: {  	s5 =	simm.s32 $0x0  }
.LBB2_7:
0x2ca: {  	_ =	swait.ge [sflag:s25], $0x1800  }
0x2cb: {  	p1 =	seq.s32 s5, $0x0;
	[sflag:s25] =	ssyncset.done $0x0  }
0x2cc: {  	s4 =	simm.s32 @!p1 $0x8;
	[sflag:s25] =	ssyncadd.s32 $0xFFFFE800  }
0x2cd: {  	_ =	swait.ge @!p1 [sflag:s4], $0x1800  }
0x2ce: {  	[sflag:s4] =	ssyncset.done @!p1 $0x0  }
0x2cf: {  	[sflag:s4] =	ssyncadd.s32 @!p1 $0xFFFFE800  }
0x2d0: {  	_ =	swait.ge [sflag:s26], $0x30  }
0x2d1: {  	[sflag:s26] =	ssyncset.done $0x0  }
0x2d2: {  	[sflag:s26] =	ssyncadd.s32 $0xFFFFFFD0  }
0x2d3: {  	_ =	swait.ge [sflag:s26], $0x30  }
0x2d4: {  	[sflag:s26] =	ssyncset.done $0x0  }
0x2d5: {  	[sflag:s26] =	ssyncadd.s32 $0xFFFFFFD0  }
0x2d6: {  	[tilespmem:s28], [sflag:$0x5] =	stream.indirect.gather [hbm4b:s16+s24], $0x80, s10, s24, $0xb8;
	v63 =	vld [tilespmem:$0x0]  }
0x2d7: {  	v2 =	vld [tilespmem:$0x4F00]  }
0x2d8: {  	v3 =	vld [tilespmem:$0x4F80];
	_ =	sdelay $0x6  }
0x2d9: {  	v4 =	vld.idx.msk [tilespmem:v2+s23+$0x0], $0xffff  }
0x2da: {  	v5 =	vld.idx.msk [tilespmem:v3+s23+$0x0], $0xffff;
	_ =	sdelay $0x4  }
0x2db: {  	v2 =	vld.idx.msk [tilespmem:v2+s19+$0x0], $0xffff;
	v4 =	vsub.f32 v4, v5;
	_ =	sdelay $0x1  }
0x2dc: {  	v4 =	vand.u32 $0x7FFFFFFF, v4  }
0x2dd: {  	v4 =	vsub.f32 $0.0e+00, v4;
	_ =	sdelay $0x1  }
0x2de: {  	v2 =	vmul.f32 v4, v2;
	_ =	sdelay $0x1  }
0x2df: {  	v2 =	vmul.f32 v2, v0;
	_ =	sdelay $0x1  }
0x2e0: {  	v2 =	vmul.f32 $1.442695020e+00, v2;
	_ =	sdelay $0x1  }
0x2e1: {  	(erf) = vpow2.f32 v2;
	_ =	sdelay $0x8  }
0x2e2: {  	v2 =	vpop (erf)  }
0x2e3: {  	v2 =	vmul.f32 $1.442695020e+00, v2;
	_ =	sdelay $0x1  }
0x2e4: {  	(erf) = vpow2.f32 v2;
	_ =	sdelay $0x5  }
0x2e5: {  	s9 =	smul.u32 $0x90, s5;
	_ =	sdelay $0x1  }
0x2e6: {  	s12 =	sadd.s32 s13, s9  }
0x2e7: {  	p2 =	slt.u32 s12, $0x4E200;
	v2 =	vpop (erf)  }
0x2e8: {  	[tilespmem:$0x5280] =	vst v3;
	v2 =	vpsel !p2, $0x0, v2  }
0x2e9: {  	[tilespmem:$0x5200] =	vst v2  }
0x2ea: {  	[tilespmem:v3+s29+$0x0] =	vst.idx.add.f32.msk $0xffff, v2  }
0x2eb: {  	v2 =	vld [tilespmem:$0x4F10]  }
0x2ec: {  	v3 =	vld [tilespmem:$0x4F90];
	_ =	sdelay $0x6  }
0x2ed: {  	v4 =	vld.idx.msk [tilespmem:v2+s23+$0x0], $0xffff  }
0x2ee: {  	v5 =	vld.idx.msk [tilespmem:v3+s23+$0x0], $0xffff;
	_ =	sdelay $0x4  }
0x2ef: {  	v2 =	vld.idx.msk [tilespmem:v2+s19+$0x0], $0xffff;
	v4 =	vsub.f32 v4, v5;
	_ =	sdelay $0x1  }
0x2f0: {  	v4 =	vand.u32 $0x7FFFFFFF, v4  }
0x2f1: {  	v4 =	vsub.f32 $0.0e+00, v4;
	_ =	sdelay $0x1  }
0x2f2: {  	v2 =	vmul.f32 v4, v2;
	_ =	sdelay $0x1  }
0x2f3: {  	v2 =	vmul.f32 v2, v0;
	_ =	sdelay $0x1  }
0x2f4: {  	v2 =	vmul.f32 $1.442695020e+00, v2;
	_ =	sdelay $0x1  }
0x2f5: {  	(erf) = vpow2.f32 v2;
	_ =	sdelay $0x8  }
0x2f6: {  	v2 =	vpop (erf)  }
0x2f7: {  	v2 =	vmul.f32 $1.442695020e+00, v2;
	_ =	sdelay $0x1  }
0x2f8: {  	(erf) = vpow2.f32 v2;
	_ =	sdelay $0x7  }
0x2f9: {  	s7 =	sadd.s32 $0x10, s12  }
0x2fa: {  	p5 =	slt.u32 s7, $0x4E200;
	v2 =	vpop (erf)  }
0x2fb: {  	[tilespmem:$0x5290] =	vst v3;
	v2 =	vpsel !p5, $0x0, v2  }
0x2fc: {  	[tilespmem:$0x5210] =	vst v2  }
0x2fd: {  	[tilespmem:v3+s29+$0x0] =	vst.idx.add.f32.msk $0xffff, v2  }
0x2fe: {  	v2 =	vld [tilespmem:$0x4F20]  }
0x2ff: {  	v3 =	vld [tilespmem:$0x4FA0];
	_ =	sdelay $0x6  }
0x300: {  	v4 =	vld.idx.msk [tilespmem:v2+s23+$0x0], $0xffff  }
0x301: {  	v5 =	vld.idx.msk [tilespmem:v3+s23+$0x0], $0xffff;
	_ =	sdelay $0x4  }
0x302: {  	v2 =	vld.idx.msk [tilespmem:v2+s19+$0x0], $0xffff;
	v4 =	vsub.f32 v4, v5;
	_ =	sdelay $0x1  }
0x303: {  	v4 =	vand.u32 $0x7FFFFFFF, v4  }
0x304: {  	v4 =	vsub.f32 $0.0e+00, v4;
	_ =	sdelay $0x1  }
0x305: {  	v2 =	vmul.f32 v4, v2;
	_ =	sdelay $0x1  }
0x306: {  	v2 =	vmul.f32 v2, v0;
	_ =	sdelay $0x1  }
0x307: {  	v2 =	vmul.f32 $1.442695020e+00, v2;
	_ =	sdelay $0x1  }
0x308: {  	(erf) = vpow2.f32 v2;
	_ =	sdelay $0x8  }
0x309: {  	v2 =	vpop (erf)  }
0x30a: {  	v2 =	vmul.f32 $1.442695020e+00, v2;
	_ =	sdelay $0x1  }
0x30b: {  	(erf) = vpow2.f32 v2;
	_ =	sdelay $0x5  }
0x30c: {  	v4 =	vmov s23  }
0x30d: {  	v4 =	vand.u32 $0xFFFFFFFE, v4  }
0x30e: {  	s4 =	sadd.s32 $0x20, s12;
	v4 =	vbroadcast v4, $0x0  }
0x30f: {  	p6 =	slt.u32 s4, $0x4E200;
	v2 =	vpop (erf)  }
0x310: {  	[tilespmem:$0x52A0] =	vst v3;
	v2 =	vpsel !p6, $0x0, v2  }
0x311: {  	[tilespmem:$0x5220] =	vst v2  }
0x312: {  	s4 =	simm.s32 $0x5500;
	[tilespmem:v3+s29+$0x0] =	vst.idx.add.f32.msk $0xffff, v2  }
0x313: {  	v3 =	vld [tilespmem:s4+$0xFFFFFFF0]  }
0x314: {  	v4 =	vld.idx.msk [tilespmem:v4+s30+$0x0], $0xffff  }
0x315: {  	v7 =	vld [tilespmem:s4+$0xFFFFFF80]  }
0x316: {  	v8 =	vld [tilespmem:s4+$0xFFFFFFA0]  }
0x317: {  	v6 =	vld [tilespmem:s4+$0xFFFFFFB0]  }
0x318: {  	v5 =	vld [tilespmem:s4+$0xFFFFFFD0]  }
0x319: {  	v10 =	vld [tilespmem:s4+$0xFFFFFF90];
	v12 =	vmul.f32 v3, v4  }
0x31a: {  	v9 =	vld [tilespmem:s4+$0xFFFFFFE0];
	v7 =	vmul.f32 v7, v4  }
0x31b: {  	v11 =	vld [tilespmem:s4+$0xFFFFFFC0];
	v8 =	vmul.f32 v8, v4;
	[tilespmem:s4+$0xFFFFFFF0] =	vst v12  }
0x31c: {  	v6 =	vmul.f32 v6, v4;
	[tilespmem:s4+$0xFFFFFF80] =	vst v7  }
0x31d: {  	s14 =	simm.s32 $0x1;
	v5 =	vmul.f32 v5, v4;
	[tilespmem:s4+$0xFFFFFFA0] =	vst v8  }
0x31e: {  	v7 =	vmul.f32 v10, v4;
	[tilespmem:s4+$0xFFFFFFB0] =	vst v6;
	v8 =	vmov s14  }
0x31f: {  	v2 =	vld [tilespmem:s4+$0x0];
	v6 =	vmul.f32 v9, v4;
	[tilespmem:s4+$0xFFFFFFD0] =	vst v5  }
0x320: {  	v3 =	vld [tilespmem:s4+$0x10];
	v4 =	vmul.f32 v11, v4;
	[tilespmem:s4+$0xFFFFFF90] =	vst v7  }
0x321: {  	v5 =	vld [tilespmem:s4+$0x70];
	[tilespmem:s4+$0xFFFFFFE0] =	vst v6  }
0x322: {  	v6 =	vld [tilespmem:s4+$0x30];
	[tilespmem:s4+$0xFFFFFFC0] =	vst v4  }
0x323: {  	s8 =	simm.s32 $0x5500;
	s7 =	simm.s32 $0x2;
	s14 =	smul.u32 $0x3, s5;
	v4 =	vld.idx.msk [tilespmem:v8+s30+$0x0], $0xffff  }
.LBB2_8:
0x324: {  	p2 =	slt.u32 s7, $0x2E  }
0x325: {  	v7 =	vld [tilespmem:s4+$0x20];
	s8 =	sadd.s32 $0x100, s8;
	s12 =	smov.u32 s7;
	s7 =	sadd.s32 $0x2, s7  }
0x326: {  	v8 =	vld [tilespmem:s4+$0x40]  }
0x327: {  	v9 =	vld [tilespmem:s4+$0x50]  }
0x328: {  	v10 =	vld [tilespmem:s4+$0x60];
	_ =	sdelay $0x1  }
0x329: {  	v2 =	vmul.f32 v2, v4;
	v3 =	vmul.f32 v3, v4  }
0x32a: {  	v6 =	vmul.f32 v6, v4;
	v7 =	vmul.f32 v7, v4  }
0x32b: {  	v11 =	vmov s12;
	v8 =	vmul.f32 v8, v4;
	[tilespmem:s4+$0x0] =	vst v2;
	v9 =	vmul.f32 v9, v4  }
0x32c: {  	v11 =	vand.u32 $0xFFFFFFFE, v11;
	v2 =	vld [tilespmem:s8+$0x0];
	[tilespmem:s4+$0x30] =	vst v6;
	v6 =	vmul.f32 v10, v4;
	v4 =	vmul.f32 v5, v4  }
0x32d: {  	v5 =	vbroadcast v11, $0x0;
	[tilespmem:s4+$0x10] =	vst v3  }
0x32e: {  	[tilespmem:s4+$0x70] =	vst v4  }
0x32f: {  	v4 =	vld [tilespmem:s8+$0xFFFFFFD0];
	[tilespmem:s4+$0x20] =	vst v7  }
0x330: {  	v7 =	vld [tilespmem:s8+$0xFFFFFFB0];
	[tilespmem:s4+$0x60] =	vst v6  }
0x331: {  	v6 =	vld [tilespmem:s8+$0xFFFFFFE0];
	[tilespmem:s4+$0x40] =	vst v8  }
0x332: {  	v8 =	vld [tilespmem:s8+$0xFFFFFFF0];
	[tilespmem:s4+$0x50] =	vst v9;
	s4 =	smov.u32 s8  }
0x333: {  	v5 =	vld.idx.msk [tilespmem:v5+s30+$0x0], $0xffff  }
0x334: {  	v9 =	vld [tilespmem:s8+$0xFFFFFF80]  }
0x335: {  	v10 =	vld [tilespmem:s8+$0xFFFFFFA0]  }
0x336: {  	v11 =	vld [tilespmem:s8+$0xFFFFFF90]  }
0x337: {  	v12 =	vld [tilespmem:s8+$0xFFFFFFC0]  }
0x338: {  	v3 =	vld [tilespmem:s8+$0x10]  }
0x339: {  	v8 =	vmul.f32 v8, v5;
	v9 =	vmul.f32 v9, v5  }
0x33a: {  	v6 =	vmul.f32 v6, v5;
	v10 =	vmul.f32 v10, v5  }
0x33b: {  	v7 =	vmul.f32 v7, v5;
	v11 =	vmul.f32 v11, v5;
	[tilespmem:s8+$0xFFFFFFF0] =	vst v8  }
0x33c: {  	v4 =	vmul.f32 v4, v5;
	[tilespmem:s8+$0xFFFFFF80] =	vst v9;
	v8 =	vmul.f32 v12, v5  }
0x33d: {  	s12 =	sadd.s32 $0x1, s12;
	[tilespmem:s8+$0xFFFFFFA0] =	vst v10  }
0x33e: {  	[tilespmem:s8+$0xFFFFFFB0] =	vst v7;
	v7 =	vmov s12  }
.Ltmp10:
0x33f: {  	[tilespmem:s8+$0xFFFFFFD0] =	vst v4;
	(pc) =	sbr.rel @p2 .LBB2_8-.Ltmp10, $4  }
0x340: {  	[tilespmem:s8+$0xFFFFFF90] =	vst v11  }
0x341: {  	[tilespmem:s8+$0xFFFFFFE0] =	vst v6;
	v6 =	vld [tilespmem:s8+$0x30]  }
0x342: {  	[tilespmem:s8+$0xFFFFFFC0] =	vst v8;
	v5 =	vld [tilespmem:s8+$0x70]  }
0x343: {  	v4 =	vld.idx.msk [tilespmem:v7+s30+$0x0], $0xffff  }
0x344: {  	_ =	sdelay $0x2  }
0x345: {  	v7 =	vld [tilespmem:s4+$0x20]  }
0x346: {  	v8 =	vld [tilespmem:s4+$0x60];
	v2 =	vmul.f32 v2, v4  }
0x347: {  	v9 =	vld [tilespmem:s4+$0x40];
	v6 =	vmul.f32 v6, v4  }
0x348: {  	v10 =	vld [tilespmem:s4+$0x50];
	v3 =	vmul.f32 v3, v4;
	[tilespmem:s4+$0x0] =	vst v2  }
0x349: {  	[tilespmem:s4+$0x30] =	vst v6;
	v2 =	vmul.f32 v5, v4  }
0x34a: {  	v5 =	vmul.f32 v7, v4;
	[tilespmem:s4+$0x10] =	vst v3  }
0x34b: {  	v3 =	vmul.f32 v8, v4;
	[tilespmem:s4+$0x70] =	vst v2  }
0x34c: {  	v2 =	vmul.f32 v9, v4;
	[tilespmem:s4+$0x20] =	vst v5  }
0x34d: {  	v4 =	vmul.f32 v10, v4;
	[tilespmem:s4+$0x60] =	vst v3  }
0x34e: {  	s14 =	sadd.s32 $0x2, s14;
	[tilespmem:s4+$0x40] =	vst v2  }
0x34f: {  	[tilespmem:s4+$0x50] =	vst v4;
	s4 =	smul.u32 @!p1 $0x30, s14  }
0x350: {  	[spmem:s17] =	stream.indirect.scatter.add.f32 [tilespmem:s20], [sflag:$0x7], $0x80, s31, s24, $0xb8;
	v63 =	vld [tilespmem:$0x0]  }
0x351: {  	s4 =	sadd.s32 @!p1 s13, s4  }
0x352: {  	s4 =	sshrl.u32 @!p1 s4, $0x3  }
0x353: {  	s7 =	simm.s32 @!p1 $0x0;
	s8 =	simm.s32 @!p1 $0x5100;
	s4 =	sadd.s32 @!p1 s21, s4  }
0x354: {  	[tilespmem:s8], [sflag:$0x3] =	stream.linear.gather @!p1 [hbm4b:s4+s7], $0x30, $0x38;
	v63 =	vld [tilespmem:$0x0]  }
0x355: {  	s4 =	sadd.s32 @!p1 $0x9C60, s4;
	s8 =	simm.s32 @!p1 $0x5180  }
0x356: {  	[tilespmem:s8], [sflag:$0x3] =	stream.linear.gather @!p1 [hbm4b:s4+s7], $0x30, $0x38;
	v63 =	vld [tilespmem:$0x0]  }
0x357: {  	s4 =	simm.s32 @!p1 $0x5  }
0x358: {  	_ =	swait.ge @!p1 [sflag:s4], $0x1800  }
0x359: {  	s7 =	simm.s32 @!p1 $0x9;
	[sflag:s4] =	ssyncset.done @!p1 $0x0  }
0x35a: {  	s7 =	simm.s32 @p1 $0x5;
	[sflag:s4] =	ssyncadd.s32 @!p1 $0xFFFFE800  }
0x35b: {  	_ =	swait.ge [sflag:s7], $0x1800  }
0x35c: {  	[sflag:s7] =	ssyncset.done $0x0  }
0x35d: {  	[sflag:s7] =	ssyncadd.s32 $0xFFFFE800  }
0x35e: {  	_ =	swait.ge [sflag:s15], $0x30  }
0x35f: {  	[sflag:s15] =	ssyncset.done $0x0  }
0x360: {  	[sflag:s15] =	ssyncadd.s32 $0xFFFFFFD0  }
0x361: {  	_ =	swait.ge [sflag:s15], $0x30  }
0x362: {  	[sflag:s15] =	ssyncset.done $0x0  }
0x363: {  	[sflag:s15] =	ssyncadd.s32 $0xFFFFFFD0  }
0x364: {  	[tilespmem:s0], [sflag:$0x6] =	stream.indirect.gather [hbm4b:s16+s24], $0x80, s22, s24, $0xb8;
	v63 =	vld [tilespmem:$0x0]  }
0x365: {  	v2 =	vld [tilespmem:$0x5000]  }
0x366: {  	v3 =	vld [tilespmem:$0x5080];
	_ =	sdelay $0x5  }
0x367: {  	s4 =	simm.s32 $0x0  }
0x368: {  	v4 =	vld.idx.msk [tilespmem:v2+s4+$0x0], $0xffff  }
0x369: {  	v5 =	vld.idx.msk [tilespmem:v3+s4+$0x0], $0xffff;
	_ =	sdelay $0x4  }
0x36a: {  	v2 =	vld.idx.msk [tilespmem:v2+s19+$0x0], $0xffff;
	v4 =	vsub.f32 v4, v5;
	_ =	sdelay $0x1  }
0x36b: {  	v4 =	vand.u32 $0x7FFFFFFF, v4  }
0x36c: {  	v4 =	vsub.f32 $0.0e+00, v4;
	_ =	sdelay $0x1  }
0x36d: {  	v2 =	vmul.f32 v4, v2;
	_ =	sdelay $0x1  }
0x36e: {  	v2 =	vmul.f32 v2, v0;
	_ =	sdelay $0x1  }
0x36f: {  	v2 =	vmul.f32 $1.442695020e+00, v2;
	_ =	sdelay $0x1  }
0x370: {  	(erf) = vpow2.f32 v2;
	_ =	sdelay $0x8  }
0x371: {  	v2 =	vpop (erf)  }
0x372: {  	v2 =	vmul.f32 $1.442695020e+00, v2;
	_ =	sdelay $0x1  }
0x373: {  	(erf) = vpow2.f32 v2;
	_ =	sdelay $0x4  }
0x374: {  	s8 =	sld [smem:$0x7E9];
	_ =	sdelay $0x2  }
0x375: {  	s7 =	sadd.s32 s9, s8  }
0x376: {  	p4 =	slt.u32 s7, $0x4E200;
	v2 =	vpop (erf)  }
0x377: {  	[tilespmem:$0x5300] =	vst v3;
	v2 =	vpsel !p4, $0x0, v2  }
0x378: {  	[tilespmem:$0x5200] =	vst v2  }
0x379: {  	[tilespmem:v3+s29+$0x0] =	vst.idx.add.f32.msk $0xffff, v2  }
0x37a: {  	v2 =	vld [tilespmem:$0x5010]  }
0x37b: {  	v3 =	vld [tilespmem:$0x5090];
	_ =	sdelay $0x6  }
0x37c: {  	v4 =	vld.idx.msk [tilespmem:v2+s4+$0x0], $0xffff  }
0x37d: {  	v5 =	vld.idx.msk [tilespmem:v3+s4+$0x0], $0xffff;
	_ =	sdelay $0x4  }
0x37e: {  	v2 =	vld.idx.msk [tilespmem:v2+s19+$0x0], $0xffff;
	v4 =	vsub.f32 v4, v5;
	_ =	sdelay $0x1  }
0x37f: {  	v4 =	vand.u32 $0x7FFFFFFF, v4  }
0x380: {  	v4 =	vsub.f32 $0.0e+00, v4;
	_ =	sdelay $0x1  }
0x381: {  	v2 =	vmul.f32 v4, v2;
	_ =	sdelay $0x1  }
0x382: {  	v2 =	vmul.f32 v2, v0;
	_ =	sdelay $0x1  }
0x383: {  	v2 =	vmul.f32 $1.442695020e+00, v2;
	_ =	sdelay $0x1  }
0x384: {  	(erf) = vpow2.f32 v2;
	_ =	sdelay $0x8  }
0x385: {  	v2 =	vpop (erf)  }
0x386: {  	v2 =	vmul.f32 $1.442695020e+00, v2;
	_ =	sdelay $0x1  }
0x387: {  	(erf) = vpow2.f32 v2;
	_ =	sdelay $0x7  }
0x388: {  	s12 =	sadd.s32 $0x10, s7  }
0x389: {  	p5 =	slt.u32 s12, $0x4E200;
	v2 =	vpop (erf)  }
0x38a: {  	[tilespmem:$0x5310] =	vst v3;
	v2 =	vpsel !p5, $0x0, v2  }
0x38b: {  	[tilespmem:$0x5210] =	vst v2  }
0x38c: {  	[tilespmem:v3+s29+$0x0] =	vst.idx.add.f32.msk $0xffff, v2  }
0x38d: {  	v2 =	vld [tilespmem:$0x5020]  }
0x38e: {  	v3 =	vld [tilespmem:$0x50A0];
	_ =	sdelay $0x6  }
0x38f: {  	v4 =	vld.idx.msk [tilespmem:v2+s4+$0x0], $0xffff  }
0x390: {  	v5 =	vld.idx.msk [tilespmem:v3+s4+$0x0], $0xffff;
	_ =	sdelay $0x4  }
0x391: {  	v2 =	vld.idx.msk [tilespmem:v2+s19+$0x0], $0xffff;
	v4 =	vsub.f32 v4, v5;
	_ =	sdelay $0x1  }
0x392: {  	v4 =	vand.u32 $0x7FFFFFFF, v4  }
0x393: {  	v4 =	vsub.f32 $0.0e+00, v4;
	_ =	sdelay $0x1  }
0x394: {  	v2 =	vmul.f32 v4, v2;
	_ =	sdelay $0x1  }
0x395: {  	v2 =	vmul.f32 v2, v0;
	_ =	sdelay $0x1  }
0x396: {  	v2 =	vmul.f32 $1.442695020e+00, v2;
	_ =	sdelay $0x1  }
0x397: {  	(erf) = vpow2.f32 v2;
	_ =	sdelay $0x8  }
0x398: {  	v2 =	vpop (erf)  }
0x399: {  	v2 =	vmul.f32 $1.442695020e+00, v2;
	_ =	sdelay $0x1  }
0x39a: {  	(erf) = vpow2.f32 v2;
	_ =	sdelay $0x5  }
0x39b: {  	v4 =	vmov s4  }
0x39c: {  	v4 =	vand.u32 $0xFFFFFFFE, v4  }
0x39d: {  	s7 =	sadd.s32 $0x20, s7;
	v4 =	vbroadcast v4, $0x0  }
0x39e: {  	p6 =	slt.u32 s7, $0x4E200;
	v2 =	vpop (erf)  }
0x39f: {  	[tilespmem:$0x5320] =	vst v3;
	v2 =	vpsel !p6, $0x0, v2  }
0x3a0: {  	[tilespmem:$0x5220] =	vst v2  }
0x3a1: {  	s4 =	simm.s32 $0x6D70;
	[tilespmem:v3+s29+$0x0] =	vst.idx.add.f32.msk $0xffff, v2  }
0x3a2: {  	v3 =	vld [tilespmem:s4+$0xFFFFFF80]  }
0x3a3: {  	v4 =	vld.idx.msk [tilespmem:v4+s30+$0x0], $0xffff  }
0x3a4: {  	v7 =	vld [tilespmem:s4+$0xFFFFFF10]  }
0x3a5: {  	v8 =	vld [tilespmem:s4+$0xFFFFFF30]  }
0x3a6: {  	v6 =	vld [tilespmem:s4+$0xFFFFFF40]  }
0x3a7: {  	v5 =	vld [tilespmem:s4+$0xFFFFFF60]  }
0x3a8: {  	v62 =	vld [tilespmem:s4+$0xFFFFFF20];
	v12 =	vmul.f32 v3, v4  }
0x3a9: {  	v61 =	vld [tilespmem:s4+$0xFFFFFF70];
	v7 =	vmul.f32 v7, v4  }
0x3aa: {  	v11 =	vld [tilespmem:s4+$0xFFFFFF50];
	v8 =	vmul.f32 v8, v4;
	[tilespmem:s4+$0xFFFFFF80] =	vst v12  }
0x3ab: {  	v6 =	vmul.f32 v6, v4;
	[tilespmem:s4+$0xFFFFFF10] =	vst v7  }
0x3ac: {  	s12 =	simm.s32 $0x1;
	v5 =	vmul.f32 v5, v4;
	[tilespmem:s4+$0xFFFFFF30] =	vst v8  }
0x3ad: {  	v7 =	vmul.f32 v62, v4;
	[tilespmem:s4+$0xFFFFFF40] =	vst v6;
	v8 =	vmov s12  }
0x3ae: {  	v2 =	vld [tilespmem:s4+$0xFFFFFF90];
	v6 =	vmul.f32 v61, v4;
	[tilespmem:s4+$0xFFFFFF60] =	vst v5  }
0x3af: {  	v3 =	vld [tilespmem:s4+$0xFFFFFFA0];
	v5 =	vmul.f32 v11, v4;
	[tilespmem:s4+$0xFFFFFF20] =	vst v7  }
0x3b0: {  	v4 =	vld [tilespmem:s4+$0xFFFFFFF0];
	[tilespmem:s4+$0xFFFFFF70] =	vst v6  }
0x3b1: {  	[tilespmem:s4+$0xFFFFFF50] =	vst v5;
	v6 =	vld [tilespmem:s4+$0xFFFFFFC0]  }
0x3b2: {  	s8 =	simm.s32 $0x6D70;
	s7 =	simm.s32 $0x2;
	v5 =	vld.idx.msk [tilespmem:v8+s30+$0x0], $0xffff  }
.LBB2_10:
0x3b3: {  	p1 =	slt.u32 s7, $0x2E  }
0x3b4: {  	v7 =	vld [tilespmem:s4+$0xFFFFFFB0];
	s8 =	sadd.s32 $0x100, s8;
	s12 =	smov.u32 s7;
	s7 =	sadd.s32 $0x2, s7  }
0x3b5: {  	v8 =	vld [tilespmem:s4+$0xFFFFFFD0]  }
0x3b6: {  	v9 =	vld [tilespmem:s4+$0xFFFFFFE0]  }
0x3b7: {  	v10 =	vld [tilespmem:s4+$0x0];
	_ =	sdelay $0x1  }
0x3b8: {  	v2 =	vmul.f32 v2, v5;
	v3 =	vmul.f32 v3, v5  }
0x3b9: {  	v6 =	vmul.f32 v6, v5;
	v7 =	vmul.f32 v7, v5  }
0x3ba: {  	v11 =	vmov s12;
	v8 =	vmul.f32 v8, v5;
	[tilespmem:s4+$0xFFFFFF90] =	vst v2;
	v9 =	vmul.f32 v9, v5  }
0x3bb: {  	v11 =	vand.u32 $0xFFFFFFFE, v11;
	v4 =	vmul.f32 v4, v5;
	v2 =	vld [tilespmem:s8+$0xFFFFFF90];
	[tilespmem:s4+$0xFFFFFFC0] =	vst v6;
	v5 =	vmul.f32 v10, v5  }
0x3bc: {  	v6 =	vbroadcast v11, $0x0;
	[tilespmem:s4+$0xFFFFFFA0] =	vst v3  }
0x3bd: {  	[tilespmem:s4+$0x0] =	vst v5  }
0x3be: {  	v5 =	vld [tilespmem:s8+$0xFFFFFF60];
	[tilespmem:s4+$0xFFFFFFB0] =	vst v7  }
0x3bf: {  	v7 =	vld [tilespmem:s8+$0xFFFFFF40];
	[tilespmem:s4+$0xFFFFFFF0] =	vst v4  }
0x3c0: {  	v4 =	vld [tilespmem:s8+$0xFFFFFF70];
	[tilespmem:s4+$0xFFFFFFD0] =	vst v8  }
0x3c1: {  	v8 =	vld [tilespmem:s8+$0xFFFFFF80];
	[tilespmem:s4+$0xFFFFFFE0] =	vst v9;
	s4 =	smov.u32 s8  }
0x3c2: {  	v6 =	vld.idx.msk [tilespmem:v6+s30+$0x0], $0xffff  }
0x3c3: {  	v9 =	vld [tilespmem:s8+$0xFFFFFF10]  }
0x3c4: {  	v10 =	vld [tilespmem:s8+$0xFFFFFF30]  }
0x3c5: {  	v11 =	vld [tilespmem:s8+$0xFFFFFF20]  }
0x3c6: {  	v12 =	vld [tilespmem:s8+$0xFFFFFF50]  }
0x3c7: {  	v3 =	vld [tilespmem:s8+$0xFFFFFFA0]  }
0x3c8: {  	v8 =	vmul.f32 v8, v6;
	v9 =	vmul.f32 v9, v6  }
0x3c9: {  	v4 =	vmul.f32 v4, v6;
	v10 =	vmul.f32 v10, v6  }
0x3ca: {  	v7 =	vmul.f32 v7, v6;
	v11 =	vmul.f32 v11, v6;
	[tilespmem:s8+$0xFFFFFF80] =	vst v8  }
0x3cb: {  	v5 =	vmul.f32 v5, v6;
	[tilespmem:s8+$0xFFFFFF10] =	vst v9;
	v8 =	vmul.f32 v12, v6  }
0x3cc: {  	s12 =	sadd.s32 $0x1, s12;
	[tilespmem:s8+$0xFFFFFF30] =	vst v10  }
0x3cd: {  	[tilespmem:s8+$0xFFFFFF40] =	vst v7;
	v7 =	vmov s12  }
.Ltmp11:
0x3ce: {  	[tilespmem:s8+$0xFFFFFF60] =	vst v5;
	(pc) =	sbr.rel @p1 .LBB2_10-.Ltmp11, $4  }
0x3cf: {  	[tilespmem:s8+$0xFFFFFF20] =	vst v11  }
0x3d0: {  	[tilespmem:s8+$0xFFFFFF70] =	vst v4;
	v4 =	vld [tilespmem:s8+$0xFFFFFFF0]  }
0x3d1: {  	[tilespmem:s8+$0xFFFFFF50] =	vst v8;
	v6 =	vld [tilespmem:s8+$0xFFFFFFC0]  }
0x3d2: {  	v5 =	vld.idx.msk [tilespmem:v7+s30+$0x0], $0xffff  }
0x3d3: {  	_ =	sdelay $0x1  }
0x3d4: {  	v7 =	vld [tilespmem:s4+$0x0]  }
0x3d5: {  	v8 =	vld [tilespmem:s4+$0xFFFFFFB0]  }
0x3d6: {  	v2 =	vmul.f32 v2, v5  }
0x3d7: {  	v10 =	vld [tilespmem:s4+$0xFFFFFFE0];
	v6 =	vmul.f32 v6, v5  }
0x3d8: {  	v9 =	vld [tilespmem:s4+$0xFFFFFFD0];
	v3 =	vmul.f32 v3, v5;
	[tilespmem:s4+$0xFFFFFF90] =	vst v2  }
0x3d9: {  	[tilespmem:s4+$0xFFFFFFC0] =	vst v6;
	v2 =	vmul.f32 v7, v5  }
0x3da: {  	v6 =	vmul.f32 v8, v5;
	[tilespmem:s4+$0xFFFFFFA0] =	vst v3  }
0x3db: {  	v3 =	vmul.f32 v4, v5;
	[tilespmem:s4+$0x0] =	vst v2  }
0x3dc: {  	v4 =	vmul.f32 v10, v5;
	[tilespmem:s4+$0xFFFFFFB0] =	vst v6  }
0x3dd: {  	v2 =	vmul.f32 v9, v5;
	[tilespmem:s4+$0xFFFFFFF0] =	vst v3  }
0x3de: {  	p1 =	seq.s32 s5, $0x41;
	[tilespmem:s4+$0xFFFFFFE0] =	vst v4  }
0x3df: {  	[tilespmem:s4+$0xFFFFFFD0] =	vst v2;
	s4 =	simm.s32 @p1 $0x6  }
0x3e0: {  	[spmem:s17] =	stream.indirect.scatter.add.f32 [tilespmem:s28], [sflag:$0x8], $0x80, s2, s24, $0xb8;
	v63 =	vld [tilespmem:$0x0]  }
0x3e1: {  	_ =	swait.ge @p1 [sflag:s4], $0x1800  }
0x3e2: {  	s7 =	sld [smem:$0x7FB];
	_ =	sdelay $0x2  }
0x3e3: {  	[sflag:s4] =	ssyncset.done @p1 $0x0;
	s7 =	sadd.s32 @!p1 s9, s7  }
0x3e4: {  	[sflag:s4] =	ssyncadd.s32 @p1 $0xFFFFE800;
	s4 =	sshrl.u32 @!p1 s7, $0x3  }
0x3e5: {  	s8 =	simm.s32 @!p1 $0x4F00;
	s7 =	simm.s32 @!p1 $0x0;
	s4 =	sadd.s32 @!p1 s21, s4  }
0x3e6: {  	[tilespmem:s8], [sflag:$0x1] =	stream.linear.gather @!p1 [hbm4b:s4+s7], $0x30, $0x38;
	v63 =	vld [tilespmem:$0x0]  }
0x3e7: {  	s12 =	simm.s32 @!p1 $0x4F80;
	s4 =	sadd.s32 @!p1 $0x9C60, s4  }
0x3e8: {  	[tilespmem:s12], [sflag:$0x1] =	stream.linear.gather @!p1 [hbm4b:s4+s7], $0x30, $0x38;
	v63 =	vld [tilespmem:$0x0]  }
0x3e9: {  	s4 =	simm.s32 @!p1 $0x6  }
0x3ea: {  	_ =	swait.ge @!p1 [sflag:s4], $0x1800  }
0x3eb: {  	[sflag:s4] =	ssyncset.done @!p1 $0x0  }
0x3ec: {  	[sflag:s4] =	ssyncadd.s32 @!p1 $0xFFFFE800;
	s4 =	simm.s32 @!p1 $0x7  }
0x3ed: {  	_ =	swait.ge @!p1 [sflag:s4], $0x1800  }
0x3ee: {  	[sflag:s4] =	ssyncset.done @!p1 $0x0  }
0x3ef: {  	[sflag:s4] =	ssyncadd.s32 @!p1 $0xFFFFE800;
	s4 =	simm.s32 @!p1 $0x1  }
0x3f0: {  	_ =	swait.ge @!p1 [sflag:s4], $0x30  }
0x3f1: {  	[sflag:s4] =	ssyncset.done @!p1 $0x0  }
0x3f2: {  	[sflag:s4] =	ssyncadd.s32 @!p1 $0xFFFFFFD0  }
0x3f3: {  	_ =	swait.ge @!p1 [sflag:s4], $0x30  }
0x3f4: {  	[sflag:s4] =	ssyncset.done @!p1 $0x0  }
0x3f5: {  	s7 =	simm.s32 @!p1 $0x5480;
	[sflag:s4] =	ssyncadd.s32 @!p1 $0xFFFFFFD0;
	s4 =	simm.s32 @!p1 $0x30  }
0x3f6: {  	[tilespmem:s7], [sflag:$0x4] =	stream.indirect.gather @!p1 [hbm4b:s16+s4], $0x80, s8, s4, $0xb8;
	v63 =	vld [tilespmem:$0x0]  }
0x3f7: {  	v2 =	vld [tilespmem:$0x5100]  }
0x3f8: {  	v3 =	vld [tilespmem:$0x5180];
	_ =	sdelay $0x5  }
0x3f9: {  	s4 =	simm.s32 $0x0  }
0x3fa: {  	v4 =	vld.idx.msk [tilespmem:v2+s4+$0x0], $0xffff  }
0x3fb: {  	v5 =	vld.idx.msk [tilespmem:v3+s4+$0x0], $0xffff;
	_ =	sdelay $0x4  }
0x3fc: {  	v2 =	vld.idx.msk [tilespmem:v2+s19+$0x0], $0xffff;
	v4 =	vsub.f32 v4, v5;
	_ =	sdelay $0x1  }
0x3fd: {  	v4 =	vand.u32 $0x7FFFFFFF, v4  }
0x3fe: {  	v4 =	vsub.f32 $0.0e+00, v4;
	_ =	sdelay $0x1  }
0x3ff: {  	v2 =	vmul.f32 v4, v2;
	_ =	sdelay $0x1  }
0x400: {  	v2 =	vmul.f32 v2, v0;
	_ =	sdelay $0x1  }
0x401: {  	v2 =	vmul.f32 $1.442695020e+00, v2;
	_ =	sdelay $0x1  }
0x402: {  	(erf) = vpow2.f32 v2;
	_ =	sdelay $0x8  }
0x403: {  	v2 =	vpop (erf)  }
0x404: {  	v2 =	vmul.f32 $1.442695020e+00, v2;
	_ =	sdelay $0x1  }
0x405: {  	(erf) = vpow2.f32 v2;
	_ =	sdelay $0x5  }
0x406: {  	s8 =	smul.u32 $0x30, s14;
	_ =	sdelay $0x1  }
0x407: {  	s7 =	sadd.s32 s13, s8  }
0x408: {  	p2 =	slt.u32 s7, $0x4E200;
	v2 =	vpop (erf)  }
0x409: {  	[tilespmem:$0x5380] =	vst v3;
	v2 =	vpsel !p2, $0x0, v2  }
0x40a: {  	[tilespmem:$0x5200] =	vst v2  }
0x40b: {  	[tilespmem:v3+s29+$0x0] =	vst.idx.add.f32.msk $0xffff, v2  }
0x40c: {  	v2 =	vld [tilespmem:$0x5110]  }
0x40d: {  	v3 =	vld [tilespmem:$0x5190];
	_ =	sdelay $0x6  }
0x40e: {  	v4 =	vld.idx.msk [tilespmem:v2+s4+$0x0], $0xffff  }
0x40f: {  	v5 =	vld.idx.msk [tilespmem:v3+s4+$0x0], $0xffff;
	_ =	sdelay $0x4  }
0x410: {  	v2 =	vld.idx.msk [tilespmem:v2+s19+$0x0], $0xffff;
	v4 =	vsub.f32 v4, v5;
	_ =	sdelay $0x1  }
0x411: {  	v4 =	vand.u32 $0x7FFFFFFF, v4  }
0x412: {  	v4 =	vsub.f32 $0.0e+00, v4;
	_ =	sdelay $0x1  }
0x413: {  	v2 =	vmul.f32 v4, v2;
	_ =	sdelay $0x1  }
0x414: {  	v2 =	vmul.f32 v2, v0;
	_ =	sdelay $0x1  }
0x415: {  	v2 =	vmul.f32 $1.442695020e+00, v2;
	_ =	sdelay $0x1  }
0x416: {  	(erf) = vpow2.f32 v2;
	_ =	sdelay $0x8  }
0x417: {  	v2 =	vpop (erf)  }
0x418: {  	v2 =	vmul.f32 $1.442695020e+00, v2;
	_ =	sdelay $0x1  }
0x419: {  	(erf) = vpow2.f32 v2;
	_ =	sdelay $0x7  }
0x41a: {  	s12 =	sadd.s32 $0x10, s7  }
0x41b: {  	p5 =	slt.u32 s12, $0x4E200;
	v2 =	vpop (erf)  }
0x41c: {  	[tilespmem:$0x5390] =	vst v3;
	v2 =	vpsel !p5, $0x0, v2  }
0x41d: {  	[tilespmem:$0x5210] =	vst v2  }
0x41e: {  	[tilespmem:v3+s29+$0x0] =	vst.idx.add.f32.msk $0xffff, v2  }
0x41f: {  	v2 =	vld [tilespmem:$0x5120]  }
0x420: {  	v3 =	vld [tilespmem:$0x51A0];
	_ =	sdelay $0x6  }
0x421: {  	v4 =	vld.idx.msk [tilespmem:v2+s4+$0x0], $0xffff  }
0x422: {  	v5 =	vld.idx.msk [tilespmem:v3+s4+$0x0], $0xffff;
	_ =	sdelay $0x4  }
0x423: {  	v2 =	vld.idx.msk [tilespmem:v2+s19+$0x0], $0xffff;
	v4 =	vsub.f32 v4, v5;
	_ =	sdelay $0x1  }
0x424: {  	v4 =	vand.u32 $0x7FFFFFFF, v4  }
0x425: {  	v4 =	vsub.f32 $0.0e+00, v4;
	_ =	sdelay $0x1  }
0x426: {  	v2 =	vmul.f32 v4, v2;
	_ =	sdelay $0x1  }
0x427: {  	v2 =	vmul.f32 v2, v0;
	_ =	sdelay $0x1  }
0x428: {  	v2 =	vmul.f32 $1.442695020e+00, v2;
	_ =	sdelay $0x1  }
0x429: {  	(erf) = vpow2.f32 v2;
	_ =	sdelay $0x8  }
0x42a: {  	v2 =	vpop (erf)  }
0x42b: {  	v2 =	vmul.f32 $1.442695020e+00, v2;
	_ =	sdelay $0x1  }
0x42c: {  	(erf) = vpow2.f32 v2;
	_ =	sdelay $0x5  }
0x42d: {  	v4 =	vmov s4  }
0x42e: {  	v4 =	vand.u32 $0xFFFFFFFE, v4  }
0x42f: {  	s7 =	sadd.s32 $0x20, s7;
	v4 =	vbroadcast v4, $0x0  }
0x430: {  	p6 =	slt.u32 s7, $0x4E200;
	v2 =	vpop (erf)  }
0x431: {  	[tilespmem:$0x53A0] =	vst v3;
	v2 =	vpsel !p6, $0x0, v2  }
0x432: {  	[tilespmem:$0x5220] =	vst v2  }
0x433: {  	s4 =	simm.s32 $0x8570;
	[tilespmem:v3+s29+$0x0] =	vst.idx.add.f32.msk $0xffff, v2  }
0x434: {  	v3 =	vld [tilespmem:s4+$0xFFFFFF80]  }
0x435: {  	v4 =	vld.idx.msk [tilespmem:v4+s30+$0x0], $0xffff  }
0x436: {  	v7 =	vld [tilespmem:s4+$0xFFFFFF10]  }
0x437: {  	v8 =	vld [tilespmem:s4+$0xFFFFFF30]  }
0x438: {  	v6 =	vld [tilespmem:s4+$0xFFFFFF40]  }
0x439: {  	v5 =	vld [tilespmem:s4+$0xFFFFFF60]  }
0x43a: {  	v62 =	vld [tilespmem:s4+$0xFFFFFF20];
	v12 =	vmul.f32 v3, v4  }
0x43b: {  	v61 =	vld [tilespmem:s4+$0xFFFFFF70];
	v7 =	vmul.f32 v7, v4  }
0x43c: {  	v11 =	vld [tilespmem:s4+$0xFFFFFF50];
	v8 =	vmul.f32 v8, v4;
	[tilespmem:s4+$0xFFFFFF80] =	vst v12  }
0x43d: {  	v6 =	vmul.f32 v6, v4;
	[tilespmem:s4+$0xFFFFFF10] =	vst v7  }
0x43e: {  	s14 =	simm.s32 $0x1;
	v5 =	vmul.f32 v5, v4;
	[tilespmem:s4+$0xFFFFFF30] =	vst v8  }
0x43f: {  	v7 =	vmul.f32 v62, v4;
	[tilespmem:s4+$0xFFFFFF40] =	vst v6;
	v8 =	vmov s14  }
0x440: {  	v2 =	vld [tilespmem:s4+$0xFFFFFF90];
	v6 =	vmul.f32 v61, v4;
	[tilespmem:s4+$0xFFFFFF60] =	vst v5  }
0x441: {  	v3 =	vld [tilespmem:s4+$0xFFFFFFA0];
	v5 =	vmul.f32 v11, v4;
	[tilespmem:s4+$0xFFFFFF20] =	vst v7  }
0x442: {  	v4 =	vld [tilespmem:s4+$0xFFFFFFF0];
	[tilespmem:s4+$0xFFFFFF70] =	vst v6  }
0x443: {  	[tilespmem:s4+$0xFFFFFF50] =	vst v5;
	v6 =	vld [tilespmem:s4+$0xFFFFFFC0]  }
0x444: {  	s8 =	simm.s32 $0x8570;
	s7 =	simm.s32 $0x2;
	v5 =	vld.idx.msk [tilespmem:v8+s30+$0x0], $0xffff  }
.LBB2_12:
0x445: {  	p2 =	slt.u32 s7, $0x2E  }
0x446: {  	v7 =	vld [tilespmem:s4+$0xFFFFFFB0];
	s8 =	sadd.s32 $0x100, s8;
	s12 =	smov.u32 s7;
	s7 =	sadd.s32 $0x2, s7  }
0x447: {  	v8 =	vld [tilespmem:s4+$0xFFFFFFD0]  }
0x448: {  	v9 =	vld [tilespmem:s4+$0xFFFFFFE0]  }
0x449: {  	v10 =	vld [tilespmem:s4+$0x0];
	_ =	sdelay $0x1  }
0x44a: {  	v2 =	vmul.f32 v2, v5;
	v3 =	vmul.f32 v3, v5  }
0x44b: {  	v6 =	vmul.f32 v6, v5;
	v7 =	vmul.f32 v7, v5  }
0x44c: {  	v11 =	vmov s12;
	v8 =	vmul.f32 v8, v5;
	[tilespmem:s4+$0xFFFFFF90] =	vst v2;
	v9 =	vmul.f32 v9, v5  }
0x44d: {  	v11 =	vand.u32 $0xFFFFFFFE, v11;
	v4 =	vmul.f32 v4, v5;
	v2 =	vld [tilespmem:s8+$0xFFFFFF90];
	[tilespmem:s4+$0xFFFFFFC0] =	vst v6;
	v5 =	vmul.f32 v10, v5  }
0x44e: {  	v6 =	vbroadcast v11, $0x0;
	[tilespmem:s4+$0xFFFFFFA0] =	vst v3  }
0x44f: {  	[tilespmem:s4+$0x0] =	vst v5  }
0x450: {  	v5 =	vld [tilespmem:s8+$0xFFFFFF60];
	[tilespmem:s4+$0xFFFFFFB0] =	vst v7  }
0x451: {  	v7 =	vld [tilespmem:s8+$0xFFFFFF40];
	[tilespmem:s4+$0xFFFFFFF0] =	vst v4  }
0x452: {  	v4 =	vld [tilespmem:s8+$0xFFFFFF70];
	[tilespmem:s4+$0xFFFFFFD0] =	vst v8  }
0x453: {  	v8 =	vld [tilespmem:s8+$0xFFFFFF80];
	[tilespmem:s4+$0xFFFFFFE0] =	vst v9;
	s4 =	smov.u32 s8  }
0x454: {  	v6 =	vld.idx.msk [tilespmem:v6+s30+$0x0], $0xffff  }
0x455: {  	v9 =	vld [tilespmem:s8+$0xFFFFFF10]  }
0x456: {  	v10 =	vld [tilespmem:s8+$0xFFFFFF30]  }
0x457: {  	v11 =	vld [tilespmem:s8+$0xFFFFFF20]  }
0x458: {  	v12 =	vld [tilespmem:s8+$0xFFFFFF50]  }
0x459: {  	v3 =	vld [tilespmem:s8+$0xFFFFFFA0]  }
0x45a: {  	v8 =	vmul.f32 v8, v6;
	v9 =	vmul.f32 v9, v6  }
0x45b: {  	v4 =	vmul.f32 v4, v6;
	v10 =	vmul.f32 v10, v6  }
0x45c: {  	v7 =	vmul.f32 v7, v6;
	v11 =	vmul.f32 v11, v6;
	[tilespmem:s8+$0xFFFFFF80] =	vst v8  }
0x45d: {  	v5 =	vmul.f32 v5, v6;
	[tilespmem:s8+$0xFFFFFF10] =	vst v9;
	v8 =	vmul.f32 v12, v6  }
0x45e: {  	s12 =	sadd.s32 $0x1, s12;
	[tilespmem:s8+$0xFFFFFF30] =	vst v10  }
0x45f: {  	[tilespmem:s8+$0xFFFFFF40] =	vst v7;
	v7 =	vmov s12  }
.Ltmp12:
0x460: {  	[tilespmem:s8+$0xFFFFFF60] =	vst v5;
	(pc) =	sbr.rel @p2 .LBB2_12-.Ltmp12, $4  }
0x461: {  	[tilespmem:s8+$0xFFFFFF20] =	vst v11  }
0x462: {  	[tilespmem:s8+$0xFFFFFF70] =	vst v4;
	v4 =	vld [tilespmem:s8+$0xFFFFFFF0]  }
0x463: {  	[tilespmem:s8+$0xFFFFFF50] =	vst v8;
	v6 =	vld [tilespmem:s8+$0xFFFFFFC0]  }
0x464: {  	v5 =	vld.idx.msk [tilespmem:v7+s30+$0x0], $0xffff  }
0x465: {  	_ =	sdelay $0x1  }
0x466: {  	v8 =	vld [tilespmem:s4+$0xFFFFFFB0]  }
0x467: {  	v10 =	vld [tilespmem:s4+$0xFFFFFFE0]  }
0x468: {  	v7 =	vld [tilespmem:s4+$0x0];
	v2 =	vmul.f32 v2, v5  }
0x469: {  	v6 =	vmul.f32 v6, v5  }
0x46a: {  	v9 =	vld [tilespmem:s4+$0xFFFFFFD0];
	v3 =	vmul.f32 v3, v5;
	[tilespmem:s4+$0xFFFFFF90] =	vst v2  }
0x46b: {  	v61 =	vmul.f32 v8, v5;
	[tilespmem:s4+$0xFFFFFFC0] =	vst v6  }
0x46c: {  	v62 =	vmul.f32 v10, v5;
	[tilespmem:s4+$0xFFFFFFA0] =	vst v3  }
0x46d: {  	v2 =	vmul.f32 v7, v5;
	[tilespmem:s4+$0xFFFFFFB0] =	vst v61  }
.Ltmp13:
0x46e: {  	v3 =	vmul.f32 v4, v5;
	[tilespmem:s4+$0xFFFFFFE0] =	vst v62;
	(pc) =	sbr.rel @p1 .LBB2_24-.Ltmp13, $4  }
0x46f: {  	[tilespmem:s4+$0x0] =	vst v2;
	v2 =	vmul.f32 v9, v5  }
0x470: {  	[tilespmem:s4+$0xFFFFFFF0] =	vst v3  }
0x471: {  	[tilespmem:s4+$0xFFFFFFD0] =	vst v2  }
0x472: {  	[spmem:s17] =	stream.indirect.scatter.add.f32 [tilespmem:s0], [sflag:$0x9], $0x80, s3, s24, $0xb8;
	v63 =	vld [tilespmem:$0x0]  }
0x473: {  	s4 =	sld [smem:$0x7FC];
	_ =	sdelay $0x2  }
0x474: {  	s4 =	sadd.s32 s9, s4  }
.Ltmp14:
0x475: {  	s4 =	sshrl.u32 s4, $0x3;
	(pc) =	sbr.rel .LBB2_7-.Ltmp14, $4  }
0x476: {  	s4 =	sadd.s32 s21, s4  }
0x477: {  	[tilespmem:s10], [sflag:$0x2] =	stream.linear.gather [hbm4b:s4+s1], $0x30, $0x38;
	v63 =	vld [tilespmem:$0x0]  }
0x478: {  	s5 =	sadd.s32 $0x1, s5;
	s4 =	sadd.s32 $0x9C60, s4  }
0x479: {  	[tilespmem:s11], [sflag:$0x2] =	stream.linear.gather [hbm4b:s4+s1], $0x30, $0x38;
	v63 =	vld [tilespmem:$0x0]  }
.LBB2_25:
0x47a: {  	_ =	sfence.sel $0x180000  }
0x47b: {  	[bflag:$0x0] =	sbarrier.arrive $0xFFFF  }
0x47c: {  	_ =	strace $0x90000047  }
0x47d: {  	s0 =	stileid.u32;
	[bflag:$0x2] =	sbarrier.arrive $0xFFFF  }
0x47e: {  	p0 =	sne.s32 s0, $0x0;
	s0 =	rddreg [dreg:$0x4]  }
0x47f: {  	s0 =	sadd.s32 @!p0 $0x100000, s0  }
0x480: {  	[sflag:s0] =	ssyncadd.tile.s32 @!p0 $0x1;
	_ =	shalt  }
.Lfunc_end2:
_tile_overlayer_lowered:
.L_overlay_start_2:
0x481: {  	(tag) =	ssettag $0x2  }
0x482: {  	s0 =	rddreg [dreg:$0x0];
	s2 =	stileid.u32  }
0x483: {  	s1 =	rddreg [dreg:$0x1];
	p0 =	sne.s32 s2, $0x0  }
0x484: {  	s3 =	rddreg [dreg:$0x2];
	[bflag:$0x3] =	sbarrier.arrive $0xFFFF;
	s2 =	simm.s32 @!p0 $0x1C0A  }
0x485: {  	[timem:s3], [sflag:s2] =	dma.local @!p0 [hbm:s0], s1  }
0x486: {  	s0 =	simm.s32 @!p0 $0xA  }
0x487: {  	_ =	swait.ge @!p0 [sflag:s0], s1  }
0x488: {  	s1 =	ssub.s32 @!p0 $0x0, s1;
	[sflag:s0] =	ssyncset.done @!p0 $0x0  }
0x489: {  	[sflag:s0] =	ssyncadd.s32 @!p0 s1  }
0x48a: {  	[bflag:$0x3] =	sbarrier.arrive $0xFFFF  }
0x48b: {  	_ =	shalt  }

</sc_bundles>
